<compile_context>
chip_gen: v7x
topology: tpu7x:2x2x1
jax: 0.10.2.dev20260603
libtpu: 0.0.44.dev20260713+nightly
codegen_flags: <defaults>
</compile_context>

<pallas_src>
import functools

import jax
import jax.numpy as jnp
from jax import lax
from jax.experimental import pallas as pl
from jax.experimental.pallas import tpu as pltpu
from jax.experimental.pallas import tpu_sc as plsc

DIM = 32
IDX_PER_DMA = 128
CHUNK = 512
K = CHUNK // IDX_PER_DMA
LANES = 16


def _gather_kernel(seq, batch):
    n_chunks = seq
    assert n_chunks % 2 == 0
    n_pairs = n_chunks // 2
    mesh = plsc.VectorSubcoreMesh(core_axis_name="c", subcore_axis_name="s")
    nc = plsc.get_sparse_core_info().num_cores

    @functools.partial(
        pl.kernel,
        mesh=mesh,
        out_type=jax.ShapeDtypeStruct((seq, DIM, batch), jnp.float32),
        compiler_params=pltpu.CompilerParams(
            use_tc_tiling_on_sc=False, needs_layout_passes=False
        ),
        scratch_types=[
            pltpu.VMEM((seq, CHUNK), jnp.int32),
            pltpu.VMEM((CHUNK, DIM), jnp.float32),
            pltpu.VMEM((CHUNK, DIM), jnp.float32),
            pltpu.VMEM((DIM, CHUNK), jnp.float32),
            pltpu.VMEM((DIM, CHUNK), jnp.float32),
            pltpu.SemaphoreType.DMA,
            pltpu.SemaphoreType.DMA,
            pltpu.SemaphoreType.DMA,
            pltpu.SemaphoreType.DMA,
            pltpu.SemaphoreType.DMA,
        ],
    )
    def k(table_hbm, xt_hbm, out_hbm, xbuf, rows0, rows1, t0, t1,
          xsem, gsem0, gsem1, osem0, osem1):
        wid = lax.axis_index("s") * nc + lax.axis_index("c")
        b0 = pl.multiple_of(wid * CHUNK, CHUNK)
        lane = lax.iota(jnp.int32, LANES)
        diag_cols = [(lane + d0) & (DIM - 1) for d0 in range(DIM)]

        pltpu.async_copy(xt_hbm.at[:, pl.ds(b0, CHUNK)], xbuf, xsem).wait()

        def fire_gathers(s, rowsbuf, sem):
            for j in range(K):
                pltpu.async_copy(
                    table_hbm.at[xbuf.at[s, pl.ds(j * IDX_PER_DMA, IDX_PER_DMA)]],
                    rowsbuf.at[pl.ds(j * IDX_PER_DMA, IDX_PER_DMA)],
                    sem,
                )

        def wait_gathers(rowsbuf, sem):
            pltpu.make_async_copy(
                out_hbm.at[0, :, pl.ds(0, CHUNK)], rowsbuf, sem
            ).wait()

        def transpose(rowsbuf, tbuf):
            def g_body(g, _):
                rows16 = lane + g * LANES
                for d0 in range(DIM):
                    cols = diag_cols[d0]
                    vals = plsc.load_gather(rowsbuf, [rows16, cols])
                    plsc.store_scatter(tbuf, [cols, rows16], vals)
                return 0

            lax.fori_loop(0, CHUNK // LANES, g_body, 0, unroll=2)

        def fire_out(s, tbuf, sem):
            pltpu.async_copy(tbuf, out_hbm.at[s, :, pl.ds(b0, CHUNK)], sem)

        def wait_out(tbuf, sem):
            pltpu.make_async_copy(
                tbuf, out_hbm.at[0, :, pl.ds(0, CHUNK)], sem
            ).wait()

        fire_gathers(0, rows0, gsem0)
        fire_gathers(1, rows1, gsem1)

        wait_gathers(rows0, gsem0)
        transpose(rows0, t0)
        fire_out(0, t0, osem0)
        fire_gathers(2, rows0, gsem0)
        wait_gathers(rows1, gsem1)
        transpose(rows1, t1)
        fire_out(1, t1, osem1)
        fire_gathers(3, rows1, gsem1)

        def body(t, _):
            a = 2 * t
            wait_gathers(rows0, gsem0)
            wait_out(t0, osem0)
            transpose(rows0, t0)
            fire_out(a, t0, osem0)
            fire_gathers(a + 2, rows0, gsem0)
            wait_gathers(rows1, gsem1)
            wait_out(t1, osem1)
            transpose(rows1, t1)
            fire_out(a + 1, t1, osem1)
            fire_gathers(a + 3, rows1, gsem1)
            return 0

        lax.fori_loop(1, n_pairs - 1, body, 0, unroll=False)

        last = n_chunks - 2
        wait_gathers(rows0, gsem0)
        wait_out(t0, osem0)
        transpose(rows0, t0)
        fire_out(last, t0, osem0)
        wait_gathers(rows1, gsem1)
        wait_out(t1, osem1)
        transpose(rows1, t1)
        fire_out(last + 1, t1, osem1)
        wait_out(t0, osem0)
        wait_out(t1, osem1)

    return k


def kernel(x, y, embedding):
    b, s = x.shape
    out_p = _gather_kernel(s, b)(embedding, x.T.astype(jnp.int32))
    return jnp.transpose(out_p, (2, 0, 1))

# --- scband reference (transcript-rebuilt; emitter-appended) ---
"""Pipeline reference for scband-c-crevocab-embedding-34961033790031 (READ-ONLY COPY).

The authoritative reference and input builder live on the scoring server;
editing this copy changes nothing except your own understanding.
"""

import jax, jax.numpy as jnp
import numpy as np

VOCAB_DIM = 1000000
DIM = 32

def setup_inputs(seed: int = 0) -> dict:
    key = jax.random.key(seed)
    k1, k2, k3 = jax.random.split(key, 3)
    x = jax.random.randint(k1, (16384, 50), 0, VOCAB_DIM, dtype=jnp.int64) if jax.config.jax_enable_x64 else jax.random.randint(k1, (16384, 50), 0, VOCAB_DIM, dtype=jnp.int32)
    y = jax.random.normal(k2, (16384, 50), dtype=jnp.float32)
    # kaiming_uniform_ with a=sqrt(5): bound = sqrt(6 / ((1 + a^2) * fan_in)) = sqrt(1/fan_in)
    fan_in = DIM
    bound = float(np.sqrt(1.0 / fan_in))
    embedding = jax.random.uniform(k3, (VOCAB_DIM, DIM), minval=-bound, maxval=bound, dtype=jnp.float32)
    return {"x": x, "y": y, "embedding": embedding}

def reference(x, y, embedding):
    # forward: return self.embedding[x]; y is unused
    return jnp.take(embedding, x, axis=0)

if __name__ == "__main__":
    import jax
    _d = setup_inputs()
    print(jax.jit(kernel)(*tuple(_d.values())))

</pallas_src>

<mosaic_0001>
#map = affine_map<(d0, d1) -> (0, 0)>
#map1 = affine_map<(d0, d1) -> (0, 0, 0)>
module attributes {stable_mosaic.version = 14 : i64} {
  func.func @k(%arg0: i32, %arg1: i32, %arg2: memref<1000000x32xf32, #tpu.memory_space<hbm>>, %arg3: memref<50x16384xi32, #tpu.memory_space<hbm>>, %arg4: memref<50x32x16384xf32, #tpu.memory_space<hbm>>, %arg5: memref<50x512xi32, #tpu.memory_space<vmem>>, %arg6: memref<512x32xf32, #tpu.memory_space<vmem>>, %arg7: memref<512x32xf32, #tpu.memory_space<vmem>>, %arg8: memref<32x512xf32, #tpu.memory_space<vmem>>, %arg9: memref<32x512xf32, #tpu.memory_space<vmem>>, %arg10: memref<!tpu.dma_semaphore, #tpu.memory_space<semaphore_mem>>, %arg11: memref<!tpu.dma_semaphore, #tpu.memory_space<semaphore_mem>>, %arg12: memref<!tpu.dma_semaphore, #tpu.memory_space<semaphore_mem>>, %arg13: memref<!tpu.dma_semaphore, #tpu.memory_space<semaphore_mem>>, %arg14: memref<!tpu.dma_semaphore, #tpu.memory_space<semaphore_mem>>) attributes {dimension_semantics = [#tpu.dimension_semantics<core_parallel>, #tpu.dimension_semantics<subcore_parallel>], iteration_bounds = array<i64: 2, 16>, scalar_prefetch = 0 : i64, scratch_operands = 10 : i64, tpu.core_type = #tpu.core_type<sc_vector_subcore>, window_params = [{transform_indices = #map}, {transform_indices = #map}, {transform_indices = #map1}]} {
    %mul3A = arith.constant 2 : i32
    %mul3A_0 = arith.muli %arg1, %mul3A : i32
    %add3A = arith.addi %mul3A_0, %arg0 : i32
    %mul3A_1 = arith.constant 512 : i32
    %mul3A_2 = arith.muli %add3A, %mul3A_1 : i32
    %multiple_of3A = tpu.assume_multiple %mul3A_2, 512 : i32
    %iota3A = tpu.iota {dimensions = array<i32: 0>} : vector<16xi32>
    %add3A_3 = arith.constant 0 : i32
    %add3A_4 = vector.broadcast %add3A_3 : i32 to vector<16xi32>
    %add3A_5 = arith.addi %iota3A, %add3A_4 : vector<16xi32>
    %and3A = arith.constant 31 : i32
    %and3A_6 = vector.broadcast %and3A : i32 to vector<16xi32>
    %and3A_7 = arith.andi %add3A_5, %and3A_6 : vector<16xi32>
    %add3A_8 = arith.constant 1 : i32
    %add3A_9 = vector.broadcast %add3A_8 : i32 to vector<16xi32>
    %add3A_10 = arith.addi %iota3A, %add3A_9 : vector<16xi32>
    %and3A_11 = arith.constant 31 : i32
    %and3A_12 = vector.broadcast %and3A_11 : i32 to vector<16xi32>
    %and3A_13 = arith.andi %add3A_10, %and3A_12 : vector<16xi32>
    %add3A_14 = arith.constant 2 : i32
    %add3A_15 = vector.broadcast %add3A_14 : i32 to vector<16xi32>
    %add3A_16 = arith.addi %iota3A, %add3A_15 : vector<16xi32>
    %and3A_17 = arith.constant 31 : i32
    %and3A_18 = vector.broadcast %and3A_17 : i32 to vector<16xi32>
    %and3A_19 = arith.andi %add3A_16, %and3A_18 : vector<16xi32>
    %add3A_20 = arith.constant 3 : i32
    %add3A_21 = vector.broadcast %add3A_20 : i32 to vector<16xi32>
    %add3A_22 = arith.addi %iota3A, %add3A_21 : vector<16xi32>
    %and3A_23 = arith.constant 31 : i32
    %and3A_24 = vector.broadcast %and3A_23 : i32 to vector<16xi32>
    %and3A_25 = arith.andi %add3A_22, %and3A_24 : vector<16xi32>
    %add3A_26 = arith.constant 4 : i32
    %add3A_27 = vector.broadcast %add3A_26 : i32 to vector<16xi32>
    %add3A_28 = arith.addi %iota3A, %add3A_27 : vector<16xi32>
    %and3A_29 = arith.constant 31 : i32
    %and3A_30 = vector.broadcast %and3A_29 : i32 to vector<16xi32>
    %and3A_31 = arith.andi %add3A_28, %and3A_30 : vector<16xi32>
    %add3A_32 = arith.constant 5 : i32
    %add3A_33 = vector.broadcast %add3A_32 : i32 to vector<16xi32>
    %add3A_34 = arith.addi %iota3A, %add3A_33 : vector<16xi32>
    %and3A_35 = arith.constant 31 : i32
    %and3A_36 = vector.broadcast %and3A_35 : i32 to vector<16xi32>
    %and3A_37 = arith.andi %add3A_34, %and3A_36 : vector<16xi32>
    %add3A_38 = arith.constant 6 : i32
    %add3A_39 = vector.broadcast %add3A_38 : i32 to vector<16xi32>
    %add3A_40 = arith.addi %iota3A, %add3A_39 : vector<16xi32>
    %and3A_41 = arith.constant 31 : i32
    %and3A_42 = vector.broadcast %and3A_41 : i32 to vector<16xi32>
    %and3A_43 = arith.andi %add3A_40, %and3A_42 : vector<16xi32>
    %add3A_44 = arith.constant 7 : i32
    %add3A_45 = vector.broadcast %add3A_44 : i32 to vector<16xi32>
    %add3A_46 = arith.addi %iota3A, %add3A_45 : vector<16xi32>
    %and3A_47 = arith.constant 31 : i32
    %and3A_48 = vector.broadcast %and3A_47 : i32 to vector<16xi32>
    %and3A_49 = arith.andi %add3A_46, %and3A_48 : vector<16xi32>
    %add3A_50 = arith.constant 8 : i32
    %add3A_51 = vector.broadcast %add3A_50 : i32 to vector<16xi32>
    %add3A_52 = arith.addi %iota3A, %add3A_51 : vector<16xi32>
    %and3A_53 = arith.constant 31 : i32
    %and3A_54 = vector.broadcast %and3A_53 : i32 to vector<16xi32>
    %and3A_55 = arith.andi %add3A_52, %and3A_54 : vector<16xi32>
    %add3A_56 = arith.constant 9 : i32
    %add3A_57 = vector.broadcast %add3A_56 : i32 to vector<16xi32>
    %add3A_58 = arith.addi %iota3A, %add3A_57 : vector<16xi32>
    %and3A_59 = arith.constant 31 : i32
    %and3A_60 = vector.broadcast %and3A_59 : i32 to vector<16xi32>
    %and3A_61 = arith.andi %add3A_58, %and3A_60 : vector<16xi32>
    %add3A_62 = arith.constant 10 : i32
    %add3A_63 = vector.broadcast %add3A_62 : i32 to vector<16xi32>
    %add3A_64 = arith.addi %iota3A, %add3A_63 : vector<16xi32>
    %and3A_65 = arith.constant 31 : i32
    %and3A_66 = vector.broadcast %and3A_65 : i32 to vector<16xi32>
    %and3A_67 = arith.andi %add3A_64, %and3A_66 : vector<16xi32>
    %add3A_68 = arith.constant 11 : i32
    %add3A_69 = vector.broadcast %add3A_68 : i32 to vector<16xi32>
    %add3A_70 = arith.addi %iota3A, %add3A_69 : vector<16xi32>
    %and3A_71 = arith.constant 31 : i32
    %and3A_72 = vector.broadcast %and3A_71 : i32 to vector<16xi32>
    %and3A_73 = arith.andi %add3A_70, %and3A_72 : vector<16xi32>
    %add3A_74 = arith.constant 12 : i32
    %add3A_75 = vector.broadcast %add3A_74 : i32 to vector<16xi32>
    %add3A_76 = arith.addi %iota3A, %add3A_75 : vector<16xi32>
    %and3A_77 = arith.constant 31 : i32
    %and3A_78 = vector.broadcast %and3A_77 : i32 to vector<16xi32>
    %and3A_79 = arith.andi %add3A_76, %and3A_78 : vector<16xi32>
    %add3A_80 = arith.constant 13 : i32
    %add3A_81 = vector.broadcast %add3A_80 : i32 to vector<16xi32>
    %add3A_82 = arith.addi %iota3A, %add3A_81 : vector<16xi32>
    %and3A_83 = arith.constant 31 : i32
    %and3A_84 = vector.broadcast %and3A_83 : i32 to vector<16xi32>
    %and3A_85 = arith.andi %add3A_82, %and3A_84 : vector<16xi32>
    %add3A_86 = arith.constant 14 : i32
    %add3A_87 = vector.broadcast %add3A_86 : i32 to vector<16xi32>
    %add3A_88 = arith.addi %iota3A, %add3A_87 : vector<16xi32>
    %and3A_89 = arith.constant 31 : i32
    %and3A_90 = vector.broadcast %and3A_89 : i32 to vector<16xi32>
    %and3A_91 = arith.andi %add3A_88, %and3A_90 : vector<16xi32>
    %add3A_92 = arith.constant 15 : i32
    %add3A_93 = vector.broadcast %add3A_92 : i32 to vector<16xi32>
    %add3A_94 = arith.addi %iota3A, %add3A_93 : vector<16xi32>
    %and3A_95 = arith.constant 31 : i32
    %and3A_96 = vector.broadcast %and3A_95 : i32 to vector<16xi32>
    %and3A_97 = arith.andi %add3A_94, %and3A_96 : vector<16xi32>
    %add3A_98 = arith.constant 16 : i32
    %add3A_99 = vector.broadcast %add3A_98 : i32 to vector<16xi32>
    %add3A_100 = arith.addi %iota3A, %add3A_99 : vector<16xi32>
    %and3A_101 = arith.constant 31 : i32
    %and3A_102 = vector.broadcast %and3A_101 : i32 to vector<16xi32>
    %and3A_103 = arith.andi %add3A_100, %and3A_102 : vector<16xi32>
    %add3A_104 = arith.constant 17 : i32
    %add3A_105 = vector.broadcast %add3A_104 : i32 to vector<16xi32>
    %add3A_106 = arith.addi %iota3A, %add3A_105 : vector<16xi32>
    %and3A_107 = arith.constant 31 : i32
    %and3A_108 = vector.broadcast %and3A_107 : i32 to vector<16xi32>
    %and3A_109 = arith.andi %add3A_106, %and3A_108 : vector<16xi32>
    %add3A_110 = arith.constant 18 : i32
    %add3A_111 = vector.broadcast %add3A_110 : i32 to vector<16xi32>
    %add3A_112 = arith.addi %iota3A, %add3A_111 : vector<16xi32>
    %and3A_113 = arith.constant 31 : i32
    %and3A_114 = vector.broadcast %and3A_113 : i32 to vector<16xi32>
    %and3A_115 = arith.andi %add3A_112, %and3A_114 : vector<16xi32>
    %add3A_116 = arith.constant 19 : i32
    %add3A_117 = vector.broadcast %add3A_116 : i32 to vector<16xi32>
    %add3A_118 = arith.addi %iota3A, %add3A_117 : vector<16xi32>
    %and3A_119 = arith.constant 31 : i32
    %and3A_120 = vector.broadcast %and3A_119 : i32 to vector<16xi32>
    %and3A_121 = arith.andi %add3A_118, %and3A_120 : vector<16xi32>
    %add3A_122 = arith.constant 20 : i32
    %add3A_123 = vector.broadcast %add3A_122 : i32 to vector<16xi32>
    %add3A_124 = arith.addi %iota3A, %add3A_123 : vector<16xi32>
    %and3A_125 = arith.constant 31 : i32
    %and3A_126 = vector.broadcast %and3A_125 : i32 to vector<16xi32>
    %and3A_127 = arith.andi %add3A_124, %and3A_126 : vector<16xi32>
    %add3A_128 = arith.constant 21 : i32
    %add3A_129 = vector.broadcast %add3A_128 : i32 to vector<16xi32>
    %add3A_130 = arith.addi %iota3A, %add3A_129 : vector<16xi32>
    %and3A_131 = arith.constant 31 : i32
    %and3A_132 = vector.broadcast %and3A_131 : i32 to vector<16xi32>
    %and3A_133 = arith.andi %add3A_130, %and3A_132 : vector<16xi32>
    %add3A_134 = arith.constant 22 : i32
    %add3A_135 = vector.broadcast %add3A_134 : i32 to vector<16xi32>
    %add3A_136 = arith.addi %iota3A, %add3A_135 : vector<16xi32>
    %and3A_137 = arith.constant 31 : i32
    %and3A_138 = vector.broadcast %and3A_137 : i32 to vector<16xi32>
    %and3A_139 = arith.andi %add3A_136, %and3A_138 : vector<16xi32>
    %add3A_140 = arith.constant 23 : i32
    %add3A_141 = vector.broadcast %add3A_140 : i32 to vector<16xi32>
    %add3A_142 = arith.addi %iota3A, %add3A_141 : vector<16xi32>
    %and3A_143 = arith.constant 31 : i32
    %and3A_144 = vector.broadcast %and3A_143 : i32 to vector<16xi32>
    %and3A_145 = arith.andi %add3A_142, %and3A_144 : vector<16xi32>
    %add3A_146 = arith.constant 24 : i32
    %add3A_147 = vector.broadcast %add3A_146 : i32 to vector<16xi32>
    %add3A_148 = arith.addi %iota3A, %add3A_147 : vector<16xi32>
    %and3A_149 = arith.constant 31 : i32
    %and3A_150 = vector.broadcast %and3A_149 : i32 to vector<16xi32>
    %and3A_151 = arith.andi %add3A_148, %and3A_150 : vector<16xi32>
    %add3A_152 = arith.constant 25 : i32
    %add3A_153 = vector.broadcast %add3A_152 : i32 to vector<16xi32>
    %add3A_154 = arith.addi %iota3A, %add3A_153 : vector<16xi32>
    %and3A_155 = arith.constant 31 : i32
    %and3A_156 = vector.broadcast %and3A_155 : i32 to vector<16xi32>
    %and3A_157 = arith.andi %add3A_154, %and3A_156 : vector<16xi32>
    %add3A_158 = arith.constant 26 : i32
    %add3A_159 = vector.broadcast %add3A_158 : i32 to vector<16xi32>
    %add3A_160 = arith.addi %iota3A, %add3A_159 : vector<16xi32>
    %and3A_161 = arith.constant 31 : i32
    %and3A_162 = vector.broadcast %and3A_161 : i32 to vector<16xi32>
    %and3A_163 = arith.andi %add3A_160, %and3A_162 : vector<16xi32>
    %add3A_164 = arith.constant 27 : i32
    %add3A_165 = vector.broadcast %add3A_164 : i32 to vector<16xi32>
    %add3A_166 = arith.addi %iota3A, %add3A_165 : vector<16xi32>
    %and3A_167 = arith.constant 31 : i32
    %and3A_168 = vector.broadcast %and3A_167 : i32 to vector<16xi32>
    %and3A_169 = arith.andi %add3A_166, %and3A_168 : vector<16xi32>
    %add3A_170 = arith.constant 28 : i32
    %add3A_171 = vector.broadcast %add3A_170 : i32 to vector<16xi32>
    %add3A_172 = arith.addi %iota3A, %add3A_171 : vector<16xi32>
    %and3A_173 = arith.constant 31 : i32
    %and3A_174 = vector.broadcast %and3A_173 : i32 to vector<16xi32>
    %and3A_175 = arith.andi %add3A_172, %and3A_174 : vector<16xi32>
    %add3A_176 = arith.constant 29 : i32
    %add3A_177 = vector.broadcast %add3A_176 : i32 to vector<16xi32>
    %add3A_178 = arith.addi %iota3A, %add3A_177 : vector<16xi32>
    %and3A_179 = arith.constant 31 : i32
    %and3A_180 = vector.broadcast %and3A_179 : i32 to vector<16xi32>
    %and3A_181 = arith.andi %add3A_178, %and3A_180 : vector<16xi32>
    %add3A_182 = arith.constant 30 : i32
    %add3A_183 = vector.broadcast %add3A_182 : i32 to vector<16xi32>
    %add3A_184 = arith.addi %iota3A, %add3A_183 : vector<16xi32>
    %and3A_185 = arith.constant 31 : i32
    %and3A_186 = vector.broadcast %and3A_185 : i32 to vector<16xi32>
    %and3A_187 = arith.andi %add3A_184, %and3A_186 : vector<16xi32>
    %add3A_188 = arith.constant 31 : i32
    %add3A_189 = vector.broadcast %add3A_188 : i32 to vector<16xi32>
    %add3A_190 = arith.addi %iota3A, %add3A_189 : vector<16xi32>
    %and3A_191 = arith.constant 31 : i32
    %and3A_192 = vector.broadcast %and3A_191 : i32 to vector<16xi32>
    %and3A_193 = arith.andi %add3A_190, %and3A_192 : vector<16xi32>
    %dma_start3A = arith.constant 0 : i32
    %dma_start3A_194 = tpu.memref_slice %arg3[%dma_start3A, %multiple_of3A] : memref<50x16384xi32, #tpu.memory_space<hbm>> -> memref<50x512xi32, #tpu.memory_space<hbm>>
    %dma_start3A_195 = arith.constant 0 : i32
    %dma_start3A_196 = tpu.memref_slice %arg3[%dma_start3A_195, %multiple_of3A] : memref<50x16384xi32, #tpu.memory_space<hbm>> -> memref<50x512xi32, #tpu.memory_space<hbm>>
    tpu.enqueue_dma source(%dma_start3A_196 : memref<50x512xi32, #tpu.memory_space<hbm>>) target(%arg5 : memref<50x512xi32, #tpu.memory_space<vmem>>) target_semaphore(%arg10 : memref<!tpu.dma_semaphore, #tpu.memory_space<semaphore_mem>>)
    %dma_wait3A = arith.constant 0 : i32
    %dma_wait3A_197 = tpu.memref_slice %arg3[%dma_wait3A, %multiple_of3A] : memref<50x16384xi32, #tpu.memory_space<hbm>> -> memref<50x512xi32, #tpu.memory_space<hbm>>
    %dma_wait3A_198 = arith.constant 0 : i32
    %dma_wait3A_199 = tpu.memref_slice %arg3[%dma_wait3A_198, %multiple_of3A] : memref<50x16384xi32, #tpu.memory_space<hbm>> -> memref<50x512xi32, #tpu.memory_space<hbm>>
    tpu.wait_dma2 semaphore(%arg10 : memref<!tpu.dma_semaphore, #tpu.memory_space<semaphore_mem>>) src(%dma_wait3A_199 : memref<50x512xi32, #tpu.memory_space<hbm>>) dst(%arg5 : memref<50x512xi32, #tpu.memory_space<vmem>>)
    %dma_start3A_200 = arith.constant 0 : i32
    %dma_start3A_201 = arith.constant 0 : i32
    %dma_start3A_202 = arith.constant 0 : i32
    %dma_start3A_203 = tpu.memref_slice %arg6[%dma_start3A_201, %dma_start3A_202] : memref<512x32xf32, #tpu.memory_space<vmem>> -> memref<128x32xf32, #tpu.memory_space<vmem>>
    %dma_start3A_204 = arith.constant 0 : i32
    %dma_start3A_205 = tpu.memref_slice %arg5[%dma_start3A_200, %dma_start3A_204] : memref<50x512xi32, #tpu.memory_space<vmem>> -> memref<1x128xi32, #tpu.memory_space<vmem>>
    %dma_start3A_206 = tpu.memref_squeeze %dma_start3A_205 : memref<1x128xi32, #tpu.memory_space<vmem>> -> memref<128xi32, #tpu.memory_space<vmem>>
    %dma_start3A_207 = arith.constant 0 : i32
    %dma_start3A_208 = arith.constant 0 : i32
    %dma_start3A_209 = tpu.memref_slice %arg2[%dma_start3A_207, %dma_start3A_208] : memref<1000000x32xf32, #tpu.memory_space<hbm>> -> memref<1000000x32xf32, #tpu.memory_space<hbm>>
    tpu.enqueue_indirect_dma source(%dma_start3A_209 : memref<1000000x32xf32, #tpu.memory_space<hbm>>) target(%dma_start3A_203 : memref<128x32xf32, #tpu.memory_space<vmem>>) offsets(%dma_start3A_206 : memref<128xi32, #tpu.memory_space<vmem>>) semaphore(%arg11 : memref<!tpu.dma_semaphore, #tpu.memory_space<semaphore_mem>>)
    %dma_start3A_210 = arith.constant 0 : i32
    %dma_start3A_211 = arith.constant 128 : i32
    %dma_start3A_212 = arith.constant 0 : i32
    %dma_start3A_213 = tpu.memref_slice %arg6[%dma_start3A_211, %dma_start3A_212] : memref<512x32xf32, #tpu.memory_space<vmem>> -> memref<128x32xf32, #tpu.memory_space<vmem>>
    %dma_start3A_214 = arith.constant 128 : i32
    %dma_start3A_215 = tpu.memref_slice %arg5[%dma_start3A_210, %dma_start3A_214] : memref<50x512xi32, #tpu.memory_space<vmem>> -> memref<1x128xi32, #tpu.memory_space<vmem>>
    %dma_start3A_216 = tpu.memref_squeeze %dma_start3A_215 : memref<1x128xi32, #tpu.memory_space<vmem>> -> memref<128xi32, #tpu.memory_space<vmem>>
    %dma_start3A_217 = arith.constant 0 : i32
    %dma_start3A_218 = arith.constant 0 : i32
    %dma_start3A_219 = tpu.memref_slice %arg2[%dma_start3A_217, %dma_start3A_218] : memref<1000000x32xf32, #tpu.memory_space<hbm>> -> memref<1000000x32xf32, #tpu.memory_space<hbm>>
    tpu.enqueue_indirect_dma source(%dma_start3A_219 : memref<1000000x32xf32, #tpu.memory_space<hbm>>) target(%dma_start3A_213 : memref<128x32xf32, #tpu.memory_space<vmem>>) offsets(%dma_start3A_216 : memref<128xi32, #tpu.memory_space<vmem>>) semaphore(%arg11 : memref<!tpu.dma_semaphore, #tpu.memory_space<semaphore_mem>>)
    %dma_start3A_220 = arith.constant 0 : i32
    %dma_start3A_221 = arith.constant 256 : i32
    %dma_start3A_222 = arith.constant 0 : i32
    %dma_start3A_223 = tpu.memref_slice %arg6[%dma_start3A_221, %dma_start3A_222] : memref<512x32xf32, #tpu.memory_space<vmem>> -> memref<128x32xf32, #tpu.memory_space<vmem>>
    %dma_start3A_224 = arith.constant 256 : i32
    %dma_start3A_225 = tpu.memref_slice %arg5[%dma_start3A_220, %dma_start3A_224] : memref<50x512xi32, #tpu.memory_space<vmem>> -> memref<1x128xi32, #tpu.memory_space<vmem>>
    %dma_start3A_226 = tpu.memref_squeeze %dma_start3A_225 : memref<1x128xi32, #tpu.memory_space<vmem>> -> memref<128xi32, #tpu.memory_space<vmem>>
    %dma_start3A_227 = arith.constant 0 : i32
    %dma_start3A_228 = arith.constant 0 : i32
    %dma_start3A_229 = tpu.memref_slice %arg2[%dma_start3A_227, %dma_start3A_228] : memref<1000000x32xf32, #tpu.memory_space<hbm>> -> memref<1000000x32xf32, #tpu.memory_space<hbm>>
    tpu.enqueue_indirect_dma source(%dma_start3A_229 : memref<1000000x32xf32, #tpu.memory_space<hbm>>) target(%dma_start3A_223 : memref<128x32xf32, #tpu.memory_space<vmem>>) offsets(%dma_start3A_226 : memref<128xi32, #tpu.memory_space<vmem>>) semaphore(%arg11 : memref<!tpu.dma_semaphore, #tpu.memory_space<semaphore_mem>>)
    %dma_start3A_230 = arith.constant 0 : i32
    %dma_start3A_231 = arith.constant 384 : i32
    %dma_start3A_232 = arith.constant 0 : i32
    %dma_start3A_233 = tpu.memref_slice %arg6[%dma_start3A_231, %dma_start3A_232] : memref<512x32xf32, #tpu.memory_space<vmem>> -> memref<128x32xf32, #tpu.memory_space<vmem>>
    %dma_start3A_234 = arith.constant 384 : i32
    %dma_start3A_235 = tpu.memref_slice %arg5[%dma_start3A_230, %dma_start3A_234] : memref<50x512xi32, #tpu.memory_space<vmem>> -> memref<1x128xi32, #tpu.memory_space<vmem>>
    %dma_start3A_236 = tpu.memref_squeeze %dma_start3A_235 : memref<1x128xi32, #tpu.memory_space<vmem>> -> memref<128xi32, #tpu.memory_space<vmem>>
    %dma_start3A_237 = arith.constant 0 : i32
    %dma_start3A_238 = arith.constant 0 : i32
    %dma_start3A_239 = tpu.memref_slice %arg2[%dma_start3A_237, %dma_start3A_238] : memref<1000000x32xf32, #tpu.memory_space<hbm>> -> memref<1000000x32xf32, #tpu.memory_space<hbm>>
    tpu.enqueue_indirect_dma source(%dma_start3A_239 : memref<1000000x32xf32, #tpu.memory_space<hbm>>) target(%dma_start3A_233 : memref<128x32xf32, #tpu.memory_space<vmem>>) offsets(%dma_start3A_236 : memref<128xi32, #tpu.memory_space<vmem>>) semaphore(%arg11 : memref<!tpu.dma_semaphore, #tpu.memory_space<semaphore_mem>>)
    %dma_start3A_240 = arith.constant 1 : i32
    %dma_start3A_241 = arith.constant 0 : i32
    %dma_start3A_242 = arith.constant 0 : i32
    %dma_start3A_243 = tpu.memref_slice %arg7[%dma_start3A_241, %dma_start3A_242] : memref<512x32xf32, #tpu.memory_space<vmem>> -> memref<128x32xf32, #tpu.memory_space<vmem>>
    %dma_start3A_244 = arith.constant 0 : i32
    %dma_start3A_245 = tpu.memref_slice %arg5[%dma_start3A_240, %dma_start3A_244] : memref<50x512xi32, #tpu.memory_space<vmem>> -> memref<1x128xi32, #tpu.memory_space<vmem>>
    %dma_start3A_246 = tpu.memref_squeeze %dma_start3A_245 : memref<1x128xi32, #tpu.memory_space<vmem>> -> memref<128xi32, #tpu.memory_space<vmem>>
    %dma_start3A_247 = arith.constant 0 : i32
    %dma_start3A_248 = arith.constant 0 : i32
    %dma_start3A_249 = tpu.memref_slice %arg2[%dma_start3A_247, %dma_start3A_248] : memref<1000000x32xf32, #tpu.memory_space<hbm>> -> memref<1000000x32xf32, #tpu.memory_space<hbm>>
    tpu.enqueue_indirect_dma source(%dma_start3A_249 : memref<1000000x32xf32, #tpu.memory_space<hbm>>) target(%dma_start3A_243 : memref<128x32xf32, #tpu.memory_space<vmem>>) offsets(%dma_start3A_246 : memref<128xi32, #tpu.memory_space<vmem>>) semaphore(%arg12 : memref<!tpu.dma_semaphore, #tpu.memory_space<semaphore_mem>>)
    %dma_start3A_250 = arith.constant 1 : i32
    %dma_start3A_251 = arith.constant 128 : i32
    %dma_start3A_252 = arith.constant 0 : i32
    %dma_start3A_253 = tpu.memref_slice %arg7[%dma_start3A_251, %dma_start3A_252] : memref<512x32xf32, #tpu.memory_space<vmem>> -> memref<128x32xf32, #tpu.memory_space<vmem>>
    %dma_start3A_254 = arith.constant 128 : i32
    %dma_start3A_255 = tpu.memref_slice %arg5[%dma_start3A_250, %dma_start3A_254] : memref<50x512xi32, #tpu.memory_space<vmem>> -> memref<1x128xi32, #tpu.memory_space<vmem>>
    %dma_start3A_256 = tpu.memref_squeeze %dma_start3A_255 : memref<1x128xi32, #tpu.memory_space<vmem>> -> memref<128xi32, #tpu.memory_space<vmem>>
    %dma_start3A_257 = arith.constant 0 : i32
    %dma_start3A_258 = arith.constant 0 : i32
    %dma_start3A_259 = tpu.memref_slice %arg2[%dma_start3A_257, %dma_start3A_258] : memref<1000000x32xf32, #tpu.memory_space<hbm>> -> memref<1000000x32xf32, #tpu.memory_space<hbm>>
    tpu.enqueue_indirect_dma source(%dma_start3A_259 : memref<1000000x32xf32, #tpu.memory_space<hbm>>) target(%dma_start3A_253 : memref<128x32xf32, #tpu.memory_space<vmem>>) offsets(%dma_start3A_256 : memref<128xi32, #tpu.memory_space<vmem>>) semaphore(%arg12 : memref<!tpu.dma_semaphore, #tpu.memory_space<semaphore_mem>>)
    %dma_start3A_260 = arith.constant 1 : i32
    %dma_start3A_261 = arith.constant 256 : i32
    %dma_start3A_262 = arith.constant 0 : i32
    %dma_start3A_263 = tpu.memref_slice %arg7[%dma_start3A_261, %dma_start3A_262] : memref<512x32xf32, #tpu.memory_space<vmem>> -> memref<128x32xf32, #tpu.memory_space<vmem>>
    %dma_start3A_264 = arith.constant 256 : i32
    %dma_start3A_265 = tpu.memref_slice %arg5[%dma_start3A_260, %dma_start3A_264] : memref<50x512xi32, #tpu.memory_space<vmem>> -> memref<1x128xi32, #tpu.memory_space<vmem>>
    %dma_start3A_266 = tpu.memref_squeeze %dma_start3A_265 : memref<1x128xi32, #tpu.memory_space<vmem>> -> memref<128xi32, #tpu.memory_space<vmem>>
    %dma_start3A_267 = arith.constant 0 : i32
    %dma_start3A_268 = arith.constant 0 : i32
    %dma_start3A_269 = tpu.memref_slice %arg2[%dma_start3A_267, %dma_start3A_268] : memref<1000000x32xf32, #tpu.memory_space<hbm>> -> memref<1000000x32xf32, #tpu.memory_space<hbm>>
    tpu.enqueue_indirect_dma source(%dma_start3A_269 : memref<1000000x32xf32, #tpu.memory_space<hbm>>) target(%dma_start3A_263 : memref<128x32xf32, #tpu.memory_space<vmem>>) offsets(%dma_start3A_266 : memref<128xi32, #tpu.memory_space<vmem>>) semaphore(%arg12 : memref<!tpu.dma_semaphore, #tpu.memory_space<semaphore_mem>>)
    %dma_start3A_270 = arith.constant 1 : i32
    %dma_start3A_271 = arith.constant 384 : i32
    %dma_start3A_272 = arith.constant 0 : i32
    %dma_start3A_273 = tpu.memref_slice %arg7[%dma_start3A_271, %dma_start3A_272] : memref<512x32xf32, #tpu.memory_space<vmem>> -> memref<128x32xf32, #tpu.memory_space<vmem>>
    %dma_start3A_274 = arith.constant 384 : i32
    %dma_start3A_275 = tpu.memref_slice %arg5[%dma_start3A_270, %dma_start3A_274] : memref<50x512xi32, #tpu.memory_space<vmem>> -> memref<1x128xi32, #tpu.memory_space<vmem>>
    %dma_start3A_276 = tpu.memref_squeeze %dma_start3A_275 : memref<1x128xi32, #tpu.memory_space<vmem>> -> memref<128xi32, #tpu.memory_space<vmem>>
    %dma_start3A_277 = arith.constant 0 : i32
    %dma_start3A_278 = arith.constant 0 : i32
    %dma_start3A_279 = tpu.memref_slice %arg2[%dma_start3A_277, %dma_start3A_278] : memref<1000000x32xf32, #tpu.memory_space<hbm>> -> memref<1000000x32xf32, #tpu.memory_space<hbm>>
    tpu.enqueue_indirect_dma source(%dma_start3A_279 : memref<1000000x32xf32, #tpu.memory_space<hbm>>) target(%dma_start3A_273 : memref<128x32xf32, #tpu.memory_space<vmem>>) offsets(%dma_start3A_276 : memref<128xi32, #tpu.memory_space<vmem>>) semaphore(%arg12 : memref<!tpu.dma_semaphore, #tpu.memory_space<semaphore_mem>>)
    %dma_wait3A_280 = arith.constant 0 : i32
    %dma_wait3A_281 = arith.constant 0 : i32
    %dma_wait3A_282 = arith.constant 0 : i32
    %dma_wait3A_283 = tpu.memref_slice %arg4[%dma_wait3A_280, %dma_wait3A_281, %dma_wait3A_282] : memref<50x32x16384xf32, #tpu.memory_space<hbm>> -> memref<1x32x512xf32, #tpu.memory_space<hbm>>
    %dma_wait3A_284 = tpu.memref_squeeze %dma_wait3A_283 : memref<1x32x512xf32, #tpu.memory_space<hbm>> -> memref<32x512xf32, #tpu.memory_space<hbm>>
    %dma_wait3A_285 = arith.constant 0 : i32
    %dma_wait3A_286 = arith.constant 0 : i32
    %dma_wait3A_287 = tpu.memref_slice %arg4[%dma_wait3A_280, %dma_wait3A_285, %dma_wait3A_286] : memref<50x32x16384xf32, #tpu.memory_space<hbm>> -> memref<1x32x512xf32, #tpu.memory_space<hbm>>
    %dma_wait3A_288 = tpu.memref_squeeze %dma_wait3A_287 : memref<1x32x512xf32, #tpu.memory_space<hbm>> -> memref<32x512xf32, #tpu.memory_space<hbm>>
    tpu.wait_dma2 semaphore(%arg11 : memref<!tpu.dma_semaphore, #tpu.memory_space<semaphore_mem>>) src(%dma_wait3A_288 : memref<32x512xf32, #tpu.memory_space<hbm>>) dst(%arg6 : memref<512x32xf32, #tpu.memory_space<vmem>>)
    %scan3A = arith.constant 0 : i32
    %scan3A_289 = arith.constant 0 : i32
    %scan3A_290 = arith.constant 32 : i32
    %scan3A_291 = arith.addi %scan3A_289, %scan3A_290 : i32
    %scan3A_292 = arith.constant 2 : i32
    %scan3A_293 = scf.for %scan3A_494 = %scan3A_289 to %scan3A_291 step %scan3A_292 iter_args(%scan3A_495 = %scan3A) -> (i32)  : i32 {
      %mul3A_496 = arith.constant 16 : i32
      %mul3A_497 = arith.muli %scan3A_494, %mul3A_496 : i32
      %add3A_498 = vector.broadcast %mul3A_497 : i32 to vector<16xi32>
      %add3A_499 = arith.addi %iota3A, %add3A_498 : vector<16xi32>
      %gather3A = tpu.vector_load_idx %arg6[%add3A_499, %and3A_7] : memref<512x32xf32, #tpu.memory_space<vmem>>[vector<16xi32>, vector<16xi32>], vector<16xf32>,
      tpu.vector_store_idx %arg8[%and3A_7, %add3A_499], %gather3A : memref<32x512xf32, #tpu.memory_space<vmem>>[vector<16xi32>, vector<16xi32>], vector<16xf32>,
      %gather3A_500 = tpu.vector_load_idx %arg6[%add3A_499, %and3A_13] : memref<512x32xf32, #tpu.memory_space<vmem>>[vector<16xi32>, vector<16xi32>], vector<16xf32>,
      tpu.vector_store_idx %arg8[%and3A_13, %add3A_499], %gather3A_500 : memref<32x512xf32, #tpu.memory_space<vmem>>[vector<16xi32>, vector<16xi32>], vector<16xf32>,
      %gather3A_501 = tpu.vector_load_idx %arg6[%add3A_499, %and3A_19] : memref<512x32xf32, #tpu.memory_space<vmem>>[vector<16xi32>, vector<16xi32>], vector<16xf32>,
      tpu.vector_store_idx %arg8[%and3A_19, %add3A_499], %gather3A_501 : memref<32x512xf32, #tpu.memory_space<vmem>>[vector<16xi32>, vector<16xi32>], vector<16xf32>,
      %gather3A_502 = tpu.vector_load_idx %arg6[%add3A_499, %and3A_25] : memref<512x32xf32, #tpu.memory_space<vmem>>[vector<16xi32>, vector<16xi32>], vector<16xf32>,
      tpu.vector_store_idx %arg8[%and3A_25, %add3A_499], %gather3A_502 : memref<32x512xf32, #tpu.memory_space<vmem>>[vector<16xi32>, vector<16xi32>], vector<16xf32>,
      %gather3A_503 = tpu.vector_load_idx %arg6[%add3A_499, %and3A_31] : memref<512x32xf32, #tpu.memory_space<vmem>>[vector<16xi32>, vector<16xi32>], vector<16xf32>,
      tpu.vector_store_idx %arg8[%and3A_31, %add3A_499], %gather3A_503 : memref<32x512xf32, #tpu.memory_space<vmem>>[vector<16xi32>, vector<16xi32>], vector<16xf32>,
      %gather3A_504 = tpu.vector_load_idx %arg6[%add3A_499, %and3A_37] : memref<512x32xf32, #tpu.memory_space<vmem>>[vector<16xi32>, vector<16xi32>], vector<16xf32>,
      tpu.vector_store_idx %arg8[%and3A_37, %add3A_499], %gather3A_504 : memref<32x512xf32, #tpu.memory_space<vmem>>[vector<16xi32>, vector<16xi32>], vector<16xf32>,
      %gather3A_505 = tpu.vector_load_idx %arg6[%add3A_499, %and3A_43] : memref<512x32xf32, #tpu.memory_space<vmem>>[vector<16xi32>, vector<16xi32>], vector<16xf32>,
      tpu.vector_store_idx %arg8[%and3A_43, %add3A_499], %gather3A_505 : memref<32x512xf32, #tpu.memory_space<vmem>>[vector<16xi32>, vector<16xi32>], vector<16xf32>,
      %gather3A_506 = tpu.vector_load_idx %arg6[%add3A_499, %and3A_49] : memref<512x32xf32, #tpu.memory_space<vmem>>[vector<16xi32>, vector<16xi32>], vector<16xf32>,
      tpu.vector_store_idx %arg8[%and3A_49, %add3A_499], %gather3A_506 : memref<32x512xf32, #tpu.memory_space<vmem>>[vector<16xi32>, vector<16xi32>], vector<16xf32>,
      %gather3A_507 = tpu.vector_load_idx %arg6[%add3A_499, %and3A_55] : memref<512x32xf32, #tpu.memory_space<vmem>>[vector<16xi32>, vector<16xi32>], vector<16xf32>,
      tpu.vector_store_idx %arg8[%and3A_55, %add3A_499], %gather3A_507 : memref<32x512xf32, #tpu.memory_space<vmem>>[vector<16xi32>, vector<16xi32>], vector<16xf32>,
      %gather3A_508 = tpu.vector_load_idx %arg6[%add3A_499, %and3A_61] : memref<512x32xf32, #tpu.memory_space<vmem>>[vector<16xi32>, vector<16xi32>], vector<16xf32>,
      tpu.vector_store_idx %arg8[%and3A_61, %add3A_499], %gather3A_508 : memref<32x512xf32, #tpu.memory_space<vmem>>[vector<16xi32>, vector<16xi32>], vector<16xf32>,
      %gather3A_509 = tpu.vector_load_idx %arg6[%add3A_499, %and3A_67] : memref<512x32xf32, #tpu.memory_space<vmem>>[vector<16xi32>, vector<16xi32>], vector<16xf32>,
      tpu.vector_store_idx %arg8[%and3A_67, %add3A_499], %gather3A_509 : memref<32x512xf32, #tpu.memory_space<vmem>>[vector<16xi32>, vector<16xi32>], vector<16xf32>,
      %gather3A_510 = tpu.vector_load_idx %arg6[%add3A_499, %and3A_73] : memref<512x32xf32, #tpu.memory_space<vmem>>[vector<16xi32>, vector<16xi32>], vector<16xf32>,
      tpu.vector_store_idx %arg8[%and3A_73, %add3A_499], %gather3A_510 : memref<32x512xf32, #tpu.memory_space<vmem>>[vector<16xi32>, vector<16xi32>], vector<16xf32>,
      %gather3A_511 = tpu.vector_load_idx %arg6[%add3A_499, %and3A_79] : memref<512x32xf32, #tpu.memory_space<vmem>>[vector<16xi32>, vector<16xi32>], vector<16xf32>,
      tpu.vector_store_idx %arg8[%and3A_79, %add3A_499], %gather3A_511 : memref<32x512xf32, #tpu.memory_space<vmem>>[vector<16xi32>, vector<16xi32>], vector<16xf32>,
      %gather3A_512 = tpu.vector_load_idx %arg6[%add3A_499, %and3A_85] : memref<512x32xf32, #tpu.memory_space<vmem>>[vector<16xi32>, vector<16xi32>], vector<16xf32>,
      tpu.vector_store_idx %arg8[%and3A_85, %add3A_499], %gather3A_512 : memref<32x512xf32, #tpu.memory_space<vmem>>[vector<16xi32>, vector<16xi32>], vector<16xf32>,
      %gather3A_513 = tpu.vector_load_idx %arg6[%add3A_499, %and3A_91] : memref<512x32xf32, #tpu.memory_space<vmem>>[vector<16xi32>, vector<16xi32>], vector<16xf32>,
      tpu.vector_store_idx %arg8[%and3A_91, %add3A_499], %gather3A_513 : memref<32x512xf32, #tpu.memory_space<vmem>>[vector<16xi32>, vector<16xi32>], vector<16xf32>,
      %gather3A_514 = tpu.vector_load_idx %arg6[%add3A_499, %and3A_97] : memref<512x32xf32, #tpu.memory_space<vmem>>[vector<16xi32>, vector<16xi32>], vector<16xf32>,
      tpu.vector_store_idx %arg8[%and3A_97, %add3A_499], %gather3A_514 : memref<32x512xf32, #tpu.memory_space<vmem>>[vector<16xi32>, vector<16xi32>], vector<16xf32>,
      %gather3A_515 = tpu.vector_load_idx %arg6[%add3A_499, %and3A_103] : memref<512x32xf32, #tpu.memory_space<vmem>>[vector<16xi32>, vector<16xi32>], vector<16xf32>,
      tpu.vector_store_idx %arg8[%and3A_103, %add3A_499], %gather3A_515 : memref<32x512xf32, #tpu.memory_space<vmem>>[vector<16xi32>, vector<16xi32>], vector<16xf32>,
      %gather3A_516 = tpu.vector_load_idx %arg6[%add3A_499, %and3A_109] : memref<512x32xf32, #tpu.memory_space<vmem>>[vector<16xi32>, vector<16xi32>], vector<16xf32>,
      tpu.vector_store_idx %arg8[%and3A_109, %add3A_499], %gather3A_516 : memref<32x512xf32, #tpu.memory_space<vmem>>[vector<16xi32>, vector<16xi32>], vector<16xf32>,
      %gather3A_517 = tpu.vector_load_idx %arg6[%add3A_499, %and3A_115] : memref<512x32xf32, #tpu.memory_space<vmem>>[vector<16xi32>, vector<16xi32>], vector<16xf32>,
      tpu.vector_store_idx %arg8[%and3A_115, %add3A_499], %gather3A_517 : memref<32x512xf32, #tpu.memory_space<vmem>>[vector<16xi32>, vector<16xi32>], vector<16xf32>,
      %gather3A_518 = tpu.vector_load_idx %arg6[%add3A_499, %and3A_121] : memref<512x32xf32, #tpu.memory_space<vmem>>[vector<16xi32>, vector<16xi32>], vector<16xf32>,
      tpu.vector_store_idx %arg8[%and3A_121, %add3A_499], %gather3A_518 : memref<32x512xf32, #tpu.memory_space<vmem>>[vector<16xi32>, vector<16xi32>], vector<16xf32>,
      %gather3A_519 = tpu.vector_load_idx %arg6[%add3A_499, %and3A_127] : memref<512x32xf32, #tpu.memory_space<vmem>>[vector<16xi32>, vector<16xi32>], vector<16xf32>,
      tpu.vector_store_idx %arg8[%and3A_127, %add3A_499], %gather3A_519 : memref<32x512xf32, #tpu.memory_space<vmem>>[vector<16xi32>, vector<16xi32>], vector<16xf32>,
      %gather3A_520 = tpu.vector_load_idx %arg6[%add3A_499, %and3A_133] : memref<512x32xf32, #tpu.memory_space<vmem>>[vector<16xi32>, vector<16xi32>], vector<16xf32>,
      tpu.vector_store_idx %arg8[%and3A_133, %add3A_499], %gather3A_520 : memref<32x512xf32, #tpu.memory_space<vmem>>[vector<16xi32>, vector<16xi32>], vector<16xf32>,
      %gather3A_521 = tpu.vector_load_idx %arg6[%add3A_499, %and3A_139] : memref<512x32xf32, #tpu.memory_space<vmem>>[vector<16xi32>, vector<16xi32>], vector<16xf32>,
      tpu.vector_store_idx %arg8[%and3A_139, %add3A_499], %gather3A_521 : memref<32x512xf32, #tpu.memory_space<vmem>>[vector<16xi32>, vector<16xi32>], vector<16xf32>,
      %gather3A_522 = tpu.vector_load_idx %arg6[%add3A_499, %and3A_145] : memref<512x32xf32, #tpu.memory_space<vmem>>[vector<16xi32>, vector<16xi32>], vector<16xf32>,
      tpu.vector_store_idx %arg8[%and3A_145, %add3A_499], %gather3A_522 : memref<32x512xf32, #tpu.memory_space<vmem>>[vector<16xi32>, vector<16xi32>], vector<16xf32>,
      %gather3A_523 = tpu.vector_load_idx %arg6[%add3A_499, %and3A_151] : memref<512x32xf32, #tpu.memory_space<vmem>>[vector<16xi32>, vector<16xi32>], vector<16xf32>,
      tpu.vector_store_idx %arg8[%and3A_151, %add3A_499], %gather3A_523 : memref<32x512xf32, #tpu.memory_space<vmem>>[vector<16xi32>, vector<16xi32>], vector<16xf32>,
      %gather3A_524 = tpu.vector_load_idx %arg6[%add3A_499, %and3A_157] : memref<512x32xf32, #tpu.memory_space<vmem>>[vector<16xi32>, vector<16xi32>], vector<16xf32>,
      tpu.vector_store_idx %arg8[%and3A_157, %add3A_499], %gather3A_524 : memref<32x512xf32, #tpu.memory_space<vmem>>[vector<16xi32>, vector<16xi32>], vector<16xf32>,
      %gather3A_525 = tpu.vector_load_idx %arg6[%add3A_499, %and3A_163] : memref<512x32xf32, #tpu.memory_space<vmem>>[vector<16xi32>, vector<16xi32>], vector<16xf32>,
      tpu.vector_store_idx %arg8[%and3A_163, %add3A_499], %gather3A_525 : memref<32x512xf32, #tpu.memory_space<vmem>>[vector<16xi32>, vector<16xi32>], vector<16xf32>,
      %gather3A_526 = tpu.vector_load_idx %arg6[%add3A_499, %and3A_169] : memref<512x32xf32, #tpu.memory_space<vmem>>[vector<16xi32>, vector<16xi32>], vector<16xf32>,
      tpu.vector_store_idx %arg8[%and3A_169, %add3A_499], %gather3A_526 : memref<32x512xf32, #tpu.memory_space<vmem>>[vector<16xi32>, vector<16xi32>], vector<16xf32>,
      %gather3A_527 = tpu.vector_load_idx %arg6[%add3A_499, %and3A_175] : memref<512x32xf32, #tpu.memory_space<vmem>>[vector<16xi32>, vector<16xi32>], vector<16xf32>,
      tpu.vector_store_idx %arg8[%and3A_175, %add3A_499], %gather3A_527 : memref<32x512xf32, #tpu.memory_space<vmem>>[vector<16xi32>, vector<16xi32>], vector<16xf32>,
      %gather3A_528 = tpu.vector_load_idx %arg6[%add3A_499, %and3A_181] : memref<512x32xf32, #tpu.memory_space<vmem>>[vector<16xi32>, vector<16xi32>], vector<16xf32>,
      tpu.vector_store_idx %arg8[%and3A_181, %add3A_499], %gather3A_528 : memref<32x512xf32, #tpu.memory_space<vmem>>[vector<16xi32>, vector<16xi32>], vector<16xf32>,
      %gather3A_529 = tpu.vector_load_idx %arg6[%add3A_499, %and3A_187] : memref<512x32xf32, #tpu.memory_space<vmem>>[vector<16xi32>, vector<16xi32>], vector<16xf32>,
      tpu.vector_store_idx %arg8[%and3A_187, %add3A_499], %gather3A_529 : memref<32x512xf32, #tpu.memory_space<vmem>>[vector<16xi32>, vector<16xi32>], vector<16xf32>,
      %gather3A_530 = tpu.vector_load_idx %arg6[%add3A_499, %and3A_193] : memref<512x32xf32, #tpu.memory_space<vmem>>[vector<16xi32>, vector<16xi32>], vector<16xf32>,
      tpu.vector_store_idx %arg8[%and3A_193, %add3A_499], %gather3A_530 : memref<32x512xf32, #tpu.memory_space<vmem>>[vector<16xi32>, vector<16xi32>], vector<16xf32>,
      %scan3A_531 = arith.constant 0 : i32
      %scan3A_532 = arith.constant 1 : i32
      %scan3A_533 = arith.addi %scan3A_494, %scan3A_532 : i32
      %mul3A_534 = arith.constant 16 : i32
      %mul3A_535 = arith.muli %scan3A_533, %mul3A_534 : i32
      %add3A_536 = vector.broadcast %mul3A_535 : i32 to vector<16xi32>
      %add3A_537 = arith.addi %iota3A, %add3A_536 : vector<16xi32>
      %gather3A_538 = tpu.vector_load_idx %arg6[%add3A_537, %and3A_7] : memref<512x32xf32, #tpu.memory_space<vmem>>[vector<16xi32>, vector<16xi32>], vector<16xf32>,
      tpu.vector_store_idx %arg8[%and3A_7, %add3A_537], %gather3A_538 : memref<32x512xf32, #tpu.memory_space<vmem>>[vector<16xi32>, vector<16xi32>], vector<16xf32>,
      %gather3A_539 = tpu.vector_load_idx %arg6[%add3A_537, %and3A_13] : memref<512x32xf32, #tpu.memory_space<vmem>>[vector<16xi32>, vector<16xi32>], vector<16xf32>,
      tpu.vector_store_idx %arg8[%and3A_13, %add3A_537], %gather3A_539 : memref<32x512xf32, #tpu.memory_space<vmem>>[vector<16xi32>, vector<16xi32>], vector<16xf32>,
      %gather3A_540 = tpu.vector_load_idx %arg6[%add3A_537, %and3A_19] : memref<512x32xf32, #tpu.memory_space<vmem>>[vector<16xi32>, vector<16xi32>], vector<16xf32>,
      tpu.vector_store_idx %arg8[%and3A_19, %add3A_537], %gather3A_540 : memref<32x512xf32, #tpu.memory_space<vmem>>[vector<16xi32>, vector<16xi32>], vector<16xf32>,
      %gather3A_541 = tpu.vector_load_idx %arg6[%add3A_537, %and3A_25] : memref<512x32xf32, #tpu.memory_space<vmem>>[vector<16xi32>, vector<16xi32>], vector<16xf32>,
      tpu.vector_store_idx %arg8[%and3A_25, %add3A_537], %gather3A_541 : memref<32x512xf32, #tpu.memory_space<vmem>>[vector<16xi32>, vector<16xi32>], vector<16xf32>,
      %gather3A_542 = tpu.vector_load_idx %arg6[%add3A_537, %and3A_31] : memref<512x32xf32, #tpu.memory_space<vmem>>[vector<16xi32>, vector<16xi32>], vector<16xf32>,
      tpu.vector_store_idx %arg8[%and3A_31, %add3A_537], %gather3A_542 : memref<32x512xf32, #tpu.memory_space<vmem>>[vector<16xi32>, vector<16xi32>], vector<16xf32>,
      %gather3A_543 = tpu.vector_load_idx %arg6[%add3A_537, %and3A_37] : memref<512x32xf32, #tpu.memory_space<vmem>>[vector<16xi32>, vector<16xi32>], vector<16xf32>,
      tpu.vector_store_idx %arg8[%and3A_37, %add3A_537], %gather3A_543 : memref<32x512xf32, #tpu.memory_space<vmem>>[vector<16xi32>, vector<16xi32>], vector<16xf32>,
      %gather3A_544 = tpu.vector_load_idx %arg6[%add3A_537, %and3A_43] : memref<512x32xf32, #tpu.memory_space<vmem>>[vector<16xi32>, vector<16xi32>], vector<16xf32>,
      tpu.vector_store_idx %arg8[%and3A_43, %add3A_537], %gather3A_544 : memref<32x512xf32, #tpu.memory_space<vmem>>[vector<16xi32>, vector<16xi32>], vector<16xf32>,
      %gather3A_545 = tpu.vector_load_idx %arg6[%add3A_537, %and3A_49] : memref<512x32xf32, #tpu.memory_space<vmem>>[vector<16xi32>, vector<16xi32>], vector<16xf32>,
      tpu.vector_store_idx %arg8[%and3A_49, %add3A_537], %gather3A_545 : memref<32x512xf32, #tpu.memory_space<vmem>>[vector<16xi32>, vector<16xi32>], vector<16xf32>,
      %gather3A_546 = tpu.vector_load_idx %arg6[%add3A_537, %and3A_55] : memref<512x32xf32, #tpu.memory_space<vmem>>[vector<16xi32>, vector<16xi32>], vector<16xf32>,
      tpu.vector_store_idx %arg8[%and3A_55, %add3A_537], %gather3A_546 : memref<32x512xf32, #tpu.memory_space<vmem>>[vector<16xi32>, vector<16xi32>], vector<16xf32>,
      %gather3A_547 = tpu.vector_load_idx %arg6[%add3A_537, %and3A_61] : memref<512x32xf32, #tpu.memory_space<vmem>>[vector<16xi32>, vector<16xi32>], vector<16xf32>,
      tpu.vector_store_idx %arg8[%and3A_61, %add3A_537], %gather3A_547 : memref<32x512xf32, #tpu.memory_space<vmem>>[vector<16xi32>, vector<16xi32>], vector<16xf32>,
      %gather3A_548 = tpu.vector_load_idx %arg6[%add3A_537, %and3A_67] : memref<512x32xf32, #tpu.memory_space<vmem>>[vector<16xi32>, vector<16xi32>], vector<16xf32>,
      tpu.vector_store_idx %arg8[%and3A_67, %add3A_537], %gather3A_548 : memref<32x512xf32, #tpu.memory_space<vmem>>[vector<16xi32>, vector<16xi32>], vector<16xf32>,
      %gather3A_549 = tpu.vector_load_idx %arg6[%add3A_537, %and3A_73] : memref<512x32xf32, #tpu.memory_space<vmem>>[vector<16xi32>, vector<16xi32>], vector<16xf32>,
      tpu.vector_store_idx %arg8[%and3A_73, %add3A_537], %gather3A_549 : memref<32x512xf32, #tpu.memory_space<vmem>>[vector<16xi32>, vector<16xi32>], vector<16xf32>,
      %gather3A_550 = tpu.vector_load_idx %arg6[%add3A_537, %and3A_79] : memref<512x32xf32, #tpu.memory_space<vmem>>[vector<16xi32>, vector<16xi32>], vector<16xf32>,
      tpu.vector_store_idx %arg8[%and3A_79, %add3A_537], %gather3A_550 : memref<32x512xf32, #tpu.memory_space<vmem>>[vector<16xi32>, vector<16xi32>], vector<16xf32>,
      %gather3A_551 = tpu.vector_load_idx %arg6[%add3A_537, %and3A_85] : memref<512x32xf32, #tpu.memory_space<vmem>>[vector<16xi32>, vector<16xi32>], vector<16xf32>,
      tpu.vector_store_idx %arg8[%and3A_85, %add3A_537], %gather3A_551 : memref<32x512xf32, #tpu.memory_space<vmem>>[vector<16xi32>, vector<16xi32>], vector<16xf32>,
      %gather3A_552 = tpu.vector_load_idx %arg6[%add3A_537, %and3A_91] : memref<512x32xf32, #tpu.memory_space<vmem>>[vector<16xi32>, vector<16xi32>], vector<16xf32>,
      tpu.vector_store_idx %arg8[%and3A_91, %add3A_537], %gather3A_552 : memref<32x512xf32, #tpu.memory_space<vmem>>[vector<16xi32>, vector<16xi32>], vector<16xf32>,
      %gather3A_553 = tpu.vector_load_idx %arg6[%add3A_537, %and3A_97] : memref<512x32xf32, #tpu.memory_space<vmem>>[vector<16xi32>, vector<16xi32>], vector<16xf32>,
      tpu.vector_store_idx %arg8[%and3A_97, %add3A_537], %gather3A_553 : memref<32x512xf32, #tpu.memory_space<vmem>>[vector<16xi32>, vector<16xi32>], vector<16xf32>,
      %gather3A_554 = tpu.vector_load_idx %arg6[%add3A_537, %and3A_103] : memref<512x32xf32, #tpu.memory_space<vmem>>[vector<16xi32>, vector<16xi32>], vector<16xf32>,
      tpu.vector_store_idx %arg8[%and3A_103, %add3A_537], %gather3A_554 : memref<32x512xf32, #tpu.memory_space<vmem>>[vector<16xi32>, vector<16xi32>], vector<16xf32>,
      %gather3A_555 = tpu.vector_load_idx %arg6[%add3A_537, %and3A_109] : memref<512x32xf32, #tpu.memory_space<vmem>>[vector<16xi32>, vector<16xi32>], vector<16xf32>,
      tpu.vector_store_idx %arg8[%and3A_109, %add3A_537], %gather3A_555 : memref<32x512xf32, #tpu.memory_space<vmem>>[vector<16xi32>, vector<16xi32>], vector<16xf32>,
      %gather3A_556 = tpu.vector_load_idx %arg6[%add3A_537, %and3A_115] : memref<512x32xf32, #tpu.memory_space<vmem>>[vector<16xi32>, vector<16xi32>], vector<16xf32>,
      tpu.vector_store_idx %arg8[%and3A_115, %add3A_537], %gather3A_556 : memref<32x512xf32, #tpu.memory_space<vmem>>[vector<16xi32>, vector<16xi32>], vector<16xf32>,
      %gather3A_557 = tpu.vector_load_idx %arg6[%add3A_537, %and3A_121] : memref<512x32xf32, #tpu.memory_space<vmem>>[vector<16xi32>, vector<16xi32>], vector<16xf32>,
      tpu.vector_store_idx %arg8[%and3A_121, %add3A_537], %gather3A_557 : memref<32x512xf32, #tpu.memory_space<vmem>>[vector<16xi32>, vector<16xi32>], vector<16xf32>,
      %gather3A_558 = tpu.vector_load_idx %arg6[%add3A_537, %and3A_127] : memref<512x32xf32, #tpu.memory_space<vmem>>[vector<16xi32>, vector<16xi32>], vector<16xf32>,
      tpu.vector_store_idx %arg8[%and3A_127, %add3A_537], %gather3A_558 : memref<32x512xf32, #tpu.memory_space<vmem>>[vector<16xi32>, vector<16xi32>], vector<16xf32>,
      %gather3A_559 = tpu.vector_load_idx %arg6[%add3A_537, %and3A_133] : memref<512x32xf32, #tpu.memory_space<vmem>>[vector<16xi32>, vector<16xi32>], vector<16xf32>,
      tpu.vector_store_idx %arg8[%and3A_133, %add3A_537], %gather3A_559 : memref<32x512xf32, #tpu.memory_space<vmem>>[vector<16xi32>, vector<16xi32>], vector<16xf32>,
      %gather3A_560 = tpu.vector_load_idx %arg6[%add3A_537, %and3A_139] : memref<512x32xf32, #tpu.memory_space<vmem>>[vector<16xi32>, vector<16xi32>], vector<16xf32>,
      tpu.vector_store_idx %arg8[%and3A_139, %add3A_537], %gather3A_560 : memref<32x512xf32, #tpu.memory_space<vmem>>[vector<16xi32>, vector<16xi32>], vector<16xf32>,
      %gather3A_561 = tpu.vector_load_idx %arg6[%add3A_537, %and3A_145] : memref<512x32xf32, #tpu.memory_space<vmem>>[vector<16xi32>, vector<16xi32>], vector<16xf32>,
      tpu.vector_store_idx %arg8[%and3A_145, %add3A_537], %gather3A_561 : memref<32x512xf32, #tpu.memory_space<vmem>>[vector<16xi32>, vector<16xi32>], vector<16xf32>,
      %gather3A_562 = tpu.vector_load_idx %arg6[%add3A_537, %and3A_151] : memref<512x32xf32, #tpu.memory_space<vmem>>[vector<16xi32>, vector<16xi32>], vector<16xf32>,
      tpu.vector_store_idx %arg8[%and3A_151, %add3A_537], %gather3A_562 : memref<32x512xf32, #tpu.memory_space<vmem>>[vector<16xi32>, vector<16xi32>], vector<16xf32>,
      %gather3A_563 = tpu.vector_load_idx %arg6[%add3A_537, %and3A_157] : memref<512x32xf32, #tpu.memory_space<vmem>>[vector<16xi32>, vector<16xi32>], vector<16xf32>,
      tpu.vector_store_idx %arg8[%and3A_157, %add3A_537], %gather3A_563 : memref<32x512xf32, #tpu.memory_space<vmem>>[vector<16xi32>, vector<16xi32>], vector<16xf32>,
      %gather3A_564 = tpu.vector_load_idx %arg6[%add3A_537, %and3A_163] : memref<512x32xf32, #tpu.memory_space<vmem>>[vector<16xi32>, vector<16xi32>], vector<16xf32>,
      tpu.vector_store_idx %arg8[%and3A_163, %add3A_537], %gather3A_564 : memref<32x512xf32, #tpu.memory_space<vmem>>[vector<16xi32>, vector<16xi32>], vector<16xf32>,
      %gather3A_565 = tpu.vector_load_idx %arg6[%add3A_537, %and3A_169] : memref<512x32xf32, #tpu.memory_space<vmem>>[vector<16xi32>, vector<16xi32>], vector<16xf32>,
      tpu.vector_store_idx %arg8[%and3A_169, %add3A_537], %gather3A_565 : memref<32x512xf32, #tpu.memory_space<vmem>>[vector<16xi32>, vector<16xi32>], vector<16xf32>,
      %gather3A_566 = tpu.vector_load_idx %arg6[%add3A_537, %and3A_175] : memref<512x32xf32, #tpu.memory_space<vmem>>[vector<16xi32>, vector<16xi32>], vector<16xf32>,
      tpu.vector_store_idx %arg8[%and3A_175, %add3A_537], %gather3A_566 : memref<32x512xf32, #tpu.memory_space<vmem>>[vector<16xi32>, vector<16xi32>], vector<16xf32>,
      %gather3A_567 = tpu.vector_load_idx %arg6[%add3A_537, %and3A_181] : memref<512x32xf32, #tpu.memory_space<vmem>>[vector<16xi32>, vector<16xi32>], vector<16xf32>,
      tpu.vector_store_idx %arg8[%and3A_181, %add3A_537], %gather3A_567 : memref<32x512xf32, #tpu.memory_space<vmem>>[vector<16xi32>, vector<16xi32>], vector<16xf32>,
      %gather3A_568 = tpu.vector_load_idx %arg6[%add3A_537, %and3A_187] : memref<512x32xf32, #tpu.memory_space<vmem>>[vector<16xi32>, vector<16xi32>], vector<16xf32>,
      tpu.vector_store_idx %arg8[%and3A_187, %add3A_537], %gather3A_568 : memref<32x512xf32, #tpu.memory_space<vmem>>[vector<16xi32>, vector<16xi32>], vector<16xf32>,
      %gather3A_569 = tpu.vector_load_idx %arg6[%add3A_537, %and3A_193] : memref<512x32xf32, #tpu.memory_space<vmem>>[vector<16xi32>, vector<16xi32>], vector<16xf32>,
      tpu.vector_store_idx %arg8[%and3A_193, %add3A_537], %gather3A_569 : memref<32x512xf32, #tpu.memory_space<vmem>>[vector<16xi32>, vector<16xi32>], vector<16xf32>,
      %scan3A_570 = arith.constant 0 : i32
      scf.yield %scan3A_570 : i32
    }
    %scan3A_294 = arith.constant 32 : i32
    %dma_start3A_295 = arith.constant 0 : i32
    %dma_start3A_296 = arith.constant 0 : i32
    %dma_start3A_297 = tpu.memref_slice %arg4[%dma_start3A_295, %dma_start3A_296, %multiple_of3A] : memref<50x32x16384xf32, #tpu.memory_space<hbm>> -> memref<1x32x512xf32, #tpu.memory_space<hbm>>
    %dma_start3A_298 = tpu.memref_squeeze %dma_start3A_297 : memref<1x32x512xf32, #tpu.memory_space<hbm>> -> memref<32x512xf32, #tpu.memory_space<hbm>>
    %dma_start3A_299 = arith.constant 0 : i32
    %dma_start3A_300 = tpu.memref_slice %arg4[%dma_start3A_295, %dma_start3A_299, %multiple_of3A] : memref<50x32x16384xf32, #tpu.memory_space<hbm>> -> memref<1x32x512xf32, #tpu.memory_space<hbm>>
    %dma_start3A_301 = tpu.memref_squeeze %dma_start3A_300 : memref<1x32x512xf32, #tpu.memory_space<hbm>> -> memref<32x512xf32, #tpu.memory_space<hbm>>
    tpu.enqueue_dma source(%arg8 : memref<32x512xf32, #tpu.memory_space<vmem>>) target(%dma_start3A_301 : memref<32x512xf32, #tpu.memory_space<hbm>>) target_semaphore(%arg13 : memref<!tpu.dma_semaphore, #tpu.memory_space<semaphore_mem>>)
    %dma_start3A_302 = arith.constant 2 : i32
    %dma_start3A_303 = arith.constant 0 : i32
    %dma_start3A_304 = arith.constant 0 : i32
    %dma_start3A_305 = tpu.memref_slice %arg6[%dma_start3A_303, %dma_start3A_304] : memref<512x32xf32, #tpu.memory_space<vmem>> -> memref<128x32xf32, #tpu.memory_space<vmem>>
    %dma_start3A_306 = arith.constant 0 : i32
    %dma_start3A_307 = tpu.memref_slice %arg5[%dma_start3A_302, %dma_start3A_306] : memref<50x512xi32, #tpu.memory_space<vmem>> -> memref<1x128xi32, #tpu.memory_space<vmem>>
    %dma_start3A_308 = tpu.memref_squeeze %dma_start3A_307 : memref<1x128xi32, #tpu.memory_space<vmem>> -> memref<128xi32, #tpu.memory_space<vmem>>
    %dma_start3A_309 = arith.constant 0 : i32
    %dma_start3A_310 = arith.constant 0 : i32
    %dma_start3A_311 = tpu.memref_slice %arg2[%dma_start3A_309, %dma_start3A_310] : memref<1000000x32xf32, #tpu.memory_space<hbm>> -> memref<1000000x32xf32, #tpu.memory_space<hbm>>
    tpu.enqueue_indirect_dma source(%dma_start3A_311 : memref<1000000x32xf32, #tpu.memory_space<hbm>>) target(%dma_start3A_305 : memref<128x32xf32, #tpu.memory_space<vmem>>) offsets(%dma_start3A_308 : memref<128xi32, #tpu.memory_space<vmem>>) semaphore(%arg11 : memref<!tpu.dma_semaphore, #tpu.memory_space<semaphore_mem>>)
    %dma_start3A_312 = arith.constant 2 : i32
    %dma_start3A_313 = arith.constant 128 : i32
    %dma_start3A_314 = arith.constant 0 : i32
    %dma_start3A_315 = tpu.memref_slice %arg6[%dma_start3A_313, %dma_start3A_314] : memref<512x32xf32, #tpu.memory_space<vmem>> -> memref<128x32xf32, #tpu.memory_space<vmem>>
    %dma_start3A_316 = arith.constant 128 : i32
    %dma_start3A_317 = tpu.memref_slice %arg5[%dma_start3A_312, %dma_start3A_316] : memref<50x512xi32, #tpu.memory_space<vmem>> -> memref<1x128xi32, #tpu.memory_space<vmem>>
    %dma_start3A_318 = tpu.memref_squeeze %dma_start3A_317 : memref<1x128xi32, #tpu.memory_space<vmem>> -> memref<128xi32, #tpu.memory_space<vmem>>
    %dma_start3A_319 = arith.constant 0 : i32
    %dma_start3A_320 = arith.constant 0 : i32
    %dma_start3A_321 = tpu.memref_slice %arg2[%dma_start3A_319, %dma_start3A_320] : memref<1000000x32xf32, #tpu.memory_space<hbm>> -> memref<1000000x32xf32, #tpu.memory_space<hbm>>
    tpu.enqueue_indirect_dma source(%dma_start3A_321 : memref<1000000x32xf32, #tpu.memory_space<hbm>>) target(%dma_start3A_315 : memref<128x32xf32, #tpu.memory_space<vmem>>) offsets(%dma_start3A_318 : memref<128xi32, #tpu.memory_space<vmem>>) semaphore(%arg11 : memref<!tpu.dma_semaphore, #tpu.memory_space<semaphore_mem>>)
    %dma_start3A_322 = arith.constant 2 : i32
    %dma_start3A_323 = arith.constant 256 : i32
    %dma_start3A_324 = arith.constant 0 : i32
    %dma_start3A_325 = tpu.memref_slice %arg6[%dma_start3A_323, %dma_start3A_324] : memref<512x32xf32, #tpu.memory_space<vmem>> -> memref<128x32xf32, #tpu.memory_space<vmem>>
    %dma_start3A_326 = arith.constant 256 : i32
    %dma_start3A_327 = tpu.memref_slice %arg5[%dma_start3A_322, %dma_start3A_326] : memref<50x512xi32, #tpu.memory_space<vmem>> -> memref<1x128xi32, #tpu.memory_space<vmem>>
    %dma_start3A_328 = tpu.memref_squeeze %dma_start3A_327 : memref<1x128xi32, #tpu.memory_space<vmem>> -> memref<128xi32, #tpu.memory_space<vmem>>
    %dma_start3A_329 = arith.constant 0 : i32
    %dma_start3A_330 = arith.constant 0 : i32
    %dma_start3A_331 = tpu.memref_slice %arg2[%dma_start3A_329, %dma_start3A_330] : memref<1000000x32xf32, #tpu.memory_space<hbm>> -> memref<1000000x32xf32, #tpu.memory_space<hbm>>
    tpu.enqueue_indirect_dma source(%dma_start3A_331 : memref<1000000x32xf32, #tpu.memory_space<hbm>>) target(%dma_start3A_325 : memref<128x32xf32, #tpu.memory_space<vmem>>) offsets(%dma_start3A_328 : memref<128xi32, #tpu.memory_space<vmem>>) semaphore(%arg11 : memref<!tpu.dma_semaphore, #tpu.memory_space<semaphore_mem>>)
    %dma_start3A_332 = arith.constant 2 : i32
    %dma_start3A_333 = arith.constant 384 : i32
    %dma_start3A_334 = arith.constant 0 : i32
    %dma_start3A_335 = tpu.memref_slice %arg6[%dma_start3A_333, %dma_start3A_334] : memref<512x32xf32, #tpu.memory_space<vmem>> -> memref<128x32xf32, #tpu.memory_space<vmem>>
    %dma_start3A_336 = arith.constant 384 : i32
    %dma_start3A_337 = tpu.memref_slice %arg5[%dma_start3A_332, %dma_start3A_336] : memref<50x512xi32, #tpu.memory_space<vmem>> -> memref<1x128xi32, #tpu.memory_space<vmem>>
    %dma_start3A_338 = tpu.memref_squeeze %dma_start3A_337 : memref<1x128xi32, #tpu.memory_space<vmem>> -> memref<128xi32, #tpu.memory_space<vmem>>
    %dma_start3A_339 = arith.constant 0 : i32
    %dma_start3A_340 = arith.constant 0 : i32
    %dma_start3A_341 = tpu.memref_slice %arg2[%dma_start3A_339, %dma_start3A_340] : memref<1000000x32xf32, #tpu.memory_space<hbm>> -> memref<1000000x32xf32, #tpu.memory_space<hbm>>
    tpu.enqueue_indirect_dma source(%dma_start3A_341 : memref<1000000x32xf32, #tpu.memory_space<hbm>>) target(%dma_start3A_335 : memref<128x32xf32, #tpu.memory_space<vmem>>) offsets(%dma_start3A_338 : memref<128xi32, #tpu.memory_space<vmem>>) semaphore(%arg11 : memref<!tpu.dma_semaphore, #tpu.memory_space<semaphore_mem>>)
    %dma_wait3A_342 = arith.constant 0 : i32
    %dma_wait3A_343 = arith.constant 0 : i32
    %dma_wait3A_344 = arith.constant 0 : i32
    %dma_wait3A_345 = tpu.memref_slice %arg4[%dma_wait3A_342, %dma_wait3A_343, %dma_wait3A_344] : memref<50x32x16384xf32, #tpu.memory_space<hbm>> -> memref<1x32x512xf32, #tpu.memory_space<hbm>>
    %dma_wait3A_346 = tpu.memref_squeeze %dma_wait3A_345 : memref<1x32x512xf32, #tpu.memory_space<hbm>> -> memref<32x512xf32, #tpu.memory_space<hbm>>
    %dma_wait3A_347 = arith.constant 0 : i32
    %dma_wait3A_348 = arith.constant 0 : i32
    %dma_wait3A_349 = tpu.memref_slice %arg4[%dma_wait3A_342, %dma_wait3A_347, %dma_wait3A_348] : memref<50x32x16384xf32, #tpu.memory_space<hbm>> -> memref<1x32x512xf32, #tpu.memory_space<hbm>>
    %dma_wait3A_350 = tpu.memref_squeeze %dma_wait3A_349 : memref<1x32x512xf32, #tpu.memory_space<hbm>> -> memref<32x512xf32, #tpu.memory_space<hbm>>
    tpu.wait_dma2 semaphore(%arg12 : memref<!tpu.dma_semaphore, #tpu.memory_space<semaphore_mem>>) src(%dma_wait3A_350 : memref<32x512xf32, #tpu.memory_space<hbm>>) dst(%arg7 : memref<512x32xf32, #tpu.memory_space<vmem>>)
    %scan3A_351 = arith.constant 0 : i32
    %scan3A_352 = arith.constant 0 : i32
    %scan3A_353 = arith.constant 32 : i32
    %scan3A_354 = arith.addi %scan3A_352, %scan3A_353 : i32
    %scan3A_355 = arith.constant 2 : i32
    %scan3A_356 = scf.for %scan3A_494 = %scan3A_352 to %scan3A_354 step %scan3A_355 iter_args(%scan3A_495 = %scan3A_351) -> (i32)  : i32 {
      %mul3A_496 = arith.constant 16 : i32
      %mul3A_497 = arith.muli %scan3A_494, %mul3A_496 : i32
      %add3A_498 = vector.broadcast %mul3A_497 : i32 to vector<16xi32>
      %add3A_499 = arith.addi %iota3A, %add3A_498 : vector<16xi32>
      %gather3A = tpu.vector_load_idx %arg7[%add3A_499, %and3A_7] : memref<512x32xf32, #tpu.memory_space<vmem>>[vector<16xi32>, vector<16xi32>], vector<16xf32>,
      tpu.vector_store_idx %arg9[%and3A_7, %add3A_499], %gather3A : memref<32x512xf32, #tpu.memory_space<vmem>>[vector<16xi32>, vector<16xi32>], vector<16xf32>,
      %gather3A_500 = tpu.vector_load_idx %arg7[%add3A_499, %and3A_13] : memref<512x32xf32, #tpu.memory_space<vmem>>[vector<16xi32>, vector<16xi32>], vector<16xf32>,
      tpu.vector_store_idx %arg9[%and3A_13, %add3A_499], %gather3A_500 : memref<32x512xf32, #tpu.memory_space<vmem>>[vector<16xi32>, vector<16xi32>], vector<16xf32>,
      %gather3A_501 = tpu.vector_load_idx %arg7[%add3A_499, %and3A_19] : memref<512x32xf32, #tpu.memory_space<vmem>>[vector<16xi32>, vector<16xi32>], vector<16xf32>,
      tpu.vector_store_idx %arg9[%and3A_19, %add3A_499], %gather3A_501 : memref<32x512xf32, #tpu.memory_space<vmem>>[vector<16xi32>, vector<16xi32>], vector<16xf32>,
      %gather3A_502 = tpu.vector_load_idx %arg7[%add3A_499, %and3A_25] : memref<512x32xf32, #tpu.memory_space<vmem>>[vector<16xi32>, vector<16xi32>], vector<16xf32>,
      tpu.vector_store_idx %arg9[%and3A_25, %add3A_499], %gather3A_502 : memref<32x512xf32, #tpu.memory_space<vmem>>[vector<16xi32>, vector<16xi32>], vector<16xf32>,
      %gather3A_503 = tpu.vector_load_idx %arg7[%add3A_499, %and3A_31] : memref<512x32xf32, #tpu.memory_space<vmem>>[vector<16xi32>, vector<16xi32>], vector<16xf32>,
      tpu.vector_store_idx %arg9[%and3A_31, %add3A_499], %gather3A_503 : memref<32x512xf32, #tpu.memory_space<vmem>>[vector<16xi32>, vector<16xi32>], vector<16xf32>,
      %gather3A_504 = tpu.vector_load_idx %arg7[%add3A_499, %and3A_37] : memref<512x32xf32, #tpu.memory_space<vmem>>[vector<16xi32>, vector<16xi32>], vector<16xf32>,
      tpu.vector_store_idx %arg9[%and3A_37, %add3A_499], %gather3A_504 : memref<32x512xf32, #tpu.memory_space<vmem>>[vector<16xi32>, vector<16xi32>], vector<16xf32>,
      %gather3A_505 = tpu.vector_load_idx %arg7[%add3A_499, %and3A_43] : memref<512x32xf32, #tpu.memory_space<vmem>>[vector<16xi32>, vector<16xi32>], vector<16xf32>,
      tpu.vector_store_idx %arg9[%and3A_43, %add3A_499], %gather3A_505 : memref<32x512xf32, #tpu.memory_space<vmem>>[vector<16xi32>, vector<16xi32>], vector<16xf32>,
      %gather3A_506 = tpu.vector_load_idx %arg7[%add3A_499, %and3A_49] : memref<512x32xf32, #tpu.memory_space<vmem>>[vector<16xi32>, vector<16xi32>], vector<16xf32>,
      tpu.vector_store_idx %arg9[%and3A_49, %add3A_499], %gather3A_506 : memref<32x512xf32, #tpu.memory_space<vmem>>[vector<16xi32>, vector<16xi32>], vector<16xf32>,
      %gather3A_507 = tpu.vector_load_idx %arg7[%add3A_499, %and3A_55] : memref<512x32xf32, #tpu.memory_space<vmem>>[vector<16xi32>, vector<16xi32>], vector<16xf32>,
      tpu.vector_store_idx %arg9[%and3A_55, %add3A_499], %gather3A_507 : memref<32x512xf32, #tpu.memory_space<vmem>>[vector<16xi32>, vector<16xi32>], vector<16xf32>,
      %gather3A_508 = tpu.vector_load_idx %arg7[%add3A_499, %and3A_61] : memref<512x32xf32, #tpu.memory_space<vmem>>[vector<16xi32>, vector<16xi32>], vector<16xf32>,
      tpu.vector_store_idx %arg9[%and3A_61, %add3A_499], %gather3A_508 : memref<32x512xf32, #tpu.memory_space<vmem>>[vector<16xi32>, vector<16xi32>], vector<16xf32>,
      %gather3A_509 = tpu.vector_load_idx %arg7[%add3A_499, %and3A_67] : memref<512x32xf32, #tpu.memory_space<vmem>>[vector<16xi32>, vector<16xi32>], vector<16xf32>,
      tpu.vector_store_idx %arg9[%and3A_67, %add3A_499], %gather3A_509 : memref<32x512xf32, #tpu.memory_space<vmem>>[vector<16xi32>, vector<16xi32>], vector<16xf32>,
      %gather3A_510 = tpu.vector_load_idx %arg7[%add3A_499, %and3A_73] : memref<512x32xf32, #tpu.memory_space<vmem>>[vector<16xi32>, vector<16xi32>], vector<16xf32>,
      tpu.vector_store_idx %arg9[%and3A_73, %add3A_499], %gather3A_510 : memref<32x512xf32, #tpu.memory_space<vmem>>[vector<16xi32>, vector<16xi32>], vector<16xf32>,
      %gather3A_511 = tpu.vector_load_idx %arg7[%add3A_499, %and3A_79] : memref<512x32xf32, #tpu.memory_space<vmem>>[vector<16xi32>, vector<16xi32>], vector<16xf32>,
      tpu.vector_store_idx %arg9[%and3A_79, %add3A_499], %gather3A_511 : memref<32x512xf32, #tpu.memory_space<vmem>>[vector<16xi32>, vector<16xi32>], vector<16xf32>,
      %gather3A_512 = tpu.vector_load_idx %arg7[%add3A_499, %and3A_85] : memref<512x32xf32, #tpu.memory_space<vmem>>[vector<16xi32>, vector<16xi32>], vector<16xf32>,
      tpu.vector_store_idx %arg9[%and3A_85, %add3A_499], %gather3A_512 : memref<32x512xf32, #tpu.memory_space<vmem>>[vector<16xi32>, vector<16xi32>], vector<16xf32>,
      %gather3A_513 = tpu.vector_load_idx %arg7[%add3A_499, %and3A_91] : memref<512x32xf32, #tpu.memory_space<vmem>>[vector<16xi32>, vector<16xi32>], vector<16xf32>,
      tpu.vector_store_idx %arg9[%and3A_91, %add3A_499], %gather3A_513 : memref<32x512xf32, #tpu.memory_space<vmem>>[vector<16xi32>, vector<16xi32>], vector<16xf32>,
      %gather3A_514 = tpu.vector_load_idx %arg7[%add3A_499, %and3A_97] : memref<512x32xf32, #tpu.memory_space<vmem>>[vector<16xi32>, vector<16xi32>], vector<16xf32>,
      tpu.vector_store_idx %arg9[%and3A_97, %add3A_499], %gather3A_514 : memref<32x512xf32, #tpu.memory_space<vmem>>[vector<16xi32>, vector<16xi32>], vector<16xf32>,
      %gather3A_515 = tpu.vector_load_idx %arg7[%add3A_499, %and3A_103] : memref<512x32xf32, #tpu.memory_space<vmem>>[vector<16xi32>, vector<16xi32>], vector<16xf32>,
      tpu.vector_store_idx %arg9[%and3A_103, %add3A_499], %gather3A_515 : memref<32x512xf32, #tpu.memory_space<vmem>>[vector<16xi32>, vector<16xi32>], vector<16xf32>,
      %gather3A_516 = tpu.vector_load_idx %arg7[%add3A_499, %and3A_109] : memref<512x32xf32, #tpu.memory_space<vmem>>[vector<16xi32>, vector<16xi32>], vector<16xf32>,
      tpu.vector_store_idx %arg9[%and3A_109, %add3A_499], %gather3A_516 : memref<32x512xf32, #tpu.memory_space<vmem>>[vector<16xi32>, vector<16xi32>], vector<16xf32>,
      %gather3A_517 = tpu.vector_load_idx %arg7[%add3A_499, %and3A_115] : memref<512x32xf32, #tpu.memory_space<vmem>>[vector<16xi32>, vector<16xi32>], vector<16xf32>,
      tpu.vector_store_idx %arg9[%and3A_115, %add3A_499], %gather3A_517 : memref<32x512xf32, #tpu.memory_space<vmem>>[vector<16xi32>, vector<16xi32>], vector<16xf32>,
      %gather3A_518 = tpu.vector_load_idx %arg7[%add3A_499, %and3A_121] : memref<512x32xf32, #tpu.memory_space<vmem>>[vector<16xi32>, vector<16xi32>], vector<16xf32>,
      tpu.vector_store_idx %arg9[%and3A_121, %add3A_499], %gather3A_518 : memref<32x512xf32, #tpu.memory_space<vmem>>[vector<16xi32>, vector<16xi32>], vector<16xf32>,
      %gather3A_519 = tpu.vector_load_idx %arg7[%add3A_499, %and3A_127] : memref<512x32xf32, #tpu.memory_space<vmem>>[vector<16xi32>, vector<16xi32>], vector<16xf32>,
      tpu.vector_store_idx %arg9[%and3A_127, %add3A_499], %gather3A_519 : memref<32x512xf32, #tpu.memory_space<vmem>>[vector<16xi32>, vector<16xi32>], vector<16xf32>,
      %gather3A_520 = tpu.vector_load_idx %arg7[%add3A_499, %and3A_133] : memref<512x32xf32, #tpu.memory_space<vmem>>[vector<16xi32>, vector<16xi32>], vector<16xf32>,
      tpu.vector_store_idx %arg9[%and3A_133, %add3A_499], %gather3A_520 : memref<32x512xf32, #tpu.memory_space<vmem>>[vector<16xi32>, vector<16xi32>], vector<16xf32>,
      %gather3A_521 = tpu.vector_load_idx %arg7[%add3A_499, %and3A_139] : memref<512x32xf32, #tpu.memory_space<vmem>>[vector<16xi32>, vector<16xi32>], vector<16xf32>,
      tpu.vector_store_idx %arg9[%and3A_139, %add3A_499], %gather3A_521 : memref<32x512xf32, #tpu.memory_space<vmem>>[vector<16xi32>, vector<16xi32>], vector<16xf32>,
      %gather3A_522 = tpu.vector_load_idx %arg7[%add3A_499, %and3A_145] : memref<512x32xf32, #tpu.memory_space<vmem>>[vector<16xi32>, vector<16xi32>], vector<16xf32>,
      tpu.vector_store_idx %arg9[%and3A_145, %add3A_499], %gather3A_522 : memref<32x512xf32, #tpu.memory_space<vmem>>[vector<16xi32>, vector<16xi32>], vector<16xf32>,
      %gather3A_523 = tpu.vector_load_idx %arg7[%add3A_499, %and3A_151] : memref<512x32xf32, #tpu.memory_space<vmem>>[vector<16xi32>, vector<16xi32>], vector<16xf32>,
      tpu.vector_store_idx %arg9[%and3A_151, %add3A_499], %gather3A_523 : memref<32x512xf32, #tpu.memory_space<vmem>>[vector<16xi32>, vector<16xi32>], vector<16xf32>,
      %gather3A_524 = tpu.vector_load_idx %arg7[%add3A_499, %and3A_157] : memref<512x32xf32, #tpu.memory_space<vmem>>[vector<16xi32>, vector<16xi32>], vector<16xf32>,
      tpu.vector_store_idx %arg9[%and3A_157, %add3A_499], %gather3A_524 : memref<32x512xf32, #tpu.memory_space<vmem>>[vector<16xi32>, vector<16xi32>], vector<16xf32>,
      %gather3A_525 = tpu.vector_load_idx %arg7[%add3A_499, %and3A_163] : memref<512x32xf32, #tpu.memory_space<vmem>>[vector<16xi32>, vector<16xi32>], vector<16xf32>,
      tpu.vector_store_idx %arg9[%and3A_163, %add3A_499], %gather3A_525 : memref<32x512xf32, #tpu.memory_space<vmem>>[vector<16xi32>, vector<16xi32>], vector<16xf32>,
      %gather3A_526 = tpu.vector_load_idx %arg7[%add3A_499, %and3A_169] : memref<512x32xf32, #tpu.memory_space<vmem>>[vector<16xi32>, vector<16xi32>], vector<16xf32>,
      tpu.vector_store_idx %arg9[%and3A_169, %add3A_499], %gather3A_526 : memref<32x512xf32, #tpu.memory_space<vmem>>[vector<16xi32>, vector<16xi32>], vector<16xf32>,
      %gather3A_527 = tpu.vector_load_idx %arg7[%add3A_499, %and3A_175] : memref<512x32xf32, #tpu.memory_space<vmem>>[vector<16xi32>, vector<16xi32>], vector<16xf32>,
      tpu.vector_store_idx %arg9[%and3A_175, %add3A_499], %gather3A_527 : memref<32x512xf32, #tpu.memory_space<vmem>>[vector<16xi32>, vector<16xi32>], vector<16xf32>,
      %gather3A_528 = tpu.vector_load_idx %arg7[%add3A_499, %and3A_181] : memref<512x32xf32, #tpu.memory_space<vmem>>[vector<16xi32>, vector<16xi32>], vector<16xf32>,
      tpu.vector_store_idx %arg9[%and3A_181, %add3A_499], %gather3A_528 : memref<32x512xf32, #tpu.memory_space<vmem>>[vector<16xi32>, vector<16xi32>], vector<16xf32>,
      %gather3A_529 = tpu.vector_load_idx %arg7[%add3A_499, %and3A_187] : memref<512x32xf32, #tpu.memory_space<vmem>>[vector<16xi32>, vector<16xi32>], vector<16xf32>,
      tpu.vector_store_idx %arg9[%and3A_187, %add3A_499], %gather3A_529 : memref<32x512xf32, #tpu.memory_space<vmem>>[vector<16xi32>, vector<16xi32>], vector<16xf32>,
      %gather3A_530 = tpu.vector_load_idx %arg7[%add3A_499, %and3A_193] : memref<512x32xf32, #tpu.memory_space<vmem>>[vector<16xi32>, vector<16xi32>], vector<16xf32>,
      tpu.vector_store_idx %arg9[%and3A_193, %add3A_499], %gather3A_530 : memref<32x512xf32, #tpu.memory_space<vmem>>[vector<16xi32>, vector<16xi32>], vector<16xf32>,
      %scan3A_531 = arith.constant 0 : i32
      %scan3A_532 = arith.constant 1 : i32
      %scan3A_533 = arith.addi %scan3A_494, %scan3A_532 : i32
      %mul3A_534 = arith.constant 16 : i32
      %mul3A_535 = arith.muli %scan3A_533, %mul3A_534 : i32
      %add3A_536 = vector.broadcast %mul3A_535 : i32 to vector<16xi32>
      %add3A_537 = arith.addi %iota3A, %add3A_536 : vector<16xi32>
      %gather3A_538 = tpu.vector_load_idx %arg7[%add3A_537, %and3A_7] : memref<512x32xf32, #tpu.memory_space<vmem>>[vector<16xi32>, vector<16xi32>], vector<16xf32>,
      tpu.vector_store_idx %arg9[%and3A_7, %add3A_537], %gather3A_538 : memref<32x512xf32, #tpu.memory_space<vmem>>[vector<16xi32>, vector<16xi32>], vector<16xf32>,
      %gather3A_539 = tpu.vector_load_idx %arg7[%add3A_537, %and3A_13] : memref<512x32xf32, #tpu.memory_space<vmem>>[vector<16xi32>, vector<16xi32>], vector<16xf32>,
      tpu.vector_store_idx %arg9[%and3A_13, %add3A_537], %gather3A_539 : memref<32x512xf32, #tpu.memory_space<vmem>>[vector<16xi32>, vector<16xi32>], vector<16xf32>,
      %gather3A_540 = tpu.vector_load_idx %arg7[%add3A_537, %and3A_19] : memref<512x32xf32, #tpu.memory_space<vmem>>[vector<16xi32>, vector<16xi32>], vector<16xf32>,
      tpu.vector_store_idx %arg9[%and3A_19, %add3A_537], %gather3A_540 : memref<32x512xf32, #tpu.memory_space<vmem>>[vector<16xi32>, vector<16xi32>], vector<16xf32>,
      %gather3A_541 = tpu.vector_load_idx %arg7[%add3A_537, %and3A_25] : memref<512x32xf32, #tpu.memory_space<vmem>>[vector<16xi32>, vector<16xi32>], vector<16xf32>,
      tpu.vector_store_idx %arg9[%and3A_25, %add3A_537], %gather3A_541 : memref<32x512xf32, #tpu.memory_space<vmem>>[vector<16xi32>, vector<16xi32>], vector<16xf32>,
      %gather3A_542 = tpu.vector_load_idx %arg7[%add3A_537, %and3A_31] : memref<512x32xf32, #tpu.memory_space<vmem>>[vector<16xi32>, vector<16xi32>], vector<16xf32>,
      tpu.vector_store_idx %arg9[%and3A_31, %add3A_537], %gather3A_542 : memref<32x512xf32, #tpu.memory_space<vmem>>[vector<16xi32>, vector<16xi32>], vector<16xf32>,
      %gather3A_543 = tpu.vector_load_idx %arg7[%add3A_537, %and3A_37] : memref<512x32xf32, #tpu.memory_space<vmem>>[vector<16xi32>, vector<16xi32>], vector<16xf32>,
      tpu.vector_store_idx %arg9[%and3A_37, %add3A_537], %gather3A_543 : memref<32x512xf32, #tpu.memory_space<vmem>>[vector<16xi32>, vector<16xi32>], vector<16xf32>,
      %gather3A_544 = tpu.vector_load_idx %arg7[%add3A_537, %and3A_43] : memref<512x32xf32, #tpu.memory_space<vmem>>[vector<16xi32>, vector<16xi32>], vector<16xf32>,
      tpu.vector_store_idx %arg9[%and3A_43, %add3A_537], %gather3A_544 : memref<32x512xf32, #tpu.memory_space<vmem>>[vector<16xi32>, vector<16xi32>], vector<16xf32>,
      %gather3A_545 = tpu.vector_load_idx %arg7[%add3A_537, %and3A_49] : memref<512x32xf32, #tpu.memory_space<vmem>>[vector<16xi32>, vector<16xi32>], vector<16xf32>,
      tpu.vector_store_idx %arg9[%and3A_49, %add3A_537], %gather3A_545 : memref<32x512xf32, #tpu.memory_space<vmem>>[vector<16xi32>, vector<16xi32>], vector<16xf32>,
      %gather3A_546 = tpu.vector_load_idx %arg7[%add3A_537, %and3A_55] : memref<512x32xf32, #tpu.memory_space<vmem>>[vector<16xi32>, vector<16xi32>], vector<16xf32>,
      tpu.vector_store_idx %arg9[%and3A_55, %add3A_537], %gather3A_546 : memref<32x512xf32, #tpu.memory_space<vmem>>[vector<16xi32>, vector<16xi32>], vector<16xf32>,
      %gather3A_547 = tpu.vector_load_idx %arg7[%add3A_537, %and3A_61] : memref<512x32xf32, #tpu.memory_space<vmem>>[vector<16xi32>, vector<16xi32>], vector<16xf32>,
      tpu.vector_store_idx %arg9[%and3A_61, %add3A_537], %gather3A_547 : memref<32x512xf32, #tpu.memory_space<vmem>>[vector<16xi32>, vector<16xi32>], vector<16xf32>,
      %gather3A_548 = tpu.vector_load_idx %arg7[%add3A_537, %and3A_67] : memref<512x32xf32, #tpu.memory_space<vmem>>[vector<16xi32>, vector<16xi32>], vector<16xf32>,
      tpu.vector_store_idx %arg9[%and3A_67, %add3A_537], %gather3A_548 : memref<32x512xf32, #tpu.memory_space<vmem>>[vector<16xi32>, vector<16xi32>], vector<16xf32>,
      %gather3A_549 = tpu.vector_load_idx %arg7[%add3A_537, %and3A_73] : memref<512x32xf32, #tpu.memory_space<vmem>>[vector<16xi32>, vector<16xi32>], vector<16xf32>,
      tpu.vector_store_idx %arg9[%and3A_73, %add3A_537], %gather3A_549 : memref<32x512xf32, #tpu.memory_space<vmem>>[vector<16xi32>, vector<16xi32>], vector<16xf32>,
      %gather3A_550 = tpu.vector_load_idx %arg7[%add3A_537, %and3A_79] : memref<512x32xf32, #tpu.memory_space<vmem>>[vector<16xi32>, vector<16xi32>], vector<16xf32>,
      tpu.vector_store_idx %arg9[%and3A_79, %add3A_537], %gather3A_550 : memref<32x512xf32, #tpu.memory_space<vmem>>[vector<16xi32>, vector<16xi32>], vector<16xf32>,
      %gather3A_551 = tpu.vector_load_idx %arg7[%add3A_537, %and3A_85] : memref<512x32xf32, #tpu.memory_space<vmem>>[vector<16xi32>, vector<16xi32>], vector<16xf32>,
      tpu.vector_store_idx %arg9[%and3A_85, %add3A_537], %gather3A_551 : memref<32x512xf32, #tpu.memory_space<vmem>>[vector<16xi32>, vector<16xi32>], vector<16xf32>,
      %gather3A_552 = tpu.vector_load_idx %arg7[%add3A_537, %and3A_91] : memref<512x32xf32, #tpu.memory_space<vmem>>[vector<16xi32>, vector<16xi32>], vector<16xf32>,
      tpu.vector_store_idx %arg9[%and3A_91, %add3A_537], %gather3A_552 : memref<32x512xf32, #tpu.memory_space<vmem>>[vector<16xi32>, vector<16xi32>], vector<16xf32>,
      %gather3A_553 = tpu.vector_load_idx %arg7[%add3A_537, %and3A_97] : memref<512x32xf32, #tpu.memory_space<vmem>>[vector<16xi32>, vector<16xi32>], vector<16xf32>,
      tpu.vector_store_idx %arg9[%and3A_97, %add3A_537], %gather3A_553 : memref<32x512xf32, #tpu.memory_space<vmem>>[vector<16xi32>, vector<16xi32>], vector<16xf32>,
      %gather3A_554 = tpu.vector_load_idx %arg7[%add3A_537, %and3A_103] : memref<512x32xf32, #tpu.memory_space<vmem>>[vector<16xi32>, vector<16xi32>], vector<16xf32>,
      tpu.vector_store_idx %arg9[%and3A_103, %add3A_537], %gather3A_554 : memref<32x512xf32, #tpu.memory_space<vmem>>[vector<16xi32>, vector<16xi32>], vector<16xf32>,
      %gather3A_555 = tpu.vector_load_idx %arg7[%add3A_537, %and3A_109] : memref<512x32xf32, #tpu.memory_space<vmem>>[vector<16xi32>, vector<16xi32>], vector<16xf32>,
      tpu.vector_store_idx %arg9[%and3A_109, %add3A_537], %gather3A_555 : memref<32x512xf32, #tpu.memory_space<vmem>>[vector<16xi32>, vector<16xi32>], vector<16xf32>,
      %gather3A_556 = tpu.vector_load_idx %arg7[%add3A_537, %and3A_115] : memref<512x32xf32, #tpu.memory_space<vmem>>[vector<16xi32>, vector<16xi32>], vector<16xf32>,
      tpu.vector_store_idx %arg9[%and3A_115, %add3A_537], %gather3A_556 : memref<32x512xf32, #tpu.memory_space<vmem>>[vector<16xi32>, vector<16xi32>], vector<16xf32>,
      %gather3A_557 = tpu.vector_load_idx %arg7[%add3A_537, %and3A_121] : memref<512x32xf32, #tpu.memory_space<vmem>>[vector<16xi32>, vector<16xi32>], vector<16xf32>,
      tpu.vector_store_idx %arg9[%and3A_121, %add3A_537], %gather3A_557 : memref<32x512xf32, #tpu.memory_space<vmem>>[vector<16xi32>, vector<16xi32>], vector<16xf32>,
      %gather3A_558 = tpu.vector_load_idx %arg7[%add3A_537, %and3A_127] : memref<512x32xf32, #tpu.memory_space<vmem>>[vector<16xi32>, vector<16xi32>], vector<16xf32>,
      tpu.vector_store_idx %arg9[%and3A_127, %add3A_537], %gather3A_558 : memref<32x512xf32, #tpu.memory_space<vmem>>[vector<16xi32>, vector<16xi32>], vector<16xf32>,
      %gather3A_559 = tpu.vector_load_idx %arg7[%add3A_537, %and3A_133] : memref<512x32xf32, #tpu.memory_space<vmem>>[vector<16xi32>, vector<16xi32>], vector<16xf32>,
      tpu.vector_store_idx %arg9[%and3A_133, %add3A_537], %gather3A_559 : memref<32x512xf32, #tpu.memory_space<vmem>>[vector<16xi32>, vector<16xi32>], vector<16xf32>,
      %gather3A_560 = tpu.vector_load_idx %arg7[%add3A_537, %and3A_139] : memref<512x32xf32, #tpu.memory_space<vmem>>[vector<16xi32>, vector<16xi32>], vector<16xf32>,
      tpu.vector_store_idx %arg9[%and3A_139, %add3A_537], %gather3A_560 : memref<32x512xf32, #tpu.memory_space<vmem>>[vector<16xi32>, vector<16xi32>], vector<16xf32>,
      %gather3A_561 = tpu.vector_load_idx %arg7[%add3A_537, %and3A_145] : memref<512x32xf32, #tpu.memory_space<vmem>>[vector<16xi32>, vector<16xi32>], vector<16xf32>,
      tpu.vector_store_idx %arg9[%and3A_145, %add3A_537], %gather3A_561 : memref<32x512xf32, #tpu.memory_space<vmem>>[vector<16xi32>, vector<16xi32>], vector<16xf32>,
      %gather3A_562 = tpu.vector_load_idx %arg7[%add3A_537, %and3A_151] : memref<512x32xf32, #tpu.memory_space<vmem>>[vector<16xi32>, vector<16xi32>], vector<16xf32>,
      tpu.vector_store_idx %arg9[%and3A_151, %add3A_537], %gather3A_562 : memref<32x512xf32, #tpu.memory_space<vmem>>[vector<16xi32>, vector<16xi32>], vector<16xf32>,
      %gather3A_563 = tpu.vector_load_idx %arg7[%add3A_537, %and3A_157] : memref<512x32xf32, #tpu.memory_space<vmem>>[vector<16xi32>, vector<16xi32>], vector<16xf32>,
      tpu.vector_store_idx %arg9[%and3A_157, %add3A_537], %gather3A_563 : memref<32x512xf32, #tpu.memory_space<vmem>>[vector<16xi32>, vector<16xi32>], vector<16xf32>,
      %gather3A_564 = tpu.vector_load_idx %arg7[%add3A_537, %and3A_163] : memref<512x32xf32, #tpu.memory_space<vmem>>[vector<16xi32>, vector<16xi32>], vector<16xf32>,
      tpu.vector_store_idx %arg9[%and3A_163, %add3A_537], %gather3A_564 : memref<32x512xf32, #tpu.memory_space<vmem>>[vector<16xi32>, vector<16xi32>], vector<16xf32>,
      %gather3A_565 = tpu.vector_load_idx %arg7[%add3A_537, %and3A_169] : memref<512x32xf32, #tpu.memory_space<vmem>>[vector<16xi32>, vector<16xi32>], vector<16xf32>,
      tpu.vector_store_idx %arg9[%and3A_169, %add3A_537], %gather3A_565 : memref<32x512xf32, #tpu.memory_space<vmem>>[vector<16xi32>, vector<16xi32>], vector<16xf32>,
      %gather3A_566 = tpu.vector_load_idx %arg7[%add3A_537, %and3A_175] : memref<512x32xf32, #tpu.memory_space<vmem>>[vector<16xi32>, vector<16xi32>], vector<16xf32>,
      tpu.vector_store_idx %arg9[%and3A_175, %add3A_537], %gather3A_566 : memref<32x512xf32, #tpu.memory_space<vmem>>[vector<16xi32>, vector<16xi32>], vector<16xf32>,
      %gather3A_567 = tpu.vector_load_idx %arg7[%add3A_537, %and3A_181] : memref<512x32xf32, #tpu.memory_space<vmem>>[vector<16xi32>, vector<16xi32>], vector<16xf32>,
      tpu.vector_store_idx %arg9[%and3A_181, %add3A_537], %gather3A_567 : memref<32x512xf32, #tpu.memory_space<vmem>>[vector<16xi32>, vector<16xi32>], vector<16xf32>,
      %gather3A_568 = tpu.vector_load_idx %arg7[%add3A_537, %and3A_187] : memref<512x32xf32, #tpu.memory_space<vmem>>[vector<16xi32>, vector<16xi32>], vector<16xf32>,
      tpu.vector_store_idx %arg9[%and3A_187, %add3A_537], %gather3A_568 : memref<32x512xf32, #tpu.memory_space<vmem>>[vector<16xi32>, vector<16xi32>], vector<16xf32>,
      %gather3A_569 = tpu.vector_load_idx %arg7[%add3A_537, %and3A_193] : memref<512x32xf32, #tpu.memory_space<vmem>>[vector<16xi32>, vector<16xi32>], vector<16xf32>,
      tpu.vector_store_idx %arg9[%and3A_193, %add3A_537], %gather3A_569 : memref<32x512xf32, #tpu.memory_space<vmem>>[vector<16xi32>, vector<16xi32>], vector<16xf32>,
      %scan3A_570 = arith.constant 0 : i32
      scf.yield %scan3A_570 : i32
    }
    %scan3A_357 = arith.constant 32 : i32
    %dma_start3A_358 = arith.constant 1 : i32
    %dma_start3A_359 = arith.constant 0 : i32
    %dma_start3A_360 = tpu.memref_slice %arg4[%dma_start3A_358, %dma_start3A_359, %multiple_of3A] : memref<50x32x16384xf32, #tpu.memory_space<hbm>> -> memref<1x32x512xf32, #tpu.memory_space<hbm>>
    %dma_start3A_361 = tpu.memref_squeeze %dma_start3A_360 : memref<1x32x512xf32, #tpu.memory_space<hbm>> -> memref<32x512xf32, #tpu.memory_space<hbm>>
    %dma_start3A_362 = arith.constant 0 : i32
    %dma_start3A_363 = tpu.memref_slice %arg4[%dma_start3A_358, %dma_start3A_362, %multiple_of3A] : memref<50x32x16384xf32, #tpu.memory_space<hbm>> -> memref<1x32x512xf32, #tpu.memory_space<hbm>>
    %dma_start3A_364 = tpu.memref_squeeze %dma_start3A_363 : memref<1x32x512xf32, #tpu.memory_space<hbm>> -> memref<32x512xf32, #tpu.memory_space<hbm>>
    tpu.enqueue_dma source(%arg9 : memref<32x512xf32, #tpu.memory_space<vmem>>) target(%dma_start3A_364 : memref<32x512xf32, #tpu.memory_space<hbm>>) target_semaphore(%arg14 : memref<!tpu.dma_semaphore, #tpu.memory_space<semaphore_mem>>)
    %dma_start3A_365 = arith.constant 3 : i32
    %dma_start3A_366 = arith.constant 0 : i32
    %dma_start3A_367 = arith.constant 0 : i32
    %dma_start3A_368 = tpu.memref_slice %arg7[%dma_start3A_366, %dma_start3A_367] : memref<512x32xf32, #tpu.memory_space<vmem>> -> memref<128x32xf32, #tpu.memory_space<vmem>>
    %dma_start3A_369 = arith.constant 0 : i32
    %dma_start3A_370 = tpu.memref_slice %arg5[%dma_start3A_365, %dma_start3A_369] : memref<50x512xi32, #tpu.memory_space<vmem>> -> memref<1x128xi32, #tpu.memory_space<vmem>>
    %dma_start3A_371 = tpu.memref_squeeze %dma_start3A_370 : memref<1x128xi32, #tpu.memory_space<vmem>> -> memref<128xi32, #tpu.memory_space<vmem>>
    %dma_start3A_372 = arith.constant 0 : i32
    %dma_start3A_373 = arith.constant 0 : i32
    %dma_start3A_374 = tpu.memref_slice %arg2[%dma_start3A_372, %dma_start3A_373] : memref<1000000x32xf32, #tpu.memory_space<hbm>> -> memref<1000000x32xf32, #tpu.memory_space<hbm>>
    tpu.enqueue_indirect_dma source(%dma_start3A_374 : memref<1000000x32xf32, #tpu.memory_space<hbm>>) target(%dma_start3A_368 : memref<128x32xf32, #tpu.memory_space<vmem>>) offsets(%dma_start3A_371 : memref<128xi32, #tpu.memory_space<vmem>>) semaphore(%arg12 : memref<!tpu.dma_semaphore, #tpu.memory_space<semaphore_mem>>)
    %dma_start3A_375 = arith.constant 3 : i32
    %dma_start3A_376 = arith.constant 128 : i32
    %dma_start3A_377 = arith.constant 0 : i32
    %dma_start3A_378 = tpu.memref_slice %arg7[%dma_start3A_376, %dma_start3A_377] : memref<512x32xf32, #tpu.memory_space<vmem>> -> memref<128x32xf32, #tpu.memory_space<vmem>>
    %dma_start3A_379 = arith.constant 128 : i32
    %dma_start3A_380 = tpu.memref_slice %arg5[%dma_start3A_375, %dma_start3A_379] : memref<50x512xi32, #tpu.memory_space<vmem>> -> memref<1x128xi32, #tpu.memory_space<vmem>>
    %dma_start3A_381 = tpu.memref_squeeze %dma_start3A_380 : memref<1x128xi32, #tpu.memory_space<vmem>> -> memref<128xi32, #tpu.memory_space<vmem>>
    %dma_start3A_382 = arith.constant 0 : i32
    %dma_start3A_383 = arith.constant 0 : i32
    %dma_start3A_384 = tpu.memref_slice %arg2[%dma_start3A_382, %dma_start3A_383] : memref<1000000x32xf32, #tpu.memory_space<hbm>> -> memref<1000000x32xf32, #tpu.memory_space<hbm>>
    tpu.enqueue_indirect_dma source(%dma_start3A_384 : memref<1000000x32xf32, #tpu.memory_space<hbm>>) target(%dma_start3A_378 : memref<128x32xf32, #tpu.memory_space<vmem>>) offsets(%dma_start3A_381 : memref<128xi32, #tpu.memory_space<vmem>>) semaphore(%arg12 : memref<!tpu.dma_semaphore, #tpu.memory_space<semaphore_mem>>)
    %dma_start3A_385 = arith.constant 3 : i32
    %dma_start3A_386 = arith.constant 256 : i32
    %dma_start3A_387 = arith.constant 0 : i32
    %dma_start3A_388 = tpu.memref_slice %arg7[%dma_start3A_386, %dma_start3A_387] : memref<512x32xf32, #tpu.memory_space<vmem>> -> memref<128x32xf32, #tpu.memory_space<vmem>>
    %dma_start3A_389 = arith.constant 256 : i32
    %dma_start3A_390 = tpu.memref_slice %arg5[%dma_start3A_385, %dma_start3A_389] : memref<50x512xi32, #tpu.memory_space<vmem>> -> memref<1x128xi32, #tpu.memory_space<vmem>>
    %dma_start3A_391 = tpu.memref_squeeze %dma_start3A_390 : memref<1x128xi32, #tpu.memory_space<vmem>> -> memref<128xi32, #tpu.memory_space<vmem>>
    %dma_start3A_392 = arith.constant 0 : i32
    %dma_start3A_393 = arith.constant 0 : i32
    %dma_start3A_394 = tpu.memref_slice %arg2[%dma_start3A_392, %dma_start3A_393] : memref<1000000x32xf32, #tpu.memory_space<hbm>> -> memref<1000000x32xf32, #tpu.memory_space<hbm>>
    tpu.enqueue_indirect_dma source(%dma_start3A_394 : memref<1000000x32xf32, #tpu.memory_space<hbm>>) target(%dma_start3A_388 : memref<128x32xf32, #tpu.memory_space<vmem>>) offsets(%dma_start3A_391 : memref<128xi32, #tpu.memory_space<vmem>>) semaphore(%arg12 : memref<!tpu.dma_semaphore, #tpu.memory_space<semaphore_mem>>)
    %dma_start3A_395 = arith.constant 3 : i32
    %dma_start3A_396 = arith.constant 384 : i32
    %dma_start3A_397 = arith.constant 0 : i32
    %dma_start3A_398 = tpu.memref_slice %arg7[%dma_start3A_396, %dma_start3A_397] : memref<512x32xf32, #tpu.memory_space<vmem>> -> memref<128x32xf32, #tpu.memory_space<vmem>>
    %dma_start3A_399 = arith.constant 384 : i32
    %dma_start3A_400 = tpu.memref_slice %arg5[%dma_start3A_395, %dma_start3A_399] : memref<50x512xi32, #tpu.memory_space<vmem>> -> memref<1x128xi32, #tpu.memory_space<vmem>>
    %dma_start3A_401 = tpu.memref_squeeze %dma_start3A_400 : memref<1x128xi32, #tpu.memory_space<vmem>> -> memref<128xi32, #tpu.memory_space<vmem>>
    %dma_start3A_402 = arith.constant 0 : i32
    %dma_start3A_403 = arith.constant 0 : i32
    %dma_start3A_404 = tpu.memref_slice %arg2[%dma_start3A_402, %dma_start3A_403] : memref<1000000x32xf32, #tpu.memory_space<hbm>> -> memref<1000000x32xf32, #tpu.memory_space<hbm>>
    tpu.enqueue_indirect_dma source(%dma_start3A_404 : memref<1000000x32xf32, #tpu.memory_space<hbm>>) target(%dma_start3A_398 : memref<128x32xf32, #tpu.memory_space<vmem>>) offsets(%dma_start3A_401 : memref<128xi32, #tpu.memory_space<vmem>>) semaphore(%arg12 : memref<!tpu.dma_semaphore, #tpu.memory_space<semaphore_mem>>)
    %scan3A_405 = arith.constant 0 : i32
    %scan3A_406 = arith.constant 1 : i32
    %scan3A_407 = arith.constant 23 : i32
    %scan3A_408 = arith.addi %scan3A_406, %scan3A_407 : i32
    %scan3A_409 = arith.constant 1 : i32
    %scan3A_410 = scf.for %scan3A_494 = %scan3A_406 to %scan3A_408 step %scan3A_409 iter_args(%scan3A_495 = %scan3A_405) -> (i32)  : i32 {
      %mul3A_496 = arith.constant 2 : i32
      %mul3A_497 = arith.muli %mul3A_496, %scan3A_494 : i32
      %dma_wait3A_498 = arith.constant 0 : i32
      %dma_wait3A_499 = arith.constant 0 : i32
      %dma_wait3A_500 = arith.constant 0 : i32
      %dma_wait3A_501 = tpu.memref_slice %arg4[%dma_wait3A_498, %dma_wait3A_499, %dma_wait3A_500] : memref<50x32x16384xf32, #tpu.memory_space<hbm>> -> memref<1x32x512xf32, #tpu.memory_space<hbm>>
      %dma_wait3A_502 = tpu.memref_squeeze %dma_wait3A_501 : memref<1x32x512xf32, #tpu.memory_space<hbm>> -> memref<32x512xf32, #tpu.memory_space<hbm>>
      %dma_wait3A_503 = arith.constant 0 : i32
      %dma_wait3A_504 = arith.constant 0 : i32
      %dma_wait3A_505 = tpu.memref_slice %arg4[%dma_wait3A_498, %dma_wait3A_503, %dma_wait3A_504] : memref<50x32x16384xf32, #tpu.memory_space<hbm>> -> memref<1x32x512xf32, #tpu.memory_space<hbm>>
      %dma_wait3A_506 = tpu.memref_squeeze %dma_wait3A_505 : memref<1x32x512xf32, #tpu.memory_space<hbm>> -> memref<32x512xf32, #tpu.memory_space<hbm>>
      tpu.wait_dma2 semaphore(%arg11 : memref<!tpu.dma_semaphore, #tpu.memory_space<semaphore_mem>>) src(%dma_wait3A_506 : memref<32x512xf32, #tpu.memory_space<hbm>>) dst(%arg6 : memref<512x32xf32, #tpu.memory_space<vmem>>)
      %dma_wait3A_507 = arith.constant 0 : i32
      %dma_wait3A_508 = arith.constant 0 : i32
      %dma_wait3A_509 = arith.constant 0 : i32
      %dma_wait3A_510 = tpu.memref_slice %arg4[%dma_wait3A_507, %dma_wait3A_508, %dma_wait3A_509] : memref<50x32x16384xf32, #tpu.memory_space<hbm>> -> memref<1x32x512xf32, #tpu.memory_space<hbm>>
      %dma_wait3A_511 = tpu.memref_squeeze %dma_wait3A_510 : memref<1x32x512xf32, #tpu.memory_space<hbm>> -> memref<32x512xf32, #tpu.memory_space<hbm>>
      %dma_wait3A_512 = arith.constant 0 : i32
      %dma_wait3A_513 = arith.constant 0 : i32
      %dma_wait3A_514 = tpu.memref_slice %arg4[%dma_wait3A_507, %dma_wait3A_512, %dma_wait3A_513] : memref<50x32x16384xf32, #tpu.memory_space<hbm>> -> memref<1x32x512xf32, #tpu.memory_space<hbm>>
      %dma_wait3A_515 = tpu.memref_squeeze %dma_wait3A_514 : memref<1x32x512xf32, #tpu.memory_space<hbm>> -> memref<32x512xf32, #tpu.memory_space<hbm>>
      tpu.wait_dma2 semaphore(%arg13 : memref<!tpu.dma_semaphore, #tpu.memory_space<semaphore_mem>>) src(%arg8 : memref<32x512xf32, #tpu.memory_space<vmem>>) dst(%dma_wait3A_515 : memref<32x512xf32, #tpu.memory_space<hbm>>)
      %scan3A_516 = arith.constant 0 : i32
      %scan3A_517 = arith.constant 0 : i32
      %scan3A_518 = arith.constant 32 : i32
      %scan3A_519 = arith.addi %scan3A_517, %scan3A_518 : i32
      %scan3A_520 = arith.constant 2 : i32
      %scan3A_521 = scf.for %scan3A_639 = %scan3A_517 to %scan3A_519 step %scan3A_520 iter_args(%scan3A_640 = %scan3A_516) -> (i32)  : i32 {
        %mul3A_641 = arith.constant 16 : i32
        %mul3A_642 = arith.muli %scan3A_639, %mul3A_641 : i32
        %add3A_643 = vector.broadcast %mul3A_642 : i32 to vector<16xi32>
        %add3A_644 = arith.addi %iota3A, %add3A_643 : vector<16xi32>
        %gather3A = tpu.vector_load_idx %arg6[%add3A_644, %and3A_7] : memref<512x32xf32, #tpu.memory_space<vmem>>[vector<16xi32>, vector<16xi32>], vector<16xf32>,
        tpu.vector_store_idx %arg8[%and3A_7, %add3A_644], %gather3A : memref<32x512xf32, #tpu.memory_space<vmem>>[vector<16xi32>, vector<16xi32>], vector<16xf32>,
        %gather3A_645 = tpu.vector_load_idx %arg6[%add3A_644, %and3A_13] : memref<512x32xf32, #tpu.memory_space<vmem>>[vector<16xi32>, vector<16xi32>], vector<16xf32>,
        tpu.vector_store_idx %arg8[%and3A_13, %add3A_644], %gather3A_645 : memref<32x512xf32, #tpu.memory_space<vmem>>[vector<16xi32>, vector<16xi32>], vector<16xf32>,
        %gather3A_646 = tpu.vector_load_idx %arg6[%add3A_644, %and3A_19] : memref<512x32xf32, #tpu.memory_space<vmem>>[vector<16xi32>, vector<16xi32>], vector<16xf32>,
        tpu.vector_store_idx %arg8[%and3A_19, %add3A_644], %gather3A_646 : memref<32x512xf32, #tpu.memory_space<vmem>>[vector<16xi32>, vector<16xi32>], vector<16xf32>,
        %gather3A_647 = tpu.vector_load_idx %arg6[%add3A_644, %and3A_25] : memref<512x32xf32, #tpu.memory_space<vmem>>[vector<16xi32>, vector<16xi32>], vector<16xf32>,
        tpu.vector_store_idx %arg8[%and3A_25, %add3A_644], %gather3A_647 : memref<32x512xf32, #tpu.memory_space<vmem>>[vector<16xi32>, vector<16xi32>], vector<16xf32>,
        %gather3A_648 = tpu.vector_load_idx %arg6[%add3A_644, %and3A_31] : memref<512x32xf32, #tpu.memory_space<vmem>>[vector<16xi32>, vector<16xi32>], vector<16xf32>,
        tpu.vector_store_idx %arg8[%and3A_31, %add3A_644], %gather3A_648 : memref<32x512xf32, #tpu.memory_space<vmem>>[vector<16xi32>, vector<16xi32>], vector<16xf32>,
        %gather3A_649 = tpu.vector_load_idx %arg6[%add3A_644, %and3A_37] : memref<512x32xf32, #tpu.memory_space<vmem>>[vector<16xi32>, vector<16xi32>], vector<16xf32>,
        tpu.vector_store_idx %arg8[%and3A_37, %add3A_644], %gather3A_649 : memref<32x512xf32, #tpu.memory_space<vmem>>[vector<16xi32>, vector<16xi32>], vector<16xf32>,
        %gather3A_650 = tpu.vector_load_idx %arg6[%add3A_644, %and3A_43] : memref<512x32xf32, #tpu.memory_space<vmem>>[vector<16xi32>, vector<16xi32>], vector<16xf32>,
        tpu.vector_store_idx %arg8[%and3A_43, %add3A_644], %gather3A_650 : memref<32x512xf32, #tpu.memory_space<vmem>>[vector<16xi32>, vector<16xi32>], vector<16xf32>,
        %gather3A_651 = tpu.vector_load_idx %arg6[%add3A_644, %and3A_49] : memref<512x32xf32, #tpu.memory_space<vmem>>[vector<16xi32>, vector<16xi32>], vector<16xf32>,
        tpu.vector_store_idx %arg8[%and3A_49, %add3A_644], %gather3A_651 : memref<32x512xf32, #tpu.memory_space<vmem>>[vector<16xi32>, vector<16xi32>], vector<16xf32>,
        %gather3A_652 = tpu.vector_load_idx %arg6[%add3A_644, %and3A_55] : memref<512x32xf32, #tpu.memory_space<vmem>>[vector<16xi32>, vector<16xi32>], vector<16xf32>,
        tpu.vector_store_idx %arg8[%and3A_55, %add3A_644], %gather3A_652 : memref<32x512xf32, #tpu.memory_space<vmem>>[vector<16xi32>, vector<16xi32>], vector<16xf32>,
        %gather3A_653 = tpu.vector_load_idx %arg6[%add3A_644, %and3A_61] : memref<512x32xf32, #tpu.memory_space<vmem>>[vector<16xi32>, vector<16xi32>], vector<16xf32>,
        tpu.vector_store_idx %arg8[%and3A_61, %add3A_644], %gather3A_653 : memref<32x512xf32, #tpu.memory_space<vmem>>[vector<16xi32>, vector<16xi32>], vector<16xf32>,
        %gather3A_654 = tpu.vector_load_idx %arg6[%add3A_644, %and3A_67] : memref<512x32xf32, #tpu.memory_space<vmem>>[vector<16xi32>, vector<16xi32>], vector<16xf32>,
        tpu.vector_store_idx %arg8[%and3A_67, %add3A_644], %gather3A_654 : memref<32x512xf32, #tpu.memory_space<vmem>>[vector<16xi32>, vector<16xi32>], vector<16xf32>,
        %gather3A_655 = tpu.vector_load_idx %arg6[%add3A_644, %and3A_73] : memref<512x32xf32, #tpu.memory_space<vmem>>[vector<16xi32>, vector<16xi32>], vector<16xf32>,
        tpu.vector_store_idx %arg8[%and3A_73, %add3A_644], %gather3A_655 : memref<32x512xf32, #tpu.memory_space<vmem>>[vector<16xi32>, vector<16xi32>], vector<16xf32>,
        %gather3A_656 = tpu.vector_load_idx %arg6[%add3A_644, %and3A_79] : memref<512x32xf32, #tpu.memory_space<vmem>>[vector<16xi32>, vector<16xi32>], vector<16xf32>,
        tpu.vector_store_idx %arg8[%and3A_79, %add3A_644], %gather3A_656 : memref<32x512xf32, #tpu.memory_space<vmem>>[vector<16xi32>, vector<16xi32>], vector<16xf32>,
        %gather3A_657 = tpu.vector_load_idx %arg6[%add3A_644, %and3A_85] : memref<512x32xf32, #tpu.memory_space<vmem>>[vector<16xi32>, vector<16xi32>], vector<16xf32>,
        tpu.vector_store_idx %arg8[%and3A_85, %add3A_644], %gather3A_657 : memref<32x512xf32, #tpu.memory_space<vmem>>[vector<16xi32>, vector<16xi32>], vector<16xf32>,
        %gather3A_658 = tpu.vector_load_idx %arg6[%add3A_644, %and3A_91] : memref<512x32xf32, #tpu.memory_space<vmem>>[vector<16xi32>, vector<16xi32>], vector<16xf32>,
        tpu.vector_store_idx %arg8[%and3A_91, %add3A_644], %gather3A_658 : memref<32x512xf32, #tpu.memory_space<vmem>>[vector<16xi32>, vector<16xi32>], vector<16xf32>,
        %gather3A_659 = tpu.vector_load_idx %arg6[%add3A_644, %and3A_97] : memref<512x32xf32, #tpu.memory_space<vmem>>[vector<16xi32>, vector<16xi32>], vector<16xf32>,
        tpu.vector_store_idx %arg8[%and3A_97, %add3A_644], %gather3A_659 : memref<32x512xf32, #tpu.memory_space<vmem>>[vector<16xi32>, vector<16xi32>], vector<16xf32>,
        %gather3A_660 = tpu.vector_load_idx %arg6[%add3A_644, %and3A_103] : memref<512x32xf32, #tpu.memory_space<vmem>>[vector<16xi32>, vector<16xi32>], vector<16xf32>,
        tpu.vector_store_idx %arg8[%and3A_103, %add3A_644], %gather3A_660 : memref<32x512xf32, #tpu.memory_space<vmem>>[vector<16xi32>, vector<16xi32>], vector<16xf32>,
        %gather3A_661 = tpu.vector_load_idx %arg6[%add3A_644, %and3A_109] : memref<512x32xf32, #tpu.memory_space<vmem>>[vector<16xi32>, vector<16xi32>], vector<16xf32>,
        tpu.vector_store_idx %arg8[%and3A_109, %add3A_644], %gather3A_661 : memref<32x512xf32, #tpu.memory_space<vmem>>[vector<16xi32>, vector<16xi32>], vector<16xf32>,
        %gather3A_662 = tpu.vector_load_idx %arg6[%add3A_644, %and3A_115] : memref<512x32xf32, #tpu.memory_space<vmem>>[vector<16xi32>, vector<16xi32>], vector<16xf32>,
        tpu.vector_store_idx %arg8[%and3A_115, %add3A_644], %gather3A_662 : memref<32x512xf32, #tpu.memory_space<vmem>>[vector<16xi32>, vector<16xi32>], vector<16xf32>,
        %gather3A_663 = tpu.vector_load_idx %arg6[%add3A_644, %and3A_121] : memref<512x32xf32, #tpu.memory_space<vmem>>[vector<16xi32>, vector<16xi32>], vector<16xf32>,
        tpu.vector_store_idx %arg8[%and3A_121, %add3A_644], %gather3A_663 : memref<32x512xf32, #tpu.memory_space<vmem>>[vector<16xi32>, vector<16xi32>], vector<16xf32>,
        %gather3A_664 = tpu.vector_load_idx %arg6[%add3A_644, %and3A_127] : memref<512x32xf32, #tpu.memory_space<vmem>>[vector<16xi32>, vector<16xi32>], vector<16xf32>,
        tpu.vector_store_idx %arg8[%and3A_127, %add3A_644], %gather3A_664 : memref<32x512xf32, #tpu.memory_space<vmem>>[vector<16xi32>, vector<16xi32>], vector<16xf32>,
        %gather3A_665 = tpu.vector_load_idx %arg6[%add3A_644, %and3A_133] : memref<512x32xf32, #tpu.memory_space<vmem>>[vector<16xi32>, vector<16xi32>], vector<16xf32>,
        tpu.vector_store_idx %arg8[%and3A_133, %add3A_644], %gather3A_665 : memref<32x512xf32, #tpu.memory_space<vmem>>[vector<16xi32>, vector<16xi32>], vector<16xf32>,
        %gather3A_666 = tpu.vector_load_idx %arg6[%add3A_644, %and3A_139] : memref<512x32xf32, #tpu.memory_space<vmem>>[vector<16xi32>, vector<16xi32>], vector<16xf32>,
        tpu.vector_store_idx %arg8[%and3A_139, %add3A_644], %gather3A_666 : memref<32x512xf32, #tpu.memory_space<vmem>>[vector<16xi32>, vector<16xi32>], vector<16xf32>,
        %gather3A_667 = tpu.vector_load_idx %arg6[%add3A_644, %and3A_145] : memref<512x32xf32, #tpu.memory_space<vmem>>[vector<16xi32>, vector<16xi32>], vector<16xf32>,
        tpu.vector_store_idx %arg8[%and3A_145, %add3A_644], %gather3A_667 : memref<32x512xf32, #tpu.memory_space<vmem>>[vector<16xi32>, vector<16xi32>], vector<16xf32>,
        %gather3A_668 = tpu.vector_load_idx %arg6[%add3A_644, %and3A_151] : memref<512x32xf32, #tpu.memory_space<vmem>>[vector<16xi32>, vector<16xi32>], vector<16xf32>,
        tpu.vector_store_idx %arg8[%and3A_151, %add3A_644], %gather3A_668 : memref<32x512xf32, #tpu.memory_space<vmem>>[vector<16xi32>, vector<16xi32>], vector<16xf32>,
        %gather3A_669 = tpu.vector_load_idx %arg6[%add3A_644, %and3A_157] : memref<512x32xf32, #tpu.memory_space<vmem>>[vector<16xi32>, vector<16xi32>], vector<16xf32>,
        tpu.vector_store_idx %arg8[%and3A_157, %add3A_644], %gather3A_669 : memref<32x512xf32, #tpu.memory_space<vmem>>[vector<16xi32>, vector<16xi32>], vector<16xf32>,
        %gather3A_670 = tpu.vector_load_idx %arg6[%add3A_644, %and3A_163] : memref<512x32xf32, #tpu.memory_space<vmem>>[vector<16xi32>, vector<16xi32>], vector<16xf32>,
        tpu.vector_store_idx %arg8[%and3A_163, %add3A_644], %gather3A_670 : memref<32x512xf32, #tpu.memory_space<vmem>>[vector<16xi32>, vector<16xi32>], vector<16xf32>,
        %gather3A_671 = tpu.vector_load_idx %arg6[%add3A_644, %and3A_169] : memref<512x32xf32, #tpu.memory_space<vmem>>[vector<16xi32>, vector<16xi32>], vector<16xf32>,
        tpu.vector_store_idx %arg8[%and3A_169, %add3A_644], %gather3A_671 : memref<32x512xf32, #tpu.memory_space<vmem>>[vector<16xi32>, vector<16xi32>], vector<16xf32>,
        %gather3A_672 = tpu.vector_load_idx %arg6[%add3A_644, %and3A_175] : memref<512x32xf32, #tpu.memory_space<vmem>>[vector<16xi32>, vector<16xi32>], vector<16xf32>,
        tpu.vector_store_idx %arg8[%and3A_175, %add3A_644], %gather3A_672 : memref<32x512xf32, #tpu.memory_space<vmem>>[vector<16xi32>, vector<16xi32>], vector<16xf32>,
        %gather3A_673 = tpu.vector_load_idx %arg6[%add3A_644, %and3A_181] : memref<512x32xf32, #tpu.memory_space<vmem>>[vector<16xi32>, vector<16xi32>], vector<16xf32>,
        tpu.vector_store_idx %arg8[%and3A_181, %add3A_644], %gather3A_673 : memref<32x512xf32, #tpu.memory_space<vmem>>[vector<16xi32>, vector<16xi32>], vector<16xf32>,
        %gather3A_674 = tpu.vector_load_idx %arg6[%add3A_644, %and3A_187] : memref<512x32xf32, #tpu.memory_space<vmem>>[vector<16xi32>, vector<16xi32>], vector<16xf32>,
        tpu.vector_store_idx %arg8[%and3A_187, %add3A_644], %gather3A_674 : memref<32x512xf32, #tpu.memory_space<vmem>>[vector<16xi32>, vector<16xi32>], vector<16xf32>,
        %gather3A_675 = tpu.vector_load_idx %arg6[%add3A_644, %and3A_193] : memref<512x32xf32, #tpu.memory_space<vmem>>[vector<16xi32>, vector<16xi32>], vector<16xf32>,
        tpu.vector_store_idx %arg8[%and3A_193, %add3A_644], %gather3A_675 : memref<32x512xf32, #tpu.memory_space<vmem>>[vector<16xi32>, vector<16xi32>], vector<16xf32>,
        %scan3A_676 = arith.constant 0 : i32
        %scan3A_677 = arith.constant 1 : i32
        %scan3A_678 = arith.addi %scan3A_639, %scan3A_677 : i32
        %mul3A_679 = arith.constant 16 : i32
        %mul3A_680 = arith.muli %scan3A_678, %mul3A_679 : i32
        %add3A_681 = vector.broadcast %mul3A_680 : i32 to vector<16xi32>
        %add3A_682 = arith.addi %iota3A, %add3A_681 : vector<16xi32>
        %gather3A_683 = tpu.vector_load_idx %arg6[%add3A_682, %and3A_7] : memref<512x32xf32, #tpu.memory_space<vmem>>[vector<16xi32>, vector<16xi32>], vector<16xf32>,
        tpu.vector_store_idx %arg8[%and3A_7, %add3A_682], %gather3A_683 : memref<32x512xf32, #tpu.memory_space<vmem>>[vector<16xi32>, vector<16xi32>], vector<16xf32>,
        %gather3A_684 = tpu.vector_load_idx %arg6[%add3A_682, %and3A_13] : memref<512x32xf32, #tpu.memory_space<vmem>>[vector<16xi32>, vector<16xi32>], vector<16xf32>,
        tpu.vector_store_idx %arg8[%and3A_13, %add3A_682], %gather3A_684 : memref<32x512xf32, #tpu.memory_space<vmem>>[vector<16xi32>, vector<16xi32>], vector<16xf32>,
        %gather3A_685 = tpu.vector_load_idx %arg6[%add3A_682, %and3A_19] : memref<512x32xf32, #tpu.memory_space<vmem>>[vector<16xi32>, vector<16xi32>], vector<16xf32>,
        tpu.vector_store_idx %arg8[%and3A_19, %add3A_682], %gather3A_685 : memref<32x512xf32, #tpu.memory_space<vmem>>[vector<16xi32>, vector<16xi32>], vector<16xf32>,
        %gather3A_686 = tpu.vector_load_idx %arg6[%add3A_682, %and3A_25] : memref<512x32xf32, #tpu.memory_space<vmem>>[vector<16xi32>, vector<16xi32>], vector<16xf32>,
        tpu.vector_store_idx %arg8[%and3A_25, %add3A_682], %gather3A_686 : memref<32x512xf32, #tpu.memory_space<vmem>>[vector<16xi32>, vector<16xi32>], vector<16xf32>,
        %gather3A_687 = tpu.vector_load_idx %arg6[%add3A_682, %and3A_31] : memref<512x32xf32, #tpu.memory_space<vmem>>[vector<16xi32>, vector<16xi32>], vector<16xf32>,
        tpu.vector_store_idx %arg8[%and3A_31, %add3A_682], %gather3A_687 : memref<32x512xf32, #tpu.memory_space<vmem>>[vector<16xi32>, vector<16xi32>], vector<16xf32>,
        %gather3A_688 = tpu.vector_load_idx %arg6[%add3A_682, %and3A_37] : memref<512x32xf32, #tpu.memory_space<vmem>>[vector<16xi32>, vector<16xi32>], vector<16xf32>,
        tpu.vector_store_idx %arg8[%and3A_37, %add3A_682], %gather3A_688 : memref<32x512xf32, #tpu.memory_space<vmem>>[vector<16xi32>, vector<16xi32>], vector<16xf32>,
        %gather3A_689 = tpu.vector_load_idx %arg6[%add3A_682, %and3A_43] : memref<512x32xf32, #tpu.memory_space<vmem>>[vector<16xi32>, vector<16xi32>], vector<16xf32>,
        tpu.vector_store_idx %arg8[%and3A_43, %add3A_682], %gather3A_689 : memref<32x512xf32, #tpu.memory_space<vmem>>[vector<16xi32>, vector<16xi32>], vector<16xf32>,
        %gather3A_690 = tpu.vector_load_idx %arg6[%add3A_682, %and3A_49] : memref<512x32xf32, #tpu.memory_space<vmem>>[vector<16xi32>, vector<16xi32>], vector<16xf32>,
        tpu.vector_store_idx %arg8[%and3A_49, %add3A_682], %gather3A_690 : memref<32x512xf32, #tpu.memory_space<vmem>>[vector<16xi32>, vector<16xi32>], vector<16xf32>,
        %gather3A_691 = tpu.vector_load_idx %arg6[%add3A_682, %and3A_55] : memref<512x32xf32, #tpu.memory_space<vmem>>[vector<16xi32>, vector<16xi32>], vector<16xf32>,
        tpu.vector_store_idx %arg8[%and3A_55, %add3A_682], %gather3A_691 : memref<32x512xf32, #tpu.memory_space<vmem>>[vector<16xi32>, vector<16xi32>], vector<16xf32>,
        %gather3A_692 = tpu.vector_load_idx %arg6[%add3A_682, %and3A_61] : memref<512x32xf32, #tpu.memory_space<vmem>>[vector<16xi32>, vector<16xi32>], vector<16xf32>,
        tpu.vector_store_idx %arg8[%and3A_61, %add3A_682], %gather3A_692 : memref<32x512xf32, #tpu.memory_space<vmem>>[vector<16xi32>, vector<16xi32>], vector<16xf32>,
        %gather3A_693 = tpu.vector_load_idx %arg6[%add3A_682, %and3A_67] : memref<512x32xf32, #tpu.memory_space<vmem>>[vector<16xi32>, vector<16xi32>], vector<16xf32>,
        tpu.vector_store_idx %arg8[%and3A_67, %add3A_682], %gather3A_693 : memref<32x512xf32, #tpu.memory_space<vmem>>[vector<16xi32>, vector<16xi32>], vector<16xf32>,
        %gather3A_694 = tpu.vector_load_idx %arg6[%add3A_682, %and3A_73] : memref<512x32xf32, #tpu.memory_space<vmem>>[vector<16xi32>, vector<16xi32>], vector<16xf32>,
        tpu.vector_store_idx %arg8[%and3A_73, %add3A_682], %gather3A_694 : memref<32x512xf32, #tpu.memory_space<vmem>>[vector<16xi32>, vector<16xi32>], vector<16xf32>,
        %gather3A_695 = tpu.vector_load_idx %arg6[%add3A_682, %and3A_79] : memref<512x32xf32, #tpu.memory_space<vmem>>[vector<16xi32>, vector<16xi32>], vector<16xf32>,
        tpu.vector_store_idx %arg8[%and3A_79, %add3A_682], %gather3A_695 : memref<32x512xf32, #tpu.memory_space<vmem>>[vector<16xi32>, vector<16xi32>], vector<16xf32>,
        %gather3A_696 = tpu.vector_load_idx %arg6[%add3A_682, %and3A_85] : memref<512x32xf32, #tpu.memory_space<vmem>>[vector<16xi32>, vector<16xi32>], vector<16xf32>,
        tpu.vector_store_idx %arg8[%and3A_85, %add3A_682], %gather3A_696 : memref<32x512xf32, #tpu.memory_space<vmem>>[vector<16xi32>, vector<16xi32>], vector<16xf32>,
        %gather3A_697 = tpu.vector_load_idx %arg6[%add3A_682, %and3A_91] : memref<512x32xf32, #tpu.memory_space<vmem>>[vector<16xi32>, vector<16xi32>], vector<16xf32>,
        tpu.vector_store_idx %arg8[%and3A_91, %add3A_682], %gather3A_697 : memref<32x512xf32, #tpu.memory_space<vmem>>[vector<16xi32>, vector<16xi32>], vector<16xf32>,
        %gather3A_698 = tpu.vector_load_idx %arg6[%add3A_682, %and3A_97] : memref<512x32xf32, #tpu.memory_space<vmem>>[vector<16xi32>, vector<16xi32>], vector<16xf32>,
        tpu.vector_store_idx %arg8[%and3A_97, %add3A_682], %gather3A_698 : memref<32x512xf32, #tpu.memory_space<vmem>>[vector<16xi32>, vector<16xi32>], vector<16xf32>,
        %gather3A_699 = tpu.vector_load_idx %arg6[%add3A_682, %and3A_103] : memref<512x32xf32, #tpu.memory_space<vmem>>[vector<16xi32>, vector<16xi32>], vector<16xf32>,
        tpu.vector_store_idx %arg8[%and3A_103, %add3A_682], %gather3A_699 : memref<32x512xf32, #tpu.memory_space<vmem>>[vector<16xi32>, vector<16xi32>], vector<16xf32>,
        %gather3A_700 = tpu.vector_load_idx %arg6[%add3A_682, %and3A_109] : memref<512x32xf32, #tpu.memory_space<vmem>>[vector<16xi32>, vector<16xi32>], vector<16xf32>,
        tpu.vector_store_idx %arg8[%and3A_109, %add3A_682], %gather3A_700 : memref<32x512xf32, #tpu.memory_space<vmem>>[vector<16xi32>, vector<16xi32>], vector<16xf32>,
        %gather3A_701 = tpu.vector_load_idx %arg6[%add3A_682, %and3A_115] : memref<512x32xf32, #tpu.memory_space<vmem>>[vector<16xi32>, vector<16xi32>], vector<16xf32>,
        tpu.vector_store_idx %arg8[%and3A_115, %add3A_682], %gather3A_701 : memref<32x512xf32, #tpu.memory_space<vmem>>[vector<16xi32>, vector<16xi32>], vector<16xf32>,
        %gather3A_702 = tpu.vector_load_idx %arg6[%add3A_682, %and3A_121] : memref<512x32xf32, #tpu.memory_space<vmem>>[vector<16xi32>, vector<16xi32>], vector<16xf32>,
        tpu.vector_store_idx %arg8[%and3A_121, %add3A_682], %gather3A_702 : memref<32x512xf32, #tpu.memory_space<vmem>>[vector<16xi32>, vector<16xi32>], vector<16xf32>,
        %gather3A_703 = tpu.vector_load_idx %arg6[%add3A_682, %and3A_127] : memref<512x32xf32, #tpu.memory_space<vmem>>[vector<16xi32>, vector<16xi32>], vector<16xf32>,
        tpu.vector_store_idx %arg8[%and3A_127, %add3A_682], %gather3A_703 : memref<32x512xf32, #tpu.memory_space<vmem>>[vector<16xi32>, vector<16xi32>], vector<16xf32>,
        %gather3A_704 = tpu.vector_load_idx %arg6[%add3A_682, %and3A_133] : memref<512x32xf32, #tpu.memory_space<vmem>>[vector<16xi32>, vector<16xi32>], vector<16xf32>,
        tpu.vector_store_idx %arg8[%and3A_133, %add3A_682], %gather3A_704 : memref<32x512xf32, #tpu.memory_space<vmem>>[vector<16xi32>, vector<16xi32>], vector<16xf32>,
        %gather3A_705 = tpu.vector_load_idx %arg6[%add3A_682, %and3A_139] : memref<512x32xf32, #tpu.memory_space<vmem>>[vector<16xi32>, vector<16xi32>], vector<16xf32>,
        tpu.vector_store_idx %arg8[%and3A_139, %add3A_682], %gather3A_705 : memref<32x512xf32, #tpu.memory_space<vmem>>[vector<16xi32>, vector<16xi32>], vector<16xf32>,
        %gather3A_706 = tpu.vector_load_idx %arg6[%add3A_682, %and3A_145] : memref<512x32xf32, #tpu.memory_space<vmem>>[vector<16xi32>, vector<16xi32>], vector<16xf32>,
        tpu.vector_store_idx %arg8[%and3A_145, %add3A_682], %gather3A_706 : memref<32x512xf32, #tpu.memory_space<vmem>>[vector<16xi32>, vector<16xi32>], vector<16xf32>,
        %gather3A_707 = tpu.vector_load_idx %arg6[%add3A_682, %and3A_151] : memref<512x32xf32, #tpu.memory_space<vmem>>[vector<16xi32>, vector<16xi32>], vector<16xf32>,
        tpu.vector_store_idx %arg8[%and3A_151, %add3A_682], %gather3A_707 : memref<32x512xf32, #tpu.memory_space<vmem>>[vector<16xi32>, vector<16xi32>], vector<16xf32>,
        %gather3A_708 = tpu.vector_load_idx %arg6[%add3A_682, %and3A_157] : memref<512x32xf32, #tpu.memory_space<vmem>>[vector<16xi32>, vector<16xi32>], vector<16xf32>,
        tpu.vector_store_idx %arg8[%and3A_157, %add3A_682], %gather3A_708 : memref<32x512xf32, #tpu.memory_space<vmem>>[vector<16xi32>, vector<16xi32>], vector<16xf32>,
        %gather3A_709 = tpu.vector_load_idx %arg6[%add3A_682, %and3A_163] : memref<512x32xf32, #tpu.memory_space<vmem>>[vector<16xi32>, vector<16xi32>], vector<16xf32>,
        tpu.vector_store_idx %arg8[%and3A_163, %add3A_682], %gather3A_709 : memref<32x512xf32, #tpu.memory_space<vmem>>[vector<16xi32>, vector<16xi32>], vector<16xf32>,
        %gather3A_710 = tpu.vector_load_idx %arg6[%add3A_682, %and3A_169] : memref<512x32xf32, #tpu.memory_space<vmem>>[vector<16xi32>, vector<16xi32>], vector<16xf32>,
        tpu.vector_store_idx %arg8[%and3A_169, %add3A_682], %gather3A_710 : memref<32x512xf32, #tpu.memory_space<vmem>>[vector<16xi32>, vector<16xi32>], vector<16xf32>,
        %gather3A_711 = tpu.vector_load_idx %arg6[%add3A_682, %and3A_175] : memref<512x32xf32, #tpu.memory_space<vmem>>[vector<16xi32>, vector<16xi32>], vector<16xf32>,
        tpu.vector_store_idx %arg8[%and3A_175, %add3A_682], %gather3A_711 : memref<32x512xf32, #tpu.memory_space<vmem>>[vector<16xi32>, vector<16xi32>], vector<16xf32>,
        %gather3A_712 = tpu.vector_load_idx %arg6[%add3A_682, %and3A_181] : memref<512x32xf32, #tpu.memory_space<vmem>>[vector<16xi32>, vector<16xi32>], vector<16xf32>,
        tpu.vector_store_idx %arg8[%and3A_181, %add3A_682], %gather3A_712 : memref<32x512xf32, #tpu.memory_space<vmem>>[vector<16xi32>, vector<16xi32>], vector<16xf32>,
        %gather3A_713 = tpu.vector_load_idx %arg6[%add3A_682, %and3A_187] : memref<512x32xf32, #tpu.memory_space<vmem>>[vector<16xi32>, vector<16xi32>], vector<16xf32>,
        tpu.vector_store_idx %arg8[%and3A_187, %add3A_682], %gather3A_713 : memref<32x512xf32, #tpu.memory_space<vmem>>[vector<16xi32>, vector<16xi32>], vector<16xf32>,
        %gather3A_714 = tpu.vector_load_idx %arg6[%add3A_682, %and3A_193] : memref<512x32xf32, #tpu.memory_space<vmem>>[vector<16xi32>, vector<16xi32>], vector<16xf32>,
        tpu.vector_store_idx %arg8[%and3A_193, %add3A_682], %gather3A_714 : memref<32x512xf32, #tpu.memory_space<vmem>>[vector<16xi32>, vector<16xi32>], vector<16xf32>,
        %scan3A_715 = arith.constant 0 : i32
        scf.yield %scan3A_715 : i32
      }
      %scan3A_522 = arith.constant 32 : i32
      %dma_start3A_523 = arith.constant 0 : i32
      %dma_start3A_524 = tpu.memref_slice %arg4[%mul3A_497, %dma_start3A_523, %multiple_of3A] : memref<50x32x16384xf32, #tpu.memory_space<hbm>> -> memref<1x32x512xf32, #tpu.memory_space<hbm>>
      %dma_start3A_525 = tpu.memref_squeeze %dma_start3A_524 : memref<1x32x512xf32, #tpu.memory_space<hbm>> -> memref<32x512xf32, #tpu.memory_space<hbm>>
      %dma_start3A_526 = arith.constant 0 : i32
      %dma_start3A_527 = tpu.memref_slice %arg4[%mul3A_497, %dma_start3A_526, %multiple_of3A] : memref<50x32x16384xf32, #tpu.memory_space<hbm>> -> memref<1x32x512xf32, #tpu.memory_space<hbm>>
      %dma_start3A_528 = tpu.memref_squeeze %dma_start3A_527 : memref<1x32x512xf32, #tpu.memory_space<hbm>> -> memref<32x512xf32, #tpu.memory_space<hbm>>
      tpu.enqueue_dma source(%arg8 : memref<32x512xf32, #tpu.memory_space<vmem>>) target(%dma_start3A_528 : memref<32x512xf32, #tpu.memory_space<hbm>>) target_semaphore(%arg13 : memref<!tpu.dma_semaphore, #tpu.memory_space<semaphore_mem>>)
      %add3A_529 = arith.constant 2 : i32
      %add3A_530 = arith.addi %mul3A_497, %add3A_529 : i32
      %dma_start3A_531 = arith.constant 0 : i32
      %dma_start3A_532 = arith.constant 0 : i32
      %dma_start3A_533 = tpu.memref_slice %arg6[%dma_start3A_531, %dma_start3A_532] : memref<512x32xf32, #tpu.memory_space<vmem>> -> memref<128x32xf32, #tpu.memory_space<vmem>>
      %dma_start3A_534 = arith.constant 0 : i32
      %dma_start3A_535 = tpu.memref_slice %arg5[%add3A_530, %dma_start3A_534] : memref<50x512xi32, #tpu.memory_space<vmem>> -> memref<1x128xi32, #tpu.memory_space<vmem>>
      %dma_start3A_536 = tpu.memref_squeeze %dma_start3A_535 : memref<1x128xi32, #tpu.memory_space<vmem>> -> memref<128xi32, #tpu.memory_space<vmem>>
      %dma_start3A_537 = arith.constant 0 : i32
      %dma_start3A_538 = arith.constant 0 : i32
      %dma_start3A_539 = tpu.memref_slice %arg2[%dma_start3A_537, %dma_start3A_538] : memref<1000000x32xf32, #tpu.memory_space<hbm>> -> memref<1000000x32xf32, #tpu.memory_space<hbm>>
      tpu.enqueue_indirect_dma source(%dma_start3A_539 : memref<1000000x32xf32, #tpu.memory_space<hbm>>) target(%dma_start3A_533 : memref<128x32xf32, #tpu.memory_space<vmem>>) offsets(%dma_start3A_536 : memref<128xi32, #tpu.memory_space<vmem>>) semaphore(%arg11 : memref<!tpu.dma_semaphore, #tpu.memory_space<semaphore_mem>>)
      %dma_start3A_540 = arith.constant 128 : i32
      %dma_start3A_541 = arith.constant 0 : i32
      %dma_start3A_542 = tpu.memref_slice %arg6[%dma_start3A_540, %dma_start3A_541] : memref<512x32xf32, #tpu.memory_space<vmem>> -> memref<128x32xf32, #tpu.memory_space<vmem>>
      %dma_start3A_543 = arith.constant 128 : i32
      %dma_start3A_544 = tpu.memref_slice %arg5[%add3A_530, %dma_start3A_543] : memref<50x512xi32, #tpu.memory_space<vmem>> -> memref<1x128xi32, #tpu.memory_space<vmem>>
      %dma_start3A_545 = tpu.memref_squeeze %dma_start3A_544 : memref<1x128xi32, #tpu.memory_space<vmem>> -> memref<128xi32, #tpu.memory_space<vmem>>
      %dma_start3A_546 = arith.constant 0 : i32
      %dma_start3A_547 = arith.constant 0 : i32
      %dma_start3A_548 = tpu.memref_slice %arg2[%dma_start3A_546, %dma_start3A_547] : memref<1000000x32xf32, #tpu.memory_space<hbm>> -> memref<1000000x32xf32, #tpu.memory_space<hbm>>
      tpu.enqueue_indirect_dma source(%dma_start3A_548 : memref<1000000x32xf32, #tpu.memory_space<hbm>>) target(%dma_start3A_542 : memref<128x32xf32, #tpu.memory_space<vmem>>) offsets(%dma_start3A_545 : memref<128xi32, #tpu.memory_space<vmem>>) semaphore(%arg11 : memref<!tpu.dma_semaphore, #tpu.memory_space<semaphore_mem>>)
      %dma_start3A_549 = arith.constant 256 : i32
      %dma_start3A_550 = arith.constant 0 : i32
      %dma_start3A_551 = tpu.memref_slice %arg6[%dma_start3A_549, %dma_start3A_550] : memref<512x32xf32, #tpu.memory_space<vmem>> -> memref<128x32xf32, #tpu.memory_space<vmem>>
      %dma_start3A_552 = arith.constant 256 : i32
      %dma_start3A_553 = tpu.memref_slice %arg5[%add3A_530, %dma_start3A_552] : memref<50x512xi32, #tpu.memory_space<vmem>> -> memref<1x128xi32, #tpu.memory_space<vmem>>
      %dma_start3A_554 = tpu.memref_squeeze %dma_start3A_553 : memref<1x128xi32, #tpu.memory_space<vmem>> -> memref<128xi32, #tpu.memory_space<vmem>>
      %dma_start3A_555 = arith.constant 0 : i32
      %dma_start3A_556 = arith.constant 0 : i32
      %dma_start3A_557 = tpu.memref_slice %arg2[%dma_start3A_555, %dma_start3A_556] : memref<1000000x32xf32, #tpu.memory_space<hbm>> -> memref<1000000x32xf32, #tpu.memory_space<hbm>>
      tpu.enqueue_indirect_dma source(%dma_start3A_557 : memref<1000000x32xf32, #tpu.memory_space<hbm>>) target(%dma_start3A_551 : memref<128x32xf32, #tpu.memory_space<vmem>>) offsets(%dma_start3A_554 : memref<128xi32, #tpu.memory_space<vmem>>) semaphore(%arg11 : memref<!tpu.dma_semaphore, #tpu.memory_space<semaphore_mem>>)
      %dma_start3A_558 = arith.constant 384 : i32
      %dma_start3A_559 = arith.constant 0 : i32
      %dma_start3A_560 = tpu.memref_slice %arg6[%dma_start3A_558, %dma_start3A_559] : memref<512x32xf32, #tpu.memory_space<vmem>> -> memref<128x32xf32, #tpu.memory_space<vmem>>
      %dma_start3A_561 = arith.constant 384 : i32
      %dma_start3A_562 = tpu.memref_slice %arg5[%add3A_530, %dma_start3A_561] : memref<50x512xi32, #tpu.memory_space<vmem>> -> memref<1x128xi32, #tpu.memory_space<vmem>>
      %dma_start3A_563 = tpu.memref_squeeze %dma_start3A_562 : memref<1x128xi32, #tpu.memory_space<vmem>> -> memref<128xi32, #tpu.memory_space<vmem>>
      %dma_start3A_564 = arith.constant 0 : i32
      %dma_start3A_565 = arith.constant 0 : i32
      %dma_start3A_566 = tpu.memref_slice %arg2[%dma_start3A_564, %dma_start3A_565] : memref<1000000x32xf32, #tpu.memory_space<hbm>> -> memref<1000000x32xf32, #tpu.memory_space<hbm>>
      tpu.enqueue_indirect_dma source(%dma_start3A_566 : memref<1000000x32xf32, #tpu.memory_space<hbm>>) target(%dma_start3A_560 : memref<128x32xf32, #tpu.memory_space<vmem>>) offsets(%dma_start3A_563 : memref<128xi32, #tpu.memory_space<vmem>>) semaphore(%arg11 : memref<!tpu.dma_semaphore, #tpu.memory_space<semaphore_mem>>)
      %dma_wait3A_567 = arith.constant 0 : i32
      %dma_wait3A_568 = arith.constant 0 : i32
      %dma_wait3A_569 = arith.constant 0 : i32
      %dma_wait3A_570 = tpu.memref_slice %arg4[%dma_wait3A_567, %dma_wait3A_568, %dma_wait3A_569] : memref<50x32x16384xf32, #tpu.memory_space<hbm>> -> memref<1x32x512xf32, #tpu.memory_space<hbm>>
      %dma_wait3A_571 = tpu.memref_squeeze %dma_wait3A_570 : memref<1x32x512xf32, #tpu.memory_space<hbm>> -> memref<32x512xf32, #tpu.memory_space<hbm>>
      %dma_wait3A_572 = arith.constant 0 : i32
      %dma_wait3A_573 = arith.constant 0 : i32
      %dma_wait3A_574 = tpu.memref_slice %arg4[%dma_wait3A_567, %dma_wait3A_572, %dma_wait3A_573] : memref<50x32x16384xf32, #tpu.memory_space<hbm>> -> memref<1x32x512xf32, #tpu.memory_space<hbm>>
      %dma_wait3A_575 = tpu.memref_squeeze %dma_wait3A_574 : memref<1x32x512xf32, #tpu.memory_space<hbm>> -> memref<32x512xf32, #tpu.memory_space<hbm>>
      tpu.wait_dma2 semaphore(%arg12 : memref<!tpu.dma_semaphore, #tpu.memory_space<semaphore_mem>>) src(%dma_wait3A_575 : memref<32x512xf32, #tpu.memory_space<hbm>>) dst(%arg7 : memref<512x32xf32, #tpu.memory_space<vmem>>)
      %dma_wait3A_576 = arith.constant 0 : i32
      %dma_wait3A_577 = arith.constant 0 : i32
      %dma_wait3A_578 = arith.constant 0 : i32
      %dma_wait3A_579 = tpu.memref_slice %arg4[%dma_wait3A_576, %dma_wait3A_577, %dma_wait3A_578] : memref<50x32x16384xf32, #tpu.memory_space<hbm>> -> memref<1x32x512xf32, #tpu.memory_space<hbm>>
      %dma_wait3A_580 = tpu.memref_squeeze %dma_wait3A_579 : memref<1x32x512xf32, #tpu.memory_space<hbm>> -> memref<32x512xf32, #tpu.memory_space<hbm>>
      %dma_wait3A_581 = arith.constant 0 : i32
      %dma_wait3A_582 = arith.constant 0 : i32
      %dma_wait3A_583 = tpu.memref_slice %arg4[%dma_wait3A_576, %dma_wait3A_581, %dma_wait3A_582] : memref<50x32x16384xf32, #tpu.memory_space<hbm>> -> memref<1x32x512xf32, #tpu.memory_space<hbm>>
      %dma_wait3A_584 = tpu.memref_squeeze %dma_wait3A_583 : memref<1x32x512xf32, #tpu.memory_space<hbm>> -> memref<32x512xf32, #tpu.memory_space<hbm>>
      tpu.wait_dma2 semaphore(%arg14 : memref<!tpu.dma_semaphore, #tpu.memory_space<semaphore_mem>>) src(%arg9 : memref<32x512xf32, #tpu.memory_space<vmem>>) dst(%dma_wait3A_584 : memref<32x512xf32, #tpu.memory_space<hbm>>)
      %scan3A_585 = arith.constant 0 : i32
      %scan3A_586 = arith.constant 0 : i32
      %scan3A_587 = arith.constant 32 : i32
      %scan3A_588 = arith.addi %scan3A_586, %scan3A_587 : i32
      %scan3A_589 = arith.constant 2 : i32
      %scan3A_590 = scf.for %scan3A_639 = %scan3A_586 to %scan3A_588 step %scan3A_589 iter_args(%scan3A_640 = %scan3A_585) -> (i32)  : i32 {
        %mul3A_641 = arith.constant 16 : i32
        %mul3A_642 = arith.muli %scan3A_639, %mul3A_641 : i32
        %add3A_643 = vector.broadcast %mul3A_642 : i32 to vector<16xi32>
        %add3A_644 = arith.addi %iota3A, %add3A_643 : vector<16xi32>
        %gather3A = tpu.vector_load_idx %arg7[%add3A_644, %and3A_7] : memref<512x32xf32, #tpu.memory_space<vmem>>[vector<16xi32>, vector<16xi32>], vector<16xf32>,
        tpu.vector_store_idx %arg9[%and3A_7, %add3A_644], %gather3A : memref<32x512xf32, #tpu.memory_space<vmem>>[vector<16xi32>, vector<16xi32>], vector<16xf32>,
        %gather3A_645 = tpu.vector_load_idx %arg7[%add3A_644, %and3A_13] : memref<512x32xf32, #tpu.memory_space<vmem>>[vector<16xi32>, vector<16xi32>], vector<16xf32>,
        tpu.vector_store_idx %arg9[%and3A_13, %add3A_644], %gather3A_645 : memref<32x512xf32, #tpu.memory_space<vmem>>[vector<16xi32>, vector<16xi32>], vector<16xf32>,
        %gather3A_646 = tpu.vector_load_idx %arg7[%add3A_644, %and3A_19] : memref<512x32xf32, #tpu.memory_space<vmem>>[vector<16xi32>, vector<16xi32>], vector<16xf32>,
        tpu.vector_store_idx %arg9[%and3A_19, %add3A_644], %gather3A_646 : memref<32x512xf32, #tpu.memory_space<vmem>>[vector<16xi32>, vector<16xi32>], vector<16xf32>,
        %gather3A_647 = tpu.vector_load_idx %arg7[%add3A_644, %and3A_25] : memref<512x32xf32, #tpu.memory_space<vmem>>[vector<16xi32>, vector<16xi32>], vector<16xf32>,
        tpu.vector_store_idx %arg9[%and3A_25, %add3A_644], %gather3A_647 : memref<32x512xf32, #tpu.memory_space<vmem>>[vector<16xi32>, vector<16xi32>], vector<16xf32>,
        %gather3A_648 = tpu.vector_load_idx %arg7[%add3A_644, %and3A_31] : memref<512x32xf32, #tpu.memory_space<vmem>>[vector<16xi32>, vector<16xi32>], vector<16xf32>,
        tpu.vector_store_idx %arg9[%and3A_31, %add3A_644], %gather3A_648 : memref<32x512xf32, #tpu.memory_space<vmem>>[vector<16xi32>, vector<16xi32>], vector<16xf32>,
        %gather3A_649 = tpu.vector_load_idx %arg7[%add3A_644, %and3A_37] : memref<512x32xf32, #tpu.memory_space<vmem>>[vector<16xi32>, vector<16xi32>], vector<16xf32>,
        tpu.vector_store_idx %arg9[%and3A_37, %add3A_644], %gather3A_649 : memref<32x512xf32, #tpu.memory_space<vmem>>[vector<16xi32>, vector<16xi32>], vector<16xf32>,
        %gather3A_650 = tpu.vector_load_idx %arg7[%add3A_644, %and3A_43] : memref<512x32xf32, #tpu.memory_space<vmem>>[vector<16xi32>, vector<16xi32>], vector<16xf32>,
        tpu.vector_store_idx %arg9[%and3A_43, %add3A_644], %gather3A_650 : memref<32x512xf32, #tpu.memory_space<vmem>>[vector<16xi32>, vector<16xi32>], vector<16xf32>,
        %gather3A_651 = tpu.vector_load_idx %arg7[%add3A_644, %and3A_49] : memref<512x32xf32, #tpu.memory_space<vmem>>[vector<16xi32>, vector<16xi32>], vector<16xf32>,
        tpu.vector_store_idx %arg9[%and3A_49, %add3A_644], %gather3A_651 : memref<32x512xf32, #tpu.memory_space<vmem>>[vector<16xi32>, vector<16xi32>], vector<16xf32>,
        %gather3A_652 = tpu.vector_load_idx %arg7[%add3A_644, %and3A_55] : memref<512x32xf32, #tpu.memory_space<vmem>>[vector<16xi32>, vector<16xi32>], vector<16xf32>,
        tpu.vector_store_idx %arg9[%and3A_55, %add3A_644], %gather3A_652 : memref<32x512xf32, #tpu.memory_space<vmem>>[vector<16xi32>, vector<16xi32>], vector<16xf32>,
        %gather3A_653 = tpu.vector_load_idx %arg7[%add3A_644, %and3A_61] : memref<512x32xf32, #tpu.memory_space<vmem>>[vector<16xi32>, vector<16xi32>], vector<16xf32>,
        tpu.vector_store_idx %arg9[%and3A_61, %add3A_644], %gather3A_653 : memref<32x512xf32, #tpu.memory_space<vmem>>[vector<16xi32>, vector<16xi32>], vector<16xf32>,
        %gather3A_654 = tpu.vector_load_idx %arg7[%add3A_644, %and3A_67] : memref<512x32xf32, #tpu.memory_space<vmem>>[vector<16xi32>, vector<16xi32>], vector<16xf32>,
        tpu.vector_store_idx %arg9[%and3A_67, %add3A_644], %gather3A_654 : memref<32x512xf32, #tpu.memory_space<vmem>>[vector<16xi32>, vector<16xi32>], vector<16xf32>,
        %gather3A_655 = tpu.vector_load_idx %arg7[%add3A_644, %and3A_73] : memref<512x32xf32, #tpu.memory_space<vmem>>[vector<16xi32>, vector<16xi32>], vector<16xf32>,
        tpu.vector_store_idx %arg9[%and3A_73, %add3A_644], %gather3A_655 : memref<32x512xf32, #tpu.memory_space<vmem>>[vector<16xi32>, vector<16xi32>], vector<16xf32>,
        %gather3A_656 = tpu.vector_load_idx %arg7[%add3A_644, %and3A_79] : memref<512x32xf32, #tpu.memory_space<vmem>>[vector<16xi32>, vector<16xi32>], vector<16xf32>,
        tpu.vector_store_idx %arg9[%and3A_79, %add3A_644], %gather3A_656 : memref<32x512xf32, #tpu.memory_space<vmem>>[vector<16xi32>, vector<16xi32>], vector<16xf32>,
        %gather3A_657 = tpu.vector_load_idx %arg7[%add3A_644, %and3A_85] : memref<512x32xf32, #tpu.memory_space<vmem>>[vector<16xi32>, vector<16xi32>], vector<16xf32>,
        tpu.vector_store_idx %arg9[%and3A_85, %add3A_644], %gather3A_657 : memref<32x512xf32, #tpu.memory_space<vmem>>[vector<16xi32>, vector<16xi32>], vector<16xf32>,
        %gather3A_658 = tpu.vector_load_idx %arg7[%add3A_644, %and3A_91] : memref<512x32xf32, #tpu.memory_space<vmem>>[vector<16xi32>, vector<16xi32>], vector<16xf32>,
        tpu.vector_store_idx %arg9[%and3A_91, %add3A_644], %gather3A_658 : memref<32x512xf32, #tpu.memory_space<vmem>>[vector<16xi32>, vector<16xi32>], vector<16xf32>,
        %gather3A_659 = tpu.vector_load_idx %arg7[%add3A_644, %and3A_97] : memref<512x32xf32, #tpu.memory_space<vmem>>[vector<16xi32>, vector<16xi32>], vector<16xf32>,
        tpu.vector_store_idx %arg9[%and3A_97, %add3A_644], %gather3A_659 : memref<32x512xf32, #tpu.memory_space<vmem>>[vector<16xi32>, vector<16xi32>], vector<16xf32>,
        %gather3A_660 = tpu.vector_load_idx %arg7[%add3A_644, %and3A_103] : memref<512x32xf32, #tpu.memory_space<vmem>>[vector<16xi32>, vector<16xi32>], vector<16xf32>,
        tpu.vector_store_idx %arg9[%and3A_103, %add3A_644], %gather3A_660 : memref<32x512xf32, #tpu.memory_space<vmem>>[vector<16xi32>, vector<16xi32>], vector<16xf32>,
        %gather3A_661 = tpu.vector_load_idx %arg7[%add3A_644, %and3A_109] : memref<512x32xf32, #tpu.memory_space<vmem>>[vector<16xi32>, vector<16xi32>], vector<16xf32>,
        tpu.vector_store_idx %arg9[%and3A_109, %add3A_644], %gather3A_661 : memref<32x512xf32, #tpu.memory_space<vmem>>[vector<16xi32>, vector<16xi32>], vector<16xf32>,
        %gather3A_662 = tpu.vector_load_idx %arg7[%add3A_644, %and3A_115] : memref<512x32xf32, #tpu.memory_space<vmem>>[vector<16xi32>, vector<16xi32>], vector<16xf32>,
        tpu.vector_store_idx %arg9[%and3A_115, %add3A_644], %gather3A_662 : memref<32x512xf32, #tpu.memory_space<vmem>>[vector<16xi32>, vector<16xi32>], vector<16xf32>,
        %gather3A_663 = tpu.vector_load_idx %arg7[%add3A_644, %and3A_121] : memref<512x32xf32, #tpu.memory_space<vmem>>[vector<16xi32>, vector<16xi32>], vector<16xf32>,
        tpu.vector_store_idx %arg9[%and3A_121, %add3A_644], %gather3A_663 : memref<32x512xf32, #tpu.memory_space<vmem>>[vector<16xi32>, vector<16xi32>], vector<16xf32>,
        %gather3A_664 = tpu.vector_load_idx %arg7[%add3A_644, %and3A_127] : memref<512x32xf32, #tpu.memory_space<vmem>>[vector<16xi32>, vector<16xi32>], vector<16xf32>,
        tpu.vector_store_idx %arg9[%and3A_127, %add3A_644], %gather3A_664 : memref<32x512xf32, #tpu.memory_space<vmem>>[vector<16xi32>, vector<16xi32>], vector<16xf32>,
        %gather3A_665 = tpu.vector_load_idx %arg7[%add3A_644, %and3A_133] : memref<512x32xf32, #tpu.memory_space<vmem>>[vector<16xi32>, vector<16xi32>], vector<16xf32>,
        tpu.vector_store_idx %arg9[%and3A_133, %add3A_644], %gather3A_665 : memref<32x512xf32, #tpu.memory_space<vmem>>[vector<16xi32>, vector<16xi32>], vector<16xf32>,
        %gather3A_666 = tpu.vector_load_idx %arg7[%add3A_644, %and3A_139] : memref<512x32xf32, #tpu.memory_space<vmem>>[vector<16xi32>, vector<16xi32>], vector<16xf32>,
        tpu.vector_store_idx %arg9[%and3A_139, %add3A_644], %gather3A_666 : memref<32x512xf32, #tpu.memory_space<vmem>>[vector<16xi32>, vector<16xi32>], vector<16xf32>,
        %gather3A_667 = tpu.vector_load_idx %arg7[%add3A_644, %and3A_145] : memref<512x32xf32, #tpu.memory_space<vmem>>[vector<16xi32>, vector<16xi32>], vector<16xf32>,
        tpu.vector_store_idx %arg9[%and3A_145, %add3A_644], %gather3A_667 : memref<32x512xf32, #tpu.memory_space<vmem>>[vector<16xi32>, vector<16xi32>], vector<16xf32>,
        %gather3A_668 = tpu.vector_load_idx %arg7[%add3A_644, %and3A_151] : memref<512x32xf32, #tpu.memory_space<vmem>>[vector<16xi32>, vector<16xi32>], vector<16xf32>,
        tpu.vector_store_idx %arg9[%and3A_151, %add3A_644], %gather3A_668 : memref<32x512xf32, #tpu.memory_space<vmem>>[vector<16xi32>, vector<16xi32>], vector<16xf32>,
        %gather3A_669 = tpu.vector_load_idx %arg7[%add3A_644, %and3A_157] : memref<512x32xf32, #tpu.memory_space<vmem>>[vector<16xi32>, vector<16xi32>], vector<16xf32>,
        tpu.vector_store_idx %arg9[%and3A_157, %add3A_644], %gather3A_669 : memref<32x512xf32, #tpu.memory_space<vmem>>[vector<16xi32>, vector<16xi32>], vector<16xf32>,
        %gather3A_670 = tpu.vector_load_idx %arg7[%add3A_644, %and3A_163] : memref<512x32xf32, #tpu.memory_space<vmem>>[vector<16xi32>, vector<16xi32>], vector<16xf32>,
        tpu.vector_store_idx %arg9[%and3A_163, %add3A_644], %gather3A_670 : memref<32x512xf32, #tpu.memory_space<vmem>>[vector<16xi32>, vector<16xi32>], vector<16xf32>,
        %gather3A_671 = tpu.vector_load_idx %arg7[%add3A_644, %and3A_169] : memref<512x32xf32, #tpu.memory_space<vmem>>[vector<16xi32>, vector<16xi32>], vector<16xf32>,
        tpu.vector_store_idx %arg9[%and3A_169, %add3A_644], %gather3A_671 : memref<32x512xf32, #tpu.memory_space<vmem>>[vector<16xi32>, vector<16xi32>], vector<16xf32>,
        %gather3A_672 = tpu.vector_load_idx %arg7[%add3A_644, %and3A_175] : memref<512x32xf32, #tpu.memory_space<vmem>>[vector<16xi32>, vector<16xi32>], vector<16xf32>,
        tpu.vector_store_idx %arg9[%and3A_175, %add3A_644], %gather3A_672 : memref<32x512xf32, #tpu.memory_space<vmem>>[vector<16xi32>, vector<16xi32>], vector<16xf32>,
        %gather3A_673 = tpu.vector_load_idx %arg7[%add3A_644, %and3A_181] : memref<512x32xf32, #tpu.memory_space<vmem>>[vector<16xi32>, vector<16xi32>], vector<16xf32>,
        tpu.vector_store_idx %arg9[%and3A_181, %add3A_644], %gather3A_673 : memref<32x512xf32, #tpu.memory_space<vmem>>[vector<16xi32>, vector<16xi32>], vector<16xf32>,
        %gather3A_674 = tpu.vector_load_idx %arg7[%add3A_644, %and3A_187] : memref<512x32xf32, #tpu.memory_space<vmem>>[vector<16xi32>, vector<16xi32>], vector<16xf32>,
        tpu.vector_store_idx %arg9[%and3A_187, %add3A_644], %gather3A_674 : memref<32x512xf32, #tpu.memory_space<vmem>>[vector<16xi32>, vector<16xi32>], vector<16xf32>,
        %gather3A_675 = tpu.vector_load_idx %arg7[%add3A_644, %and3A_193] : memref<512x32xf32, #tpu.memory_space<vmem>>[vector<16xi32>, vector<16xi32>], vector<16xf32>,
        tpu.vector_store_idx %arg9[%and3A_193, %add3A_644], %gather3A_675 : memref<32x512xf32, #tpu.memory_space<vmem>>[vector<16xi32>, vector<16xi32>], vector<16xf32>,
        %scan3A_676 = arith.constant 0 : i32
        %scan3A_677 = arith.constant 1 : i32
        %scan3A_678 = arith.addi %scan3A_639, %scan3A_677 : i32
        %mul3A_679 = arith.constant 16 : i32
        %mul3A_680 = arith.muli %scan3A_678, %mul3A_679 : i32
        %add3A_681 = vector.broadcast %mul3A_680 : i32 to vector<16xi32>
        %add3A_682 = arith.addi %iota3A, %add3A_681 : vector<16xi32>
        %gather3A_683 = tpu.vector_load_idx %arg7[%add3A_682, %and3A_7] : memref<512x32xf32, #tpu.memory_space<vmem>>[vector<16xi32>, vector<16xi32>], vector<16xf32>,
        tpu.vector_store_idx %arg9[%and3A_7, %add3A_682], %gather3A_683 : memref<32x512xf32, #tpu.memory_space<vmem>>[vector<16xi32>, vector<16xi32>], vector<16xf32>,
        %gather3A_684 = tpu.vector_load_idx %arg7[%add3A_682, %and3A_13] : memref<512x32xf32, #tpu.memory_space<vmem>>[vector<16xi32>, vector<16xi32>], vector<16xf32>,
        tpu.vector_store_idx %arg9[%and3A_13, %add3A_682], %gather3A_684 : memref<32x512xf32, #tpu.memory_space<vmem>>[vector<16xi32>, vector<16xi32>], vector<16xf32>,
        %gather3A_685 = tpu.vector_load_idx %arg7[%add3A_682, %and3A_19] : memref<512x32xf32, #tpu.memory_space<vmem>>[vector<16xi32>, vector<16xi32>], vector<16xf32>,
        tpu.vector_store_idx %arg9[%and3A_19, %add3A_682], %gather3A_685 : memref<32x512xf32, #tpu.memory_space<vmem>>[vector<16xi32>, vector<16xi32>], vector<16xf32>,
        %gather3A_686 = tpu.vector_load_idx %arg7[%add3A_682, %and3A_25] : memref<512x32xf32, #tpu.memory_space<vmem>>[vector<16xi32>, vector<16xi32>], vector<16xf32>,
        tpu.vector_store_idx %arg9[%and3A_25, %add3A_682], %gather3A_686 : memref<32x512xf32, #tpu.memory_space<vmem>>[vector<16xi32>, vector<16xi32>], vector<16xf32>,
        %gather3A_687 = tpu.vector_load_idx %arg7[%add3A_682, %and3A_31] : memref<512x32xf32, #tpu.memory_space<vmem>>[vector<16xi32>, vector<16xi32>], vector<16xf32>,
        tpu.vector_store_idx %arg9[%and3A_31, %add3A_682], %gather3A_687 : memref<32x512xf32, #tpu.memory_space<vmem>>[vector<16xi32>, vector<16xi32>], vector<16xf32>,
        %gather3A_688 = tpu.vector_load_idx %arg7[%add3A_682, %and3A_37] : memref<512x32xf32, #tpu.memory_space<vmem>>[vector<16xi32>, vector<16xi32>], vector<16xf32>,
        tpu.vector_store_idx %arg9[%and3A_37, %add3A_682], %gather3A_688 : memref<32x512xf32, #tpu.memory_space<vmem>>[vector<16xi32>, vector<16xi32>], vector<16xf32>,
        %gather3A_689 = tpu.vector_load_idx %arg7[%add3A_682, %and3A_43] : memref<512x32xf32, #tpu.memory_space<vmem>>[vector<16xi32>, vector<16xi32>], vector<16xf32>,
        tpu.vector_store_idx %arg9[%and3A_43, %add3A_682], %gather3A_689 : memref<32x512xf32, #tpu.memory_space<vmem>>[vector<16xi32>, vector<16xi32>], vector<16xf32>,
        %gather3A_690 = tpu.vector_load_idx %arg7[%add3A_682, %and3A_49] : memref<512x32xf32, #tpu.memory_space<vmem>>[vector<16xi32>, vector<16xi32>], vector<16xf32>,
        tpu.vector_store_idx %arg9[%and3A_49, %add3A_682], %gather3A_690 : memref<32x512xf32, #tpu.memory_space<vmem>>[vector<16xi32>, vector<16xi32>], vector<16xf32>,
        %gather3A_691 = tpu.vector_load_idx %arg7[%add3A_682, %and3A_55] : memref<512x32xf32, #tpu.memory_space<vmem>>[vector<16xi32>, vector<16xi32>], vector<16xf32>,
        tpu.vector_store_idx %arg9[%and3A_55, %add3A_682], %gather3A_691 : memref<32x512xf32, #tpu.memory_space<vmem>>[vector<16xi32>, vector<16xi32>], vector<16xf32>,
        %gather3A_692 = tpu.vector_load_idx %arg7[%add3A_682, %and3A_61] : memref<512x32xf32, #tpu.memory_space<vmem>>[vector<16xi32>, vector<16xi32>], vector<16xf32>,
        tpu.vector_store_idx %arg9[%and3A_61, %add3A_682], %gather3A_692 : memref<32x512xf32, #tpu.memory_space<vmem>>[vector<16xi32>, vector<16xi32>], vector<16xf32>,
        %gather3A_693 = tpu.vector_load_idx %arg7[%add3A_682, %and3A_67] : memref<512x32xf32, #tpu.memory_space<vmem>>[vector<16xi32>, vector<16xi32>], vector<16xf32>,
        tpu.vector_store_idx %arg9[%and3A_67, %add3A_682], %gather3A_693 : memref<32x512xf32, #tpu.memory_space<vmem>>[vector<16xi32>, vector<16xi32>], vector<16xf32>,
        %gather3A_694 = tpu.vector_load_idx %arg7[%add3A_682, %and3A_73] : memref<512x32xf32, #tpu.memory_space<vmem>>[vector<16xi32>, vector<16xi32>], vector<16xf32>,
        tpu.vector_store_idx %arg9[%and3A_73, %add3A_682], %gather3A_694 : memref<32x512xf32, #tpu.memory_space<vmem>>[vector<16xi32>, vector<16xi32>], vector<16xf32>,
        %gather3A_695 = tpu.vector_load_idx %arg7[%add3A_682, %and3A_79] : memref<512x32xf32, #tpu.memory_space<vmem>>[vector<16xi32>, vector<16xi32>], vector<16xf32>,
        tpu.vector_store_idx %arg9[%and3A_79, %add3A_682], %gather3A_695 : memref<32x512xf32, #tpu.memory_space<vmem>>[vector<16xi32>, vector<16xi32>], vector<16xf32>,
        %gather3A_696 = tpu.vector_load_idx %arg7[%add3A_682, %and3A_85] : memref<512x32xf32, #tpu.memory_space<vmem>>[vector<16xi32>, vector<16xi32>], vector<16xf32>,
        tpu.vector_store_idx %arg9[%and3A_85, %add3A_682], %gather3A_696 : memref<32x512xf32, #tpu.memory_space<vmem>>[vector<16xi32>, vector<16xi32>], vector<16xf32>,
        %gather3A_697 = tpu.vector_load_idx %arg7[%add3A_682, %and3A_91] : memref<512x32xf32, #tpu.memory_space<vmem>>[vector<16xi32>, vector<16xi32>], vector<16xf32>,
        tpu.vector_store_idx %arg9[%and3A_91, %add3A_682], %gather3A_697 : memref<32x512xf32, #tpu.memory_space<vmem>>[vector<16xi32>, vector<16xi32>], vector<16xf32>,
        %gather3A_698 = tpu.vector_load_idx %arg7[%add3A_682, %and3A_97] : memref<512x32xf32, #tpu.memory_space<vmem>>[vector<16xi32>, vector<16xi32>], vector<16xf32>,
        tpu.vector_store_idx %arg9[%and3A_97, %add3A_682], %gather3A_698 : memref<32x512xf32, #tpu.memory_space<vmem>>[vector<16xi32>, vector<16xi32>], vector<16xf32>,
        %gather3A_699 = tpu.vector_load_idx %arg7[%add3A_682, %and3A_103] : memref<512x32xf32, #tpu.memory_space<vmem>>[vector<16xi32>, vector<16xi32>], vector<16xf32>,
        tpu.vector_store_idx %arg9[%and3A_103, %add3A_682], %gather3A_699 : memref<32x512xf32, #tpu.memory_space<vmem>>[vector<16xi32>, vector<16xi32>], vector<16xf32>,
        %gather3A_700 = tpu.vector_load_idx %arg7[%add3A_682, %and3A_109] : memref<512x32xf32, #tpu.memory_space<vmem>>[vector<16xi32>, vector<16xi32>], vector<16xf32>,
        tpu.vector_store_idx %arg9[%and3A_109, %add3A_682], %gather3A_700 : memref<32x512xf32, #tpu.memory_space<vmem>>[vector<16xi32>, vector<16xi32>], vector<16xf32>,
        %gather3A_701 = tpu.vector_load_idx %arg7[%add3A_682, %and3A_115] : memref<512x32xf32, #tpu.memory_space<vmem>>[vector<16xi32>, vector<16xi32>], vector<16xf32>,
        tpu.vector_store_idx %arg9[%and3A_115, %add3A_682], %gather3A_701 : memref<32x512xf32, #tpu.memory_space<vmem>>[vector<16xi32>, vector<16xi32>], vector<16xf32>,
        %gather3A_702 = tpu.vector_load_idx %arg7[%add3A_682, %and3A_121] : memref<512x32xf32, #tpu.memory_space<vmem>>[vector<16xi32>, vector<16xi32>], vector<16xf32>,
        tpu.vector_store_idx %arg9[%and3A_121, %add3A_682], %gather3A_702 : memref<32x512xf32, #tpu.memory_space<vmem>>[vector<16xi32>, vector<16xi32>], vector<16xf32>,
        %gather3A_703 = tpu.vector_load_idx %arg7[%add3A_682, %and3A_127] : memref<512x32xf32, #tpu.memory_space<vmem>>[vector<16xi32>, vector<16xi32>], vector<16xf32>,
        tpu.vector_store_idx %arg9[%and3A_127, %add3A_682], %gather3A_703 : memref<32x512xf32, #tpu.memory_space<vmem>>[vector<16xi32>, vector<16xi32>], vector<16xf32>,
        %gather3A_704 = tpu.vector_load_idx %arg7[%add3A_682, %and3A_133] : memref<512x32xf32, #tpu.memory_space<vmem>>[vector<16xi32>, vector<16xi32>], vector<16xf32>,
        tpu.vector_store_idx %arg9[%and3A_133, %add3A_682], %gather3A_704 : memref<32x512xf32, #tpu.memory_space<vmem>>[vector<16xi32>, vector<16xi32>], vector<16xf32>,
        %gather3A_705 = tpu.vector_load_idx %arg7[%add3A_682, %and3A_139] : memref<512x32xf32, #tpu.memory_space<vmem>>[vector<16xi32>, vector<16xi32>], vector<16xf32>,
        tpu.vector_store_idx %arg9[%and3A_139, %add3A_682], %gather3A_705 : memref<32x512xf32, #tpu.memory_space<vmem>>[vector<16xi32>, vector<16xi32>], vector<16xf32>,
        %gather3A_706 = tpu.vector_load_idx %arg7[%add3A_682, %and3A_145] : memref<512x32xf32, #tpu.memory_space<vmem>>[vector<16xi32>, vector<16xi32>], vector<16xf32>,
        tpu.vector_store_idx %arg9[%and3A_145, %add3A_682], %gather3A_706 : memref<32x512xf32, #tpu.memory_space<vmem>>[vector<16xi32>, vector<16xi32>], vector<16xf32>,
        %gather3A_707 = tpu.vector_load_idx %arg7[%add3A_682, %and3A_151] : memref<512x32xf32, #tpu.memory_space<vmem>>[vector<16xi32>, vector<16xi32>], vector<16xf32>,
        tpu.vector_store_idx %arg9[%and3A_151, %add3A_682], %gather3A_707 : memref<32x512xf32, #tpu.memory_space<vmem>>[vector<16xi32>, vector<16xi32>], vector<16xf32>,
        %gather3A_708 = tpu.vector_load_idx %arg7[%add3A_682, %and3A_157] : memref<512x32xf32, #tpu.memory_space<vmem>>[vector<16xi32>, vector<16xi32>], vector<16xf32>,
        tpu.vector_store_idx %arg9[%and3A_157, %add3A_682], %gather3A_708 : memref<32x512xf32, #tpu.memory_space<vmem>>[vector<16xi32>, vector<16xi32>], vector<16xf32>,
        %gather3A_709 = tpu.vector_load_idx %arg7[%add3A_682, %and3A_163] : memref<512x32xf32, #tpu.memory_space<vmem>>[vector<16xi32>, vector<16xi32>], vector<16xf32>,
        tpu.vector_store_idx %arg9[%and3A_163, %add3A_682], %gather3A_709 : memref<32x512xf32, #tpu.memory_space<vmem>>[vector<16xi32>, vector<16xi32>], vector<16xf32>,
        %gather3A_710 = tpu.vector_load_idx %arg7[%add3A_682, %and3A_169] : memref<512x32xf32, #tpu.memory_space<vmem>>[vector<16xi32>, vector<16xi32>], vector<16xf32>,
        tpu.vector_store_idx %arg9[%and3A_169, %add3A_682], %gather3A_710 : memref<32x512xf32, #tpu.memory_space<vmem>>[vector<16xi32>, vector<16xi32>], vector<16xf32>,
        %gather3A_711 = tpu.vector_load_idx %arg7[%add3A_682, %and3A_175] : memref<512x32xf32, #tpu.memory_space<vmem>>[vector<16xi32>, vector<16xi32>], vector<16xf32>,
        tpu.vector_store_idx %arg9[%and3A_175, %add3A_682], %gather3A_711 : memref<32x512xf32, #tpu.memory_space<vmem>>[vector<16xi32>, vector<16xi32>], vector<16xf32>,
        %gather3A_712 = tpu.vector_load_idx %arg7[%add3A_682, %and3A_181] : memref<512x32xf32, #tpu.memory_space<vmem>>[vector<16xi32>, vector<16xi32>], vector<16xf32>,
        tpu.vector_store_idx %arg9[%and3A_181, %add3A_682], %gather3A_712 : memref<32x512xf32, #tpu.memory_space<vmem>>[vector<16xi32>, vector<16xi32>], vector<16xf32>,
        %gather3A_713 = tpu.vector_load_idx %arg7[%add3A_682, %and3A_187] : memref<512x32xf32, #tpu.memory_space<vmem>>[vector<16xi32>, vector<16xi32>], vector<16xf32>,
        tpu.vector_store_idx %arg9[%and3A_187, %add3A_682], %gather3A_713 : memref<32x512xf32, #tpu.memory_space<vmem>>[vector<16xi32>, vector<16xi32>], vector<16xf32>,
        %gather3A_714 = tpu.vector_load_idx %arg7[%add3A_682, %and3A_193] : memref<512x32xf32, #tpu.memory_space<vmem>>[vector<16xi32>, vector<16xi32>], vector<16xf32>,
        tpu.vector_store_idx %arg9[%and3A_193, %add3A_682], %gather3A_714 : memref<32x512xf32, #tpu.memory_space<vmem>>[vector<16xi32>, vector<16xi32>], vector<16xf32>,
        %scan3A_715 = arith.constant 0 : i32
        scf.yield %scan3A_715 : i32
      }
      %scan3A_591 = arith.constant 32 : i32
      %add3A_592 = arith.constant 1 : i32
      %add3A_593 = arith.addi %mul3A_497, %add3A_592 : i32
      %dma_start3A_594 = arith.constant 0 : i32
      %dma_start3A_595 = tpu.memref_slice %arg4[%add3A_593, %dma_start3A_594, %multiple_of3A] : memref<50x32x16384xf32, #tpu.memory_space<hbm>> -> memref<1x32x512xf32, #tpu.memory_space<hbm>>
      %dma_start3A_596 = tpu.memref_squeeze %dma_start3A_595 : memref<1x32x512xf32, #tpu.memory_space<hbm>> -> memref<32x512xf32, #tpu.memory_space<hbm>>
      %dma_start3A_597 = arith.constant 0 : i32
      %dma_start3A_598 = tpu.memref_slice %arg4[%add3A_593, %dma_start3A_597, %multiple_of3A] : memref<50x32x16384xf32, #tpu.memory_space<hbm>> -> memref<1x32x512xf32, #tpu.memory_space<hbm>>
      %dma_start3A_599 = tpu.memref_squeeze %dma_start3A_598 : memref<1x32x512xf32, #tpu.memory_space<hbm>> -> memref<32x512xf32, #tpu.memory_space<hbm>>
      tpu.enqueue_dma source(%arg9 : memref<32x512xf32, #tpu.memory_space<vmem>>) target(%dma_start3A_599 : memref<32x512xf32, #tpu.memory_space<hbm>>) target_semaphore(%arg14 : memref<!tpu.dma_semaphore, #tpu.memory_space<semaphore_mem>>)
      %add3A_600 = arith.constant 3 : i32
      %add3A_601 = arith.addi %mul3A_497, %add3A_600 : i32
      %dma_start3A_602 = arith.constant 0 : i32
      %dma_start3A_603 = arith.constant 0 : i32
      %dma_start3A_604 = tpu.memref_slice %arg7[%dma_start3A_602, %dma_start3A_603] : memref<512x32xf32, #tpu.memory_space<vmem>> -> memref<128x32xf32, #tpu.memory_space<vmem>>
      %dma_start3A_605 = arith.constant 0 : i32
      %dma_start3A_606 = tpu.memref_slice %arg5[%add3A_601, %dma_start3A_605] : memref<50x512xi32, #tpu.memory_space<vmem>> -> memref<1x128xi32, #tpu.memory_space<vmem>>
      %dma_start3A_607 = tpu.memref_squeeze %dma_start3A_606 : memref<1x128xi32, #tpu.memory_space<vmem>> -> memref<128xi32, #tpu.memory_space<vmem>>
      %dma_start3A_608 = arith.constant 0 : i32
      %dma_start3A_609 = arith.constant 0 : i32
      %dma_start3A_610 = tpu.memref_slice %arg2[%dma_start3A_608, %dma_start3A_609] : memref<1000000x32xf32, #tpu.memory_space<hbm>> -> memref<1000000x32xf32, #tpu.memory_space<hbm>>
      tpu.enqueue_indirect_dma source(%dma_start3A_610 : memref<1000000x32xf32, #tpu.memory_space<hbm>>) target(%dma_start3A_604 : memref<128x32xf32, #tpu.memory_space<vmem>>) offsets(%dma_start3A_607 : memref<128xi32, #tpu.memory_space<vmem>>) semaphore(%arg12 : memref<!tpu.dma_semaphore, #tpu.memory_space<semaphore_mem>>)
      %dma_start3A_611 = arith.constant 128 : i32
      %dma_start3A_612 = arith.constant 0 : i32
      %dma_start3A_613 = tpu.memref_slice %arg7[%dma_start3A_611, %dma_start3A_612] : memref<512x32xf32, #tpu.memory_space<vmem>> -> memref<128x32xf32, #tpu.memory_space<vmem>>
      %dma_start3A_614 = arith.constant 128 : i32
      %dma_start3A_615 = tpu.memref_slice %arg5[%add3A_601, %dma_start3A_614] : memref<50x512xi32, #tpu.memory_space<vmem>> -> memref<1x128xi32, #tpu.memory_space<vmem>>
      %dma_start3A_616 = tpu.memref_squeeze %dma_start3A_615 : memref<1x128xi32, #tpu.memory_space<vmem>> -> memref<128xi32, #tpu.memory_space<vmem>>
      %dma_start3A_617 = arith.constant 0 : i32
      %dma_start3A_618 = arith.constant 0 : i32
      %dma_start3A_619 = tpu.memref_slice %arg2[%dma_start3A_617, %dma_start3A_618] : memref<1000000x32xf32, #tpu.memory_space<hbm>> -> memref<1000000x32xf32, #tpu.memory_space<hbm>>
      tpu.enqueue_indirect_dma source(%dma_start3A_619 : memref<1000000x32xf32, #tpu.memory_space<hbm>>) target(%dma_start3A_613 : memref<128x32xf32, #tpu.memory_space<vmem>>) offsets(%dma_start3A_616 : memref<128xi32, #tpu.memory_space<vmem>>) semaphore(%arg12 : memref<!tpu.dma_semaphore, #tpu.memory_space<semaphore_mem>>)
      %dma_start3A_620 = arith.constant 256 : i32
      %dma_start3A_621 = arith.constant 0 : i32
      %dma_start3A_622 = tpu.memref_slice %arg7[%dma_start3A_620, %dma_start3A_621] : memref<512x32xf32, #tpu.memory_space<vmem>> -> memref<128x32xf32, #tpu.memory_space<vmem>>
      %dma_start3A_623 = arith.constant 256 : i32
      %dma_start3A_624 = tpu.memref_slice %arg5[%add3A_601, %dma_start3A_623] : memref<50x512xi32, #tpu.memory_space<vmem>> -> memref<1x128xi32, #tpu.memory_space<vmem>>
      %dma_start3A_625 = tpu.memref_squeeze %dma_start3A_624 : memref<1x128xi32, #tpu.memory_space<vmem>> -> memref<128xi32, #tpu.memory_space<vmem>>
      %dma_start3A_626 = arith.constant 0 : i32
      %dma_start3A_627 = arith.constant 0 : i32
      %dma_start3A_628 = tpu.memref_slice %arg2[%dma_start3A_626, %dma_start3A_627] : memref<1000000x32xf32, #tpu.memory_space<hbm>> -> memref<1000000x32xf32, #tpu.memory_space<hbm>>
      tpu.enqueue_indirect_dma source(%dma_start3A_628 : memref<1000000x32xf32, #tpu.memory_space<hbm>>) target(%dma_start3A_622 : memref<128x32xf32, #tpu.memory_space<vmem>>) offsets(%dma_start3A_625 : memref<128xi32, #tpu.memory_space<vmem>>) semaphore(%arg12 : memref<!tpu.dma_semaphore, #tpu.memory_space<semaphore_mem>>)
      %dma_start3A_629 = arith.constant 384 : i32
      %dma_start3A_630 = arith.constant 0 : i32
      %dma_start3A_631 = tpu.memref_slice %arg7[%dma_start3A_629, %dma_start3A_630] : memref<512x32xf32, #tpu.memory_space<vmem>> -> memref<128x32xf32, #tpu.memory_space<vmem>>
      %dma_start3A_632 = arith.constant 384 : i32
      %dma_start3A_633 = tpu.memref_slice %arg5[%add3A_601, %dma_start3A_632] : memref<50x512xi32, #tpu.memory_space<vmem>> -> memref<1x128xi32, #tpu.memory_space<vmem>>
      %dma_start3A_634 = tpu.memref_squeeze %dma_start3A_633 : memref<1x128xi32, #tpu.memory_space<vmem>> -> memref<128xi32, #tpu.memory_space<vmem>>
      %dma_start3A_635 = arith.constant 0 : i32
      %dma_start3A_636 = arith.constant 0 : i32
      %dma_start3A_637 = tpu.memref_slice %arg2[%dma_start3A_635, %dma_start3A_636] : memref<1000000x32xf32, #tpu.memory_space<hbm>> -> memref<1000000x32xf32, #tpu.memory_space<hbm>>
      tpu.enqueue_indirect_dma source(%dma_start3A_637 : memref<1000000x32xf32, #tpu.memory_space<hbm>>) target(%dma_start3A_631 : memref<128x32xf32, #tpu.memory_space<vmem>>) offsets(%dma_start3A_634 : memref<128xi32, #tpu.memory_space<vmem>>) semaphore(%arg12 : memref<!tpu.dma_semaphore, #tpu.memory_space<semaphore_mem>>)
      %scan3A_638 = arith.constant 0 : i32
      scf.yield %scan3A_638 : i32
    }
    %scan3A_411 = arith.constant 23 : i32
    %dma_wait3A_412 = arith.constant 0 : i32
    %dma_wait3A_413 = arith.constant 0 : i32
    %dma_wait3A_414 = arith.constant 0 : i32
    %dma_wait3A_415 = tpu.memref_slice %arg4[%dma_wait3A_412, %dma_wait3A_413, %dma_wait3A_414] : memref<50x32x16384xf32, #tpu.memory_space<hbm>> -> memref<1x32x512xf32, #tpu.memory_space<hbm>>
    %dma_wait3A_416 = tpu.memref_squeeze %dma_wait3A_415 : memref<1x32x512xf32, #tpu.memory_space<hbm>> -> memref<32x512xf32, #tpu.memory_space<hbm>>
    %dma_wait3A_417 = arith.constant 0 : i32
    %dma_wait3A_418 = arith.constant 0 : i32
    %dma_wait3A_419 = tpu.memref_slice %arg4[%dma_wait3A_412, %dma_wait3A_417, %dma_wait3A_418] : memref<50x32x16384xf32, #tpu.memory_space<hbm>> -> memref<1x32x512xf32, #tpu.memory_space<hbm>>
    %dma_wait3A_420 = tpu.memref_squeeze %dma_wait3A_419 : memref<1x32x512xf32, #tpu.memory_space<hbm>> -> memref<32x512xf32, #tpu.memory_space<hbm>>
    tpu.wait_dma2 semaphore(%arg11 : memref<!tpu.dma_semaphore, #tpu.memory_space<semaphore_mem>>) src(%dma_wait3A_420 : memref<32x512xf32, #tpu.memory_space<hbm>>) dst(%arg6 : memref<512x32xf32, #tpu.memory_space<vmem>>)
    %dma_wait3A_421 = arith.constant 0 : i32
    %dma_wait3A_422 = arith.constant 0 : i32
    %dma_wait3A_423 = arith.constant 0 : i32
    %dma_wait3A_424 = tpu.memref_slice %arg4[%dma_wait3A_421, %dma_wait3A_422, %dma_wait3A_423] : memref<50x32x16384xf32, #tpu.memory_space<hbm>> -> memref<1x32x512xf32, #tpu.memory_space<hbm>>
    %dma_wait3A_425 = tpu.memref_squeeze %dma_wait3A_424 : memref<1x32x512xf32, #tpu.memory_space<hbm>> -> memref<32x512xf32, #tpu.memory_space<hbm>>
    %dma_wait3A_426 = arith.constant 0 : i32
    %dma_wait3A_427 = arith.constant 0 : i32
    %dma_wait3A_428 = tpu.memref_slice %arg4[%dma_wait3A_421, %dma_wait3A_426, %dma_wait3A_427] : memref<50x32x16384xf32, #tpu.memory_space<hbm>> -> memref<1x32x512xf32, #tpu.memory_space<hbm>>
    %dma_wait3A_429 = tpu.memref_squeeze %dma_wait3A_428 : memref<1x32x512xf32, #tpu.memory_space<hbm>> -> memref<32x512xf32, #tpu.memory_space<hbm>>
    tpu.wait_dma2 semaphore(%arg13 : memref<!tpu.dma_semaphore, #tpu.memory_space<semaphore_mem>>) src(%arg8 : memref<32x512xf32, #tpu.memory_space<vmem>>) dst(%dma_wait3A_429 : memref<32x512xf32, #tpu.memory_space<hbm>>)
    %scan3A_430 = arith.constant 0 : i32
    %scan3A_431 = arith.constant 0 : i32
    %scan3A_432 = arith.constant 32 : i32
    %scan3A_433 = arith.addi %scan3A_431, %scan3A_432 : i32
    %scan3A_434 = arith.constant 2 : i32
    %scan3A_435 = scf.for %scan3A_494 = %scan3A_431 to %scan3A_433 step %scan3A_434 iter_args(%scan3A_495 = %scan3A_430) -> (i32)  : i32 {
      %mul3A_496 = arith.constant 16 : i32
      %mul3A_497 = arith.muli %scan3A_494, %mul3A_496 : i32
      %add3A_498 = vector.broadcast %mul3A_497 : i32 to vector<16xi32>
      %add3A_499 = arith.addi %iota3A, %add3A_498 : vector<16xi32>
      %gather3A = tpu.vector_load_idx %arg6[%add3A_499, %and3A_7] : memref<512x32xf32, #tpu.memory_space<vmem>>[vector<16xi32>, vector<16xi32>], vector<16xf32>,
      tpu.vector_store_idx %arg8[%and3A_7, %add3A_499], %gather3A : memref<32x512xf32, #tpu.memory_space<vmem>>[vector<16xi32>, vector<16xi32>], vector<16xf32>,
      %gather3A_500 = tpu.vector_load_idx %arg6[%add3A_499, %and3A_13] : memref<512x32xf32, #tpu.memory_space<vmem>>[vector<16xi32>, vector<16xi32>], vector<16xf32>,
      tpu.vector_store_idx %arg8[%and3A_13, %add3A_499], %gather3A_500 : memref<32x512xf32, #tpu.memory_space<vmem>>[vector<16xi32>, vector<16xi32>], vector<16xf32>,
      %gather3A_501 = tpu.vector_load_idx %arg6[%add3A_499, %and3A_19] : memref<512x32xf32, #tpu.memory_space<vmem>>[vector<16xi32>, vector<16xi32>], vector<16xf32>,
      tpu.vector_store_idx %arg8[%and3A_19, %add3A_499], %gather3A_501 : memref<32x512xf32, #tpu.memory_space<vmem>>[vector<16xi32>, vector<16xi32>], vector<16xf32>,
      %gather3A_502 = tpu.vector_load_idx %arg6[%add3A_499, %and3A_25] : memref<512x32xf32, #tpu.memory_space<vmem>>[vector<16xi32>, vector<16xi32>], vector<16xf32>,
      tpu.vector_store_idx %arg8[%and3A_25, %add3A_499], %gather3A_502 : memref<32x512xf32, #tpu.memory_space<vmem>>[vector<16xi32>, vector<16xi32>], vector<16xf32>,
      %gather3A_503 = tpu.vector_load_idx %arg6[%add3A_499, %and3A_31] : memref<512x32xf32, #tpu.memory_space<vmem>>[vector<16xi32>, vector<16xi32>], vector<16xf32>,
      tpu.vector_store_idx %arg8[%and3A_31, %add3A_499], %gather3A_503 : memref<32x512xf32, #tpu.memory_space<vmem>>[vector<16xi32>, vector<16xi32>], vector<16xf32>,
      %gather3A_504 = tpu.vector_load_idx %arg6[%add3A_499, %and3A_37] : memref<512x32xf32, #tpu.memory_space<vmem>>[vector<16xi32>, vector<16xi32>], vector<16xf32>,
      tpu.vector_store_idx %arg8[%and3A_37, %add3A_499], %gather3A_504 : memref<32x512xf32, #tpu.memory_space<vmem>>[vector<16xi32>, vector<16xi32>], vector<16xf32>,
      %gather3A_505 = tpu.vector_load_idx %arg6[%add3A_499, %and3A_43] : memref<512x32xf32, #tpu.memory_space<vmem>>[vector<16xi32>, vector<16xi32>], vector<16xf32>,
      tpu.vector_store_idx %arg8[%and3A_43, %add3A_499], %gather3A_505 : memref<32x512xf32, #tpu.memory_space<vmem>>[vector<16xi32>, vector<16xi32>], vector<16xf32>,
      %gather3A_506 = tpu.vector_load_idx %arg6[%add3A_499, %and3A_49] : memref<512x32xf32, #tpu.memory_space<vmem>>[vector<16xi32>, vector<16xi32>], vector<16xf32>,
      tpu.vector_store_idx %arg8[%and3A_49, %add3A_499], %gather3A_506 : memref<32x512xf32, #tpu.memory_space<vmem>>[vector<16xi32>, vector<16xi32>], vector<16xf32>,
      %gather3A_507 = tpu.vector_load_idx %arg6[%add3A_499, %and3A_55] : memref<512x32xf32, #tpu.memory_space<vmem>>[vector<16xi32>, vector<16xi32>], vector<16xf32>,
      tpu.vector_store_idx %arg8[%and3A_55, %add3A_499], %gather3A_507 : memref<32x512xf32, #tpu.memory_space<vmem>>[vector<16xi32>, vector<16xi32>], vector<16xf32>,
      %gather3A_508 = tpu.vector_load_idx %arg6[%add3A_499, %and3A_61] : memref<512x32xf32, #tpu.memory_space<vmem>>[vector<16xi32>, vector<16xi32>], vector<16xf32>,
      tpu.vector_store_idx %arg8[%and3A_61, %add3A_499], %gather3A_508 : memref<32x512xf32, #tpu.memory_space<vmem>>[vector<16xi32>, vector<16xi32>], vector<16xf32>,
      %gather3A_509 = tpu.vector_load_idx %arg6[%add3A_499, %and3A_67] : memref<512x32xf32, #tpu.memory_space<vmem>>[vector<16xi32>, vector<16xi32>], vector<16xf32>,
      tpu.vector_store_idx %arg8[%and3A_67, %add3A_499], %gather3A_509 : memref<32x512xf32, #tpu.memory_space<vmem>>[vector<16xi32>, vector<16xi32>], vector<16xf32>,
      %gather3A_510 = tpu.vector_load_idx %arg6[%add3A_499, %and3A_73] : memref<512x32xf32, #tpu.memory_space<vmem>>[vector<16xi32>, vector<16xi32>], vector<16xf32>,
      tpu.vector_store_idx %arg8[%and3A_73, %add3A_499], %gather3A_510 : memref<32x512xf32, #tpu.memory_space<vmem>>[vector<16xi32>, vector<16xi32>], vector<16xf32>,
      %gather3A_511 = tpu.vector_load_idx %arg6[%add3A_499, %and3A_79] : memref<512x32xf32, #tpu.memory_space<vmem>>[vector<16xi32>, vector<16xi32>], vector<16xf32>,
      tpu.vector_store_idx %arg8[%and3A_79, %add3A_499], %gather3A_511 : memref<32x512xf32, #tpu.memory_space<vmem>>[vector<16xi32>, vector<16xi32>], vector<16xf32>,
      %gather3A_512 = tpu.vector_load_idx %arg6[%add3A_499, %and3A_85] : memref<512x32xf32, #tpu.memory_space<vmem>>[vector<16xi32>, vector<16xi32>], vector<16xf32>,
      tpu.vector_store_idx %arg8[%and3A_85, %add3A_499], %gather3A_512 : memref<32x512xf32, #tpu.memory_space<vmem>>[vector<16xi32>, vector<16xi32>], vector<16xf32>,
      %gather3A_513 = tpu.vector_load_idx %arg6[%add3A_499, %and3A_91] : memref<512x32xf32, #tpu.memory_space<vmem>>[vector<16xi32>, vector<16xi32>], vector<16xf32>,
      tpu.vector_store_idx %arg8[%and3A_91, %add3A_499], %gather3A_513 : memref<32x512xf32, #tpu.memory_space<vmem>>[vector<16xi32>, vector<16xi32>], vector<16xf32>,
      %gather3A_514 = tpu.vector_load_idx %arg6[%add3A_499, %and3A_97] : memref<512x32xf32, #tpu.memory_space<vmem>>[vector<16xi32>, vector<16xi32>], vector<16xf32>,
      tpu.vector_store_idx %arg8[%and3A_97, %add3A_499], %gather3A_514 : memref<32x512xf32, #tpu.memory_space<vmem>>[vector<16xi32>, vector<16xi32>], vector<16xf32>,
      %gather3A_515 = tpu.vector_load_idx %arg6[%add3A_499, %and3A_103] : memref<512x32xf32, #tpu.memory_space<vmem>>[vector<16xi32>, vector<16xi32>], vector<16xf32>,
      tpu.vector_store_idx %arg8[%and3A_103, %add3A_499], %gather3A_515 : memref<32x512xf32, #tpu.memory_space<vmem>>[vector<16xi32>, vector<16xi32>], vector<16xf32>,
      %gather3A_516 = tpu.vector_load_idx %arg6[%add3A_499, %and3A_109] : memref<512x32xf32, #tpu.memory_space<vmem>>[vector<16xi32>, vector<16xi32>], vector<16xf32>,
      tpu.vector_store_idx %arg8[%and3A_109, %add3A_499], %gather3A_516 : memref<32x512xf32, #tpu.memory_space<vmem>>[vector<16xi32>, vector<16xi32>], vector<16xf32>,
      %gather3A_517 = tpu.vector_load_idx %arg6[%add3A_499, %and3A_115] : memref<512x32xf32, #tpu.memory_space<vmem>>[vector<16xi32>, vector<16xi32>], vector<16xf32>,
      tpu.vector_store_idx %arg8[%and3A_115, %add3A_499], %gather3A_517 : memref<32x512xf32, #tpu.memory_space<vmem>>[vector<16xi32>, vector<16xi32>], vector<16xf32>,
      %gather3A_518 = tpu.vector_load_idx %arg6[%add3A_499, %and3A_121] : memref<512x32xf32, #tpu.memory_space<vmem>>[vector<16xi32>, vector<16xi32>], vector<16xf32>,
      tpu.vector_store_idx %arg8[%and3A_121, %add3A_499], %gather3A_518 : memref<32x512xf32, #tpu.memory_space<vmem>>[vector<16xi32>, vector<16xi32>], vector<16xf32>,
      %gather3A_519 = tpu.vector_load_idx %arg6[%add3A_499, %and3A_127] : memref<512x32xf32, #tpu.memory_space<vmem>>[vector<16xi32>, vector<16xi32>], vector<16xf32>,
      tpu.vector_store_idx %arg8[%and3A_127, %add3A_499], %gather3A_519 : memref<32x512xf32, #tpu.memory_space<vmem>>[vector<16xi32>, vector<16xi32>], vector<16xf32>,
      %gather3A_520 = tpu.vector_load_idx %arg6[%add3A_499, %and3A_133] : memref<512x32xf32, #tpu.memory_space<vmem>>[vector<16xi32>, vector<16xi32>], vector<16xf32>,
      tpu.vector_store_idx %arg8[%and3A_133, %add3A_499], %gather3A_520 : memref<32x512xf32, #tpu.memory_space<vmem>>[vector<16xi32>, vector<16xi32>], vector<16xf32>,
      %gather3A_521 = tpu.vector_load_idx %arg6[%add3A_499, %and3A_139] : memref<512x32xf32, #tpu.memory_space<vmem>>[vector<16xi32>, vector<16xi32>], vector<16xf32>,
      tpu.vector_store_idx %arg8[%and3A_139, %add3A_499], %gather3A_521 : memref<32x512xf32, #tpu.memory_space<vmem>>[vector<16xi32>, vector<16xi32>], vector<16xf32>,
      %gather3A_522 = tpu.vector_load_idx %arg6[%add3A_499, %and3A_145] : memref<512x32xf32, #tpu.memory_space<vmem>>[vector<16xi32>, vector<16xi32>], vector<16xf32>,
      tpu.vector_store_idx %arg8[%and3A_145, %add3A_499], %gather3A_522 : memref<32x512xf32, #tpu.memory_space<vmem>>[vector<16xi32>, vector<16xi32>], vector<16xf32>,
      %gather3A_523 = tpu.vector_load_idx %arg6[%add3A_499, %and3A_151] : memref<512x32xf32, #tpu.memory_space<vmem>>[vector<16xi32>, vector<16xi32>], vector<16xf32>,
      tpu.vector_store_idx %arg8[%and3A_151, %add3A_499], %gather3A_523 : memref<32x512xf32, #tpu.memory_space<vmem>>[vector<16xi32>, vector<16xi32>], vector<16xf32>,
      %gather3A_524 = tpu.vector_load_idx %arg6[%add3A_499, %and3A_157] : memref<512x32xf32, #tpu.memory_space<vmem>>[vector<16xi32>, vector<16xi32>], vector<16xf32>,
      tpu.vector_store_idx %arg8[%and3A_157, %add3A_499], %gather3A_524 : memref<32x512xf32, #tpu.memory_space<vmem>>[vector<16xi32>, vector<16xi32>], vector<16xf32>,
      %gather3A_525 = tpu.vector_load_idx %arg6[%add3A_499, %and3A_163] : memref<512x32xf32, #tpu.memory_space<vmem>>[vector<16xi32>, vector<16xi32>], vector<16xf32>,
      tpu.vector_store_idx %arg8[%and3A_163, %add3A_499], %gather3A_525 : memref<32x512xf32, #tpu.memory_space<vmem>>[vector<16xi32>, vector<16xi32>], vector<16xf32>,
      %gather3A_526 = tpu.vector_load_idx %arg6[%add3A_499, %and3A_169] : memref<512x32xf32, #tpu.memory_space<vmem>>[vector<16xi32>, vector<16xi32>], vector<16xf32>,
      tpu.vector_store_idx %arg8[%and3A_169, %add3A_499], %gather3A_526 : memref<32x512xf32, #tpu.memory_space<vmem>>[vector<16xi32>, vector<16xi32>], vector<16xf32>,
      %gather3A_527 = tpu.vector_load_idx %arg6[%add3A_499, %and3A_175] : memref<512x32xf32, #tpu.memory_space<vmem>>[vector<16xi32>, vector<16xi32>], vector<16xf32>,
      tpu.vector_store_idx %arg8[%and3A_175, %add3A_499], %gather3A_527 : memref<32x512xf32, #tpu.memory_space<vmem>>[vector<16xi32>, vector<16xi32>], vector<16xf32>,
      %gather3A_528 = tpu.vector_load_idx %arg6[%add3A_499, %and3A_181] : memref<512x32xf32, #tpu.memory_space<vmem>>[vector<16xi32>, vector<16xi32>], vector<16xf32>,
      tpu.vector_store_idx %arg8[%and3A_181, %add3A_499], %gather3A_528 : memref<32x512xf32, #tpu.memory_space<vmem>>[vector<16xi32>, vector<16xi32>], vector<16xf32>,
      %gather3A_529 = tpu.vector_load_idx %arg6[%add3A_499, %and3A_187] : memref<512x32xf32, #tpu.memory_space<vmem>>[vector<16xi32>, vector<16xi32>], vector<16xf32>,
      tpu.vector_store_idx %arg8[%and3A_187, %add3A_499], %gather3A_529 : memref<32x512xf32, #tpu.memory_space<vmem>>[vector<16xi32>, vector<16xi32>], vector<16xf32>,
      %gather3A_530 = tpu.vector_load_idx %arg6[%add3A_499, %and3A_193] : memref<512x32xf32, #tpu.memory_space<vmem>>[vector<16xi32>, vector<16xi32>], vector<16xf32>,
      tpu.vector_store_idx %arg8[%and3A_193, %add3A_499], %gather3A_530 : memref<32x512xf32, #tpu.memory_space<vmem>>[vector<16xi32>, vector<16xi32>], vector<16xf32>,
      %scan3A_531 = arith.constant 0 : i32
      %scan3A_532 = arith.constant 1 : i32
      %scan3A_533 = arith.addi %scan3A_494, %scan3A_532 : i32
      %mul3A_534 = arith.constant 16 : i32
      %mul3A_535 = arith.muli %scan3A_533, %mul3A_534 : i32
      %add3A_536 = vector.broadcast %mul3A_535 : i32 to vector<16xi32>
      %add3A_537 = arith.addi %iota3A, %add3A_536 : vector<16xi32>
      %gather3A_538 = tpu.vector_load_idx %arg6[%add3A_537, %and3A_7] : memref<512x32xf32, #tpu.memory_space<vmem>>[vector<16xi32>, vector<16xi32>], vector<16xf32>,
      tpu.vector_store_idx %arg8[%and3A_7, %add3A_537], %gather3A_538 : memref<32x512xf32, #tpu.memory_space<vmem>>[vector<16xi32>, vector<16xi32>], vector<16xf32>,
      %gather3A_539 = tpu.vector_load_idx %arg6[%add3A_537, %and3A_13] : memref<512x32xf32, #tpu.memory_space<vmem>>[vector<16xi32>, vector<16xi32>], vector<16xf32>,
      tpu.vector_store_idx %arg8[%and3A_13, %add3A_537], %gather3A_539 : memref<32x512xf32, #tpu.memory_space<vmem>>[vector<16xi32>, vector<16xi32>], vector<16xf32>,
      %gather3A_540 = tpu.vector_load_idx %arg6[%add3A_537, %and3A_19] : memref<512x32xf32, #tpu.memory_space<vmem>>[vector<16xi32>, vector<16xi32>], vector<16xf32>,
      tpu.vector_store_idx %arg8[%and3A_19, %add3A_537], %gather3A_540 : memref<32x512xf32, #tpu.memory_space<vmem>>[vector<16xi32>, vector<16xi32>], vector<16xf32>,
      %gather3A_541 = tpu.vector_load_idx %arg6[%add3A_537, %and3A_25] : memref<512x32xf32, #tpu.memory_space<vmem>>[vector<16xi32>, vector<16xi32>], vector<16xf32>,
      tpu.vector_store_idx %arg8[%and3A_25, %add3A_537], %gather3A_541 : memref<32x512xf32, #tpu.memory_space<vmem>>[vector<16xi32>, vector<16xi32>], vector<16xf32>,
      %gather3A_542 = tpu.vector_load_idx %arg6[%add3A_537, %and3A_31] : memref<512x32xf32, #tpu.memory_space<vmem>>[vector<16xi32>, vector<16xi32>], vector<16xf32>,
      tpu.vector_store_idx %arg8[%and3A_31, %add3A_537], %gather3A_542 : memref<32x512xf32, #tpu.memory_space<vmem>>[vector<16xi32>, vector<16xi32>], vector<16xf32>,
      %gather3A_543 = tpu.vector_load_idx %arg6[%add3A_537, %and3A_37] : memref<512x32xf32, #tpu.memory_space<vmem>>[vector<16xi32>, vector<16xi32>], vector<16xf32>,
      tpu.vector_store_idx %arg8[%and3A_37, %add3A_537], %gather3A_543 : memref<32x512xf32, #tpu.memory_space<vmem>>[vector<16xi32>, vector<16xi32>], vector<16xf32>,
      %gather3A_544 = tpu.vector_load_idx %arg6[%add3A_537, %and3A_43] : memref<512x32xf32, #tpu.memory_space<vmem>>[vector<16xi32>, vector<16xi32>], vector<16xf32>,
      tpu.vector_store_idx %arg8[%and3A_43, %add3A_537], %gather3A_544 : memref<32x512xf32, #tpu.memory_space<vmem>>[vector<16xi32>, vector<16xi32>], vector<16xf32>,
      %gather3A_545 = tpu.vector_load_idx %arg6[%add3A_537, %and3A_49] : memref<512x32xf32, #tpu.memory_space<vmem>>[vector<16xi32>, vector<16xi32>], vector<16xf32>,
      tpu.vector_store_idx %arg8[%and3A_49, %add3A_537], %gather3A_545 : memref<32x512xf32, #tpu.memory_space<vmem>>[vector<16xi32>, vector<16xi32>], vector<16xf32>,
      %gather3A_546 = tpu.vector_load_idx %arg6[%add3A_537, %and3A_55] : memref<512x32xf32, #tpu.memory_space<vmem>>[vector<16xi32>, vector<16xi32>], vector<16xf32>,
      tpu.vector_store_idx %arg8[%and3A_55, %add3A_537], %gather3A_546 : memref<32x512xf32, #tpu.memory_space<vmem>>[vector<16xi32>, vector<16xi32>], vector<16xf32>,
      %gather3A_547 = tpu.vector_load_idx %arg6[%add3A_537, %and3A_61] : memref<512x32xf32, #tpu.memory_space<vmem>>[vector<16xi32>, vector<16xi32>], vector<16xf32>,
      tpu.vector_store_idx %arg8[%and3A_61, %add3A_537], %gather3A_547 : memref<32x512xf32, #tpu.memory_space<vmem>>[vector<16xi32>, vector<16xi32>], vector<16xf32>,
      %gather3A_548 = tpu.vector_load_idx %arg6[%add3A_537, %and3A_67] : memref<512x32xf32, #tpu.memory_space<vmem>>[vector<16xi32>, vector<16xi32>], vector<16xf32>,
      tpu.vector_store_idx %arg8[%and3A_67, %add3A_537], %gather3A_548 : memref<32x512xf32, #tpu.memory_space<vmem>>[vector<16xi32>, vector<16xi32>], vector<16xf32>,
      %gather3A_549 = tpu.vector_load_idx %arg6[%add3A_537, %and3A_73] : memref<512x32xf32, #tpu.memory_space<vmem>>[vector<16xi32>, vector<16xi32>], vector<16xf32>,
      tpu.vector_store_idx %arg8[%and3A_73, %add3A_537], %gather3A_549 : memref<32x512xf32, #tpu.memory_space<vmem>>[vector<16xi32>, vector<16xi32>], vector<16xf32>,
      %gather3A_550 = tpu.vector_load_idx %arg6[%add3A_537, %and3A_79] : memref<512x32xf32, #tpu.memory_space<vmem>>[vector<16xi32>, vector<16xi32>], vector<16xf32>,
      tpu.vector_store_idx %arg8[%and3A_79, %add3A_537], %gather3A_550 : memref<32x512xf32, #tpu.memory_space<vmem>>[vector<16xi32>, vector<16xi32>], vector<16xf32>,
      %gather3A_551 = tpu.vector_load_idx %arg6[%add3A_537, %and3A_85] : memref<512x32xf32, #tpu.memory_space<vmem>>[vector<16xi32>, vector<16xi32>], vector<16xf32>,
      tpu.vector_store_idx %arg8[%and3A_85, %add3A_537], %gather3A_551 : memref<32x512xf32, #tpu.memory_space<vmem>>[vector<16xi32>, vector<16xi32>], vector<16xf32>,
      %gather3A_552 = tpu.vector_load_idx %arg6[%add3A_537, %and3A_91] : memref<512x32xf32, #tpu.memory_space<vmem>>[vector<16xi32>, vector<16xi32>], vector<16xf32>,
      tpu.vector_store_idx %arg8[%and3A_91, %add3A_537], %gather3A_552 : memref<32x512xf32, #tpu.memory_space<vmem>>[vector<16xi32>, vector<16xi32>], vector<16xf32>,
      %gather3A_553 = tpu.vector_load_idx %arg6[%add3A_537, %and3A_97] : memref<512x32xf32, #tpu.memory_space<vmem>>[vector<16xi32>, vector<16xi32>], vector<16xf32>,
      tpu.vector_store_idx %arg8[%and3A_97, %add3A_537], %gather3A_553 : memref<32x512xf32, #tpu.memory_space<vmem>>[vector<16xi32>, vector<16xi32>], vector<16xf32>,
      %gather3A_554 = tpu.vector_load_idx %arg6[%add3A_537, %and3A_103] : memref<512x32xf32, #tpu.memory_space<vmem>>[vector<16xi32>, vector<16xi32>], vector<16xf32>,
      tpu.vector_store_idx %arg8[%and3A_103, %add3A_537], %gather3A_554 : memref<32x512xf32, #tpu.memory_space<vmem>>[vector<16xi32>, vector<16xi32>], vector<16xf32>,
      %gather3A_555 = tpu.vector_load_idx %arg6[%add3A_537, %and3A_109] : memref<512x32xf32, #tpu.memory_space<vmem>>[vector<16xi32>, vector<16xi32>], vector<16xf32>,
      tpu.vector_store_idx %arg8[%and3A_109, %add3A_537], %gather3A_555 : memref<32x512xf32, #tpu.memory_space<vmem>>[vector<16xi32>, vector<16xi32>], vector<16xf32>,
      %gather3A_556 = tpu.vector_load_idx %arg6[%add3A_537, %and3A_115] : memref<512x32xf32, #tpu.memory_space<vmem>>[vector<16xi32>, vector<16xi32>], vector<16xf32>,
      tpu.vector_store_idx %arg8[%and3A_115, %add3A_537], %gather3A_556 : memref<32x512xf32, #tpu.memory_space<vmem>>[vector<16xi32>, vector<16xi32>], vector<16xf32>,
      %gather3A_557 = tpu.vector_load_idx %arg6[%add3A_537, %and3A_121] : memref<512x32xf32, #tpu.memory_space<vmem>>[vector<16xi32>, vector<16xi32>], vector<16xf32>,
      tpu.vector_store_idx %arg8[%and3A_121, %add3A_537], %gather3A_557 : memref<32x512xf32, #tpu.memory_space<vmem>>[vector<16xi32>, vector<16xi32>], vector<16xf32>,
      %gather3A_558 = tpu.vector_load_idx %arg6[%add3A_537, %and3A_127] : memref<512x32xf32, #tpu.memory_space<vmem>>[vector<16xi32>, vector<16xi32>], vector<16xf32>,
      tpu.vector_store_idx %arg8[%and3A_127, %add3A_537], %gather3A_558 : memref<32x512xf32, #tpu.memory_space<vmem>>[vector<16xi32>, vector<16xi32>], vector<16xf32>,
      %gather3A_559 = tpu.vector_load_idx %arg6[%add3A_537, %and3A_133] : memref<512x32xf32, #tpu.memory_space<vmem>>[vector<16xi32>, vector<16xi32>], vector<16xf32>,
      tpu.vector_store_idx %arg8[%and3A_133, %add3A_537], %gather3A_559 : memref<32x512xf32, #tpu.memory_space<vmem>>[vector<16xi32>, vector<16xi32>], vector<16xf32>,
      %gather3A_560 = tpu.vector_load_idx %arg6[%add3A_537, %and3A_139] : memref<512x32xf32, #tpu.memory_space<vmem>>[vector<16xi32>, vector<16xi32>], vector<16xf32>,
      tpu.vector_store_idx %arg8[%and3A_139, %add3A_537], %gather3A_560 : memref<32x512xf32, #tpu.memory_space<vmem>>[vector<16xi32>, vector<16xi32>], vector<16xf32>,
      %gather3A_561 = tpu.vector_load_idx %arg6[%add3A_537, %and3A_145] : memref<512x32xf32, #tpu.memory_space<vmem>>[vector<16xi32>, vector<16xi32>], vector<16xf32>,
      tpu.vector_store_idx %arg8[%and3A_145, %add3A_537], %gather3A_561 : memref<32x512xf32, #tpu.memory_space<vmem>>[vector<16xi32>, vector<16xi32>], vector<16xf32>,
      %gather3A_562 = tpu.vector_load_idx %arg6[%add3A_537, %and3A_151] : memref<512x32xf32, #tpu.memory_space<vmem>>[vector<16xi32>, vector<16xi32>], vector<16xf32>,
      tpu.vector_store_idx %arg8[%and3A_151, %add3A_537], %gather3A_562 : memref<32x512xf32, #tpu.memory_space<vmem>>[vector<16xi32>, vector<16xi32>], vector<16xf32>,
      %gather3A_563 = tpu.vector_load_idx %arg6[%add3A_537, %and3A_157] : memref<512x32xf32, #tpu.memory_space<vmem>>[vector<16xi32>, vector<16xi32>], vector<16xf32>,
      tpu.vector_store_idx %arg8[%and3A_157, %add3A_537], %gather3A_563 : memref<32x512xf32, #tpu.memory_space<vmem>>[vector<16xi32>, vector<16xi32>], vector<16xf32>,
      %gather3A_564 = tpu.vector_load_idx %arg6[%add3A_537, %and3A_163] : memref<512x32xf32, #tpu.memory_space<vmem>>[vector<16xi32>, vector<16xi32>], vector<16xf32>,
      tpu.vector_store_idx %arg8[%and3A_163, %add3A_537], %gather3A_564 : memref<32x512xf32, #tpu.memory_space<vmem>>[vector<16xi32>, vector<16xi32>], vector<16xf32>,
      %gather3A_565 = tpu.vector_load_idx %arg6[%add3A_537, %and3A_169] : memref<512x32xf32, #tpu.memory_space<vmem>>[vector<16xi32>, vector<16xi32>], vector<16xf32>,
      tpu.vector_store_idx %arg8[%and3A_169, %add3A_537], %gather3A_565 : memref<32x512xf32, #tpu.memory_space<vmem>>[vector<16xi32>, vector<16xi32>], vector<16xf32>,
      %gather3A_566 = tpu.vector_load_idx %arg6[%add3A_537, %and3A_175] : memref<512x32xf32, #tpu.memory_space<vmem>>[vector<16xi32>, vector<16xi32>], vector<16xf32>,
      tpu.vector_store_idx %arg8[%and3A_175, %add3A_537], %gather3A_566 : memref<32x512xf32, #tpu.memory_space<vmem>>[vector<16xi32>, vector<16xi32>], vector<16xf32>,
      %gather3A_567 = tpu.vector_load_idx %arg6[%add3A_537, %and3A_181] : memref<512x32xf32, #tpu.memory_space<vmem>>[vector<16xi32>, vector<16xi32>], vector<16xf32>,
      tpu.vector_store_idx %arg8[%and3A_181, %add3A_537], %gather3A_567 : memref<32x512xf32, #tpu.memory_space<vmem>>[vector<16xi32>, vector<16xi32>], vector<16xf32>,
      %gather3A_568 = tpu.vector_load_idx %arg6[%add3A_537, %and3A_187] : memref<512x32xf32, #tpu.memory_space<vmem>>[vector<16xi32>, vector<16xi32>], vector<16xf32>,
      tpu.vector_store_idx %arg8[%and3A_187, %add3A_537], %gather3A_568 : memref<32x512xf32, #tpu.memory_space<vmem>>[vector<16xi32>, vector<16xi32>], vector<16xf32>,
      %gather3A_569 = tpu.vector_load_idx %arg6[%add3A_537, %and3A_193] : memref<512x32xf32, #tpu.memory_space<vmem>>[vector<16xi32>, vector<16xi32>], vector<16xf32>,
      tpu.vector_store_idx %arg8[%and3A_193, %add3A_537], %gather3A_569 : memref<32x512xf32, #tpu.memory_space<vmem>>[vector<16xi32>, vector<16xi32>], vector<16xf32>,
      %scan3A_570 = arith.constant 0 : i32
      scf.yield %scan3A_570 : i32
    }
    %scan3A_436 = arith.constant 32 : i32
    %dma_start3A_437 = arith.constant 48 : i32
    %dma_start3A_438 = arith.constant 0 : i32
    %dma_start3A_439 = tpu.memref_slice %arg4[%dma_start3A_437, %dma_start3A_438, %multiple_of3A] : memref<50x32x16384xf32, #tpu.memory_space<hbm>> -> memref<1x32x512xf32, #tpu.memory_space<hbm>>
    %dma_start3A_440 = tpu.memref_squeeze %dma_start3A_439 : memref<1x32x512xf32, #tpu.memory_space<hbm>> -> memref<32x512xf32, #tpu.memory_space<hbm>>
    %dma_start3A_441 = arith.constant 0 : i32
    %dma_start3A_442 = tpu.memref_slice %arg4[%dma_start3A_437, %dma_start3A_441, %multiple_of3A] : memref<50x32x16384xf32, #tpu.memory_space<hbm>> -> memref<1x32x512xf32, #tpu.memory_space<hbm>>
    %dma_start3A_443 = tpu.memref_squeeze %dma_start3A_442 : memref<1x32x512xf32, #tpu.memory_space<hbm>> -> memref<32x512xf32, #tpu.memory_space<hbm>>
    tpu.enqueue_dma source(%arg8 : memref<32x512xf32, #tpu.memory_space<vmem>>) target(%dma_start3A_443 : memref<32x512xf32, #tpu.memory_space<hbm>>) target_semaphore(%arg13 : memref<!tpu.dma_semaphore, #tpu.memory_space<semaphore_mem>>)
    %dma_wait3A_444 = arith.constant 0 : i32
    %dma_wait3A_445 = arith.constant 0 : i32
    %dma_wait3A_446 = arith.constant 0 : i32
    %dma_wait3A_447 = tpu.memref_slice %arg4[%dma_wait3A_444, %dma_wait3A_445, %dma_wait3A_446] : memref<50x32x16384xf32, #tpu.memory_space<hbm>> -> memref<1x32x512xf32, #tpu.memory_space<hbm>>
    %dma_wait3A_448 = tpu.memref_squeeze %dma_wait3A_447 : memref<1x32x512xf32, #tpu.memory_space<hbm>> -> memref<32x512xf32, #tpu.memory_space<hbm>>
    %dma_wait3A_449 = arith.constant 0 : i32
    %dma_wait3A_450 = arith.constant 0 : i32
    %dma_wait3A_451 = tpu.memref_slice %arg4[%dma_wait3A_444, %dma_wait3A_449, %dma_wait3A_450] : memref<50x32x16384xf32, #tpu.memory_space<hbm>> -> memref<1x32x512xf32, #tpu.memory_space<hbm>>
    %dma_wait3A_452 = tpu.memref_squeeze %dma_wait3A_451 : memref<1x32x512xf32, #tpu.memory_space<hbm>> -> memref<32x512xf32, #tpu.memory_space<hbm>>
    tpu.wait_dma2 semaphore(%arg12 : memref<!tpu.dma_semaphore, #tpu.memory_space<semaphore_mem>>) src(%dma_wait3A_452 : memref<32x512xf32, #tpu.memory_space<hbm>>) dst(%arg7 : memref<512x32xf32, #tpu.memory_space<vmem>>)
    %dma_wait3A_453 = arith.constant 0 : i32
    %dma_wait3A_454 = arith.constant 0 : i32
    %dma_wait3A_455 = arith.constant 0 : i32
    %dma_wait3A_456 = tpu.memref_slice %arg4[%dma_wait3A_453, %dma_wait3A_454, %dma_wait3A_455] : memref<50x32x16384xf32, #tpu.memory_space<hbm>> -> memref<1x32x512xf32, #tpu.memory_space<hbm>>
    %dma_wait3A_457 = tpu.memref_squeeze %dma_wait3A_456 : memref<1x32x512xf32, #tpu.memory_space<hbm>> -> memref<32x512xf32, #tpu.memory_space<hbm>>
    %dma_wait3A_458 = arith.constant 0 : i32
    %dma_wait3A_459 = arith.constant 0 : i32
    %dma_wait3A_460 = tpu.memref_slice %arg4[%dma_wait3A_453, %dma_wait3A_458, %dma_wait3A_459] : memref<50x32x16384xf32, #tpu.memory_space<hbm>> -> memref<1x32x512xf32, #tpu.memory_space<hbm>>
    %dma_wait3A_461 = tpu.memref_squeeze %dma_wait3A_460 : memref<1x32x512xf32, #tpu.memory_space<hbm>> -> memref<32x512xf32, #tpu.memory_space<hbm>>
    tpu.wait_dma2 semaphore(%arg14 : memref<!tpu.dma_semaphore, #tpu.memory_space<semaphore_mem>>) src(%arg9 : memref<32x512xf32, #tpu.memory_space<vmem>>) dst(%dma_wait3A_461 : memref<32x512xf32, #tpu.memory_space<hbm>>)
    %scan3A_462 = arith.constant 0 : i32
    %scan3A_463 = arith.constant 0 : i32
    %scan3A_464 = arith.constant 32 : i32
    %scan3A_465 = arith.addi %scan3A_463, %scan3A_464 : i32
    %scan3A_466 = arith.constant 2 : i32
    %scan3A_467 = scf.for %scan3A_494 = %scan3A_463 to %scan3A_465 step %scan3A_466 iter_args(%scan3A_495 = %scan3A_462) -> (i32)  : i32 {
      %mul3A_496 = arith.constant 16 : i32
      %mul3A_497 = arith.muli %scan3A_494, %mul3A_496 : i32
      %add3A_498 = vector.broadcast %mul3A_497 : i32 to vector<16xi32>
      %add3A_499 = arith.addi %iota3A, %add3A_498 : vector<16xi32>
      %gather3A = tpu.vector_load_idx %arg7[%add3A_499, %and3A_7] : memref<512x32xf32, #tpu.memory_space<vmem>>[vector<16xi32>, vector<16xi32>], vector<16xf32>,
      tpu.vector_store_idx %arg9[%and3A_7, %add3A_499], %gather3A : memref<32x512xf32, #tpu.memory_space<vmem>>[vector<16xi32>, vector<16xi32>], vector<16xf32>,
      %gather3A_500 = tpu.vector_load_idx %arg7[%add3A_499, %and3A_13] : memref<512x32xf32, #tpu.memory_space<vmem>>[vector<16xi32>, vector<16xi32>], vector<16xf32>,
      tpu.vector_store_idx %arg9[%and3A_13, %add3A_499], %gather3A_500 : memref<32x512xf32, #tpu.memory_space<vmem>>[vector<16xi32>, vector<16xi32>], vector<16xf32>,
      %gather3A_501 = tpu.vector_load_idx %arg7[%add3A_499, %and3A_19] : memref<512x32xf32, #tpu.memory_space<vmem>>[vector<16xi32>, vector<16xi32>], vector<16xf32>,
      tpu.vector_store_idx %arg9[%and3A_19, %add3A_499], %gather3A_501 : memref<32x512xf32, #tpu.memory_space<vmem>>[vector<16xi32>, vector<16xi32>], vector<16xf32>,
      %gather3A_502 = tpu.vector_load_idx %arg7[%add3A_499, %and3A_25] : memref<512x32xf32, #tpu.memory_space<vmem>>[vector<16xi32>, vector<16xi32>], vector<16xf32>,
      tpu.vector_store_idx %arg9[%and3A_25, %add3A_499], %gather3A_502 : memref<32x512xf32, #tpu.memory_space<vmem>>[vector<16xi32>, vector<16xi32>], vector<16xf32>,
      %gather3A_503 = tpu.vector_load_idx %arg7[%add3A_499, %and3A_31] : memref<512x32xf32, #tpu.memory_space<vmem>>[vector<16xi32>, vector<16xi32>], vector<16xf32>,
      tpu.vector_store_idx %arg9[%and3A_31, %add3A_499], %gather3A_503 : memref<32x512xf32, #tpu.memory_space<vmem>>[vector<16xi32>, vector<16xi32>], vector<16xf32>,
      %gather3A_504 = tpu.vector_load_idx %arg7[%add3A_499, %and3A_37] : memref<512x32xf32, #tpu.memory_space<vmem>>[vector<16xi32>, vector<16xi32>], vector<16xf32>,
      tpu.vector_store_idx %arg9[%and3A_37, %add3A_499], %gather3A_504 : memref<32x512xf32, #tpu.memory_space<vmem>>[vector<16xi32>, vector<16xi32>], vector<16xf32>,
      %gather3A_505 = tpu.vector_load_idx %arg7[%add3A_499, %and3A_43] : memref<512x32xf32, #tpu.memory_space<vmem>>[vector<16xi32>, vector<16xi32>], vector<16xf32>,
      tpu.vector_store_idx %arg9[%and3A_43, %add3A_499], %gather3A_505 : memref<32x512xf32, #tpu.memory_space<vmem>>[vector<16xi32>, vector<16xi32>], vector<16xf32>,
      %gather3A_506 = tpu.vector_load_idx %arg7[%add3A_499, %and3A_49] : memref<512x32xf32, #tpu.memory_space<vmem>>[vector<16xi32>, vector<16xi32>], vector<16xf32>,
      tpu.vector_store_idx %arg9[%and3A_49, %add3A_499], %gather3A_506 : memref<32x512xf32, #tpu.memory_space<vmem>>[vector<16xi32>, vector<16xi32>], vector<16xf32>,
      %gather3A_507 = tpu.vector_load_idx %arg7[%add3A_499, %and3A_55] : memref<512x32xf32, #tpu.memory_space<vmem>>[vector<16xi32>, vector<16xi32>], vector<16xf32>,
      tpu.vector_store_idx %arg9[%and3A_55, %add3A_499], %gather3A_507 : memref<32x512xf32, #tpu.memory_space<vmem>>[vector<16xi32>, vector<16xi32>], vector<16xf32>,
      %gather3A_508 = tpu.vector_load_idx %arg7[%add3A_499, %and3A_61] : memref<512x32xf32, #tpu.memory_space<vmem>>[vector<16xi32>, vector<16xi32>], vector<16xf32>,
      tpu.vector_store_idx %arg9[%and3A_61, %add3A_499], %gather3A_508 : memref<32x512xf32, #tpu.memory_space<vmem>>[vector<16xi32>, vector<16xi32>], vector<16xf32>,
      %gather3A_509 = tpu.vector_load_idx %arg7[%add3A_499, %and3A_67] : memref<512x32xf32, #tpu.memory_space<vmem>>[vector<16xi32>, vector<16xi32>], vector<16xf32>,
      tpu.vector_store_idx %arg9[%and3A_67, %add3A_499], %gather3A_509 : memref<32x512xf32, #tpu.memory_space<vmem>>[vector<16xi32>, vector<16xi32>], vector<16xf32>,
      %gather3A_510 = tpu.vector_load_idx %arg7[%add3A_499, %and3A_73] : memref<512x32xf32, #tpu.memory_space<vmem>>[vector<16xi32>, vector<16xi32>], vector<16xf32>,
      tpu.vector_store_idx %arg9[%and3A_73, %add3A_499], %gather3A_510 : memref<32x512xf32, #tpu.memory_space<vmem>>[vector<16xi32>, vector<16xi32>], vector<16xf32>,
      %gather3A_511 = tpu.vector_load_idx %arg7[%add3A_499, %and3A_79] : memref<512x32xf32, #tpu.memory_space<vmem>>[vector<16xi32>, vector<16xi32>], vector<16xf32>,
      tpu.vector_store_idx %arg9[%and3A_79, %add3A_499], %gather3A_511 : memref<32x512xf32, #tpu.memory_space<vmem>>[vector<16xi32>, vector<16xi32>], vector<16xf32>,
      %gather3A_512 = tpu.vector_load_idx %arg7[%add3A_499, %and3A_85] : memref<512x32xf32, #tpu.memory_space<vmem>>[vector<16xi32>, vector<16xi32>], vector<16xf32>,
      tpu.vector_store_idx %arg9[%and3A_85, %add3A_499], %gather3A_512 : memref<32x512xf32, #tpu.memory_space<vmem>>[vector<16xi32>, vector<16xi32>], vector<16xf32>,
      %gather3A_513 = tpu.vector_load_idx %arg7[%add3A_499, %and3A_91] : memref<512x32xf32, #tpu.memory_space<vmem>>[vector<16xi32>, vector<16xi32>], vector<16xf32>,
      tpu.vector_store_idx %arg9[%and3A_91, %add3A_499], %gather3A_513 : memref<32x512xf32, #tpu.memory_space<vmem>>[vector<16xi32>, vector<16xi32>], vector<16xf32>,
      %gather3A_514 = tpu.vector_load_idx %arg7[%add3A_499, %and3A_97] : memref<512x32xf32, #tpu.memory_space<vmem>>[vector<16xi32>, vector<16xi32>], vector<16xf32>,
      tpu.vector_store_idx %arg9[%and3A_97, %add3A_499], %gather3A_514 : memref<32x512xf32, #tpu.memory_space<vmem>>[vector<16xi32>, vector<16xi32>], vector<16xf32>,
      %gather3A_515 = tpu.vector_load_idx %arg7[%add3A_499, %and3A_103] : memref<512x32xf32, #tpu.memory_space<vmem>>[vector<16xi32>, vector<16xi32>], vector<16xf32>,
      tpu.vector_store_idx %arg9[%and3A_103, %add3A_499], %gather3A_515 : memref<32x512xf32, #tpu.memory_space<vmem>>[vector<16xi32>, vector<16xi32>], vector<16xf32>,
      %gather3A_516 = tpu.vector_load_idx %arg7[%add3A_499, %and3A_109] : memref<512x32xf32, #tpu.memory_space<vmem>>[vector<16xi32>, vector<16xi32>], vector<16xf32>,
      tpu.vector_store_idx %arg9[%and3A_109, %add3A_499], %gather3A_516 : memref<32x512xf32, #tpu.memory_space<vmem>>[vector<16xi32>, vector<16xi32>], vector<16xf32>,
      %gather3A_517 = tpu.vector_load_idx %arg7[%add3A_499, %and3A_115] : memref<512x32xf32, #tpu.memory_space<vmem>>[vector<16xi32>, vector<16xi32>], vector<16xf32>,
      tpu.vector_store_idx %arg9[%and3A_115, %add3A_499], %gather3A_517 : memref<32x512xf32, #tpu.memory_space<vmem>>[vector<16xi32>, vector<16xi32>], vector<16xf32>,
      %gather3A_518 = tpu.vector_load_idx %arg7[%add3A_499, %and3A_121] : memref<512x32xf32, #tpu.memory_space<vmem>>[vector<16xi32>, vector<16xi32>], vector<16xf32>,
      tpu.vector_store_idx %arg9[%and3A_121, %add3A_499], %gather3A_518 : memref<32x512xf32, #tpu.memory_space<vmem>>[vector<16xi32>, vector<16xi32>], vector<16xf32>,
      %gather3A_519 = tpu.vector_load_idx %arg7[%add3A_499, %and3A_127] : memref<512x32xf32, #tpu.memory_space<vmem>>[vector<16xi32>, vector<16xi32>], vector<16xf32>,
      tpu.vector_store_idx %arg9[%and3A_127, %add3A_499], %gather3A_519 : memref<32x512xf32, #tpu.memory_space<vmem>>[vector<16xi32>, vector<16xi32>], vector<16xf32>,
      %gather3A_520 = tpu.vector_load_idx %arg7[%add3A_499, %and3A_133] : memref<512x32xf32, #tpu.memory_space<vmem>>[vector<16xi32>, vector<16xi32>], vector<16xf32>,
      tpu.vector_store_idx %arg9[%and3A_133, %add3A_499], %gather3A_520 : memref<32x512xf32, #tpu.memory_space<vmem>>[vector<16xi32>, vector<16xi32>], vector<16xf32>,
      %gather3A_521 = tpu.vector_load_idx %arg7[%add3A_499, %and3A_139] : memref<512x32xf32, #tpu.memory_space<vmem>>[vector<16xi32>, vector<16xi32>], vector<16xf32>,
      tpu.vector_store_idx %arg9[%and3A_139, %add3A_499], %gather3A_521 : memref<32x512xf32, #tpu.memory_space<vmem>>[vector<16xi32>, vector<16xi32>], vector<16xf32>,
      %gather3A_522 = tpu.vector_load_idx %arg7[%add3A_499, %and3A_145] : memref<512x32xf32, #tpu.memory_space<vmem>>[vector<16xi32>, vector<16xi32>], vector<16xf32>,
      tpu.vector_store_idx %arg9[%and3A_145, %add3A_499], %gather3A_522 : memref<32x512xf32, #tpu.memory_space<vmem>>[vector<16xi32>, vector<16xi32>], vector<16xf32>,
      %gather3A_523 = tpu.vector_load_idx %arg7[%add3A_499, %and3A_151] : memref<512x32xf32, #tpu.memory_space<vmem>>[vector<16xi32>, vector<16xi32>], vector<16xf32>,
      tpu.vector_store_idx %arg9[%and3A_151, %add3A_499], %gather3A_523 : memref<32x512xf32, #tpu.memory_space<vmem>>[vector<16xi32>, vector<16xi32>], vector<16xf32>,
      %gather3A_524 = tpu.vector_load_idx %arg7[%add3A_499, %and3A_157] : memref<512x32xf32, #tpu.memory_space<vmem>>[vector<16xi32>, vector<16xi32>], vector<16xf32>,
      tpu.vector_store_idx %arg9[%and3A_157, %add3A_499], %gather3A_524 : memref<32x512xf32, #tpu.memory_space<vmem>>[vector<16xi32>, vector<16xi32>], vector<16xf32>,
      %gather3A_525 = tpu.vector_load_idx %arg7[%add3A_499, %and3A_163] : memref<512x32xf32, #tpu.memory_space<vmem>>[vector<16xi32>, vector<16xi32>], vector<16xf32>,
      tpu.vector_store_idx %arg9[%and3A_163, %add3A_499], %gather3A_525 : memref<32x512xf32, #tpu.memory_space<vmem>>[vector<16xi32>, vector<16xi32>], vector<16xf32>,
      %gather3A_526 = tpu.vector_load_idx %arg7[%add3A_499, %and3A_169] : memref<512x32xf32, #tpu.memory_space<vmem>>[vector<16xi32>, vector<16xi32>], vector<16xf32>,
      tpu.vector_store_idx %arg9[%and3A_169, %add3A_499], %gather3A_526 : memref<32x512xf32, #tpu.memory_space<vmem>>[vector<16xi32>, vector<16xi32>], vector<16xf32>,
      %gather3A_527 = tpu.vector_load_idx %arg7[%add3A_499, %and3A_175] : memref<512x32xf32, #tpu.memory_space<vmem>>[vector<16xi32>, vector<16xi32>], vector<16xf32>,
      tpu.vector_store_idx %arg9[%and3A_175, %add3A_499], %gather3A_527 : memref<32x512xf32, #tpu.memory_space<vmem>>[vector<16xi32>, vector<16xi32>], vector<16xf32>,
      %gather3A_528 = tpu.vector_load_idx %arg7[%add3A_499, %and3A_181] : memref<512x32xf32, #tpu.memory_space<vmem>>[vector<16xi32>, vector<16xi32>], vector<16xf32>,
      tpu.vector_store_idx %arg9[%and3A_181, %add3A_499], %gather3A_528 : memref<32x512xf32, #tpu.memory_space<vmem>>[vector<16xi32>, vector<16xi32>], vector<16xf32>,
      %gather3A_529 = tpu.vector_load_idx %arg7[%add3A_499, %and3A_187] : memref<512x32xf32, #tpu.memory_space<vmem>>[vector<16xi32>, vector<16xi32>], vector<16xf32>,
      tpu.vector_store_idx %arg9[%and3A_187, %add3A_499], %gather3A_529 : memref<32x512xf32, #tpu.memory_space<vmem>>[vector<16xi32>, vector<16xi32>], vector<16xf32>,
      %gather3A_530 = tpu.vector_load_idx %arg7[%add3A_499, %and3A_193] : memref<512x32xf32, #tpu.memory_space<vmem>>[vector<16xi32>, vector<16xi32>], vector<16xf32>,
      tpu.vector_store_idx %arg9[%and3A_193, %add3A_499], %gather3A_530 : memref<32x512xf32, #tpu.memory_space<vmem>>[vector<16xi32>, vector<16xi32>], vector<16xf32>,
      %scan3A_531 = arith.constant 0 : i32
      %scan3A_532 = arith.constant 1 : i32
      %scan3A_533 = arith.addi %scan3A_494, %scan3A_532 : i32
      %mul3A_534 = arith.constant 16 : i32
      %mul3A_535 = arith.muli %scan3A_533, %mul3A_534 : i32
      %add3A_536 = vector.broadcast %mul3A_535 : i32 to vector<16xi32>
      %add3A_537 = arith.addi %iota3A, %add3A_536 : vector<16xi32>
      %gather3A_538 = tpu.vector_load_idx %arg7[%add3A_537, %and3A_7] : memref<512x32xf32, #tpu.memory_space<vmem>>[vector<16xi32>, vector<16xi32>], vector<16xf32>,
      tpu.vector_store_idx %arg9[%and3A_7, %add3A_537], %gather3A_538 : memref<32x512xf32, #tpu.memory_space<vmem>>[vector<16xi32>, vector<16xi32>], vector<16xf32>,
      %gather3A_539 = tpu.vector_load_idx %arg7[%add3A_537, %and3A_13] : memref<512x32xf32, #tpu.memory_space<vmem>>[vector<16xi32>, vector<16xi32>], vector<16xf32>,
      tpu.vector_store_idx %arg9[%and3A_13, %add3A_537], %gather3A_539 : memref<32x512xf32, #tpu.memory_space<vmem>>[vector<16xi32>, vector<16xi32>], vector<16xf32>,
      %gather3A_540 = tpu.vector_load_idx %arg7[%add3A_537, %and3A_19] : memref<512x32xf32, #tpu.memory_space<vmem>>[vector<16xi32>, vector<16xi32>], vector<16xf32>,
      tpu.vector_store_idx %arg9[%and3A_19, %add3A_537], %gather3A_540 : memref<32x512xf32, #tpu.memory_space<vmem>>[vector<16xi32>, vector<16xi32>], vector<16xf32>,
      %gather3A_541 = tpu.vector_load_idx %arg7[%add3A_537, %and3A_25] : memref<512x32xf32, #tpu.memory_space<vmem>>[vector<16xi32>, vector<16xi32>], vector<16xf32>,
      tpu.vector_store_idx %arg9[%and3A_25, %add3A_537], %gather3A_541 : memref<32x512xf32, #tpu.memory_space<vmem>>[vector<16xi32>, vector<16xi32>], vector<16xf32>,
      %gather3A_542 = tpu.vector_load_idx %arg7[%add3A_537, %and3A_31] : memref<512x32xf32, #tpu.memory_space<vmem>>[vector<16xi32>, vector<16xi32>], vector<16xf32>,
      tpu.vector_store_idx %arg9[%and3A_31, %add3A_537], %gather3A_542 : memref<32x512xf32, #tpu.memory_space<vmem>>[vector<16xi32>, vector<16xi32>], vector<16xf32>,
      %gather3A_543 = tpu.vector_load_idx %arg7[%add3A_537, %and3A_37] : memref<512x32xf32, #tpu.memory_space<vmem>>[vector<16xi32>, vector<16xi32>], vector<16xf32>,
      tpu.vector_store_idx %arg9[%and3A_37, %add3A_537], %gather3A_543 : memref<32x512xf32, #tpu.memory_space<vmem>>[vector<16xi32>, vector<16xi32>], vector<16xf32>,
      %gather3A_544 = tpu.vector_load_idx %arg7[%add3A_537, %and3A_43] : memref<512x32xf32, #tpu.memory_space<vmem>>[vector<16xi32>, vector<16xi32>], vector<16xf32>,
      tpu.vector_store_idx %arg9[%and3A_43, %add3A_537], %gather3A_544 : memref<32x512xf32, #tpu.memory_space<vmem>>[vector<16xi32>, vector<16xi32>], vector<16xf32>,
      %gather3A_545 = tpu.vector_load_idx %arg7[%add3A_537, %and3A_49] : memref<512x32xf32, #tpu.memory_space<vmem>>[vector<16xi32>, vector<16xi32>], vector<16xf32>,
      tpu.vector_store_idx %arg9[%and3A_49, %add3A_537], %gather3A_545 : memref<32x512xf32, #tpu.memory_space<vmem>>[vector<16xi32>, vector<16xi32>], vector<16xf32>,
      %gather3A_546 = tpu.vector_load_idx %arg7[%add3A_537, %and3A_55] : memref<512x32xf32, #tpu.memory_space<vmem>>[vector<16xi32>, vector<16xi32>], vector<16xf32>,
      tpu.vector_store_idx %arg9[%and3A_55, %add3A_537], %gather3A_546 : memref<32x512xf32, #tpu.memory_space<vmem>>[vector<16xi32>, vector<16xi32>], vector<16xf32>,
      %gather3A_547 = tpu.vector_load_idx %arg7[%add3A_537, %and3A_61] : memref<512x32xf32, #tpu.memory_space<vmem>>[vector<16xi32>, vector<16xi32>], vector<16xf32>,
      tpu.vector_store_idx %arg9[%and3A_61, %add3A_537], %gather3A_547 : memref<32x512xf32, #tpu.memory_space<vmem>>[vector<16xi32>, vector<16xi32>], vector<16xf32>,
      %gather3A_548 = tpu.vector_load_idx %arg7[%add3A_537, %and3A_67] : memref<512x32xf32, #tpu.memory_space<vmem>>[vector<16xi32>, vector<16xi32>], vector<16xf32>,
      tpu.vector_store_idx %arg9[%and3A_67, %add3A_537], %gather3A_548 : memref<32x512xf32, #tpu.memory_space<vmem>>[vector<16xi32>, vector<16xi32>], vector<16xf32>,
      %gather3A_549 = tpu.vector_load_idx %arg7[%add3A_537, %and3A_73] : memref<512x32xf32, #tpu.memory_space<vmem>>[vector<16xi32>, vector<16xi32>], vector<16xf32>,
      tpu.vector_store_idx %arg9[%and3A_73, %add3A_537], %gather3A_549 : memref<32x512xf32, #tpu.memory_space<vmem>>[vector<16xi32>, vector<16xi32>], vector<16xf32>,
      %gather3A_550 = tpu.vector_load_idx %arg7[%add3A_537, %and3A_79] : memref<512x32xf32, #tpu.memory_space<vmem>>[vector<16xi32>, vector<16xi32>], vector<16xf32>,
      tpu.vector_store_idx %arg9[%and3A_79, %add3A_537], %gather3A_550 : memref<32x512xf32, #tpu.memory_space<vmem>>[vector<16xi32>, vector<16xi32>], vector<16xf32>,
      %gather3A_551 = tpu.vector_load_idx %arg7[%add3A_537, %and3A_85] : memref<512x32xf32, #tpu.memory_space<vmem>>[vector<16xi32>, vector<16xi32>], vector<16xf32>,
      tpu.vector_store_idx %arg9[%and3A_85, %add3A_537], %gather3A_551 : memref<32x512xf32, #tpu.memory_space<vmem>>[vector<16xi32>, vector<16xi32>], vector<16xf32>,
      %gather3A_552 = tpu.vector_load_idx %arg7[%add3A_537, %and3A_91] : memref<512x32xf32, #tpu.memory_space<vmem>>[vector<16xi32>, vector<16xi32>], vector<16xf32>,
      tpu.vector_store_idx %arg9[%and3A_91, %add3A_537], %gather3A_552 : memref<32x512xf32, #tpu.memory_space<vmem>>[vector<16xi32>, vector<16xi32>], vector<16xf32>,
      %gather3A_553 = tpu.vector_load_idx %arg7[%add3A_537, %and3A_97] : memref<512x32xf32, #tpu.memory_space<vmem>>[vector<16xi32>, vector<16xi32>], vector<16xf32>,
      tpu.vector_store_idx %arg9[%and3A_97, %add3A_537], %gather3A_553 : memref<32x512xf32, #tpu.memory_space<vmem>>[vector<16xi32>, vector<16xi32>], vector<16xf32>,
      %gather3A_554 = tpu.vector_load_idx %arg7[%add3A_537, %and3A_103] : memref<512x32xf32, #tpu.memory_space<vmem>>[vector<16xi32>, vector<16xi32>], vector<16xf32>,
      tpu.vector_store_idx %arg9[%and3A_103, %add3A_537], %gather3A_554 : memref<32x512xf32, #tpu.memory_space<vmem>>[vector<16xi32>, vector<16xi32>], vector<16xf32>,
      %gather3A_555 = tpu.vector_load_idx %arg7[%add3A_537, %and3A_109] : memref<512x32xf32, #tpu.memory_space<vmem>>[vector<16xi32>, vector<16xi32>], vector<16xf32>,
      tpu.vector_store_idx %arg9[%and3A_109, %add3A_537], %gather3A_555 : memref<32x512xf32, #tpu.memory_space<vmem>>[vector<16xi32>, vector<16xi32>], vector<16xf32>,
      %gather3A_556 = tpu.vector_load_idx %arg7[%add3A_537, %and3A_115] : memref<512x32xf32, #tpu.memory_space<vmem>>[vector<16xi32>, vector<16xi32>], vector<16xf32>,
      tpu.vector_store_idx %arg9[%and3A_115, %add3A_537], %gather3A_556 : memref<32x512xf32, #tpu.memory_space<vmem>>[vector<16xi32>, vector<16xi32>], vector<16xf32>,
      %gather3A_557 = tpu.vector_load_idx %arg7[%add3A_537, %and3A_121] : memref<512x32xf32, #tpu.memory_space<vmem>>[vector<16xi32>, vector<16xi32>], vector<16xf32>,
      tpu.vector_store_idx %arg9[%and3A_121, %add3A_537], %gather3A_557 : memref<32x512xf32, #tpu.memory_space<vmem>>[vector<16xi32>, vector<16xi32>], vector<16xf32>,
      %gather3A_558 = tpu.vector_load_idx %arg7[%add3A_537, %and3A_127] : memref<512x32xf32, #tpu.memory_space<vmem>>[vector<16xi32>, vector<16xi32>], vector<16xf32>,
      tpu.vector_store_idx %arg9[%and3A_127, %add3A_537], %gather3A_558 : memref<32x512xf32, #tpu.memory_space<vmem>>[vector<16xi32>, vector<16xi32>], vector<16xf32>,
      %gather3A_559 = tpu.vector_load_idx %arg7[%add3A_537, %and3A_133] : memref<512x32xf32, #tpu.memory_space<vmem>>[vector<16xi32>, vector<16xi32>], vector<16xf32>,
      tpu.vector_store_idx %arg9[%and3A_133, %add3A_537], %gather3A_559 : memref<32x512xf32, #tpu.memory_space<vmem>>[vector<16xi32>, vector<16xi32>], vector<16xf32>,
      %gather3A_560 = tpu.vector_load_idx %arg7[%add3A_537, %and3A_139] : memref<512x32xf32, #tpu.memory_space<vmem>>[vector<16xi32>, vector<16xi32>], vector<16xf32>,
      tpu.vector_store_idx %arg9[%and3A_139, %add3A_537], %gather3A_560 : memref<32x512xf32, #tpu.memory_space<vmem>>[vector<16xi32>, vector<16xi32>], vector<16xf32>,
      %gather3A_561 = tpu.vector_load_idx %arg7[%add3A_537, %and3A_145] : memref<512x32xf32, #tpu.memory_space<vmem>>[vector<16xi32>, vector<16xi32>], vector<16xf32>,
      tpu.vector_store_idx %arg9[%and3A_145, %add3A_537], %gather3A_561 : memref<32x512xf32, #tpu.memory_space<vmem>>[vector<16xi32>, vector<16xi32>], vector<16xf32>,
      %gather3A_562 = tpu.vector_load_idx %arg7[%add3A_537, %and3A_151] : memref<512x32xf32, #tpu.memory_space<vmem>>[vector<16xi32>, vector<16xi32>], vector<16xf32>,
      tpu.vector_store_idx %arg9[%and3A_151, %add3A_537], %gather3A_562 : memref<32x512xf32, #tpu.memory_space<vmem>>[vector<16xi32>, vector<16xi32>], vector<16xf32>,
      %gather3A_563 = tpu.vector_load_idx %arg7[%add3A_537, %and3A_157] : memref<512x32xf32, #tpu.memory_space<vmem>>[vector<16xi32>, vector<16xi32>], vector<16xf32>,
      tpu.vector_store_idx %arg9[%and3A_157, %add3A_537], %gather3A_563 : memref<32x512xf32, #tpu.memory_space<vmem>>[vector<16xi32>, vector<16xi32>], vector<16xf32>,
      %gather3A_564 = tpu.vector_load_idx %arg7[%add3A_537, %and3A_163] : memref<512x32xf32, #tpu.memory_space<vmem>>[vector<16xi32>, vector<16xi32>], vector<16xf32>,
      tpu.vector_store_idx %arg9[%and3A_163, %add3A_537], %gather3A_564 : memref<32x512xf32, #tpu.memory_space<vmem>>[vector<16xi32>, vector<16xi32>], vector<16xf32>,
      %gather3A_565 = tpu.vector_load_idx %arg7[%add3A_537, %and3A_169] : memref<512x32xf32, #tpu.memory_space<vmem>>[vector<16xi32>, vector<16xi32>], vector<16xf32>,
      tpu.vector_store_idx %arg9[%and3A_169, %add3A_537], %gather3A_565 : memref<32x512xf32, #tpu.memory_space<vmem>>[vector<16xi32>, vector<16xi32>], vector<16xf32>,
      %gather3A_566 = tpu.vector_load_idx %arg7[%add3A_537, %and3A_175] : memref<512x32xf32, #tpu.memory_space<vmem>>[vector<16xi32>, vector<16xi32>], vector<16xf32>,
      tpu.vector_store_idx %arg9[%and3A_175, %add3A_537], %gather3A_566 : memref<32x512xf32, #tpu.memory_space<vmem>>[vector<16xi32>, vector<16xi32>], vector<16xf32>,
      %gather3A_567 = tpu.vector_load_idx %arg7[%add3A_537, %and3A_181] : memref<512x32xf32, #tpu.memory_space<vmem>>[vector<16xi32>, vector<16xi32>], vector<16xf32>,
      tpu.vector_store_idx %arg9[%and3A_181, %add3A_537], %gather3A_567 : memref<32x512xf32, #tpu.memory_space<vmem>>[vector<16xi32>, vector<16xi32>], vector<16xf32>,
      %gather3A_568 = tpu.vector_load_idx %arg7[%add3A_537, %and3A_187] : memref<512x32xf32, #tpu.memory_space<vmem>>[vector<16xi32>, vector<16xi32>], vector<16xf32>,
      tpu.vector_store_idx %arg9[%and3A_187, %add3A_537], %gather3A_568 : memref<32x512xf32, #tpu.memory_space<vmem>>[vector<16xi32>, vector<16xi32>], vector<16xf32>,
      %gather3A_569 = tpu.vector_load_idx %arg7[%add3A_537, %and3A_193] : memref<512x32xf32, #tpu.memory_space<vmem>>[vector<16xi32>, vector<16xi32>], vector<16xf32>,
      tpu.vector_store_idx %arg9[%and3A_193, %add3A_537], %gather3A_569 : memref<32x512xf32, #tpu.memory_space<vmem>>[vector<16xi32>, vector<16xi32>], vector<16xf32>,
      %scan3A_570 = arith.constant 0 : i32
      scf.yield %scan3A_570 : i32
    }
    %scan3A_468 = arith.constant 32 : i32
    %dma_start3A_469 = arith.constant 49 : i32
    %dma_start3A_470 = arith.constant 0 : i32
    %dma_start3A_471 = tpu.memref_slice %arg4[%dma_start3A_469, %dma_start3A_470, %multiple_of3A] : memref<50x32x16384xf32, #tpu.memory_space<hbm>> -> memref<1x32x512xf32, #tpu.memory_space<hbm>>
    %dma_start3A_472 = tpu.memref_squeeze %dma_start3A_471 : memref<1x32x512xf32, #tpu.memory_space<hbm>> -> memref<32x512xf32, #tpu.memory_space<hbm>>
    %dma_start3A_473 = arith.constant 0 : i32
    %dma_start3A_474 = tpu.memref_slice %arg4[%dma_start3A_469, %dma_start3A_473, %multiple_of3A] : memref<50x32x16384xf32, #tpu.memory_space<hbm>> -> memref<1x32x512xf32, #tpu.memory_space<hbm>>
    %dma_start3A_475 = tpu.memref_squeeze %dma_start3A_474 : memref<1x32x512xf32, #tpu.memory_space<hbm>> -> memref<32x512xf32, #tpu.memory_space<hbm>>
    tpu.enqueue_dma source(%arg9 : memref<32x512xf32, #tpu.memory_space<vmem>>) target(%dma_start3A_475 : memref<32x512xf32, #tpu.memory_space<hbm>>) target_semaphore(%arg14 : memref<!tpu.dma_semaphore, #tpu.memory_space<semaphore_mem>>)
    %dma_wait3A_476 = arith.constant 0 : i32
    %dma_wait3A_477 = arith.constant 0 : i32
    %dma_wait3A_478 = arith.constant 0 : i32
    %dma_wait3A_479 = tpu.memref_slice %arg4[%dma_wait3A_476, %dma_wait3A_477, %dma_wait3A_478] : memref<50x32x16384xf32, #tpu.memory_space<hbm>> -> memref<1x32x512xf32, #tpu.memory_space<hbm>>
    %dma_wait3A_480 = tpu.memref_squeeze %dma_wait3A_479 : memref<1x32x512xf32, #tpu.memory_space<hbm>> -> memref<32x512xf32, #tpu.memory_space<hbm>>
    %dma_wait3A_481 = arith.constant 0 : i32
    %dma_wait3A_482 = arith.constant 0 : i32
    %dma_wait3A_483 = tpu.memref_slice %arg4[%dma_wait3A_476, %dma_wait3A_481, %dma_wait3A_482] : memref<50x32x16384xf32, #tpu.memory_space<hbm>> -> memref<1x32x512xf32, #tpu.memory_space<hbm>>
    %dma_wait3A_484 = tpu.memref_squeeze %dma_wait3A_483 : memref<1x32x512xf32, #tpu.memory_space<hbm>> -> memref<32x512xf32, #tpu.memory_space<hbm>>
    tpu.wait_dma2 semaphore(%arg13 : memref<!tpu.dma_semaphore, #tpu.memory_space<semaphore_mem>>) src(%arg8 : memref<32x512xf32, #tpu.memory_space<vmem>>) dst(%dma_wait3A_484 : memref<32x512xf32, #tpu.memory_space<hbm>>)
    %dma_wait3A_485 = arith.constant 0 : i32
    %dma_wait3A_486 = arith.constant 0 : i32
    %dma_wait3A_487 = arith.constant 0 : i32
    %dma_wait3A_488 = tpu.memref_slice %arg4[%dma_wait3A_485, %dma_wait3A_486, %dma_wait3A_487] : memref<50x32x16384xf32, #tpu.memory_space<hbm>> -> memref<1x32x512xf32, #tpu.memory_space<hbm>>
    %dma_wait3A_489 = tpu.memref_squeeze %dma_wait3A_488 : memref<1x32x512xf32, #tpu.memory_space<hbm>> -> memref<32x512xf32, #tpu.memory_space<hbm>>
    %dma_wait3A_490 = arith.constant 0 : i32
    %dma_wait3A_491 = arith.constant 0 : i32
    %dma_wait3A_492 = tpu.memref_slice %arg4[%dma_wait3A_485, %dma_wait3A_490, %dma_wait3A_491] : memref<50x32x16384xf32, #tpu.memory_space<hbm>> -> memref<1x32x512xf32, #tpu.memory_space<hbm>>
    %dma_wait3A_493 = tpu.memref_squeeze %dma_wait3A_492 : memref<1x32x512xf32, #tpu.memory_space<hbm>> -> memref<32x512xf32, #tpu.memory_space<hbm>>
    tpu.wait_dma2 semaphore(%arg14 : memref<!tpu.dma_semaphore, #tpu.memory_space<semaphore_mem>>) src(%arg9 : memref<32x512xf32, #tpu.memory_space<vmem>>) dst(%dma_wait3A_493 : memref<32x512xf32, #tpu.memory_space<hbm>>)
    return
  }
}

</mosaic_0001>

<sc_bundles>
// kernel: kernel.3.cloned.1.call-start
scs
__scs_entry_jumppad:
0x0: {  	(pc) =	sbr.rel $0x88, $3  }
0x1: {  	(tag) =	ssettag $0x0;
	lr =	simm.s32 $0x1  }
0x2: {  	[smem:$0x3F9F] =	sst lr;
	_ =	strace $0xD0000000  }
0x3: {  	_ = 	snop  }
0x4: {  	_ = 	snop  }
0x5: {  	_ = 	snop  }
0x6: {  	_ = 	snop  }
0x7: {  	_ = 	snop  }
__scs_overlays_trampoline_lowered:
0x8: {  	[smem:$0x3FAE] =	sst s0  }
0x9: {  	[smem:$0x3FAF] =	sst s1  }
0xa: {  	[smem:$0x3FB0] =	sst s2  }
0xb: {  	[smem:$0x3FB1] =	sst s3  }
0xc: {  	[smem:$0x3FB2] =	sst s4  }
0xd: {  	[smem:$0x3FB3] =	sst s5  }
0xe: {  	[smem:$0x3FB4] =	sst s6  }
0xf: {  	[smem:$0x3FB5] =	sst s7  }
0x10: {  	[smem:$0x3FB6] =	sst s8  }
0x11: {  	[smem:$0x3FB7] =	sst s9;
	s0 =	simm.s32 @!p0 $0x0  }
0x12: {  	s1 =	sld [smem:$0x3F9D];
	s0 =	simm.s32 @p0 $0x1  }
0x13: {  	[smem:$0x3FB8] =	sst s0;
	s0 =	simm.s32 @!p1 $0x0  }
0x14: {  	s2 =	sld [smem:$0x3F9C];
	s0 =	simm.s32 @p1 $0x1  }
0x15: {  	[smem:$0x3FB9] =	sst s0;
	s0 =	simm.s32 @!p2 $0x0  }
0x16: {  	s3 =	sld [smem:$0x3FDB];
	s0 =	simm.s32 @p2 $0x1  }
0x17: {  	s4 =	simm.s32 $0x1BF5;
	[smem:$0x3FBB] =	sst s0  }
0x18: {  	s0 =	sld [smem:$0x3F9E];
	_ =	swait.ge [sflag:s4], $0x0  }
0x19: {  	s7 =	sld [smem:$0x3F9F]  }
0x1a: {  	s8 =	sadd.s32 $0xFFFFE003, lr  }
0x1b: {  	s9 =	sadd.s32 $0xFFFFFEF7, lr;
	s5 =	simm.s32 $0xFFFFFFFF;
	p2 =	slt.u32 s8, $0xFFFFF086  }
0x1c: {  	p1 =	slt.u32 s9, $0xF7A;
	s5 =	simm.s32 @!p2 $0x0  }
0x1d: {  	s5 =	simm.s32 @p1 $0x1;
	p0 =	seq.s32 s7, s2  }
0x1e: {  	s7 =	smul.u32 @!p0 $0xF7A, s2;
	p2 =	seq.s32 @!p0 s5, $0x0  }
0x1f: {  	s9 =	smul.u32 $0xF7A, s1;
	s8 =	simm.s32 @!p0 $0x1BF5;
	p2 =	por !p2, p0  }
0x20: {  	[sflag:s8] =	ssyncset.s32 @!p0 $0xFFFFF086;
	s6 =	sadd.s32 @!p0 s3, s7;
	s7 =	simm.s32 @!p0 $0x108  }
0x21: {  	s3 =	sadd.s32 s3, s9;
	s6 =	sadd.s32 @!p0 $0x88, s6;
	s7 =	simm.s32 @p2 $0x1082  }
0x22: {  	[simem:s7], [sflag:s8] =	dma.local @!p0 [hbm:s6], $0xF7A  }
0x23: {  	s9 =	sor.u32 $0xD0000000, s2;
	s6 =	simm.s32 $0x108;
	_ =	swait.ge @!p0 [sflag:s8], $0x0  }
0x24: {  	s3 =	sadd.s32 $0x88, s3;
	s6 =	simm.s32 @!p1 $0x1082;
	[sflag:s4] =	ssyncset.s32 $0xFFFFF086  }
0x25: {  	[simem:s6], [sflag:s4] =	dma.local [hbm:s3], $0xF7A  }
0x26: {  	[smem:$0x3F9F] =	sst s1;
	(tag) =	ssettag s2;
	_ =	strace s9  }
0x27: {  	s1 =	sld [smem:$0x3FAF]  }
0x28: {  	s2 =	sld [smem:$0x3FB0]  }
0x29: {  	s4 =	sld [smem:$0x3FB2]  }
0x2a: {  	p0 =	seq.s32 s5, $0x0;
	s5 =	sld [smem:$0x3FB3]  }
0x2b: {  	s6 =	sld [smem:$0x3FB4]  }
0x2c: {  	s7 =	sld [smem:$0x3FB5]  }
0x2d: {  	s3 =	simm.s32 $0x108;
	s8 =	sld [smem:$0x3FB6]  }
0x2e: {  	s3 =	simm.s32 @!p0 $0x1082;
	s9 =	sld [smem:$0x3FB7]  }
0x2f: {  	lr =	sadd.s32 s0, s3;
	s0 =	sld [smem:$0x3FAE]  }
0x30: {  	s3 =	sld [smem:$0x3FB1]  }
0x31: {  	[smem:$0x3FBA] =	sst s10  }
0x32: {  	s10 =	sld [smem:$0x3FB8];
	_ =	sdelay $0x3  }
0x33: {  	p0 =	seq.s32 s10, $0x1;
	s10 =	sld [smem:$0x3FBA];
	_ =	sdelay $0x3  }
0x34: {  	[smem:$0x3FBA] =	sst s10  }
0x35: {  	s10 =	sld [smem:$0x3FB9];
	_ =	sdelay $0x3  }
0x36: {  	p1 =	seq.s32 s10, $0x1;
	s10 =	sld [smem:$0x3FBA];
	_ =	sdelay $0x3  }
0x37: {  	[smem:$0x3FBA] =	sst s10  }
0x38: {  	s10 =	sld [smem:$0x3FBB]  }
0x39: {  	_ = 	snop;
	(pc) =	sbr.ind lr, $3  }
0x3a: {  	_ = 	snop  }
0x3b: {  	_ = 	snop  }
0x3c: {  	p2 =	seq.s32 s10, $0x1;
	s10 =	sld [smem:$0x3FBA]  }
0x3d: {  	_ =	shalt  }
0x3e: {  	_ =	shalt  }
0x3f: {  	_ =	shalt  }
0x40: {  	_ =	shalt  }
0x41: {  	_ =	shalt  }
0x42: {  	_ =	shalt  }
0x43: {  	_ =	shalt  }
0x44: {  	_ =	shalt  }
0x45: {  	_ =	shalt  }
0x46: {  	_ =	shalt  }
0x47: {  	_ =	shalt  }
0x48: {  	_ =	shalt  }
0x49: {  	_ =	shalt  }
0x4a: {  	_ =	shalt  }
0x4b: {  	_ =	shalt  }
0x4c: {  	_ =	shalt  }
0x4d: {  	_ =	shalt  }
0x4e: {  	_ =	shalt  }
0x4f: {  	_ =	shalt  }
0x50: {  	_ =	shalt  }
0x51: {  	_ =	shalt  }
0x52: {  	_ =	shalt  }
0x53: {  	_ =	shalt  }
0x54: {  	_ =	shalt  }
0x55: {  	_ =	shalt  }
0x56: {  	_ =	shalt  }
0x57: {  	_ =	shalt  }
0x58: {  	_ =	shalt  }
0x59: {  	_ =	shalt  }
0x5a: {  	_ =	shalt  }
0x5b: {  	_ =	shalt  }
0x5c: {  	_ =	shalt  }
0x5d: {  	_ =	shalt  }
0x5e: {  	_ =	shalt  }
0x5f: {  	_ =	shalt  }
0x60: {  	_ =	shalt  }
0x61: {  	_ =	shalt  }
0x62: {  	_ =	shalt  }
0x63: {  	_ =	shalt  }
0x64: {  	_ =	shalt  }
0x65: {  	_ =	shalt  }
0x66: {  	_ =	shalt  }
0x67: {  	_ =	shalt  }
0x68: {  	_ =	shalt  }
0x69: {  	_ =	shalt  }
0x6a: {  	_ =	shalt  }
0x6b: {  	_ =	shalt  }
0x6c: {  	_ =	shalt  }
0x6d: {  	_ =	shalt  }
0x6e: {  	_ =	shalt  }
0x6f: {  	_ =	shalt  }
0x70: {  	_ =	shalt  }
0x71: {  	_ =	shalt  }
0x72: {  	_ =	shalt  }
0x73: {  	_ =	shalt  }
0x74: {  	_ =	shalt  }
0x75: {  	_ =	shalt  }
0x76: {  	_ =	shalt  }
0x77: {  	_ =	shalt  }
0x78: {  	_ =	shalt  }
0x79: {  	_ =	shalt  }
0x7a: {  	_ =	shalt  }
0x7b: {  	_ =	shalt  }
0x7c: {  	_ =	shalt  }
0x7d: {  	_ =	shalt  }
0x7e: {  	_ =	shalt  }
0x7f: {  	_ =	shalt  }
0x80: {  	_ =	shalt  }
0x81: {  	_ =	shalt  }
0x82: {  	_ =	shalt  }
0x83: {  	_ =	shalt  }
0x84: {  	_ =	shalt  }
0x85: {  	_ =	shalt  }
0x86: {  	_ =	shalt  }
0x87: {  	_ =	shalt  }
.Lfunc_end0:
.L_simem_size_0:
called_computation_lowered:
.L_overlay_start_0:
0x88: {  	s2 =	sld [smem:$0x3FD9]  }
0x89: {  	s3 =	sld [smem:$0x3FFE];
	_ =	sdelay $0x1  }
0x8a: {  	s1 =	srdreg.scid  }
0x8b: {  	s0 =	sand.u32 $0x1, s1  }
0x8c: {  	s17 =	sshll.u32 s0, $0xA;
	s2 =	sadd.s32 s3, s2  }
0x8d: {  	s2 =	sadd.s32 s2, s17  }
0x8e: {  	[smem:$0x3FC6] =	sst s2  }
0x8f: {  	_ = 	snop  }
0x90: {  	s2 =	sld [smem:$0x3FD0];
	(tm) =	ssettm $0x1  }
0x91: {  	s18 =	sld [smem:$0x3FFB];
	_ =	sdelay $0x3  }
0x92: {  	_ =	strace s18  }
0x93: {  	s3 =	sld [smem:$0x3FFC];
	_ =	sdelay $0x3  }
0x94: {  	_ =	strace s3  }
0x95: {  	s3 =	sld [smem:$0x3FFD];
	_ =	sdelay $0x3  }
0x96: {  	_ =	strace s3  }
0x97: {  	_ =	strace $0x8FFFFFFF  }
0x98: {  	s19 =	sld [smem:$0x3FDB];
	_ =	sdelay $0x1  }
0x99: {  	s4 =	simm.s32 $_scs_section_size  }
0x9a: {  	s5 =	simm.s32 $_size__tile_overlayer_lowered;
	s6 =	simm.s32 $_tile_overlayer_lowered  }
0x9b: {  	s22 =	simm.s32 $0x1BFF;
	s21 =	sshll.u32 s6, $0x1;
	s3 =	sadd.s32 s4, s19  }
0x9c: {  	s7 =	simm.s32 $0x0;
	s20 =	sshll.u32 s5, $0x1;
	s5 =	sadd.s32 s21, s3  }
0x9d: {  	[timem:s7], [sflag:s22] =	dma.local [hbm:s5], s20  }
0x9e: {  	_ =	swait.ge [sflag:s22], s20  }
0x9f: {  	s4 =	ssub.s32 $0x0, s20;
	[sflag:s22] =	ssyncset.done $0x0  }
0xa0: {  	[sflag:s22] =	ssyncadd.s32 s4;
	_ =	sdelay $0x1  }
0xa1: {  	s23 =	simm.s32 $0x1B8B  }
0xa2: {  	_ =	swait.ge [sflag:s23], $0x1  }
0xa3: {  	[sflag:s23] =	ssyncset.done $0x0  }
0xa4: {  	s25 =	simm.s32 $0x1B8E;
	s24 =	sld [smem:$0x3FFE];
	[sflag:s23] =	ssyncadd.s32 $0xFFFFFFFF  }
0xa5: {  	s26 =	simm.s32 $execute0_lowered;
	[smem:$0x3FD2] =	sst s25  }
0xa6: {  	s5 =	sshll.u32 s26, $0x1;
	_ =	strace $0x80000046;
	[dreg:$0x1] =	wrdreg $0xFFFFFFFF  }
0xa7: {  	s28 =	simm.s32 $_size_execute0_lowered;
	s3 =	sadd.s32 s3, s5;
	[dreg:$0x0] =	wrdreg $0x0  }
0xa8: {  	s5 =	sshll.u32 s28, $0x1;
	[dreg:$0x2] =	wrdreg s3  }
0xa9: {  	[dreg:$0x3] =	wrdreg s5  }
0xaa: {  	[dreg:$0x4] =	wrdreg $0xC0  }
0xab: {  	_ =	task [dreg:s7], $0x5FFFF  }
0xac: {  	[dreg:$0x1] =	wrdreg $0xFFFFFFFF  }
0xad: {  	[dreg:$0x0] =	wrdreg $0x60  }
0xae: {  	[dreg:$0x2] =	wrdreg s24  }
0xaf: {  	[dreg:$0x3] =	wrdreg s2  }
0xb0: {  	[dreg:$0x4] =	wrdreg $0x9  }
0xb1: {  	_ =	task.clear_ibuf [dreg:s7], $0x5FFFF;
	_ =	strace $0x90000046  }
0xb2: {  	s29 =	simm.s32 $0x9;
	_ =	strace $0x80000048  }
0xb3: {  	_ =	swait.ge [sflag:s29], $0x1  }
0xb4: {  	[sflag:s29] =	ssyncadd.s32 $0xFFFFFFFF  }
0xb5: {  	_ =	strace $0x90000048  }
0xb6: {  	_ =	sfence  }
0xb7: {  	s30 =	sld [smem:$0x0];
	_ =	sdelay $0x2  }
0xb8: {  	s31 =	sshll.u32 s1, $0xD;
	s1 =	sshrl.u32 s1, $0x2  }
0xb9: {  	s3 =	sand.u32 $0x4000, s31;
	s1 =	sadd.s32 s1, s30  }
0xba: {  	s0 =	sor.u32 s3, s0;
	s1 =	sshll.u32 s1, $0x11  }
0xbb: {  	s0 =	sor.u32 s1, s0  }
0xbc: {  	s0 =	sadd.s32 $0x8F2B, s0  }
0xbd: {  	[sflag:s0] =	ssyncadd.remote.s32 $0x1  }
0xbe: {  	_ =	sfence.sel $0xFFFF  }
0xbf: {  	[dreg:$0x0] =	wrdreg $0xFFFFFFFF;
	(pc) =	sbr.abs _section_cstart, $3  }
0xc0: {  	[dreg:$0x1] =	wrdreg $0xFFFFFFFF  }
0xc1: {  	_ =	task.clear_ibuf [dreg:s7], $0x2FFFF;
	_ =	strace $0x9FFFFFFF  }
0xc2: {  	(tm) =	ssettm $0x7FFFFFFF  }
0xc3: {  	_ =	shalt  }
tec
execute0_lowered:
.L_overlay_start_1:
0x0: {  	(tag) =	ssettag $0x1  }
0x1: {  	v0 =	vimm.s32 $0x14131211;
	v1 =	vimm.s32 $0x18171615;
	v2 =	vimm.s32 $0x1C1B1A19  }
0x2: {  	v3 =	vimm.s32 $0x1F1E1D;
	vm0 =	vcmask $0x1F10;
	v4 =	vimm.s32 $0x15141312  }
0x3: {  	v5 =	vimm.s32 $0x1D1C1B1A;
	v6 =	vimm.s32 $0x1001F1E;
	v7 =	vimm.s32 $0x16151413  }
0x4: {  	v8 =	vimm.s32 $0x1A191817;
	v9 =	vimm.s32 $0x1E1D1C1B;
	v10 =	vimm.s32 $0x201001F  }
0x5: {  	v11 =	vimm.s32 $0x3020100;
	v12 =	vimm.s32 $0x1F1E1D1C;
	v13 =	vimm.s32 $0x5040302  }
0x6: {  	v14 =	vimm.s32 $0x6050403;
	v15 =	vimm.s32 $0x32107654;
	vm12 =	vcmask $0x2F10  }
0x7: {  	vm1 =	vcmask $0x3F30;
	vm13 =	vcmask $0x300;
	v16 =	vimm.s32 $0x3E07  }
0x8: {  	v17 =	vimm.s32 $0x7;
	v18 =	vimm.s32 $0x207;
	v19 =	vimm.s32 $0x407  }
0x9: {  	v20 =	vimm.s32 $0x607;
	v21 =	vimm.s32 $0x807;
	v22 =	vimm.s32 $0xA07  }
0xa: {  	v23 =	vimm.s32 $0xC07;
	v24 =	vimm.s32 $0xE07;
	v25 =	vimm.s32 $0x1007  }
0xb: {  	v26 =	vimm.s32 $0x1207;
	v27 =	vimm.s32 $0x1407;
	v28 =	vimm.s32 $0x1607  }
0xc: {  	v29 =	vimm.s32 $0x1807;
	v30 =	vimm.s32 $0x1A07;
	v31 =	vimm.s32 $0x1C07  }
0xd: {  	vm14 =	vcmask $0x704;
	vm15 =	vcmask $0xB08;
	vm4 =	vcmask $0xF0C  }
0xe: {  	vm5 =	vcmask $0x1310;
	vm6 =	vcmask $0x1714;
	vm7 =	vcmask $0x1B18  }
0xf: {  	vm8 =	vcmask $0x1F1C;
	vm9 =	vcmask $0x2320;
	vm10 =	vcmask $0x2724  }
0x10: {  	vm11 =	vcmask $0x2B28;
	v0 =	vunpack.c.0.s8.s32 v0;
	v1 =	vunpack.c.0.s8.s32 v1  }
0x11: {  	v2 =	vunpack.c.0.s8.s32 v2;
	v3 =	vunpack.c.0.s8.s32 v3;
	v5 =	vunpack.c.0.s8.s32 v5  }
0x12: {  	v6 =	vunpack.c.0.s8.s32 v6;
	v7 =	vunpack.c.0.s8.s32 v7;
	v8 =	vunpack.c.0.s8.s32 v8  }
0x13: {  	v9 =	vunpack.c.0.s8.s32 v9;
	v10 =	vunpack.c.0.s8.s32 v10;
	v11 =	vunpack.c.0.s8.s32 v11  }
0x14: {  	v12 =	vunpack.c.0.s8.s32 v12;
	v13 =	vunpack.c.0.s8.s32 v13;
	v16 =	vsel vm13, $0x2000, v16  }
0x15: {  	v17 =	vsel vm13, $0x2200, v17;
	v18 =	vsel vm13, $0x2400, v18;
	v19 =	vsel vm13, $0x2600, v19  }
0x16: {  	v20 =	vsel vm13, $0x2800, v20;
	v21 =	vsel vm13, $0x2A00, v21;
	v22 =	vsel vm13, $0x2C00, v22  }
0x17: {  	v23 =	vsel vm13, $0x2E00, v23;
	v24 =	vsel vm13, $0x3000, v24;
	v25 =	vsel vm13, $0x3200, v25  }
0x18: {  	v26 =	vsel vm13, $0x3400, v26;
	v27 =	vsel vm13, $0x3600, v27;
	v28 =	vsel vm13, $0x3800, v28  }
0x19: {  	v29 =	vsel vm13, $0x3A00, v29;
	v30 =	vsel vm13, $0x3C00, v30;
	v31 =	vsel vm13, $0x3E00, v31  }
0x1a: {  	v16 =	vsel vm14, $0x2201, v16;
	v17 =	vsel vm14, $0x2401, v17;
	v18 =	vsel vm14, $0x2601, v18  }
0x1b: {  	v19 =	vsel vm14, $0x2801, v19;
	v20 =	vsel vm14, $0x2A01, v20;
	v21 =	vsel vm14, $0x2C01, v21  }
0x1c: {  	v22 =	vsel vm14, $0x2E01, v22;
	v23 =	vsel vm14, $0x3001, v23;
	v24 =	vsel vm14, $0x3201, v24  }
0x1d: {  	v25 =	vsel vm14, $0x3401, v25;
	v26 =	vsel vm14, $0x3601, v26;
	v27 =	vsel vm14, $0x3801, v27  }
0x1e: {  	v28 =	vsel vm14, $0x3A01, v28;
	v29 =	vsel vm14, $0x3C01, v29;
	v30 =	vsel vm14, $0x3E01, v30  }
0x1f: {  	v31 =	vsel vm14, $0x1, v31;
	v0 =	vsel vm0, v1, v0;
	v61 =	vsel vm0, v3, v2  }
0x20: {  	v60 =	vsel vm0, v6, v5;
	v1 =	vsel vm0, v2, v1;
	v2 =	vimm.s32 $0xB0A0908  }
0x21: {  	v16 =	vsel vm15, $0x2402, v16;
	v17 =	vsel vm15, $0x2602, v17;
	v18 =	vsel vm15, $0x2802, v18  }
0x22: {  	v19 =	vsel vm15, $0x2A02, v19;
	v20 =	vsel vm15, $0x2C02, v20;
	v21 =	vsel vm15, $0x2E02, v21  }
0x23: {  	v22 =	vsel vm15, $0x3002, v22;
	v23 =	vsel vm15, $0x3202, v23;
	v24 =	vsel vm15, $0x3402, v24  }
0x24: {  	v25 =	vsel vm15, $0x3602, v25;
	v26 =	vsel vm15, $0x3802, v26;
	v27 =	vsel vm15, $0x3A02, v27  }
0x25: {  	v28 =	vsel vm15, $0x3C02, v28;
	v29 =	vsel vm15, $0x3E02, v29;
	v30 =	vsel vm15, $0x2, v30  }
0x26: {  	v31 =	vsel vm15, $0x202, v31;
	[tilespmem:$0x1FC30] =	vst v0;
	v0 =	vunpack.c.0.s8.s32 v4;
	v4 =	vimm.s32 $0x19181716  }
0x27: {  	[tilespmem:$0x1FBC0] =	vst v1;
	v1 =	vsel vm0, v13, v6;
	v2 =	vunpack.c.0.s8.s32 v2;
	v13 =	vimm.s32 $0x3807  }
0x28: {  	v16 =	vsel vm4, $0x2603, v16;
	v17 =	vsel vm4, $0x2803, v17;
	v18 =	vsel vm4, $0x2A03, v18  }
0x29: {  	v19 =	vsel vm4, $0x2C03, v19;
	v20 =	vsel vm4, $0x2E03, v20;
	v21 =	vsel vm4, $0x3003, v21  }
0x2a: {  	v22 =	vsel vm4, $0x3203, v22;
	v23 =	vsel vm4, $0x3403, v23;
	v24 =	vsel vm4, $0x3603, v24  }
0x2b: {  	v25 =	vsel vm4, $0x3803, v25;
	v26 =	vsel vm4, $0x3A03, v26;
	v27 =	vsel vm4, $0x3C03, v27  }
0x2c: {  	v28 =	vsel vm4, $0x3E03, v28;
	v29 =	vsel vm4, $0x3, v29;
	v30 =	vsel vm4, $0x203, v30  }
0x2d: {  	v31 =	vsel vm4, $0x403, v31;
	v4 =	vunpack.c.0.s8.s32 v4;
	v13 =	vsel vm13, $0x1A00, v13  }
0x2e: {  	v16 =	vsel vm5, $0x2804, v16;
	v17 =	vsel vm5, $0x2A04, v17;
	v18 =	vsel vm5, $0x2C04, v18  }
0x2f: {  	v19 =	vsel vm5, $0x2E04, v19;
	v20 =	vsel vm5, $0x3004, v20;
	v21 =	vsel vm5, $0x3204, v21  }
0x30: {  	v22 =	vsel vm5, $0x3404, v22;
	v23 =	vsel vm5, $0x3604, v23;
	v24 =	vsel vm5, $0x3804, v24  }
0x31: {  	v25 =	vsel vm5, $0x3A04, v25;
	v26 =	vsel vm5, $0x3C04, v26;
	v27 =	vsel vm5, $0x3E04, v27  }
0x32: {  	v28 =	vsel vm5, $0x4, v28;
	v29 =	vsel vm5, $0x204, v29;
	v30 =	vsel vm5, $0x404, v30  }
0x33: {  	v31 =	vsel vm5, $0x604, v31;
	v13 =	vsel vm14, $0x1C01, v13;
	v16 =	vsel vm6, $0x2A05, v16  }
0x34: {  	v17 =	vsel vm6, $0x2C05, v17;
	v18 =	vsel vm6, $0x2E05, v18;
	v19 =	vsel vm6, $0x3005, v19  }
0x35: {  	v20 =	vsel vm6, $0x3205, v20;
	v21 =	vsel vm6, $0x3405, v21;
	v22 =	vsel vm6, $0x3605, v22  }
0x36: {  	v23 =	vsel vm6, $0x3805, v23;
	v24 =	vsel vm6, $0x3A05, v24;
	v25 =	vsel vm6, $0x3C05, v25  }
0x37: {  	v26 =	vsel vm6, $0x3E05, v26;
	v27 =	vsel vm6, $0x5, v27;
	v28 =	vsel vm6, $0x205, v28  }
0x38: {  	v29 =	vsel vm6, $0x405, v29;
	v30 =	vsel vm6, $0x605, v30;
	v31 =	vsel vm6, $0x805, v31  }
0x39: {  	[tilespmem:$0x1FBE0] =	vst v1;
	v0 =	vsel vm0, v4, v0;
	v1 =	vsel vm0, v5, v4;
	v4 =	vimm.s32 $0x54329876  }
0x3a: {  	v5 =	vimm.s32 $0x6543A987;
	v13 =	vsel vm15, $0x1E02, v13;
	v16 =	vsel vm7, $0x2C06, v16  }
0x3b: {  	v17 =	vsel vm7, $0x2E06, v17;
	v18 =	vsel vm7, $0x3006, v18;
	v19 =	vsel vm7, $0x3206, v19  }
0x3c: {  	v20 =	vsel vm7, $0x3406, v20;
	v21 =	vsel vm7, $0x3606, v21;
	v22 =	vsel vm7, $0x3806, v22  }
0x3d: {  	v23 =	vsel vm7, $0x3A06, v23;
	v24 =	vsel vm7, $0x3C06, v24;
	v25 =	vsel vm7, $0x3E06, v25  }
0x3e: {  	v26 =	vsel vm7, $0x6, v26;
	v27 =	vsel vm7, $0x206, v27;
	v28 =	vsel vm7, $0x406, v28  }
0x3f: {  	v29 =	vsel vm7, $0x606, v29;
	v30 =	vsel vm7, $0x806, v30;
	v31 =	vsel vm7, $0xA06, v31;
	[tilespmem:$0x1FC40] =	vst v0  }
0x40: {  	v0 =	vsel vm0, v8, v7;
	v7 =	vimm.s32 $0x1B1A1918;
	[tilespmem:$0x1FBF0] =	vst v1;
	v1 =	vsel vm0, v9, v8  }
0x41: {  	v4 =	vunpack.c.l.s4.s8 v4;
	v5 =	vunpack.c.l.s4.s8 v5;
	v8 =	vimm.s32 $0xE0D0C0B  }
0x42: {  	v13 =	vsel vm4, $0x2003, v13;
	v16 =	vsel vm8, $0x2E07, v16;
	v17 =	vsel vm8, $0x3007, v17  }
0x43: {  	v18 =	vsel vm8, $0x3207, v18;
	v19 =	vsel vm8, $0x3407, v19;
	v20 =	vsel vm8, $0x3607, v20  }
0x44: {  	v21 =	vsel vm8, $0x3807, v21;
	v22 =	vsel vm8, $0x3A07, v22;
	v23 =	vsel vm8, $0x3C07, v23  }
0x45: {  	v24 =	vsel vm8, $0x3E07, v24;
	v25 =	vsel vm8, $0x7, v25;
	v26 =	vsel vm8, $0x207, v26  }
0x46: {  	v27 =	vsel vm8, $0x407, v27;
	v28 =	vsel vm8, $0x607, v28;
	v29 =	vsel vm8, $0x807, v29  }
0x47: {  	v30 =	vsel vm8, $0xA07, v30;
	v31 =	vsel vm8, $0xC07, v31;
	[tilespmem:$0x1FC50] =	vst v0;
	v0 =	vsel vm0, v10, v9  }
0x48: {  	v7 =	vunpack.c.0.s8.s32 v7;
	v8 =	vunpack.c.0.s8.s32 v8;
	v9 =	vimm.s32 $0x3007  }
0x49: {  	v13 =	vsel vm5, $0x2204, v13;
	v16 =	vsel vm9, $0x3000, v16;
	v17 =	vsel vm9, $0x3200, v17  }
0x4a: {  	v18 =	vsel vm9, $0x3400, v18;
	v19 =	vsel vm9, $0x3600, v19;
	v20 =	vsel vm9, $0x3800, v20  }
0x4b: {  	v21 =	vsel vm9, $0x3A00, v21;
	v22 =	vsel vm9, $0x3C00, v22;
	v23 =	vsel vm9, $0x3E00, v23  }
0x4c: {  	v24 =	vsel vm9, $0x0, v24;
	v25 =	vsel vm9, $0x200, v25;
	v26 =	vsel vm9, $0x400, v26  }
0x4d: {  	v27 =	vsel vm9, $0x600, v27;
	v28 =	vsel vm9, $0x800, v28;
	v29 =	vsel vm9, $0xA00, v29  }
0x4e: {  	v30 =	vsel vm9, $0xC00, v30;
	v31 =	vsel vm9, $0xE00, v31;
	[tilespmem:$0x1FC60] =	vst v0;
	v0 =	vsel vm0, v11, v12  }
0x4f: {  	v11 =	vimm.s32 $0x4030201;
	v4 =	vunpack.c.0.s8.s32 v4;
	v5 =	vunpack.c.0.s8.s32 v5  }
0x50: {  	v9 =	vsel vm13, $0x1200, v9;
	v13 =	vsel vm6, $0x2405, v13;
	v16 =	vsel vm10, $0x3201, v16  }
0x51: {  	v17 =	vsel vm10, $0x3401, v17;
	v18 =	vsel vm10, $0x3601, v18;
	v19 =	vsel vm10, $0x3801, v19  }
0x52: {  	v20 =	vsel vm10, $0x3A01, v20;
	v21 =	vsel vm10, $0x3C01, v21;
	v22 =	vsel vm10, $0x3E01, v22  }
0x53: {  	v23 =	vsel vm10, $0x1, v23;
	v24 =	vsel vm10, $0x201, v24;
	v25 =	vsel vm10, $0x401, v25  }
0x54: {  	v26 =	vsel vm10, $0x601, v26;
	v27 =	vsel vm10, $0x801, v27;
	v28 =	vsel vm10, $0xA01, v28  }
0x55: {  	[tilespmem:$0x1FC10] =	vst v1;
	v29 =	vsel vm10, $0xC01, v29;
	v30 =	vsel vm10, $0xE01, v30;
	v31 =	vsel vm10, $0x1001, v31  }
0x56: {  	[tilespmem:$0x1FB90] =	vst v0;
	v0 =	vimm.s32 $0x17161514;
	v11 =	vunpack.c.0.s8.s32 v11;
	v1 =	vsel vm0, v12, v7  }
0x57: {  	v9 =	vsel vm14, $0x1401, v9;
	v13 =	vsel vm7, $0x2606, v13;
	v16 =	vsel vm11, $0x3402, v16  }
0x58: {  	v17 =	vsel vm11, $0x3602, v17;
	v18 =	vsel vm11, $0x3802, v18;
	v19 =	vsel vm11, $0x3A02, v19  }
0x59: {  	v20 =	vsel vm11, $0x3C02, v20;
	v21 =	vsel vm11, $0x3E02, v21;
	v22 =	vsel vm11, $0x2, v22  }
0x5a: {  	v23 =	vsel vm11, $0x202, v23;
	v24 =	vsel vm11, $0x402, v24;
	v25 =	vsel vm11, $0x602, v25  }
0x5b: {  	v26 =	vsel vm11, $0x802, v26;
	v27 =	vsel vm11, $0xA02, v27;
	v28 =	vsel vm11, $0xC02, v28  }
0x5c: {  	v29 =	vsel vm11, $0xE02, v29;
	v30 =	vsel vm11, $0x1002, v30;
	v31 =	vsel vm11, $0x1202, v31  }
0x5d: {  	v0 =	vunpack.c.0.s8.s32 v0;
	[tilespmem:$0x1FC20] =	vst v1;
	v1 =	vimm.s32 $0x43218765;
	v4 =	vand.u32 $0xF, v4  }
0x5e: {  	v5 =	vand.u32 $0xF, v5;
	v9 =	vsel vm15, $0x1602, v9;
	v13 =	vsel vm8, $0x2807, v13  }
0x5f: {  	v11 =	vsel vm0, v11, v3;
	v1 =	vunpack.c.l.s4.s8 v1;
	v4 =	vsel vm12, v4, v6  }
0x60: {  	v5 =	vsel vm12, v5, v10;
	v6 =	vimm.s32 $0x2A07;
	v9 =	vsel vm4, $0x1803, v9  }
0x61: {  	v13 =	vsel vm9, $0x2A00, v13;
	v62 =	vsel vm0, v7, v0;
	v0 =	vunpack.c.0.s8.s32 v14  }
0x62: {  	v14 =	vunpack.c.l.s4.s8 v15;
	v7 =	vimm.s32 $0xC0B0A09;
	v33 =	vsel vm1, v8, v5  }
0x63: {  	v5 =	vimm.s32 $0x2807;
	v6 =	vsel vm13, $0xC00, v6;
	v8 =	vimm.s32 $0x2E07  }
0x64: {  	[tilespmem:$0x1FBB0] =	vst v11;
	v11 =	vimm.s32 $0x3407;
	v15 =	vimm.s32 $0x3C07;
	v9 =	vsel vm5, $0x1A04, v9  }
0x65: {  	v13 =	vsel vm10, $0x2C01, v13;
	v1 =	vunpack.c.0.s8.s32 v1;
	v5 =	vsel vm13, $0xA00, v5  }
0x66: {  	v8 =	vsel vm13, $0x1000, v8;
	v11 =	vsel vm13, $0x1600, v11;
	v15 =	vsel vm13, $0x1E00, v15  }
0x67: {  	v6 =	vsel vm14, $0xE01, v6;
	v9 =	vsel vm6, $0x1C05, v9;
	v13 =	vsel vm11, $0x2E02, v13  }
0x68: {  	v0 =	vsel vm0, v0, v10;
	v10 =	vimm.s32 $0x3207;
	v5 =	vsel vm14, $0xC01, v5  }
0x69: {  	v8 =	vsel vm14, $0x1201, v8;
	v11 =	vsel vm14, $0x1801, v11;
	v15 =	vsel vm14, $0x2001, v15  }
0x6a: {  	v6 =	vsel vm15, $0x1002, v6;
	v9 =	vsel vm7, $0x1E06, v9;
	[tilespmem:$0x1FC00] =	vst v0;
	v0 =	vunpack.c.0.s8.s32 v14  }
0x6b: {  	v1 =	vand.u32 $0xF, v1;
	v10 =	vsel vm13, $0x1400, v10;
	v14 =	vimm.s32 $0x3A07  }
0x6c: {  	v5 =	vsel vm15, $0xE02, v5;
	v8 =	vsel vm15, $0x1402, v8;
	v11 =	vsel vm15, $0x1A02, v11  }
0x6d: {  	v15 =	vsel vm15, $0x2202, v15;
	v6 =	vsel vm4, $0x1203, v6;
	v9 =	vsel vm8, $0x2007, v9  }
0x6e: {  	v1 =	vsel vm12, v1, v3;
	v3 =	vunpack.c.0.s8.s32 v7;
	v7 =	vimm.s32 $0xD0C0B0A  }
0x6f: {  	v14 =	vsel vm13, $0x1C00, v14;
	v10 =	vsel vm14, $0x1601, v10;
	v5 =	vsel vm4, $0x1003, v5  }
0x70: {  	v8 =	vsel vm4, $0x1603, v8;
	v11 =	vsel vm4, $0x1C03, v11;
	v15 =	vsel vm4, $0x2403, v15  }
0x71: {  	v6 =	vsel vm5, $0x1404, v6;
	v9 =	vsel vm9, $0x2200, v9;
	v0 =	vand.u32 $0xF, v0  }
0x72: {  	v7 =	vunpack.c.0.s8.s32 v7;
	v14 =	vsel vm14, $0x1E01, v14;
	v10 =	vsel vm15, $0x1802, v10  }
0x73: {  	v5 =	vsel vm5, $0x1204, v5;
	v8 =	vsel vm5, $0x1804, v8;
	v11 =	vsel vm5, $0x1E04, v11  }
0x74: {  	v15 =	vsel vm5, $0x2604, v15;
	v6 =	vsel vm6, $0x1605, v6;
	v9 =	vsel vm10, $0x2401, v9  }
0x75: {  	v0 =	vsel vm12, v0, v12;
	v12 =	vimm.s32 $0x3607;
	v14 =	vsel vm15, $0x2002, v14  }
0x76: {  	v10 =	vsel vm4, $0x1A03, v10;
	v5 =	vsel vm6, $0x1405, v5;
	v8 =	vsel vm6, $0x1A05, v8  }
0x77: {  	v11 =	vsel vm6, $0x2005, v11;
	v15 =	vsel vm6, $0x2805, v15;
	v6 =	vsel vm7, $0x1806, v6  }
0x78: {  	v9 =	vsel vm11, $0x2602, v9;
	vm12 =	vcmask $0x2F2C;
	v0 =	vsel vm1, v2, v0  }
0x79: {  	v2 =	vimm.s32 $0x2207;
	v12 =	vsel vm13, $0x1800, v12;
	v14 =	vsel vm4, $0x2203, v14  }
0x7a: {  	v10 =	vsel vm5, $0x1C04, v10;
	v5 =	vsel vm7, $0x1606, v5;
	v8 =	vsel vm7, $0x1C06, v8  }
0x7b: {  	v11 =	vsel vm7, $0x2206, v11;
	v15 =	vsel vm7, $0x2A06, v15;
	v6 =	vsel vm8, $0x1A07, v6  }
0x7c: {  	v9 =	vsel vm12, $0x2803, v9;
	v13 =	vsel vm12, $0x3003, v13;
	v16 =	vsel vm12, $0x3603, v16  }
0x7d: {  	v17 =	vsel vm12, $0x3803, v17;
	v18 =	vsel vm12, $0x3A03, v18;
	v19 =	vsel vm12, $0x3C03, v19  }
0x7e: {  	v20 =	vsel vm12, $0x3E03, v20;
	v21 =	vsel vm12, $0x3, v21;
	v22 =	vsel vm12, $0x203, v22  }
0x7f: {  	v23 =	vsel vm12, $0x403, v23;
	v24 =	vsel vm12, $0x603, v24;
	v25 =	vsel vm12, $0x803, v25  }
0x80: {  	v26 =	vsel vm12, $0xA03, v26;
	v27 =	vsel vm12, $0xC03, v27;
	v28 =	vsel vm12, $0xE03, v28  }
0x81: {  	v29 =	vsel vm12, $0x1003, v29;
	v30 =	vsel vm12, $0x1203, v30;
	v31 =	vsel vm12, $0x1403, v31  }
0x82: {  	[tilespmem:$0x1FB50] =	vst v0;
	v0 =	vsel vm1, v3, v1;
	v1 =	vimm.s32 $0x2007;
	v2 =	vsel vm13, $0x400, v2  }
0x83: {  	v3 =	vimm.s32 $0x2407;
	v12 =	vsel vm14, $0x1A01, v12;
	v14 =	vsel vm5, $0x2404, v14  }
0x84: {  	v10 =	vsel vm6, $0x1E05, v10;
	v5 =	vsel vm8, $0x1807, v5;
	v8 =	vsel vm8, $0x1E07, v8  }
0x85: {  	v11 =	vsel vm8, $0x2407, v11;
	v15 =	vsel vm8, $0x2C07, v15;
	v6 =	vsel vm9, $0x1C00, v6  }
0x86: {  	[tilespmem:$0x1FB60] =	vst v0;
	v0 =	vsel vm1, v7, v4;
	v1 =	vsel vm13, $0x200, v1;
	v4 =	vimm.s32 $0x2607  }
0x87: {  	v3 =	vsel vm13, $0x600, v3;
	v7 =	vimm.s32 $0x2C07;
	v2 =	vsel vm14, $0x601, v2  }
0x88: {  	v12 =	vsel vm15, $0x1C02, v12;
	v14 =	vsel vm6, $0x2605, v14;
	v10 =	vsel vm7, $0x2006, v10  }
0x89: {  	v5 =	vsel vm9, $0x1A00, v5;
	v8 =	vsel vm9, $0x2000, v8;
	v11 =	vsel vm9, $0x2600, v11  }
0x8a: {  	v15 =	vsel vm9, $0x2E00, v15;
	v6 =	vsel vm10, $0x1E01, v6;
	[tilespmem:$0x1FB70] =	vst v0;
	v0 =	vimm.s32 $0x1E07  }
0x8b: {  	v4 =	vsel vm13, $0x800, v4;
	v7 =	vsel vm13, $0xE00, v7;
	v1 =	vsel vm14, $0x401, v1  }
0x8c: {  	v3 =	vsel vm14, $0x801, v3;
	v2 =	vsel vm15, $0x802, v2;
	v12 =	vsel vm4, $0x1E03, v12  }
0x8d: {  	v14 =	vsel vm7, $0x2806, v14;
	v10 =	vsel vm8, $0x2207, v10;
	v5 =	vsel vm10, $0x1C01, v5  }
0x8e: {  	v8 =	vsel vm10, $0x2201, v8;
	v11 =	vsel vm10, $0x2801, v11;
	v15 =	vsel vm10, $0x3001, v15  }
0x8f: {  	v6 =	vsel vm11, $0x2002, v6;
	v0 =	vsel vm13, $0x0, v0;
	v4 =	vsel vm14, $0xA01, v4  }
0x90: {  	v7 =	vsel vm14, $0x1001, v7;
	v1 =	vsel vm15, $0x602, v1;
	v3 =	vsel vm15, $0xA02, v3  }
0x91: {  	v2 =	vsel vm4, $0xA03, v2;
	v12 =	vsel vm5, $0x2004, v12;
	v14 =	vsel vm8, $0x2A07, v14  }
0x92: {  	v10 =	vsel vm9, $0x2400, v10;
	v5 =	vsel vm11, $0x1E02, v5;
	v8 =	vsel vm11, $0x2402, v8  }
0x93: {  	v11 =	vsel vm11, $0x2A02, v11;
	v15 =	vsel vm11, $0x3202, v15;
	v6 =	vsel vm12, $0x2203, v6  }
0x94: {  	vm13 =	vcmask $0x3330;
	v0 =	vsel vm14, $0x201, v0;
	v4 =	vsel vm15, $0xC02, v4  }
0x95: {  	v7 =	vsel vm15, $0x1202, v7;
	v1 =	vsel vm4, $0x803, v1;
	v3 =	vsel vm4, $0xC03, v3  }
0x96: {  	v2 =	vsel vm5, $0xC04, v2;
	v12 =	vsel vm6, $0x2205, v12;
	v14 =	vsel vm9, $0x2C00, v14  }
0x97: {  	v10 =	vsel vm10, $0x2601, v10;
	v5 =	vsel vm12, $0x2003, v5;
	v8 =	vsel vm12, $0x2603, v8  }
0x98: {  	v11 =	vsel vm12, $0x2C03, v11;
	v15 =	vsel vm12, $0x3403, v15;
	v6 =	vsel vm13, $0x2404, v6  }
0x99: {  	v9 =	vsel vm13, $0x2A04, v9;
	v13 =	vsel vm13, $0x3204, v13;
	v16 =	vsel vm13, $0x3804, v16  }
0x9a: {  	v17 =	vsel vm13, $0x3A04, v17;
	v18 =	vsel vm13, $0x3C04, v18;
	v19 =	vsel vm13, $0x3E04, v19  }
0x9b: {  	v20 =	vsel vm13, $0x4, v20;
	v21 =	vsel vm13, $0x204, v21;
	v22 =	vsel vm13, $0x404, v22  }
0x9c: {  	v23 =	vsel vm13, $0x604, v23;
	v24 =	vsel vm13, $0x804, v24;
	v25 =	vsel vm13, $0xA04, v25  }
0x9d: {  	v26 =	vsel vm13, $0xC04, v26;
	v27 =	vsel vm13, $0xE04, v27;
	v28 =	vsel vm13, $0x1004, v28  }
0x9e: {  	v29 =	vsel vm13, $0x1204, v29;
	v30 =	vsel vm13, $0x1404, v30;
	v31 =	vsel vm13, $0x1604, v31  }
0x9f: {  	vm14 =	vcmask $0x3734;
	v0 =	vsel vm15, $0x402, v0;
	v4 =	vsel vm4, $0xE03, v4  }
0xa0: {  	v7 =	vsel vm4, $0x1403, v7;
	v1 =	vsel vm5, $0xA04, v1;
	v3 =	vsel vm5, $0xE04, v3  }
0xa1: {  	v2 =	vsel vm6, $0xE05, v2;
	v12 =	vsel vm7, $0x2406, v12;
	v14 =	vsel vm10, $0x2E01, v14  }
0xa2: {  	v10 =	vsel vm11, $0x2802, v10;
	v5 =	vsel vm13, $0x2204, v5;
	v8 =	vsel vm13, $0x2804, v8  }
0xa3: {  	v11 =	vsel vm13, $0x2E04, v11;
	v15 =	vsel vm13, $0x3604, v15;
	v34 =	vsel vm14, $0x2605, v6  }
0xa4: {  	v37 =	vsel vm14, $0x2C05, v9;
	v44 =	vsel vm14, $0x3A05, v16;
	v45 =	vsel vm14, $0x3C05, v17  }
0xa5: {  	v46 =	vsel vm14, $0x3E05, v18;
	v47 =	vsel vm14, $0x5, v19;
	v48 =	vsel vm14, $0x405, v21  }
0xa6: {  	v49 =	vsel vm14, $0x605, v22;
	v50 =	vsel vm14, $0x805, v23;
	v51 =	vsel vm14, $0xA05, v24  }
0xa7: {  	v52 =	vsel vm14, $0xC05, v25;
	v53 =	vsel vm14, $0xE05, v26;
	v54 =	vsel vm14, $0x1005, v27  }
0xa8: {  	v55 =	vsel vm14, $0x1205, v28;
	v56 =	vsel vm14, $0x1405, v29;
	v57 =	vsel vm14, $0x1605, v30  }
0xa9: {  	v58 =	vsel vm14, $0x1805, v31;
	vm15 =	vcmask $0x3B38;
	v0 =	vsel vm4, $0x603, v0  }
0xaa: {  	v4 =	vsel vm5, $0x1004, v4;
	v7 =	vsel vm5, $0x1604, v7;
	v1 =	vsel vm6, $0xC05, v1  }
0xab: {  	v3 =	vsel vm6, $0x1005, v3;
	v2 =	vsel vm7, $0x1006, v2;
	v12 =	vsel vm8, $0x2607, v12  }
0xac: {  	v14 =	vsel vm11, $0x3002, v14;
	v10 =	vsel vm12, $0x2A03, v10;
	v63 =	vsel vm14, $0x2405, v5  }
0xad: {  	v36 =	vsel vm14, $0x2A05, v8;
	v39 =	vsel vm14, $0x3005, v11;
	v5 =	vsel vm14, $0x3405, v13  }
0xae: {  	v43 =	vsel vm14, $0x3805, v15;
	v15 =	vsel vm15, $0x2E06, v37;
	v26 =	vsel vm15, $0x3C06, v44  }
0xaf: {  	s0 =	rddreg [dreg:$0x0];
	s2 =	simm.s32 $0x0;
	v24 =	vsel vm15, $0x3E06, v45;
	v25 =	vsel vm15, $0x6, v46;
	v28 =	vsel vm15, $0x606, v48  }
0xb0: {  	[smem:$0x7FF] =	sst s2;
	v30 =	vsel vm15, $0xA06, v50;
	v31 =	vsel vm15, $0xC06, v51;
	v8 =	vsel vm15, $0x1206, v54  }
0xb1: {  	s1 =	rddreg [dreg:$0x1];
	_ =	strace $0x80000047;
	v0 =	vsel vm5, $0x804, v0;
	v4 =	vsel vm6, $0x1205, v4;
	v7 =	vsel vm6, $0x1805, v7;
	[tilespmem:$0x1FD10] =	vst v15  }
0xb2: {  	v1 =	vsel vm7, $0xE06, v1;
	v3 =	vsel vm7, $0x1206, v3;
	v2 =	vsel vm8, $0x1207, v2;
	[tilespmem:$0x1FD80] =	vst v26  }
0xb3: {  	v12 =	vsel vm9, $0x2800, v12;
	v14 =	vsel vm12, $0x3203, v14;
	v10 =	vsel vm13, $0x2C04, v10;
	[tilespmem:$0x1FD90] =	vst v24  }
0xb4: {  	v18 =	vsel vm15, $0x3206, v39;
	v29 =	vsel vm15, $0x3606, v5;
	v22 =	vsel vm15, $0x3A06, v43;
	[tilespmem:$0x1FDA0] =	vst v25  }
0xb5: {  	v43 =	vsel vm15, $0x806, v49;
	v39 =	vsel vm15, $0x1606, v56;
	[tilespmem:$0x1FDD0] =	vst v28;
	v0 =	vsel vm6, $0xA05, v0  }
0xb6: {  	[tilespmem:$0x1FDF0] =	vst v30;
	v4 =	vsel vm7, $0x1406, v4;
	v7 =	vsel vm7, $0x1A06, v7;
	v1 =	vsel vm8, $0x1007, v1  }
0xb7: {  	[tilespmem:$0x1FE00] =	vst v31;
	v3 =	vsel vm8, $0x1407, v3;
	v2 =	vsel vm9, $0x1400, v2;
	v12 =	vsel vm10, $0x2A01, v12  }
0xb8: {  	[tilespmem:$0x1FE30] =	vst v8;
	v14 =	vsel vm13, $0x3404, v14;
	v38 =	vsel vm14, $0x2E05, v10;
	v0 =	vsel vm7, $0xC06, v0  }
0xb9: {  	[tilespmem:$0x1FD30] =	vst v18;
	v4 =	vsel vm8, $0x1607, v4;
	v7 =	vsel vm8, $0x1C07, v7;
	v1 =	vsel vm9, $0x1200, v1  }
0xba: {  	[tilespmem:$0x1FD50] =	vst v29;
	v3 =	vsel vm9, $0x1600, v3;
	v2 =	vsel vm10, $0x1601, v2;
	v12 =	vsel vm11, $0x2C02, v12  }
0xbb: {  	[tilespmem:$0x1FD70] =	vst v22;
	v42 =	vsel vm14, $0x3605, v14;
	v14 =	vsel vm15, $0x2C06, v36;
	v17 =	vsel vm15, $0x3006, v38  }
0xbc: {  	[tilespmem:$0x1FDE0] =	vst v43;
	v36 =	vsel vm15, $0x1806, v57;
	v0 =	vsel vm8, $0xE07, v0;
	v4 =	vsel vm9, $0x1800, v4  }
0xbd: {  	[tilespmem:$0x1FE50] =	vst v39;
	v7 =	vsel vm9, $0x1E00, v7;
	v1 =	vsel vm10, $0x1401, v1;
	v12 =	vsel vm12, $0x2E03, v12  }
0xbe: {  	v3 =	vsel vm10, $0x1801, v3;
	v2 =	vsel vm11, $0x1802, v2;
	[tilespmem:$0x1FD00] =	vst v14;
	v12 =	vsel vm13, $0x3004, v12  }
0xbf: {  	[tilespmem:$0x1FD20] =	vst v17;
	v0 =	vsel vm9, $0x1000, v0;
	v4 =	vsel vm10, $0x1A01, v4;
	v40 =	vsel vm14, $0x3205, v12  }
0xc0: {  	[tilespmem:$0x1FE60] =	vst v36;
	v7 =	vsel vm10, $0x2001, v7;
	v16 =	vsel vm15, $0x3406, v40;
	v40 =	vlaneseq.u32  }
0xc1: {  	v1 =	vsel vm11, $0x1602, v1;
	v3 =	vsel vm11, $0x1A02, v3;
	v21 =	vadd.s32 $0x2, v40;
	[tilespmem:$0x1FD40] =	vst v16  }
0xc2: {  	v2 =	vsel vm12, $0x1A03, v2;
	v0 =	vsel vm10, $0x1201, v0;
	v49 =	vadd.s32 $0x4, v40;
	[tilespmem:$0x1FE80] =	vst v21  }
0xc3: {  	v4 =	vsel vm11, $0x1C02, v4;
	v7 =	vsel vm11, $0x2202, v7;
	v41 =	vadd.s32 $0x5, v40;
	[tilespmem:$0x1FEA0] =	vst v49  }
0xc4: {  	v1 =	vsel vm12, $0x1803, v1;
	v3 =	vsel vm12, $0x1C03, v3;
	v51 =	vadd.s32 $0x6, v40;
	[tilespmem:$0x1FEB0] =	vst v41  }
0xc5: {  	v2 =	vsel vm13, $0x1C04, v2;
	v0 =	vsel vm11, $0x1402, v0;
	v48 =	vadd.s32 $0x7, v40;
	[tilespmem:$0x1FEC0] =	vst v51  }
0xc6: {  	v7 =	vsel vm12, $0x2403, v7;
	v1 =	vsel vm13, $0x1A04, v1;
	v50 =	vadd.s32 $0x8, v40;
	[tilespmem:$0x1FED0] =	vst v48  }
0xc7: {  	v3 =	vsel vm13, $0x1E04, v3;
	v2 =	vsel vm14, $0x1E05, v2;
	v57 =	vadd.s32 $0xB, v40;
	[tilespmem:$0x1FEE0] =	vst v50  }
0xc8: {  	v0 =	vsel vm12, $0x1603, v0;
	v7 =	vsel vm13, $0x2604, v7;
	v12 =	vadd.s32 $0xC, v40;
	[tilespmem:$0x1FF10] =	vst v57  }
0xc9: {  	v1 =	vsel vm14, $0x1C05, v1;
	v3 =	vsel vm14, $0x2005, v3;
	v38 =	vadd.s32 $0xD, v40;
	[tilespmem:$0x1FF40] =	vst v12  }
0xca: {  	v19 =	vor.u32 $0x10, v40;
	v0 =	vsel vm13, $0x1804, v0;
	v35 =	vsel vm14, $0x2805, v7;
	[tilespmem:$0x1FF60] =	vst v38  }
0xcb: {  	v7 =	vsel vm14, $0x205, v20;
	v9 =	vsel vm15, $0x1E06, v1;
	v59 =	vsel vm15, $0x2206, v3;
	[tilespmem:$0x1FFF0] =	vst v19  }
0xcc: {  	v1 =	vsel vm15, $0x2606, v63;
	v63 =	vsel vm15, $0x2806, v34;
	v3 =	vld [tilespmem:$0x1FBC0];
	v0 =	vsel vm14, $0x1A05, v0;
	[tilespmem:$0x1FC90] =	vst v9  }
0xcd: {  	v20 =	vsel vm15, $0x3806, v42;
	[tilespmem:$0x1FCE0] =	vst v63;
	v11 =	vsel vm15, $0x1C06, v0;
	v0 =	vsel vm15, $0x2006, v2;
	v2 =	vld [tilespmem:$0x1FBB0]  }
0xce: {  	v4 =	vsel vm12, $0x1E03, v4;
	v34 =	vsel vm15, $0x1406, v55;
	[tilespmem:$0x1FD60] =	vst v20  }
0xcf: {  	v4 =	vsel vm13, $0x2004, v4;
	v55 =	vadd.s32 $0xA, v40;
	[tilespmem:$0x1FE40] =	vst v34  }
0xd0: {  	v32 =	vsel vm14, $0x2205, v4;
	v37 =	vmov v59;
	[tilespmem:$0x1FF00] =	vst v55  }
0xd1: {  	v27 =	vsel vm15, $0x2406, v32;
	v44 =	vmov v1;
	v1 =	vld [tilespmem:$0x1FB90];
	[tilespmem:$0x1FCB0] =	vst v37  }
0xd2: {  	[tilespmem:$0x1FCC0] =	vst v27;
	v2 =	vcombine.low v3, v2  }
0xd3: {  	[tilespmem:$0x1FCD0] =	vst v44;
	v3 =	vld [tilespmem:$0x1FBF0]  }
0xd4: {  	v13 =	vsel vm15, $0x2A06, v35;
	[tilespmem:$0x1FBD0] =	vst v2;
	v2 =	vld [tilespmem:$0x1FBE0]  }
0xd5: {  	v35 =	vsel vm15, $0x206, v47;
	[tilespmem:$0x1FCF0] =	vst v13  }
0xd6: {  	v6 =	vsel vm15, $0x406, v7;
	[tilespmem:$0x1FDB0] =	vst v35;
	v1 =	vcombine.low v62, v1  }
0xd7: {  	[tilespmem:$0x1FDC0] =	vst v6  }
0xd8: {  	v5 =	vld [tilespmem:$0x1FC20];
	v32 =	vsel vm15, $0xE06, v52;
	v42 =	vmovc v0;
	v0 =	vsel vm15, $0x1A06, v58;
	[tilespmem:$0x1FBA0] =	vst v1;
	v1 =	vimm.s32 $0x87654321  }
0xd9: {  	[tilespmem:$0x1FB80] =	vst v0;
	v0 =	vimm.s32 $0x76543210;
	v1 =	vunpack.c.l.s4.s8 v1;
	v62 =	vcombine.low v3, v2;
	v2 =	vld [tilespmem:$0x1FC00]  }
0xda: {  	v52 =	vadd.s32 $0x3, v40;
	[tilespmem:$0x1FE10] =	vst v32;
	v0 =	vunpack.c.l.s4.s8 v0;
	v3 =	vld [tilespmem:$0x1FC10]  }
0xdb: {  	v4 =	vmov v33;
	[tilespmem:$0x1FE90] =	vst v52;
	v1 =	vunpack.c.0.s8.s32 v1  }
0xdc: {  	[tilespmem:$0x1FC70] =	vst v4;
	v0 =	vunpack.c.0.s8.s32 v0  }
0xdd: {  	v33 =	vsel vm15, $0x1006, v53;
	[tilespmem:$0x1FC80] =	vst v11;
	v1 =	vand.u32 $0xF, v1  }
0xde: {  	v53 =	vadd.s32 $0x9, v40;
	[tilespmem:$0x1FE20] =	vst v33;
	v5 =	vcombine.low v5, v0;
	v58 =	vcombine.low v61, v1;
	v1 =	vld [tilespmem:$0x1FC40]  }
0xdf: {  	s22 =	srdreg.scid;
	s3 =	stileid.u32;
	s13 =	simm.s32 $0x200;
	[tilespmem:$0x1FEF0] =	vst v53;
	v54 =	vcombine.low v3, v2;
	v2 =	vimm.s32 $0x98765432;
	v3 =	vimm.s32 $0xA9876543  }
0xe0: {  	s14 =	simm.s32 $0x4000;
	s15 =	simm.s32 $0x1;
	s16 =	simm.s32 $0x80;
	[tilespmem:$0x1FCA0] =	vst v42;
	v2 =	vunpack.c.l.s4.s8 v2;
	v0 =	vunpack.c.l.s4.s8 v3;
	v3 =	vld [tilespmem:$0x1FC30]  }
0xe1: {  	s17 =	simm.s32 $0x6400;
	s18 =	simm.s32 $0x7400;
	s20 =	simm.s32 $0x8400;
	[tilespmem:$0x1FF50] =	vst v5  }
0xe2: {  	s28 =	simm.s32 $0xC400;
	s30 =	simm.s32 $0xD400;
	s31 =	simm.s32 $0x2;
	[tilespmem:$0x1FF20] =	vst v62;
	v2 =	vunpack.c.0.s8.s32 v2  }
0xe3: {  	s29 =	simm.s32 $0x12400;
	s19 =	simm.s32 $0x5;
	s2 =	sand.u32 $0x1, s22;
	v23 =	vld [tilespmem:$0x1FC60];
	[tilespmem:$0x1FF80] =	vst v58;
	v47 =	vcombine.low v1, v60  }
0xe4: {  	s4 =	sshll.u32 s3, $0xA;
	s6 =	ssub.s32 $0x2, s2;
	s2 =	sshll.u32 s2, $0x9;
	v46 =	vadd.s32 $0x1, v40;
	[tilespmem:$0x1FF30] =	vst v54;
	v1 =	vand.u32 $0xF, v2  }
0xe5: {  	s21 =	simm.s32 $0x0;
	s3 =	sadd.s32 $0xF42A00, s0;
	s4 =	sor.u32 s2, s4;
	[tilespmem:$0x1FFA0] =	vst v47;
	v0 =	vunpack.c.0.s8.s32 v0;
	v45 =	vcombine.low v3, v61;
	v2 =	vcombine.low v60, v1;
	v3 =	vld [tilespmem:$0x1FC50];
	v60 =	vmovc v46  }
0xe6: {  	s5 =	sadd.s32 $0x600, s0;
	s7 =	sshrl.u32 s6, $0x1;
	s24 =	sshrl.u32 s4, $0x3;
	v61 =	vadd.s32 $0xE, v40;
	[tilespmem:$0x1FE70] =	vst v60  }
0xe7: {  	s8 =	sadd.s32 $0x10600, s0;
	s23 =	ssub.s32 s6, s7;
	s1 =	sadd.s32 s1, s24;
	v0 =	vand.u32 $0xF, v0;
	v1 =	vadd.s32 $0xF, v40;
	[tilespmem:$0x1FF90] =	vst v61  }
0xe8: {  	s7 =	sadd.s32 s5, s24;
	s0 =	sadd.s32 s24, s8;
	[dreg:$0x3] =	wrdreg s1;
	v56 =	vcombine.low v23, v0;
	[tilespmem:$0x1FFC0] =	vst v1  }
0xe9: {  	s22 =	simm.s32 $0x9400;
	s25 =	sadd.s32 $0x300000, s7;
	[dreg:$0x4] =	wrdreg s0;
	[tilespmem:$0x1FF70] =	vst v45  }
0xea: {  	s2 =	simm.s32 $0x4;
	s26 =	sadd.s32 $0x310000, s7;
	[dreg:$0x5] =	wrdreg s25;
	v46 =	vmov v2;
	[tilespmem:$0x1FFE0] =	vst v56;
	v10 =	vcombine.low v3, v23  }
0xeb: {  	s12 =	smax.u32 s23, $0x1;
	s23 =	simm.s32 $0xA400;
	[dreg:$0x6] =	wrdreg s26;
	[tilespmem:$0x1FFB0] =	vst v46  }
0xec: {  	s25 =	simm.s32 $0xB400;
	s0 =	simm.s32 $0xE400;
	s26 =	simm.s32 $0x3;
	v7 =	vmov v52;
	v59 =	vmov v1;
	v2 =	vmov v27;
	[tilespmem:$0x1FFD0] =	vst v10  }
.LBB2_1:
0xed: {  	s1 =	simm.s32 $0x0;
	s6 =	rddreg [dreg:$0x3]  }
0xee: {  	[tilespmem:s1], [sflag:$0x1] =	stream.strided.gather [hbm4b:s6+s13], $0x6400, s14, s13, $0x38;
	[tilespmem:$0x16400] =	vst v63  }
0xef: {  	_ =	swait.ge [sflag:s15], $0x6400  }
0xf0: {  	[sflag:s15] =	ssyncset.done $0x0  }
0xf1: {  	[sflag:s15] =	ssyncadd.s32 $0xFFFF9C00  }
0xf2: {  	[tilespmem:s17], [sflag:$0x2] =	stream.indirect.gather [hbm4b:s3+s16], $0x20, s1, s16, $0xb8;
	[tilespmem:$0x16400] =	vst v63  }
0xf3: {  	_ = 	snop  }
0xf4: {  	[tilespmem:s18], [sflag:$0x2] =	stream.indirect.gather [hbm4b:s3+s16], $0x20, s16, s16, $0xb8;
	[tilespmem:$0x16400] =	vst v63  }
0xf5: {  	s11 =	simm.s32 $0x100  }
0xf6: {  	[tilespmem:s20], [sflag:$0x2] =	stream.indirect.gather [hbm4b:s3+s16], $0x20, s11, s16, $0xb8;
	[tilespmem:$0x16400] =	vst v63  }
0xf7: {  	s24 =	simm.s32 $0x180  }
0xf8: {  	[tilespmem:s22], [sflag:$0x2] =	stream.indirect.gather [hbm4b:s3+s16], $0x20, s24, s16, $0xb8;
	[tilespmem:$0x16400] =	vst v63  }
0xf9: {  	_ = 	snop  }
0xfa: {  	[tilespmem:s23], [sflag:$0x3] =	stream.indirect.gather [hbm4b:s3+s16], $0x20, s13, s16, $0xb8;
	[tilespmem:$0x16400] =	vst v63  }
0xfb: {  	s9 =	simm.s32 $0x0;
	s6 =	simm.s32 $0x280  }
0xfc: {  	[tilespmem:s25], [sflag:$0x3] =	stream.indirect.gather [hbm4b:s3+s16], $0x20, s6, s16, $0xb8;
	[tilespmem:$0x16400] =	vst v63  }
0xfd: {  	s10 =	simm.s32 $0x300;
	v1 =	vor.u32 s9, v40  }
0xfe: {  	v0 =	vshll.u32 v1, $0x5;
	[tilespmem:s28], [sflag:$0x3] =	stream.indirect.gather [hbm4b:s3+s16], $0x20, s10, s16, $0xb8;
	[tilespmem:$0x16400] =	vst v63  }
0xff: {  	v23 =	vmov v2;
	v2 =	vor.u32 v40, v0;
	s11 =	simm.s32 $0x380  }
0x100: {  	[tilespmem:s30], [sflag:$0x3] =	stream.indirect.gather [hbm4b:s3+s16], $0x20, s11, s16, $0xb8;
	[tilespmem:$0x16400] =	vst v63  }
0x101: {  	_ =	swait.ge [sflag:s31], $0x4000  }
0x102: {  	v27 =	vmov v35;
	[sflag:s31] =	ssyncset.done $0x0  }
0x103: {  	v35 =	vmovc v17;
	v17 =	vmovc v13;
	v13 =	vmov v42;
	v42 =	vmov v11;
	v1 =	vand.u32 $0x1E8, v1;
	[sflag:s31] =	ssyncadd.s32 $0xFFFFC000  }
0x104: {  	v3 =	vor.u32 v42, v1;
	v52 =	vld.idx.msk [tilespmem:v2+s17+$0x0], $0xffff  }
0x105: {  	v2 =	vor.u32 v60, v0;
	_ =	sdelay $0x3  }
0x106: {  	[tilespmem:v3+s0+$0x0] =	vst.idx.msk $0xffff, v52  }
0x107: {  	v3 =	vor.u32 v9, v1;
	v52 =	vld.idx.msk [tilespmem:v2+s17+$0x0], $0xffff  }
0x108: {  	v2 =	vor.u32 v21, v0;
	_ =	sdelay $0x3  }
0x109: {  	[tilespmem:v3+s0+$0x0] =	vst.idx.msk $0xffff, v52  }
0x10a: {  	v11 =	vmov v21;
	v3 =	vor.u32 v13, v1;
	v21 =	vld.idx.msk [tilespmem:v2+s17+$0x0], $0xffff  }
0x10b: {  	v2 =	vor.u32 v7, v0;
	_ =	sdelay $0x3  }
0x10c: {  	[tilespmem:v3+s0+$0x0] =	vst.idx.msk $0xffff, v21  }
0x10d: {  	v3 =	vor.u32 v37, v1;
	v21 =	vld.idx.msk [tilespmem:v2+s17+$0x0], $0xffff  }
0x10e: {  	v2 =	vor.u32 v49, v0;
	_ =	sdelay $0x3  }
0x10f: {  	[tilespmem:v3+s0+$0x0] =	vst.idx.msk $0xffff, v21  }
0x110: {  	v3 =	vor.u32 v23, v1;
	v21 =	vld.idx.msk [tilespmem:v2+s17+$0x0], $0xffff  }
0x111: {  	v2 =	vor.u32 v41, v0;
	_ =	sdelay $0x3  }
0x112: {  	[tilespmem:v3+s0+$0x0] =	vst.idx.msk $0xffff, v21  }
0x113: {  	v3 =	vor.u32 v44, v1;
	v21 =	vld.idx.msk [tilespmem:v2+s17+$0x0], $0xffff  }
0x114: {  	v2 =	vor.u32 v51, v0;
	_ =	sdelay $0x3  }
0x115: {  	[tilespmem:v3+s0+$0x0] =	vst.idx.msk $0xffff, v21  }
0x116: {  	v3 =	vor.u32 v63, v1;
	v21 =	vld.idx.msk [tilespmem:v2+s17+$0x0], $0xffff  }
0x117: {  	v2 =	vor.u32 v48, v0;
	_ =	sdelay $0x3  }
0x118: {  	[tilespmem:v3+s0+$0x0] =	vst.idx.msk $0xffff, v21  }
0x119: {  	v3 =	vor.u32 v17, v1;
	v21 =	vld.idx.msk [tilespmem:v2+s17+$0x0], $0xffff  }
0x11a: {  	v2 =	vor.u32 v50, v0;
	_ =	sdelay $0x3  }
0x11b: {  	[tilespmem:v3+s0+$0x0] =	vst.idx.msk $0xffff, v21  }
0x11c: {  	v3 =	vor.u32 v14, v1;
	v21 =	vld.idx.msk [tilespmem:v2+s17+$0x0], $0xffff  }
0x11d: {  	v2 =	vor.u32 v53, v0;
	_ =	sdelay $0x3  }
0x11e: {  	[tilespmem:v3+s0+$0x0] =	vst.idx.msk $0xffff, v21  }
0x11f: {  	v52 =	vmov v55;
	v3 =	vor.u32 v15, v1;
	v21 =	vld.idx.msk [tilespmem:v2+s17+$0x0], $0xffff  }
0x120: {  	v2 =	vor.u32 v52, v0;
	_ =	sdelay $0x3  }
0x121: {  	[tilespmem:v3+s0+$0x0] =	vst.idx.msk $0xffff, v21  }
0x122: {  	v3 =	vor.u32 v35, v1;
	v21 =	vld.idx.msk [tilespmem:v2+s17+$0x0], $0xffff  }
0x123: {  	v2 =	vor.u32 v57, v0;
	_ =	sdelay $0x3  }
0x124: {  	[tilespmem:v3+s0+$0x0] =	vst.idx.msk $0xffff, v21  }
0x125: {  	v3 =	vor.u32 v18, v1;
	v21 =	vld.idx.msk [tilespmem:v2+s17+$0x0], $0xffff  }
0x126: {  	v2 =	vor.u32 v12, v0;
	_ =	sdelay $0x3  }
0x127: {  	[tilespmem:v3+s0+$0x0] =	vst.idx.msk $0xffff, v21  }
0x128: {  	v3 =	vor.u32 v16, v1;
	v21 =	vld.idx.msk [tilespmem:v2+s17+$0x0], $0xffff  }
0x129: {  	v2 =	vor.u32 v38, v0;
	_ =	sdelay $0x3  }
0x12a: {  	[tilespmem:v3+s0+$0x0] =	vst.idx.msk $0xffff, v21  }
0x12b: {  	v3 =	vor.u32 v29, v1;
	v21 =	vld.idx.msk [tilespmem:v2+s17+$0x0], $0xffff  }
0x12c: {  	v2 =	vor.u32 v61, v0;
	_ =	sdelay $0x3  }
0x12d: {  	[tilespmem:v3+s0+$0x0] =	vst.idx.msk $0xffff, v21  }
0x12e: {  	v3 =	vor.u32 v20, v1;
	v21 =	vld.idx.msk [tilespmem:v2+s17+$0x0], $0xffff  }
0x12f: {  	v2 =	vor.u32 v59, v0;
	_ =	sdelay $0x3  }
0x130: {  	[tilespmem:v3+s0+$0x0] =	vst.idx.msk $0xffff, v21  }
0x131: {  	v3 =	vor.u32 v22, v1;
	v21 =	vld.idx.msk [tilespmem:v2+s17+$0x0], $0xffff  }
0x132: {  	v2 =	vor.u32 v19, v0;
	_ =	sdelay $0x3  }
0x133: {  	[tilespmem:v3+s0+$0x0] =	vst.idx.msk $0xffff, v21  }
0x134: {  	v3 =	vor.u32 v26, v1;
	v21 =	vld.idx.msk [tilespmem:v2+s17+$0x0], $0xffff  }
0x135: {  	v2 =	vor.u32 v45, v0;
	_ =	sdelay $0x3  }
0x136: {  	[tilespmem:v3+s0+$0x0] =	vst.idx.msk $0xffff, v21  }
0x137: {  	v3 =	vor.u32 v24, v1;
	v21 =	vld.idx.msk [tilespmem:v2+s17+$0x0], $0xffff  }
0x138: {  	v2 =	vor.u32 v47, v0;
	_ =	sdelay $0x3  }
0x139: {  	[tilespmem:v3+s0+$0x0] =	vst.idx.msk $0xffff, v21  }
0x13a: {  	v3 =	vor.u32 v25, v1;
	v21 =	vld.idx.msk [tilespmem:v2+s17+$0x0], $0xffff  }
0x13b: {  	v2 =	vor.u32 v10, v0  }
0x13c: {  	v23 =	vmov v51;
	v51 =	vmov v57;
	v57 =	vld [tilespmem:$0x1FBA0];
	_ =	sdelay $0x2  }
0x13d: {  	[tilespmem:v3+s0+$0x0] =	vst.idx.msk $0xffff, v21  }
0x13e: {  	v3 =	vor.u32 v27, v1;
	v21 =	vld.idx.msk [tilespmem:v2+s17+$0x0], $0xffff  }
0x13f: {  	v2 =	vor.u32 v57, v0  }
0x140: {  	v13 =	vmov v49;
	v49 =	vmov v53;
	v53 =	vld [tilespmem:$0x1FBD0];
	_ =	sdelay $0x2  }
0x141: {  	[tilespmem:v3+s0+$0x0] =	vst.idx.msk $0xffff, v21  }
0x142: {  	v3 =	vor.u32 v6, v1;
	v21 =	vld.idx.msk [tilespmem:v2+s17+$0x0], $0xffff  }
0x143: {  	v2 =	vor.u32 v53, v0;
	_ =	sdelay $0x3  }
0x144: {  	[tilespmem:v3+s0+$0x0] =	vst.idx.msk $0xffff, v21  }
0x145: {  	v3 =	vor.u32 v28, v1;
	v21 =	vld.idx.msk [tilespmem:v2+s17+$0x0], $0xffff  }
0x146: {  	v2 =	vor.u32 v62, v0;
	_ =	sdelay $0x3  }
0x147: {  	[tilespmem:v3+s0+$0x0] =	vst.idx.msk $0xffff, v21  }
0x148: {  	v3 =	vor.u32 v43, v1;
	v21 =	vld.idx.msk [tilespmem:v2+s17+$0x0], $0xffff  }
0x149: {  	v2 =	vor.u32 v54, v0;
	_ =	sdelay $0x3  }
0x14a: {  	[tilespmem:v3+s0+$0x0] =	vst.idx.msk $0xffff, v21  }
0x14b: {  	v3 =	vor.u32 v30, v1;
	v21 =	vld.idx.msk [tilespmem:v2+s17+$0x0], $0xffff  }
0x14c: {  	v2 =	vor.u32 v5, v0;
	_ =	sdelay $0x3  }
0x14d: {  	[tilespmem:v3+s0+$0x0] =	vst.idx.msk $0xffff, v21  }
0x14e: {  	v3 =	vor.u32 v31, v1;
	v21 =	vld.idx.msk [tilespmem:v2+s17+$0x0], $0xffff  }
0x14f: {  	v2 =	vor.u32 v58, v0;
	_ =	sdelay $0x3  }
0x150: {  	[tilespmem:v3+s0+$0x0] =	vst.idx.msk $0xffff, v21  }
0x151: {  	v3 =	vor.u32 v32, v1;
	v21 =	vld.idx.msk [tilespmem:v2+s17+$0x0], $0xffff  }
0x152: {  	v2 =	vor.u32 v46, v0;
	_ =	sdelay $0x3  }
0x153: {  	[tilespmem:v3+s0+$0x0] =	vst.idx.msk $0xffff, v21  }
0x154: {  	v3 =	vor.u32 v33, v1;
	v21 =	vld.idx.msk [tilespmem:v2+s17+$0x0], $0xffff  }
0x155: {  	v2 =	vor.u32 v56, v0  }
0x156: {  	v28 =	vmov v16;
	v16 =	vld [tilespmem:$0x1FB50];
	_ =	sdelay $0x2  }
0x157: {  	[tilespmem:v3+s0+$0x0] =	vst.idx.msk $0xffff, v21  }
0x158: {  	v3 =	vor.u32 v8, v1;
	v21 =	vld.idx.msk [tilespmem:v2+s17+$0x0], $0xffff  }
0x159: {  	v2 =	vor.u32 v16, v0;
	_ =	sdelay $0x3  }
0x15a: {  	[tilespmem:v3+s0+$0x0] =	vst.idx.msk $0xffff, v21  }
0x15b: {  	v2 =	vld.idx.msk [tilespmem:v2+s17+$0x0], $0xffff;
	_ =	sdelay $0x1  }
0x15c: {  	v31 =	vmovc v22;
	v22 =	vmov v45;
	v45 =	vmov v13;
	v13 =	vmov v42;
	v42 =	vld [tilespmem:$0x1FB60]  }
0x15d: {  	v55 =	vmov v54;
	v54 =	vmov v7  }
0x15e: {  	v7 =	vmov v60;
	v60 =	vmov v12  }
0x15f: {  	v12 =	vmovc v38;
	v38 =	vmovc v34;
	v34 =	vmov v25;
	v25 =	vmov v18;
	v18 =	vmov v14;
	[tilespmem:$0x1FB40] =	vst v2  }
0x160: {  	v8 =	vmovc v54;
	v54 =	vmovc v62;
	v62 =	vmov v59;
	v59 =	vmov v61;
	v3 =	vor.u32 v38, v1;
	v61 =	vld [tilespmem:$0x1FB40]  }
0x161: {  	v14 =	vmovc v9;
	v9 =	vmovc v63;
	v63 =	vmov v47;
	v47 =	vmov v48;
	v2 =	vor.u32 v42, v0  }
0x162: {  	v48 =	vmovc v50;
	v50 =	vmovc v52;
	v52 =	vmov v57;
	v57 =	vmov v60;
	v60 =	vmov v22;
	v22 =	vld [tilespmem:$0x1FB70];
	_ =	sdelay $0x2  }
0x163: {  	[tilespmem:v3+s0+$0x0] =	vst.idx.msk $0xffff, v61  }
0x164: {  	v3 =	vor.u32 v39, v1;
	v61 =	vld.idx.msk [tilespmem:v2+s17+$0x0], $0xffff  }
0x165: {  	v2 =	vor.u32 v22, v0;
	_ =	sdelay $0x3  }
0x166: {  	[tilespmem:v3+s0+$0x0] =	vst.idx.msk $0xffff, v61  }
0x167: {  	v3 =	vor.u32 v36, v1;
	v2 =	vld.idx.msk [tilespmem:v2+s17+$0x0], $0xffff;
	_ =	sdelay $0x4  }
0x168: {  	v0 =	vor.u32 v4, v0;
	[tilespmem:v3+s0+$0x0] =	vst.idx.msk $0xffff, v2;
	v3 =	vld [tilespmem:$0x1FB80];
	_ =	sdelay $0x2  }
0x169: {  	s24 =	simm.s32 $0x10  }
0x16a: {  	v2 =	vor.u32 s24, v40  }
0x16b: {  	v0 =	vld.idx.msk [tilespmem:v0+s17+$0x0], $0xffff;
	v3 =	vor.u32 v3, v1;
	v1 =	vshll.u32 v2, $0x5  }
0x16c: {  	v61 =	vor.u32 v40, v1;
	_ =	sdelay $0x3  }
0x16d: {  	v21 =	vmov v37;
	[tilespmem:v3+s0+$0x0] =	vst.idx.msk $0xffff, v0;
	v0 =	vand.u32 $0x1F8, v2  }
0x16e: {  	v37 =	vmovc v33;
	v33 =	vmovc v6;
	v6 =	vmov v19;
	v19 =	vmov v15;
	v15 =	vld.idx.msk [tilespmem:v61+s17+$0x0], $0xffff;
	v3 =	vor.u32 v13, v0  }
0x16f: {  	v2 =	vor.u32 v7, v1;
	_ =	sdelay $0x3  }
0x170: {  	[tilespmem:v3+s0+$0x0] =	vst.idx.msk $0xffff, v15  }
0x171: {  	v3 =	vor.u32 v14, v0;
	v7 =	vld.idx.msk [tilespmem:v2+s17+$0x0], $0xffff  }
0x172: {  	v2 =	vor.u32 v11, v1;
	_ =	sdelay $0x3  }
0x173: {  	[tilespmem:v3+s0+$0x0] =	vst.idx.msk $0xffff, v7  }
0x174: {  	v7 =	vld.idx.msk [tilespmem:v2+s17+$0x0], $0xffff  }
0x175: {  	v2 =	vld [tilespmem:$0x1FCA0];
	_ =	sdelay $0x4  }
0x176: {  	v3 =	vor.u32 v2, v0  }
0x177: {  	v2 =	vor.u32 v8, v1;
	_ =	sdelay $0x3  }
0x178: {  	[tilespmem:v3+s0+$0x0] =	vst.idx.msk $0xffff, v7  }
0x179: {  	v3 =	vor.u32 v21, v0;
	v7 =	vld.idx.msk [tilespmem:v2+s17+$0x0], $0xffff  }
0x17a: {  	v2 =	vor.u32 v45, v1;
	_ =	sdelay $0x3  }
0x17b: {  	[tilespmem:v3+s0+$0x0] =	vst.idx.msk $0xffff, v7  }
0x17c: {  	v7 =	vld.idx.msk [tilespmem:v2+s17+$0x0], $0xffff  }
0x17d: {  	v2 =	vld [tilespmem:$0x1FCC0];
	_ =	sdelay $0x4  }
0x17e: {  	v29 =	vmov v41;
	v3 =	vor.u32 v2, v0  }
0x17f: {  	v2 =	vor.u32 v29, v1;
	_ =	sdelay $0x3  }
0x180: {  	[tilespmem:v3+s0+$0x0] =	vst.idx.msk $0xffff, v7  }
0x181: {  	v41 =	vmov v46;
	v46 =	vmov v23;
	v3 =	vor.u32 v44, v0;
	v7 =	vld.idx.msk [tilespmem:v2+s17+$0x0], $0xffff  }
0x182: {  	v2 =	vor.u32 v46, v1;
	_ =	sdelay $0x3  }
0x183: {  	[tilespmem:v3+s0+$0x0] =	vst.idx.msk $0xffff, v7  }
0x184: {  	v3 =	vor.u32 v9, v0;
	v7 =	vld.idx.msk [tilespmem:v2+s17+$0x0], $0xffff  }
0x185: {  	v2 =	vor.u32 v47, v1;
	_ =	sdelay $0x3  }
0x186: {  	[tilespmem:v3+s0+$0x0] =	vst.idx.msk $0xffff, v7  }
0x187: {  	v3 =	vor.u32 v17, v0;
	v7 =	vld.idx.msk [tilespmem:v2+s17+$0x0], $0xffff  }
0x188: {  	v2 =	vor.u32 v48, v1;
	_ =	sdelay $0x3  }
0x189: {  	[tilespmem:v3+s0+$0x0] =	vst.idx.msk $0xffff, v7  }
0x18a: {  	v3 =	vor.u32 v18, v0;
	v7 =	vld.idx.msk [tilespmem:v2+s17+$0x0], $0xffff  }
0x18b: {  	v2 =	vor.u32 v49, v1;
	_ =	sdelay $0x3  }
0x18c: {  	[tilespmem:v3+s0+$0x0] =	vst.idx.msk $0xffff, v7  }
0x18d: {  	v3 =	vor.u32 v19, v0;
	v7 =	vld.idx.msk [tilespmem:v2+s17+$0x0], $0xffff  }
0x18e: {  	v2 =	vor.u32 v50, v1;
	_ =	sdelay $0x3  }
0x18f: {  	v23 =	vmovc v30;
	v30 =	vmov v24;
	v24 =	vmov v20;
	v20 =	vmov v35;
	[tilespmem:v3+s0+$0x0] =	vst.idx.msk $0xffff, v7  }
0x190: {  	v3 =	vor.u32 v20, v0;
	v7 =	vld.idx.msk [tilespmem:v2+s17+$0x0], $0xffff  }
0x191: {  	v2 =	vor.u32 v51, v1;
	_ =	sdelay $0x3  }
0x192: {  	[tilespmem:v3+s0+$0x0] =	vst.idx.msk $0xffff, v7  }
0x193: {  	v3 =	vor.u32 v25, v0;
	v7 =	vld.idx.msk [tilespmem:v2+s17+$0x0], $0xffff  }
0x194: {  	v2 =	vor.u32 v57, v1;
	_ =	sdelay $0x3  }
0x195: {  	[tilespmem:v3+s0+$0x0] =	vst.idx.msk $0xffff, v7  }
0x196: {  	v3 =	vor.u32 v28, v0;
	v7 =	vld.idx.msk [tilespmem:v2+s17+$0x0], $0xffff  }
0x197: {  	v2 =	vor.u32 v12, v1;
	_ =	sdelay $0x3  }
0x198: {  	[tilespmem:v3+s0+$0x0] =	vst.idx.msk $0xffff, v7  }
0x199: {  	v7 =	vld.idx.msk [tilespmem:v2+s17+$0x0], $0xffff  }
0x19a: {  	v2 =	vld [tilespmem:$0x1FD50];
	_ =	sdelay $0x4  }
0x19b: {  	v3 =	vor.u32 v2, v0  }
0x19c: {  	v2 =	vor.u32 v59, v1;
	_ =	sdelay $0x3  }
0x19d: {  	[tilespmem:v3+s0+$0x0] =	vst.idx.msk $0xffff, v7  }
0x19e: {  	v3 =	vor.u32 v24, v0;
	v7 =	vld.idx.msk [tilespmem:v2+s17+$0x0], $0xffff  }
0x19f: {  	v2 =	vor.u32 v62, v1;
	_ =	sdelay $0x3  }
0x1a0: {  	[tilespmem:v3+s0+$0x0] =	vst.idx.msk $0xffff, v7  }
0x1a1: {  	v3 =	vor.u32 v31, v0;
	v7 =	vld.idx.msk [tilespmem:v2+s17+$0x0], $0xffff  }
0x1a2: {  	v2 =	vor.u32 v6, v1;
	_ =	sdelay $0x3  }
0x1a3: {  	[tilespmem:v3+s0+$0x0] =	vst.idx.msk $0xffff, v7  }
0x1a4: {  	v3 =	vor.u32 v26, v0;
	v6 =	vld.idx.msk [tilespmem:v2+s17+$0x0], $0xffff  }
0x1a5: {  	v2 =	vor.u32 v60, v1;
	_ =	sdelay $0x3  }
0x1a6: {  	[tilespmem:v3+s0+$0x0] =	vst.idx.msk $0xffff, v6  }
0x1a7: {  	v3 =	vor.u32 v30, v0;
	v6 =	vld.idx.msk [tilespmem:v2+s17+$0x0], $0xffff  }
0x1a8: {  	v2 =	vor.u32 v63, v1;
	_ =	sdelay $0x3  }
0x1a9: {  	[tilespmem:v3+s0+$0x0] =	vst.idx.msk $0xffff, v6  }
0x1aa: {  	v3 =	vor.u32 v34, v0;
	v6 =	vld.idx.msk [tilespmem:v2+s17+$0x0], $0xffff  }
0x1ab: {  	v2 =	vor.u32 v10, v1;
	_ =	sdelay $0x3  }
0x1ac: {  	[tilespmem:v3+s0+$0x0] =	vst.idx.msk $0xffff, v6  }
0x1ad: {  	v3 =	vor.u32 v27, v0;
	v6 =	vld.idx.msk [tilespmem:v2+s17+$0x0], $0xffff  }
0x1ae: {  	v2 =	vor.u32 v52, v1;
	_ =	sdelay $0x3  }
0x1af: {  	[tilespmem:v3+s0+$0x0] =	vst.idx.msk $0xffff, v6  }
0x1b0: {  	v3 =	vor.u32 v33, v0;
	v6 =	vld.idx.msk [tilespmem:v2+s17+$0x0], $0xffff  }
0x1b1: {  	v2 =	vor.u32 v53, v1;
	_ =	sdelay $0x3  }
0x1b2: {  	[tilespmem:v3+s0+$0x0] =	vst.idx.msk $0xffff, v6  }
0x1b3: {  	v6 =	vld.idx.msk [tilespmem:v2+s17+$0x0], $0xffff  }
0x1b4: {  	v2 =	vld [tilespmem:$0x1FDD0];
	_ =	sdelay $0x4  }
0x1b5: {  	v3 =	vor.u32 v2, v0  }
0x1b6: {  	v2 =	vor.u32 v54, v1;
	_ =	sdelay $0x3  }
0x1b7: {  	v35 =	vmov v39;
	v39 =	vmov v32;
	v32 =	vmov v43;
	[tilespmem:v3+s0+$0x0] =	vst.idx.msk $0xffff, v6  }
0x1b8: {  	v3 =	vor.u32 v32, v0;
	v6 =	vld.idx.msk [tilespmem:v2+s17+$0x0], $0xffff  }
0x1b9: {  	v2 =	vor.u32 v55, v1;
	_ =	sdelay $0x3  }
0x1ba: {  	[tilespmem:v3+s0+$0x0] =	vst.idx.msk $0xffff, v6  }
0x1bb: {  	v3 =	vor.u32 v23, v0;
	v6 =	vld.idx.msk [tilespmem:v2+s17+$0x0], $0xffff  }
0x1bc: {  	v2 =	vor.u32 v5, v1;
	_ =	sdelay $0x3  }
0x1bd: {  	[tilespmem:v3+s0+$0x0] =	vst.idx.msk $0xffff, v6  }
0x1be: {  	v6 =	vld.idx.msk [tilespmem:v2+s17+$0x0], $0xffff  }
0x1bf: {  	v2 =	vld [tilespmem:$0x1FE00];
	_ =	sdelay $0x4  }
0x1c0: {  	v3 =	vor.u32 v2, v0  }
0x1c1: {  	v2 =	vor.u32 v58, v1;
	_ =	sdelay $0x3  }
0x1c2: {  	[tilespmem:v3+s0+$0x0] =	vst.idx.msk $0xffff, v6  }
0x1c3: {  	v41 =	vmov v41;
	v3 =	vor.u32 v39, v0;
	v6 =	vld.idx.msk [tilespmem:v2+s17+$0x0], $0xffff  }
0x1c4: {  	v2 =	vor.u32 v41, v1;
	_ =	sdelay $0x3  }
0x1c5: {  	[tilespmem:v3+s0+$0x0] =	vst.idx.msk $0xffff, v6  }
0x1c6: {  	v3 =	vor.u32 v37, v0;
	v6 =	vld.idx.msk [tilespmem:v2+s17+$0x0], $0xffff  }
0x1c7: {  	v2 =	vor.u32 v56, v1;
	_ =	sdelay $0x3  }
0x1c8: {  	[tilespmem:v3+s0+$0x0] =	vst.idx.msk $0xffff, v6  }
0x1c9: {  	v5 =	vld.idx.msk [tilespmem:v2+s17+$0x0], $0xffff  }
0x1ca: {  	v2 =	vld [tilespmem:$0x1FE30];
	_ =	sdelay $0x4  }
0x1cb: {  	v3 =	vor.u32 v2, v0  }
0x1cc: {  	v2 =	vor.u32 v16, v1;
	_ =	sdelay $0x3  }
0x1cd: {  	[tilespmem:v3+s0+$0x0] =	vst.idx.msk $0xffff, v5  }
0x1ce: {  	v3 =	vor.u32 v38, v0;
	v5 =	vld.idx.msk [tilespmem:v2+s17+$0x0], $0xffff  }
0x1cf: {  	v2 =	vor.u32 v42, v1;
	_ =	sdelay $0x3  }
0x1d0: {  	[tilespmem:v3+s0+$0x0] =	vst.idx.msk $0xffff, v5  }
0x1d1: {  	v3 =	vor.u32 v35, v0;
	v2 =	vld.idx.msk [tilespmem:v2+s17+$0x0], $0xffff  }
0x1d2: {  	v5 =	vor.u32 v22, v1;
	_ =	sdelay $0x3  }
0x1d3: {  	[tilespmem:v3+s0+$0x0] =	vst.idx.msk $0xffff, v2  }
0x1d4: {  	s1 =	simm.s32 $0x0;
	s6 =	simm.s32 $0x30;
	v1 =	vor.u32 v4, v1;
	v3 =	vor.u32 v36, v0;
	v2 =	vld.idx.msk [tilespmem:v5+s17+$0x0], $0xffff  }
.LBB2_2:
0x1d5: {  	v5 =	vld [tilespmem:$0x1FB80];
	_ =	sdelay $0x2  }
0x1d6: {  	s9 =	sadd.s32 $0xFFFFFFF0, s6  }
0x1d7: {  	[tilespmem:v3+s0+$0x0] =	vst.idx.msk $0xffff, v2;
	v2 =	vor.u32 s9, v40  }
0x1d8: {  	v3 =	vld.idx.msk [tilespmem:v1+s17+$0x0], $0xffff;
	v1 =	vshll.u32 v2, $0x5;
	v0 =	vor.u32 v5, v0  }
0x1d9: {  	v13 =	vld [tilespmem:$0x1FC80];
	v4 =	vor.u32 v40, v1  }
0x1da: {  	v56 =	vld [tilespmem:$0x1FE70];
	_ =	sdelay $0x2  }
0x1db: {  	[tilespmem:v0+s0+$0x0] =	vst.idx.msk $0xffff, v3;
	v0 =	vand.u32 $0x1E8, v2  }
0x1dc: {  	v3 =	vld.idx.msk [tilespmem:v4+s17+$0x0], $0xffff;
	v2 =	vor.u32 v13, v0  }
0x1dd: {  	v14 =	vld [tilespmem:$0x1FC90];
	v4 =	vor.u32 v56, v1  }
0x1de: {  	v46 =	vld [tilespmem:$0x1FE80];
	_ =	sdelay $0x2  }
0x1df: {  	[tilespmem:v2+s0+$0x0] =	vst.idx.msk $0xffff, v3  }
0x1e0: {  	v3 =	vor.u32 v14, v0;
	v2 =	vld.idx.msk [tilespmem:v4+s17+$0x0], $0xffff  }
0x1e1: {  	v15 =	vld [tilespmem:$0x1FCA0];
	v4 =	vor.u32 v46, v1  }
0x1e2: {  	v45 =	vld [tilespmem:$0x1FE90];
	_ =	sdelay $0x2  }
0x1e3: {  	[tilespmem:v3+s0+$0x0] =	vst.idx.msk $0xffff, v2  }
0x1e4: {  	v3 =	vor.u32 v15, v0;
	v2 =	vld.idx.msk [tilespmem:v4+s17+$0x0], $0xffff  }
0x1e5: {  	v16 =	vld [tilespmem:$0x1FCB0];
	v4 =	vor.u32 v45, v1  }
0x1e6: {  	v47 =	vld [tilespmem:$0x1FEA0];
	_ =	sdelay $0x2  }
0x1e7: {  	[tilespmem:v3+s0+$0x0] =	vst.idx.msk $0xffff, v2  }
0x1e8: {  	v3 =	vor.u32 v16, v0;
	v2 =	vld.idx.msk [tilespmem:v4+s17+$0x0], $0xffff  }
0x1e9: {  	v17 =	vld [tilespmem:$0x1FCC0];
	v4 =	vor.u32 v47, v1  }
0x1ea: {  	v48 =	vld [tilespmem:$0x1FEB0];
	_ =	sdelay $0x2  }
0x1eb: {  	[tilespmem:v3+s0+$0x0] =	vst.idx.msk $0xffff, v2  }
0x1ec: {  	v3 =	vor.u32 v17, v0;
	v2 =	vld.idx.msk [tilespmem:v4+s17+$0x0], $0xffff  }
0x1ed: {  	v18 =	vld [tilespmem:$0x1FCD0];
	v4 =	vor.u32 v48, v1  }
0x1ee: {  	v49 =	vld [tilespmem:$0x1FEC0];
	_ =	sdelay $0x2  }
0x1ef: {  	[tilespmem:v3+s0+$0x0] =	vst.idx.msk $0xffff, v2  }
0x1f0: {  	v3 =	vor.u32 v18, v0;
	v2 =	vld.idx.msk [tilespmem:v4+s17+$0x0], $0xffff  }
0x1f1: {  	v19 =	vld [tilespmem:$0x1FCE0];
	v4 =	vor.u32 v49, v1  }
0x1f2: {  	v50 =	vld [tilespmem:$0x1FED0];
	_ =	sdelay $0x2  }
0x1f3: {  	[tilespmem:v3+s0+$0x0] =	vst.idx.msk $0xffff, v2  }
0x1f4: {  	v3 =	vor.u32 v19, v0;
	v2 =	vld.idx.msk [tilespmem:v4+s17+$0x0], $0xffff  }
0x1f5: {  	v20 =	vld [tilespmem:$0x1FCF0];
	v4 =	vor.u32 v50, v1  }
0x1f6: {  	v51 =	vld [tilespmem:$0x1FEE0];
	_ =	sdelay $0x2  }
0x1f7: {  	[tilespmem:v3+s0+$0x0] =	vst.idx.msk $0xffff, v2  }
0x1f8: {  	v3 =	vor.u32 v20, v0;
	v2 =	vld.idx.msk [tilespmem:v4+s17+$0x0], $0xffff  }
0x1f9: {  	v21 =	vld [tilespmem:$0x1FD00];
	v4 =	vor.u32 v51, v1  }
0x1fa: {  	v52 =	vld [tilespmem:$0x1FEF0];
	_ =	sdelay $0x2  }
0x1fb: {  	[tilespmem:v3+s0+$0x0] =	vst.idx.msk $0xffff, v2  }
0x1fc: {  	v3 =	vor.u32 v21, v0;
	v2 =	vld.idx.msk [tilespmem:v4+s17+$0x0], $0xffff  }
0x1fd: {  	v22 =	vld [tilespmem:$0x1FD10];
	v4 =	vor.u32 v52, v1  }
0x1fe: {  	v53 =	vld [tilespmem:$0x1FF00];
	_ =	sdelay $0x2  }
0x1ff: {  	[tilespmem:v3+s0+$0x0] =	vst.idx.msk $0xffff, v2  }
0x200: {  	v3 =	vor.u32 v22, v0;
	v2 =	vld.idx.msk [tilespmem:v4+s17+$0x0], $0xffff  }
0x201: {  	v23 =	vld [tilespmem:$0x1FD20];
	v4 =	vor.u32 v53, v1  }
0x202: {  	v54 =	vld [tilespmem:$0x1FF10];
	_ =	sdelay $0x2  }
0x203: {  	[tilespmem:v3+s0+$0x0] =	vst.idx.msk $0xffff, v2  }
0x204: {  	v3 =	vor.u32 v23, v0;
	v2 =	vld.idx.msk [tilespmem:v4+s17+$0x0], $0xffff  }
0x205: {  	v24 =	vld [tilespmem:$0x1FD30];
	v4 =	vor.u32 v54, v1  }
0x206: {  	v60 =	vld [tilespmem:$0x1FF40];
	_ =	sdelay $0x2  }
0x207: {  	[tilespmem:v3+s0+$0x0] =	vst.idx.msk $0xffff, v2  }
0x208: {  	v3 =	vor.u32 v24, v0;
	v2 =	vld.idx.msk [tilespmem:v4+s17+$0x0], $0xffff  }
0x209: {  	v25 =	vld [tilespmem:$0x1FD40];
	v4 =	vor.u32 v60, v1  }
0x20a: {  	v41 =	vld [tilespmem:$0x1FF60];
	_ =	sdelay $0x2  }
0x20b: {  	[tilespmem:v3+s0+$0x0] =	vst.idx.msk $0xffff, v2  }
0x20c: {  	v3 =	vor.u32 v25, v0;
	v2 =	vld.idx.msk [tilespmem:v4+s17+$0x0], $0xffff  }
0x20d: {  	v27 =	vld [tilespmem:$0x1FD50];
	v4 =	vor.u32 v41, v1  }
0x20e: {  	v43 =	vld [tilespmem:$0x1FF90];
	_ =	sdelay $0x2  }
0x20f: {  	[tilespmem:v3+s0+$0x0] =	vst.idx.msk $0xffff, v2  }
0x210: {  	v3 =	vor.u32 v27, v0;
	v2 =	vld.idx.msk [tilespmem:v4+s17+$0x0], $0xffff  }
0x211: {  	v28 =	vld [tilespmem:$0x1FD60];
	v4 =	vor.u32 v43, v1  }
0x212: {  	v44 =	vld [tilespmem:$0x1FFC0];
	_ =	sdelay $0x2  }
0x213: {  	[tilespmem:v3+s0+$0x0] =	vst.idx.msk $0xffff, v2  }
0x214: {  	v3 =	vor.u32 v28, v0;
	v2 =	vld.idx.msk [tilespmem:v4+s17+$0x0], $0xffff  }
0x215: {  	v29 =	vld [tilespmem:$0x1FD70];
	v4 =	vor.u32 v44, v1  }
0x216: {  	v9 =	vld [tilespmem:$0x1FFF0];
	_ =	sdelay $0x2  }
0x217: {  	[tilespmem:v3+s0+$0x0] =	vst.idx.msk $0xffff, v2  }
0x218: {  	v3 =	vor.u32 v29, v0;
	v2 =	vld.idx.msk [tilespmem:v4+s17+$0x0], $0xffff  }
0x219: {  	v30 =	vld [tilespmem:$0x1FD80];
	v4 =	vor.u32 v9, v1  }
0x21a: {  	v62 =	vld [tilespmem:$0x1FF70];
	_ =	sdelay $0x2  }
0x21b: {  	[tilespmem:v3+s0+$0x0] =	vst.idx.msk $0xffff, v2  }
0x21c: {  	v3 =	vor.u32 v30, v0;
	v2 =	vld.idx.msk [tilespmem:v4+s17+$0x0], $0xffff  }
0x21d: {  	v31 =	vld [tilespmem:$0x1FD90];
	v4 =	vor.u32 v62, v1  }
0x21e: {  	v6 =	vld [tilespmem:$0x1FFA0];
	_ =	sdelay $0x2  }
0x21f: {  	[tilespmem:v3+s0+$0x0] =	vst.idx.msk $0xffff, v2  }
0x220: {  	v3 =	vor.u32 v31, v0;
	v2 =	vld.idx.msk [tilespmem:v4+s17+$0x0], $0xffff  }
0x221: {  	v32 =	vld [tilespmem:$0x1FDA0];
	v4 =	vor.u32 v6, v1  }
0x222: {  	v8 =	vld [tilespmem:$0x1FFD0];
	_ =	sdelay $0x2  }
0x223: {  	[tilespmem:v3+s0+$0x0] =	vst.idx.msk $0xffff, v2  }
0x224: {  	v3 =	vor.u32 v32, v0;
	v2 =	vld.idx.msk [tilespmem:v4+s17+$0x0], $0xffff  }
0x225: {  	v33 =	vld [tilespmem:$0x1FDB0];
	v4 =	vor.u32 v8, v1  }
0x226: {  	v7 =	vld [tilespmem:$0x1FBA0];
	_ =	sdelay $0x2  }
0x227: {  	[tilespmem:v3+s0+$0x0] =	vst.idx.msk $0xffff, v2  }
0x228: {  	v3 =	vor.u32 v33, v0;
	v2 =	vld.idx.msk [tilespmem:v4+s17+$0x0], $0xffff  }
0x229: {  	v34 =	vld [tilespmem:$0x1FDC0];
	v4 =	vor.u32 v7, v1  }
0x22a: {  	v57 =	vld [tilespmem:$0x1FBD0];
	_ =	sdelay $0x2  }
0x22b: {  	[tilespmem:v3+s0+$0x0] =	vst.idx.msk $0xffff, v2  }
0x22c: {  	v3 =	vor.u32 v34, v0;
	v2 =	vld.idx.msk [tilespmem:v4+s17+$0x0], $0xffff  }
0x22d: {  	v35 =	vld [tilespmem:$0x1FDD0];
	v4 =	vor.u32 v57, v1  }
0x22e: {  	v58 =	vld [tilespmem:$0x1FF20];
	_ =	sdelay $0x2  }
0x22f: {  	[tilespmem:v3+s0+$0x0] =	vst.idx.msk $0xffff, v2  }
0x230: {  	v3 =	vor.u32 v35, v0;
	v2 =	vld.idx.msk [tilespmem:v4+s17+$0x0], $0xffff  }
0x231: {  	v36 =	vld [tilespmem:$0x1FDE0];
	v4 =	vor.u32 v58, v1  }
0x232: {  	v59 =	vld [tilespmem:$0x1FF30];
	_ =	sdelay $0x2  }
0x233: {  	[tilespmem:v3+s0+$0x0] =	vst.idx.msk $0xffff, v2  }
0x234: {  	v3 =	vor.u32 v36, v0;
	v2 =	vld.idx.msk [tilespmem:v4+s17+$0x0], $0xffff  }
0x235: {  	v37 =	vld [tilespmem:$0x1FDF0];
	v4 =	vor.u32 v59, v1  }
0x236: {  	v61 =	vld [tilespmem:$0x1FF50];
	_ =	sdelay $0x2  }
0x237: {  	[tilespmem:v3+s0+$0x0] =	vst.idx.msk $0xffff, v2  }
0x238: {  	v3 =	vor.u32 v37, v0;
	v2 =	vld.idx.msk [tilespmem:v4+s17+$0x0], $0xffff  }
0x239: {  	v38 =	vld [tilespmem:$0x1FE00];
	v4 =	vor.u32 v61, v1  }
0x23a: {  	v63 =	vld [tilespmem:$0x1FF80];
	_ =	sdelay $0x2  }
0x23b: {  	[tilespmem:v3+s0+$0x0] =	vst.idx.msk $0xffff, v2  }
0x23c: {  	v3 =	vor.u32 v38, v0;
	v2 =	vld.idx.msk [tilespmem:v4+s17+$0x0], $0xffff  }
0x23d: {  	v39 =	vld [tilespmem:$0x1FE10];
	v4 =	vor.u32 v63, v1;
	_ =	sdelay $0x3  }
0x23e: {  	v42 =	vld [tilespmem:$0x1FFB0];
	[tilespmem:v3+s0+$0x0] =	vst.idx.msk $0xffff, v2  }
0x23f: {  	v3 =	vor.u32 v39, v0;
	v2 =	vld.idx.msk [tilespmem:v4+s17+$0x0], $0xffff;
	_ =	sdelay $0x4  }
0x240: {  	v4 =	vor.u32 v42, v1;
	[tilespmem:v3+s0+$0x0] =	vst.idx.msk $0xffff, v2;
	v3 =	vld [tilespmem:$0x1FE20];
	_ =	sdelay $0x3  }
0x241: {  	v10 =	vld [tilespmem:$0x1FFE0]  }
0x242: {  	v2 =	vld.idx.msk [tilespmem:v4+s17+$0x0], $0xffff;
	v3 =	vor.u32 v3, v0;
	_ =	sdelay $0x4  }
0x243: {  	v4 =	vor.u32 v10, v1;
	[tilespmem:v3+s0+$0x0] =	vst.idx.msk $0xffff, v2;
	v3 =	vld [tilespmem:$0x1FE30];
	_ =	sdelay $0x3  }
0x244: {  	v55 =	vld [tilespmem:$0x1FB50]  }
0x245: {  	v2 =	vld.idx.msk [tilespmem:v4+s17+$0x0], $0xffff;
	v3 =	vor.u32 v3, v0;
	_ =	sdelay $0x4  }
0x246: {  	v4 =	vor.u32 v55, v1;
	[tilespmem:v3+s0+$0x0] =	vst.idx.msk $0xffff, v2;
	v3 =	vld [tilespmem:$0x1FE40];
	_ =	sdelay $0x3  }
0x247: {  	v11 =	vld [tilespmem:$0x1FB60]  }
0x248: {  	v2 =	vld.idx.msk [tilespmem:v4+s17+$0x0], $0xffff;
	v3 =	vor.u32 v3, v0;
	_ =	sdelay $0x4  }
0x249: {  	v4 =	vor.u32 v11, v1;
	[tilespmem:v3+s0+$0x0] =	vst.idx.msk $0xffff, v2;
	v3 =	vld [tilespmem:$0x1FE50];
	_ =	sdelay $0x3  }
0x24a: {  	v12 =	vld [tilespmem:$0x1FB70]  }
0x24b: {  	v2 =	vld.idx.msk [tilespmem:v4+s17+$0x0], $0xffff;
	v3 =	vor.u32 v3, v0;
	_ =	sdelay $0x4  }
0x24c: {  	v4 =	vor.u32 v12, v1;
	[tilespmem:v3+s0+$0x0] =	vst.idx.msk $0xffff, v2;
	v3 =	vld [tilespmem:$0x1FE60]  }
0x24d: {  	v26 =	vld [tilespmem:$0x1FC70];
	_ =	sdelay $0x3  }
0x24e: {  	v2 =	vld.idx.msk [tilespmem:v4+s17+$0x0], $0xffff;
	v3 =	vor.u32 v3, v0  }
0x24f: {  	v1 =	vor.u32 v26, v1;
	_ =	sdelay $0x3  }
0x250: {  	[tilespmem:v3+s0+$0x0] =	vst.idx.msk $0xffff, v2;
	v3 =	vor.u32 s6, v40  }
0x251: {  	v0 =	vor.u32 v5, v0;
	v2 =	vld.idx.msk [tilespmem:v1+s17+$0x0], $0xffff;
	v1 =	vshll.u32 v3, $0x5  }
0x252: {  	v4 =	vor.u32 v40, v1;
	_ =	sdelay $0x3  }
0x253: {  	[tilespmem:v0+s0+$0x0] =	vst.idx.msk $0xffff, v2;
	v0 =	vand.u32 $0x1F8, v3  }
0x254: {  	v2 =	vld.idx.msk [tilespmem:v4+s17+$0x0], $0xffff;
	v3 =	vor.u32 v13, v0  }
0x255: {  	v4 =	vor.u32 v56, v1;
	_ =	sdelay $0x3  }
0x256: {  	[tilespmem:v3+s0+$0x0] =	vst.idx.msk $0xffff, v2  }
0x257: {  	v3 =	vor.u32 v14, v0;
	v2 =	vld.idx.msk [tilespmem:v4+s17+$0x0], $0xffff  }
0x258: {  	v4 =	vor.u32 v46, v1;
	_ =	sdelay $0x3  }
0x259: {  	[tilespmem:v3+s0+$0x0] =	vst.idx.msk $0xffff, v2  }
0x25a: {  	v3 =	vor.u32 v15, v0;
	v2 =	vld.idx.msk [tilespmem:v4+s17+$0x0], $0xffff  }
0x25b: {  	v4 =	vor.u32 v45, v1;
	_ =	sdelay $0x3  }
0x25c: {  	[tilespmem:v3+s0+$0x0] =	vst.idx.msk $0xffff, v2  }
0x25d: {  	v3 =	vor.u32 v16, v0;
	v2 =	vld.idx.msk [tilespmem:v4+s17+$0x0], $0xffff  }
0x25e: {  	v4 =	vor.u32 v47, v1;
	_ =	sdelay $0x3  }
0x25f: {  	[tilespmem:v3+s0+$0x0] =	vst.idx.msk $0xffff, v2  }
0x260: {  	v3 =	vor.u32 v17, v0;
	v2 =	vld.idx.msk [tilespmem:v4+s17+$0x0], $0xffff  }
0x261: {  	v4 =	vor.u32 v48, v1;
	_ =	sdelay $0x3  }
0x262: {  	[tilespmem:v3+s0+$0x0] =	vst.idx.msk $0xffff, v2  }
0x263: {  	v3 =	vor.u32 v18, v0;
	v2 =	vld.idx.msk [tilespmem:v4+s17+$0x0], $0xffff  }
0x264: {  	v4 =	vor.u32 v49, v1;
	_ =	sdelay $0x3  }
0x265: {  	[tilespmem:v3+s0+$0x0] =	vst.idx.msk $0xffff, v2  }
0x266: {  	v3 =	vor.u32 v19, v0;
	v2 =	vld.idx.msk [tilespmem:v4+s17+$0x0], $0xffff  }
0x267: {  	v4 =	vor.u32 v50, v1;
	_ =	sdelay $0x3  }
0x268: {  	[tilespmem:v3+s0+$0x0] =	vst.idx.msk $0xffff, v2  }
0x269: {  	v3 =	vor.u32 v20, v0;
	v2 =	vld.idx.msk [tilespmem:v4+s17+$0x0], $0xffff  }
0x26a: {  	v4 =	vor.u32 v51, v1;
	_ =	sdelay $0x3  }
0x26b: {  	[tilespmem:v3+s0+$0x0] =	vst.idx.msk $0xffff, v2  }
0x26c: {  	v3 =	vor.u32 v21, v0;
	v2 =	vld.idx.msk [tilespmem:v4+s17+$0x0], $0xffff  }
0x26d: {  	v4 =	vor.u32 v52, v1;
	_ =	sdelay $0x3  }
0x26e: {  	[tilespmem:v3+s0+$0x0] =	vst.idx.msk $0xffff, v2  }
0x26f: {  	v3 =	vor.u32 v22, v0;
	v2 =	vld.idx.msk [tilespmem:v4+s17+$0x0], $0xffff  }
0x270: {  	v4 =	vor.u32 v53, v1;
	_ =	sdelay $0x3  }
0x271: {  	[tilespmem:v3+s0+$0x0] =	vst.idx.msk $0xffff, v2  }
0x272: {  	v3 =	vor.u32 v23, v0;
	v2 =	vld.idx.msk [tilespmem:v4+s17+$0x0], $0xffff  }
0x273: {  	v4 =	vor.u32 v54, v1;
	_ =	sdelay $0x3  }
0x274: {  	[tilespmem:v3+s0+$0x0] =	vst.idx.msk $0xffff, v2  }
0x275: {  	v3 =	vor.u32 v24, v0;
	v2 =	vld.idx.msk [tilespmem:v4+s17+$0x0], $0xffff  }
0x276: {  	v4 =	vor.u32 v60, v1;
	_ =	sdelay $0x3  }
0x277: {  	[tilespmem:v3+s0+$0x0] =	vst.idx.msk $0xffff, v2  }
0x278: {  	v3 =	vor.u32 v25, v0;
	v2 =	vld.idx.msk [tilespmem:v4+s17+$0x0], $0xffff  }
0x279: {  	v4 =	vor.u32 v41, v1;
	_ =	sdelay $0x3  }
0x27a: {  	[tilespmem:v3+s0+$0x0] =	vst.idx.msk $0xffff, v2  }
0x27b: {  	v3 =	vor.u32 v27, v0;
	v2 =	vld.idx.msk [tilespmem:v4+s17+$0x0], $0xffff  }
0x27c: {  	v4 =	vor.u32 v43, v1;
	_ =	sdelay $0x3  }
0x27d: {  	[tilespmem:v3+s0+$0x0] =	vst.idx.msk $0xffff, v2  }
0x27e: {  	v3 =	vor.u32 v28, v0;
	v2 =	vld.idx.msk [tilespmem:v4+s17+$0x0], $0xffff  }
0x27f: {  	v4 =	vor.u32 v44, v1;
	_ =	sdelay $0x3  }
0x280: {  	[tilespmem:v3+s0+$0x0] =	vst.idx.msk $0xffff, v2  }
0x281: {  	v3 =	vor.u32 v29, v0;
	v2 =	vld.idx.msk [tilespmem:v4+s17+$0x0], $0xffff  }
0x282: {  	v4 =	vor.u32 v9, v1;
	_ =	sdelay $0x3  }
0x283: {  	[tilespmem:v3+s0+$0x0] =	vst.idx.msk $0xffff, v2  }
0x284: {  	v3 =	vor.u32 v30, v0;
	v2 =	vld.idx.msk [tilespmem:v4+s17+$0x0], $0xffff  }
0x285: {  	v4 =	vor.u32 v62, v1;
	_ =	sdelay $0x3  }
0x286: {  	[tilespmem:v3+s0+$0x0] =	vst.idx.msk $0xffff, v2  }
0x287: {  	v3 =	vor.u32 v31, v0;
	v2 =	vld.idx.msk [tilespmem:v4+s17+$0x0], $0xffff  }
0x288: {  	v4 =	vor.u32 v6, v1;
	_ =	sdelay $0x3  }
0x289: {  	[tilespmem:v3+s0+$0x0] =	vst.idx.msk $0xffff, v2  }
0x28a: {  	v3 =	vor.u32 v32, v0;
	v2 =	vld.idx.msk [tilespmem:v4+s17+$0x0], $0xffff  }
0x28b: {  	v4 =	vor.u32 v8, v1;
	_ =	sdelay $0x3  }
0x28c: {  	[tilespmem:v3+s0+$0x0] =	vst.idx.msk $0xffff, v2  }
0x28d: {  	v3 =	vor.u32 v33, v0;
	v2 =	vld.idx.msk [tilespmem:v4+s17+$0x0], $0xffff  }
0x28e: {  	v4 =	vor.u32 v7, v1;
	_ =	sdelay $0x3  }
0x28f: {  	[tilespmem:v3+s0+$0x0] =	vst.idx.msk $0xffff, v2  }
0x290: {  	v3 =	vor.u32 v34, v0;
	v2 =	vld.idx.msk [tilespmem:v4+s17+$0x0], $0xffff  }
0x291: {  	v4 =	vor.u32 v57, v1;
	_ =	sdelay $0x3  }
0x292: {  	[tilespmem:v3+s0+$0x0] =	vst.idx.msk $0xffff, v2  }
0x293: {  	v3 =	vor.u32 v35, v0;
	v2 =	vld.idx.msk [tilespmem:v4+s17+$0x0], $0xffff  }
0x294: {  	v4 =	vor.u32 v58, v1;
	_ =	sdelay $0x3  }
0x295: {  	[tilespmem:v3+s0+$0x0] =	vst.idx.msk $0xffff, v2  }
0x296: {  	v3 =	vor.u32 v36, v0;
	v2 =	vld.idx.msk [tilespmem:v4+s17+$0x0], $0xffff  }
0x297: {  	v4 =	vor.u32 v59, v1;
	_ =	sdelay $0x3  }
0x298: {  	[tilespmem:v3+s0+$0x0] =	vst.idx.msk $0xffff, v2  }
0x299: {  	v3 =	vor.u32 v37, v0;
	v2 =	vld.idx.msk [tilespmem:v4+s17+$0x0], $0xffff  }
0x29a: {  	v4 =	vor.u32 v61, v1;
	_ =	sdelay $0x3  }
0x29b: {  	[tilespmem:v3+s0+$0x0] =	vst.idx.msk $0xffff, v2  }
0x29c: {  	v3 =	vor.u32 v38, v0;
	v2 =	vld.idx.msk [tilespmem:v4+s17+$0x0], $0xffff  }
0x29d: {  	v4 =	vor.u32 v63, v1;
	_ =	sdelay $0x3  }
0x29e: {  	[tilespmem:v3+s0+$0x0] =	vst.idx.msk $0xffff, v2  }
0x29f: {  	v3 =	vor.u32 v39, v0;
	v2 =	vld.idx.msk [tilespmem:v4+s17+$0x0], $0xffff;
	_ =	sdelay $0x4  }
0x2a0: {  	v4 =	vor.u32 v42, v1;
	[tilespmem:v3+s0+$0x0] =	vst.idx.msk $0xffff, v2;
	v3 =	vld [tilespmem:$0x1FE20];
	_ =	sdelay $0x4  }
0x2a1: {  	v2 =	vld.idx.msk [tilespmem:v4+s17+$0x0], $0xffff;
	v3 =	vor.u32 v3, v0;
	_ =	sdelay $0x4  }
0x2a2: {  	v4 =	vor.u32 v10, v1;
	[tilespmem:v3+s0+$0x0] =	vst.idx.msk $0xffff, v2;
	v3 =	vld [tilespmem:$0x1FE30];
	_ =	sdelay $0x4  }
0x2a3: {  	v2 =	vld.idx.msk [tilespmem:v4+s17+$0x0], $0xffff;
	v3 =	vor.u32 v3, v0;
	_ =	sdelay $0x4  }
0x2a4: {  	v4 =	vor.u32 v55, v1;
	[tilespmem:v3+s0+$0x0] =	vst.idx.msk $0xffff, v2;
	v3 =	vld [tilespmem:$0x1FE40];
	_ =	sdelay $0x4  }
0x2a5: {  	v2 =	vld.idx.msk [tilespmem:v4+s17+$0x0], $0xffff;
	v3 =	vor.u32 v3, v0;
	_ =	sdelay $0x4  }
0x2a6: {  	v4 =	vor.u32 v11, v1;
	[tilespmem:v3+s0+$0x0] =	vst.idx.msk $0xffff, v2;
	v3 =	vld [tilespmem:$0x1FE50];
	_ =	sdelay $0x4  }
0x2a7: {  	v2 =	vld.idx.msk [tilespmem:v4+s17+$0x0], $0xffff;
	v3 =	vor.u32 v3, v0;
	_ =	sdelay $0x3  }
0x2a8: {  	s1 =	sadd.s32 $0x2, s1  }
0x2a9: {  	p0 =	slt.u32 s1, $0x1E;
	v4 =	vor.u32 v12, v1;
	[tilespmem:v3+s0+$0x0] =	vst.idx.msk $0xffff, v2;
	v3 =	vld [tilespmem:$0x1FE60]  }
.Ltmp0:
0x2aa: {  	_ = 	snop;
	(pc) =	sbr.rel @p0 .LBB2_2-.Ltmp0, $2  }
0x2ab: {  	_ =	sdelay $0x2  }
0x2ac: {  	s6 =	sadd.s32 $0x20, s6;
	v1 =	vor.u32 v26, v1;
	v2 =	vld.idx.msk [tilespmem:v4+s17+$0x0], $0xffff;
	v3 =	vor.u32 v3, v0  }
0x2ad: {  	_ =	sdelay $0x3  }
0x2ae: {  	[tilespmem:v3+s0+$0x0] =	vst.idx.msk $0xffff, v2;
	v2 =	vld [tilespmem:$0x1FB80];
	_ =	sdelay $0x4  }
0x2af: {  	v1 =	vld.idx.msk [tilespmem:v1+s17+$0x0], $0xffff;
	v0 =	vor.u32 v2, v0;
	_ =	sdelay $0x4  }
0x2b0: {  	[tilespmem:v0+s0+$0x0] =	vst.idx.msk $0xffff, v1  }
0x2b1: {  	[hbm4b:s7+s13] =	stream.strided.scatter [tilespmem:s0], [sflag:$0x4], $0x4000, s14, s13, $0x38;
	[tilespmem:$0x16400] =	vst v63  }
0x2b2: {  	s1 =	simm.s32 $0x400  }
0x2b3: {  	[tilespmem:s17], [sflag:$0x2] =	stream.indirect.gather [hbm4b:s3+s16], $0x20, s1, s16, $0xb8;
	[tilespmem:$0x16400] =	vst v63  }
0x2b4: {  	s6 =	simm.s32 $0x480  }
0x2b5: {  	[tilespmem:s18], [sflag:$0x2] =	stream.indirect.gather [hbm4b:s3+s16], $0x20, s6, s16, $0xb8;
	[tilespmem:$0x16400] =	vst v63  }
0x2b6: {  	s10 =	simm.s32 $0x500  }
0x2b7: {  	[tilespmem:s20], [sflag:$0x2] =	stream.indirect.gather [hbm4b:s3+s16], $0x20, s10, s16, $0xb8;
	[tilespmem:$0x16400] =	vst v63  }
0x2b8: {  	s9 =	simm.s32 $0x0;
	s11 =	simm.s32 $0x580  }
0x2b9: {  	v1 =	vor.u32 s9, v40;
	[tilespmem:s22], [sflag:$0x2] =	stream.indirect.gather [hbm4b:s3+s16], $0x20, s11, s16, $0xb8;
	[tilespmem:$0x16400] =	vst v63  }
0x2ba: {  	v0 =	vshll.u32 v1, $0x5;
	_ =	swait.ge [sflag:s26], $0x4000  }
0x2bb: {  	v2 =	vor.u32 v40, v0;
	v13 =	vld [tilespmem:$0x1FC80]  }
0x2bc: {  	v56 =	vld [tilespmem:$0x1FE70];
	_ =	sdelay $0x1  }
0x2bd: {  	[sflag:s26] =	ssyncset.done $0x0  }
0x2be: {  	v1 =	vand.u32 $0x1E8, v1;
	[sflag:s26] =	ssyncadd.s32 $0xFFFFC000  }
0x2bf: {  	v2 =	vld.idx.msk [tilespmem:v2+s23+$0x0], $0xffff;
	v3 =	vor.u32 v13, v1  }
0x2c0: {  	v14 =	vld [tilespmem:$0x1FC90];
	v4 =	vor.u32 v56, v0  }
0x2c1: {  	v46 =	vld [tilespmem:$0x1FE80];
	_ =	sdelay $0x2  }
0x2c2: {  	[tilespmem:v3+s29+$0x0] =	vst.idx.msk $0xffff, v2  }
0x2c3: {  	v3 =	vor.u32 v14, v1;
	v2 =	vld.idx.msk [tilespmem:v4+s23+$0x0], $0xffff  }
0x2c4: {  	v15 =	vld [tilespmem:$0x1FCA0];
	v4 =	vor.u32 v46, v0  }
0x2c5: {  	v45 =	vld [tilespmem:$0x1FE90];
	_ =	sdelay $0x2  }
0x2c6: {  	[tilespmem:v3+s29+$0x0] =	vst.idx.msk $0xffff, v2  }
0x2c7: {  	v3 =	vor.u32 v15, v1;
	v2 =	vld.idx.msk [tilespmem:v4+s23+$0x0], $0xffff  }
0x2c8: {  	v16 =	vld [tilespmem:$0x1FCB0];
	v4 =	vor.u32 v45, v0  }
0x2c9: {  	v47 =	vld [tilespmem:$0x1FEA0];
	_ =	sdelay $0x2  }
0x2ca: {  	[tilespmem:v3+s29+$0x0] =	vst.idx.msk $0xffff, v2  }
0x2cb: {  	v3 =	vor.u32 v16, v1;
	v2 =	vld.idx.msk [tilespmem:v4+s23+$0x0], $0xffff  }
0x2cc: {  	v17 =	vld [tilespmem:$0x1FCC0];
	v4 =	vor.u32 v47, v0  }
0x2cd: {  	v48 =	vld [tilespmem:$0x1FEB0];
	_ =	sdelay $0x2  }
0x2ce: {  	[tilespmem:v3+s29+$0x0] =	vst.idx.msk $0xffff, v2  }
0x2cf: {  	v3 =	vor.u32 v17, v1;
	v2 =	vld.idx.msk [tilespmem:v4+s23+$0x0], $0xffff  }
0x2d0: {  	v18 =	vld [tilespmem:$0x1FCD0];
	v4 =	vor.u32 v48, v0  }
0x2d1: {  	v49 =	vld [tilespmem:$0x1FEC0];
	_ =	sdelay $0x2  }
0x2d2: {  	[tilespmem:v3+s29+$0x0] =	vst.idx.msk $0xffff, v2  }
0x2d3: {  	v3 =	vor.u32 v18, v1;
	v2 =	vld.idx.msk [tilespmem:v4+s23+$0x0], $0xffff  }
0x2d4: {  	v19 =	vld [tilespmem:$0x1FCE0];
	v4 =	vor.u32 v49, v0  }
0x2d5: {  	v50 =	vld [tilespmem:$0x1FED0];
	_ =	sdelay $0x2  }
0x2d6: {  	[tilespmem:v3+s29+$0x0] =	vst.idx.msk $0xffff, v2  }
0x2d7: {  	v3 =	vor.u32 v19, v1;
	v2 =	vld.idx.msk [tilespmem:v4+s23+$0x0], $0xffff  }
0x2d8: {  	v20 =	vld [tilespmem:$0x1FCF0];
	v4 =	vor.u32 v50, v0  }
0x2d9: {  	v51 =	vld [tilespmem:$0x1FEE0];
	_ =	sdelay $0x2  }
0x2da: {  	[tilespmem:v3+s29+$0x0] =	vst.idx.msk $0xffff, v2  }
0x2db: {  	v3 =	vor.u32 v20, v1;
	v2 =	vld.idx.msk [tilespmem:v4+s23+$0x0], $0xffff  }
0x2dc: {  	v21 =	vld [tilespmem:$0x1FD00];
	v4 =	vor.u32 v51, v0  }
0x2dd: {  	v52 =	vld [tilespmem:$0x1FEF0];
	_ =	sdelay $0x2  }
0x2de: {  	[tilespmem:v3+s29+$0x0] =	vst.idx.msk $0xffff, v2  }
0x2df: {  	v3 =	vor.u32 v21, v1;
	v2 =	vld.idx.msk [tilespmem:v4+s23+$0x0], $0xffff  }
0x2e0: {  	v22 =	vld [tilespmem:$0x1FD10];
	v4 =	vor.u32 v52, v0  }
0x2e1: {  	v53 =	vld [tilespmem:$0x1FF00];
	_ =	sdelay $0x2  }
0x2e2: {  	[tilespmem:v3+s29+$0x0] =	vst.idx.msk $0xffff, v2  }
0x2e3: {  	v3 =	vor.u32 v22, v1;
	v2 =	vld.idx.msk [tilespmem:v4+s23+$0x0], $0xffff  }
0x2e4: {  	v23 =	vld [tilespmem:$0x1FD20];
	v4 =	vor.u32 v53, v0  }
0x2e5: {  	v54 =	vld [tilespmem:$0x1FF10];
	_ =	sdelay $0x2  }
0x2e6: {  	[tilespmem:v3+s29+$0x0] =	vst.idx.msk $0xffff, v2  }
0x2e7: {  	v3 =	vor.u32 v23, v1;
	v2 =	vld.idx.msk [tilespmem:v4+s23+$0x0], $0xffff  }
0x2e8: {  	v24 =	vld [tilespmem:$0x1FD30];
	v4 =	vor.u32 v54, v0  }
0x2e9: {  	v60 =	vld [tilespmem:$0x1FF40];
	_ =	sdelay $0x2  }
0x2ea: {  	[tilespmem:v3+s29+$0x0] =	vst.idx.msk $0xffff, v2  }
0x2eb: {  	v3 =	vor.u32 v24, v1;
	v2 =	vld.idx.msk [tilespmem:v4+s23+$0x0], $0xffff  }
0x2ec: {  	v25 =	vld [tilespmem:$0x1FD40];
	v4 =	vor.u32 v60, v0  }
0x2ed: {  	v41 =	vld [tilespmem:$0x1FF60];
	_ =	sdelay $0x2  }
0x2ee: {  	[tilespmem:v3+s29+$0x0] =	vst.idx.msk $0xffff, v2  }
0x2ef: {  	v3 =	vor.u32 v25, v1;
	v2 =	vld.idx.msk [tilespmem:v4+s23+$0x0], $0xffff  }
0x2f0: {  	v27 =	vld [tilespmem:$0x1FD50];
	v4 =	vor.u32 v41, v0  }
0x2f1: {  	v43 =	vld [tilespmem:$0x1FF90];
	_ =	sdelay $0x2  }
0x2f2: {  	[tilespmem:v3+s29+$0x0] =	vst.idx.msk $0xffff, v2  }
0x2f3: {  	v3 =	vor.u32 v27, v1;
	v2 =	vld.idx.msk [tilespmem:v4+s23+$0x0], $0xffff  }
0x2f4: {  	v28 =	vld [tilespmem:$0x1FD60];
	v4 =	vor.u32 v43, v0  }
0x2f5: {  	v44 =	vld [tilespmem:$0x1FFC0];
	_ =	sdelay $0x2  }
0x2f6: {  	[tilespmem:v3+s29+$0x0] =	vst.idx.msk $0xffff, v2  }
0x2f7: {  	v3 =	vor.u32 v28, v1;
	v2 =	vld.idx.msk [tilespmem:v4+s23+$0x0], $0xffff  }
0x2f8: {  	v29 =	vld [tilespmem:$0x1FD70];
	v4 =	vor.u32 v44, v0  }
0x2f9: {  	v9 =	vld [tilespmem:$0x1FFF0];
	_ =	sdelay $0x2  }
0x2fa: {  	[tilespmem:v3+s29+$0x0] =	vst.idx.msk $0xffff, v2  }
0x2fb: {  	v3 =	vor.u32 v29, v1;
	v2 =	vld.idx.msk [tilespmem:v4+s23+$0x0], $0xffff  }
0x2fc: {  	v30 =	vld [tilespmem:$0x1FD80];
	v4 =	vor.u32 v9, v0  }
0x2fd: {  	v62 =	vld [tilespmem:$0x1FF70];
	_ =	sdelay $0x2  }
0x2fe: {  	[tilespmem:v3+s29+$0x0] =	vst.idx.msk $0xffff, v2  }
0x2ff: {  	v3 =	vor.u32 v30, v1;
	v2 =	vld.idx.msk [tilespmem:v4+s23+$0x0], $0xffff  }
0x300: {  	v31 =	vld [tilespmem:$0x1FD90];
	v4 =	vor.u32 v62, v0  }
0x301: {  	v6 =	vld [tilespmem:$0x1FFA0];
	_ =	sdelay $0x2  }
0x302: {  	[tilespmem:v3+s29+$0x0] =	vst.idx.msk $0xffff, v2  }
0x303: {  	v3 =	vor.u32 v31, v1;
	v2 =	vld.idx.msk [tilespmem:v4+s23+$0x0], $0xffff  }
0x304: {  	v32 =	vld [tilespmem:$0x1FDA0];
	v4 =	vor.u32 v6, v0  }
0x305: {  	v8 =	vld [tilespmem:$0x1FFD0];
	_ =	sdelay $0x2  }
0x306: {  	[tilespmem:v3+s29+$0x0] =	vst.idx.msk $0xffff, v2  }
0x307: {  	v3 =	vor.u32 v32, v1;
	v2 =	vld.idx.msk [tilespmem:v4+s23+$0x0], $0xffff  }
0x308: {  	v33 =	vld [tilespmem:$0x1FDB0];
	v4 =	vor.u32 v8, v0  }
0x309: {  	v7 =	vld [tilespmem:$0x1FBA0];
	_ =	sdelay $0x2  }
0x30a: {  	[tilespmem:v3+s29+$0x0] =	vst.idx.msk $0xffff, v2  }
0x30b: {  	v3 =	vor.u32 v33, v1;
	v2 =	vld.idx.msk [tilespmem:v4+s23+$0x0], $0xffff  }
0x30c: {  	v34 =	vld [tilespmem:$0x1FDC0];
	v4 =	vor.u32 v7, v0  }
0x30d: {  	v57 =	vld [tilespmem:$0x1FBD0];
	_ =	sdelay $0x2  }
0x30e: {  	[tilespmem:v3+s29+$0x0] =	vst.idx.msk $0xffff, v2  }
0x30f: {  	v3 =	vor.u32 v34, v1;
	v2 =	vld.idx.msk [tilespmem:v4+s23+$0x0], $0xffff  }
0x310: {  	v35 =	vld [tilespmem:$0x1FDD0];
	v4 =	vor.u32 v57, v0  }
0x311: {  	v58 =	vld [tilespmem:$0x1FF20];
	_ =	sdelay $0x2  }
0x312: {  	[tilespmem:v3+s29+$0x0] =	vst.idx.msk $0xffff, v2  }
0x313: {  	v3 =	vor.u32 v35, v1;
	v2 =	vld.idx.msk [tilespmem:v4+s23+$0x0], $0xffff  }
0x314: {  	v36 =	vld [tilespmem:$0x1FDE0];
	v4 =	vor.u32 v58, v0  }
0x315: {  	v59 =	vld [tilespmem:$0x1FF30];
	_ =	sdelay $0x2  }
0x316: {  	[tilespmem:v3+s29+$0x0] =	vst.idx.msk $0xffff, v2  }
0x317: {  	v3 =	vor.u32 v36, v1;
	v2 =	vld.idx.msk [tilespmem:v4+s23+$0x0], $0xffff  }
0x318: {  	v37 =	vld [tilespmem:$0x1FDF0];
	v4 =	vor.u32 v59, v0  }
0x319: {  	v61 =	vld [tilespmem:$0x1FF50];
	_ =	sdelay $0x2  }
0x31a: {  	[tilespmem:v3+s29+$0x0] =	vst.idx.msk $0xffff, v2  }
0x31b: {  	v3 =	vor.u32 v37, v1;
	v2 =	vld.idx.msk [tilespmem:v4+s23+$0x0], $0xffff  }
0x31c: {  	v38 =	vld [tilespmem:$0x1FE00];
	v4 =	vor.u32 v61, v0  }
0x31d: {  	v63 =	vld [tilespmem:$0x1FF80];
	_ =	sdelay $0x2  }
0x31e: {  	[tilespmem:v3+s29+$0x0] =	vst.idx.msk $0xffff, v2  }
0x31f: {  	v3 =	vor.u32 v38, v1;
	v2 =	vld.idx.msk [tilespmem:v4+s23+$0x0], $0xffff  }
0x320: {  	v39 =	vld [tilespmem:$0x1FE10];
	v4 =	vor.u32 v63, v0  }
0x321: {  	v42 =	vld [tilespmem:$0x1FFB0];
	_ =	sdelay $0x2  }
0x322: {  	[tilespmem:v3+s29+$0x0] =	vst.idx.msk $0xffff, v2  }
0x323: {  	v3 =	vor.u32 v39, v1;
	v2 =	vld.idx.msk [tilespmem:v4+s23+$0x0], $0xffff  }
0x324: {  	v5 =	vld [tilespmem:$0x1FE20];
	v4 =	vor.u32 v42, v0  }
0x325: {  	v10 =	vld [tilespmem:$0x1FFE0];
	_ =	sdelay $0x2  }
0x326: {  	[tilespmem:v3+s29+$0x0] =	vst.idx.msk $0xffff, v2  }
0x327: {  	v3 =	vor.u32 v5, v1;
	v2 =	vld.idx.msk [tilespmem:v4+s23+$0x0], $0xffff  }
0x328: {  	v26 =	vld [tilespmem:$0x1FE30];
	v4 =	vor.u32 v10, v0;
	_ =	sdelay $0x3  }
0x329: {  	v55 =	vld [tilespmem:$0x1FB50];
	[tilespmem:v3+s29+$0x0] =	vst.idx.msk $0xffff, v2  }
0x32a: {  	v3 =	vor.u32 v26, v1;
	v2 =	vld.idx.msk [tilespmem:v4+s23+$0x0], $0xffff;
	_ =	sdelay $0x4  }
0x32b: {  	v4 =	vor.u32 v55, v0;
	[tilespmem:v3+s29+$0x0] =	vst.idx.msk $0xffff, v2;
	v3 =	vld [tilespmem:$0x1FE40];
	_ =	sdelay $0x3  }
0x32c: {  	v11 =	vld [tilespmem:$0x1FB60]  }
0x32d: {  	v2 =	vld.idx.msk [tilespmem:v4+s23+$0x0], $0xffff;
	v3 =	vor.u32 v3, v1;
	_ =	sdelay $0x4  }
0x32e: {  	v4 =	vor.u32 v11, v0;
	[tilespmem:v3+s29+$0x0] =	vst.idx.msk $0xffff, v2;
	v3 =	vld [tilespmem:$0x1FE50];
	_ =	sdelay $0x3  }
0x32f: {  	v12 =	vld [tilespmem:$0x1FB70]  }
0x330: {  	v2 =	vld.idx.msk [tilespmem:v4+s23+$0x0], $0xffff;
	v3 =	vor.u32 v3, v1;
	_ =	sdelay $0x3  }
0x331: {  	v4 =	vor.u32 v12, v0  }
0x332: {  	[tilespmem:v3+s29+$0x0] =	vst.idx.msk $0xffff, v2;
	v3 =	vld [tilespmem:$0x1FE60];
	_ =	sdelay $0x3  }
0x333: {  	v2 =	vld.idx.msk [tilespmem:v4+s23+$0x0], $0xffff  }
0x334: {  	v4 =	vld [tilespmem:$0x1FC70];
	v3 =	vor.u32 v3, v1;
	_ =	sdelay $0x4  }
0x335: {  	v0 =	vor.u32 v4, v0;
	[tilespmem:v3+s29+$0x0] =	vst.idx.msk $0xffff, v2;
	v3 =	vld [tilespmem:$0x1FB80];
	_ =	sdelay $0x2  }
0x336: {  	s24 =	simm.s32 $0x10  }
0x337: {  	v2 =	vor.u32 s24, v40  }
0x338: {  	v0 =	vld.idx.msk [tilespmem:v0+s23+$0x0], $0xffff;
	v4 =	vshll.u32 v2, $0x5;
	v1 =	vor.u32 v3, v1  }
0x339: {  	v3 =	vor.u32 v40, v4;
	_ =	sdelay $0x3  }
0x33a: {  	[tilespmem:v1+s29+$0x0] =	vst.idx.msk $0xffff, v0;
	v0 =	vand.u32 $0x1F8, v2  }
0x33b: {  	v1 =	vld.idx.msk [tilespmem:v3+s23+$0x0], $0xffff;
	v2 =	vor.u32 v13, v0  }
0x33c: {  	v3 =	vor.u32 v56, v4;
	_ =	sdelay $0x3  }
0x33d: {  	[tilespmem:v2+s29+$0x0] =	vst.idx.msk $0xffff, v1  }
0x33e: {  	v2 =	vor.u32 v14, v0;
	v1 =	vld.idx.msk [tilespmem:v3+s23+$0x0], $0xffff  }
0x33f: {  	v3 =	vor.u32 v46, v4;
	_ =	sdelay $0x3  }
0x340: {  	[tilespmem:v2+s29+$0x0] =	vst.idx.msk $0xffff, v1  }
0x341: {  	v2 =	vor.u32 v15, v0;
	v1 =	vld.idx.msk [tilespmem:v3+s23+$0x0], $0xffff  }
0x342: {  	v3 =	vor.u32 v45, v4;
	_ =	sdelay $0x3  }
0x343: {  	[tilespmem:v2+s29+$0x0] =	vst.idx.msk $0xffff, v1  }
0x344: {  	v2 =	vor.u32 v16, v0;
	v1 =	vld.idx.msk [tilespmem:v3+s23+$0x0], $0xffff  }
0x345: {  	v3 =	vor.u32 v47, v4;
	_ =	sdelay $0x3  }
0x346: {  	[tilespmem:v2+s29+$0x0] =	vst.idx.msk $0xffff, v1  }
0x347: {  	v2 =	vor.u32 v17, v0;
	v1 =	vld.idx.msk [tilespmem:v3+s23+$0x0], $0xffff  }
0x348: {  	v3 =	vor.u32 v48, v4;
	_ =	sdelay $0x3  }
0x349: {  	[tilespmem:v2+s29+$0x0] =	vst.idx.msk $0xffff, v1  }
0x34a: {  	v2 =	vor.u32 v18, v0;
	v1 =	vld.idx.msk [tilespmem:v3+s23+$0x0], $0xffff  }
0x34b: {  	v3 =	vor.u32 v49, v4;
	_ =	sdelay $0x3  }
0x34c: {  	[tilespmem:v2+s29+$0x0] =	vst.idx.msk $0xffff, v1  }
0x34d: {  	v2 =	vor.u32 v19, v0;
	v1 =	vld.idx.msk [tilespmem:v3+s23+$0x0], $0xffff  }
0x34e: {  	v3 =	vor.u32 v50, v4;
	_ =	sdelay $0x3  }
0x34f: {  	[tilespmem:v2+s29+$0x0] =	vst.idx.msk $0xffff, v1  }
0x350: {  	v2 =	vor.u32 v20, v0;
	v1 =	vld.idx.msk [tilespmem:v3+s23+$0x0], $0xffff  }
0x351: {  	v3 =	vor.u32 v51, v4;
	_ =	sdelay $0x3  }
0x352: {  	[tilespmem:v2+s29+$0x0] =	vst.idx.msk $0xffff, v1  }
0x353: {  	v2 =	vor.u32 v21, v0;
	v1 =	vld.idx.msk [tilespmem:v3+s23+$0x0], $0xffff  }
0x354: {  	v3 =	vor.u32 v52, v4;
	_ =	sdelay $0x3  }
0x355: {  	[tilespmem:v2+s29+$0x0] =	vst.idx.msk $0xffff, v1  }
0x356: {  	v2 =	vor.u32 v22, v0;
	v1 =	vld.idx.msk [tilespmem:v3+s23+$0x0], $0xffff  }
0x357: {  	v3 =	vor.u32 v53, v4;
	_ =	sdelay $0x3  }
0x358: {  	[tilespmem:v2+s29+$0x0] =	vst.idx.msk $0xffff, v1  }
0x359: {  	v2 =	vor.u32 v23, v0;
	v1 =	vld.idx.msk [tilespmem:v3+s23+$0x0], $0xffff  }
0x35a: {  	v3 =	vor.u32 v54, v4;
	_ =	sdelay $0x3  }
0x35b: {  	[tilespmem:v2+s29+$0x0] =	vst.idx.msk $0xffff, v1  }
0x35c: {  	v2 =	vor.u32 v24, v0;
	v1 =	vld.idx.msk [tilespmem:v3+s23+$0x0], $0xffff  }
0x35d: {  	v3 =	vor.u32 v60, v4;
	_ =	sdelay $0x3  }
0x35e: {  	[tilespmem:v2+s29+$0x0] =	vst.idx.msk $0xffff, v1  }
0x35f: {  	v2 =	vor.u32 v25, v0;
	v1 =	vld.idx.msk [tilespmem:v3+s23+$0x0], $0xffff  }
0x360: {  	v3 =	vor.u32 v41, v4;
	_ =	sdelay $0x3  }
0x361: {  	[tilespmem:v2+s29+$0x0] =	vst.idx.msk $0xffff, v1  }
0x362: {  	v2 =	vor.u32 v27, v0;
	v1 =	vld.idx.msk [tilespmem:v3+s23+$0x0], $0xffff  }
0x363: {  	v3 =	vor.u32 v43, v4;
	_ =	sdelay $0x3  }
0x364: {  	[tilespmem:v2+s29+$0x0] =	vst.idx.msk $0xffff, v1  }
0x365: {  	v2 =	vor.u32 v28, v0;
	v1 =	vld.idx.msk [tilespmem:v3+s23+$0x0], $0xffff  }
0x366: {  	v3 =	vor.u32 v44, v4;
	_ =	sdelay $0x3  }
0x367: {  	[tilespmem:v2+s29+$0x0] =	vst.idx.msk $0xffff, v1  }
0x368: {  	v2 =	vor.u32 v29, v0;
	v1 =	vld.idx.msk [tilespmem:v3+s23+$0x0], $0xffff  }
0x369: {  	v3 =	vor.u32 v9, v4;
	_ =	sdelay $0x3  }
0x36a: {  	[tilespmem:v2+s29+$0x0] =	vst.idx.msk $0xffff, v1  }
0x36b: {  	v2 =	vor.u32 v30, v0;
	v1 =	vld.idx.msk [tilespmem:v3+s23+$0x0], $0xffff  }
0x36c: {  	v3 =	vor.u32 v62, v4;
	_ =	sdelay $0x3  }
0x36d: {  	[tilespmem:v2+s29+$0x0] =	vst.idx.msk $0xffff, v1  }
0x36e: {  	v2 =	vor.u32 v31, v0;
	v1 =	vld.idx.msk [tilespmem:v3+s23+$0x0], $0xffff  }
0x36f: {  	v3 =	vor.u32 v6, v4;
	_ =	sdelay $0x3  }
0x370: {  	[tilespmem:v2+s29+$0x0] =	vst.idx.msk $0xffff, v1  }
0x371: {  	v2 =	vor.u32 v32, v0;
	v1 =	vld.idx.msk [tilespmem:v3+s23+$0x0], $0xffff  }
0x372: {  	v3 =	vor.u32 v8, v4;
	_ =	sdelay $0x3  }
0x373: {  	[tilespmem:v2+s29+$0x0] =	vst.idx.msk $0xffff, v1  }
0x374: {  	v2 =	vor.u32 v33, v0;
	v1 =	vld.idx.msk [tilespmem:v3+s23+$0x0], $0xffff  }
0x375: {  	v3 =	vor.u32 v7, v4;
	_ =	sdelay $0x3  }
0x376: {  	[tilespmem:v2+s29+$0x0] =	vst.idx.msk $0xffff, v1  }
0x377: {  	v2 =	vor.u32 v34, v0;
	v1 =	vld.idx.msk [tilespmem:v3+s23+$0x0], $0xffff  }
0x378: {  	v3 =	vor.u32 v57, v4;
	_ =	sdelay $0x3  }
0x379: {  	[tilespmem:v2+s29+$0x0] =	vst.idx.msk $0xffff, v1  }
0x37a: {  	v2 =	vor.u32 v35, v0;
	v1 =	vld.idx.msk [tilespmem:v3+s23+$0x0], $0xffff  }
0x37b: {  	v3 =	vor.u32 v58, v4;
	_ =	sdelay $0x3  }
0x37c: {  	[tilespmem:v2+s29+$0x0] =	vst.idx.msk $0xffff, v1  }
0x37d: {  	v2 =	vor.u32 v36, v0;
	v1 =	vld.idx.msk [tilespmem:v3+s23+$0x0], $0xffff  }
0x37e: {  	v3 =	vor.u32 v59, v4;
	_ =	sdelay $0x3  }
0x37f: {  	[tilespmem:v2+s29+$0x0] =	vst.idx.msk $0xffff, v1  }
0x380: {  	v2 =	vor.u32 v37, v0;
	v1 =	vld.idx.msk [tilespmem:v3+s23+$0x0], $0xffff  }
0x381: {  	v3 =	vor.u32 v61, v4;
	_ =	sdelay $0x3  }
0x382: {  	[tilespmem:v2+s29+$0x0] =	vst.idx.msk $0xffff, v1  }
0x383: {  	v2 =	vor.u32 v38, v0;
	v1 =	vld.idx.msk [tilespmem:v3+s23+$0x0], $0xffff  }
0x384: {  	v3 =	vor.u32 v63, v4;
	_ =	sdelay $0x3  }
0x385: {  	[tilespmem:v2+s29+$0x0] =	vst.idx.msk $0xffff, v1  }
0x386: {  	v2 =	vor.u32 v39, v0;
	v1 =	vld.idx.msk [tilespmem:v3+s23+$0x0], $0xffff  }
0x387: {  	v3 =	vor.u32 v42, v4;
	_ =	sdelay $0x3  }
0x388: {  	[tilespmem:v2+s29+$0x0] =	vst.idx.msk $0xffff, v1  }
0x389: {  	v2 =	vor.u32 v5, v0;
	v1 =	vld.idx.msk [tilespmem:v3+s23+$0x0], $0xffff  }
0x38a: {  	v3 =	vor.u32 v10, v4;
	_ =	sdelay $0x3  }
0x38b: {  	[tilespmem:v2+s29+$0x0] =	vst.idx.msk $0xffff, v1  }
0x38c: {  	v2 =	vor.u32 v26, v0;
	v1 =	vld.idx.msk [tilespmem:v3+s23+$0x0], $0xffff;
	_ =	sdelay $0x4  }
0x38d: {  	v3 =	vor.u32 v55, v4;
	[tilespmem:v2+s29+$0x0] =	vst.idx.msk $0xffff, v1;
	v2 =	vld [tilespmem:$0x1FE40];
	_ =	sdelay $0x4  }
0x38e: {  	v1 =	vld.idx.msk [tilespmem:v3+s23+$0x0], $0xffff;
	v2 =	vor.u32 v2, v0;
	_ =	sdelay $0x4  }
0x38f: {  	v3 =	vor.u32 v11, v4;
	[tilespmem:v2+s29+$0x0] =	vst.idx.msk $0xffff, v1;
	v2 =	vld [tilespmem:$0x1FE50];
	_ =	sdelay $0x4  }
0x390: {  	v1 =	vld.idx.msk [tilespmem:v3+s23+$0x0], $0xffff;
	v2 =	vor.u32 v2, v0;
	_ =	sdelay $0x3  }
0x391: {  	v3 =	vor.u32 v12, v4  }
0x392: {  	[tilespmem:v2+s29+$0x0] =	vst.idx.msk $0xffff, v1;
	v1 =	vld [tilespmem:$0x1FE60];
	_ =	sdelay $0x3  }
0x393: {  	v2 =	vld.idx.msk [tilespmem:v3+s23+$0x0], $0xffff  }
0x394: {  	v3 =	vor.u32 v1, v0;
	v1 =	vld [tilespmem:$0x1FC70];
	_ =	sdelay $0x4  }
0x395: {  	s1 =	simm.s32 $0x0;
	s6 =	simm.s32 $0x30;
	v1 =	vor.u32 v1, v4  }
.LBB2_4:
0x396: {  	v5 =	vld [tilespmem:$0x1FB80];
	_ =	sdelay $0x2  }
0x397: {  	s9 =	sadd.s32 $0xFFFFFFF0, s6  }
0x398: {  	[tilespmem:v3+s29+$0x0] =	vst.idx.msk $0xffff, v2;
	v2 =	vor.u32 s9, v40  }
0x399: {  	v3 =	vld.idx.msk [tilespmem:v1+s23+$0x0], $0xffff;
	v1 =	vshll.u32 v2, $0x5;
	v0 =	vor.u32 v5, v0  }
0x39a: {  	v13 =	vld [tilespmem:$0x1FC80];
	v4 =	vor.u32 v40, v1  }
0x39b: {  	v56 =	vld [tilespmem:$0x1FE70];
	_ =	sdelay $0x2  }
0x39c: {  	[tilespmem:v0+s29+$0x0] =	vst.idx.msk $0xffff, v3;
	v0 =	vand.u32 $0x1E8, v2  }
0x39d: {  	v3 =	vld.idx.msk [tilespmem:v4+s23+$0x0], $0xffff;
	v2 =	vor.u32 v13, v0  }
0x39e: {  	v14 =	vld [tilespmem:$0x1FC90];
	v4 =	vor.u32 v56, v1  }
0x39f: {  	v46 =	vld [tilespmem:$0x1FE80];
	_ =	sdelay $0x2  }
0x3a0: {  	[tilespmem:v2+s29+$0x0] =	vst.idx.msk $0xffff, v3  }
0x3a1: {  	v3 =	vor.u32 v14, v0;
	v2 =	vld.idx.msk [tilespmem:v4+s23+$0x0], $0xffff  }
0x3a2: {  	v15 =	vld [tilespmem:$0x1FCA0];
	v4 =	vor.u32 v46, v1  }
0x3a3: {  	v45 =	vld [tilespmem:$0x1FE90];
	_ =	sdelay $0x2  }
0x3a4: {  	[tilespmem:v3+s29+$0x0] =	vst.idx.msk $0xffff, v2  }
0x3a5: {  	v3 =	vor.u32 v15, v0;
	v2 =	vld.idx.msk [tilespmem:v4+s23+$0x0], $0xffff  }
0x3a6: {  	v16 =	vld [tilespmem:$0x1FCB0];
	v4 =	vor.u32 v45, v1  }
0x3a7: {  	v47 =	vld [tilespmem:$0x1FEA0];
	_ =	sdelay $0x2  }
0x3a8: {  	[tilespmem:v3+s29+$0x0] =	vst.idx.msk $0xffff, v2  }
0x3a9: {  	v3 =	vor.u32 v16, v0;
	v2 =	vld.idx.msk [tilespmem:v4+s23+$0x0], $0xffff  }
0x3aa: {  	v17 =	vld [tilespmem:$0x1FCC0];
	v4 =	vor.u32 v47, v1  }
0x3ab: {  	v48 =	vld [tilespmem:$0x1FEB0];
	_ =	sdelay $0x2  }
0x3ac: {  	[tilespmem:v3+s29+$0x0] =	vst.idx.msk $0xffff, v2  }
0x3ad: {  	v3 =	vor.u32 v17, v0;
	v2 =	vld.idx.msk [tilespmem:v4+s23+$0x0], $0xffff  }
0x3ae: {  	v18 =	vld [tilespmem:$0x1FCD0];
	v4 =	vor.u32 v48, v1  }
0x3af: {  	v49 =	vld [tilespmem:$0x1FEC0];
	_ =	sdelay $0x2  }
0x3b0: {  	[tilespmem:v3+s29+$0x0] =	vst.idx.msk $0xffff, v2  }
0x3b1: {  	v3 =	vor.u32 v18, v0;
	v2 =	vld.idx.msk [tilespmem:v4+s23+$0x0], $0xffff  }
0x3b2: {  	v19 =	vld [tilespmem:$0x1FCE0];
	v4 =	vor.u32 v49, v1  }
0x3b3: {  	v50 =	vld [tilespmem:$0x1FED0];
	_ =	sdelay $0x2  }
0x3b4: {  	[tilespmem:v3+s29+$0x0] =	vst.idx.msk $0xffff, v2  }
0x3b5: {  	v3 =	vor.u32 v19, v0;
	v2 =	vld.idx.msk [tilespmem:v4+s23+$0x0], $0xffff  }
0x3b6: {  	v20 =	vld [tilespmem:$0x1FCF0];
	v4 =	vor.u32 v50, v1  }
0x3b7: {  	v51 =	vld [tilespmem:$0x1FEE0];
	_ =	sdelay $0x2  }
0x3b8: {  	[tilespmem:v3+s29+$0x0] =	vst.idx.msk $0xffff, v2  }
0x3b9: {  	v3 =	vor.u32 v20, v0;
	v2 =	vld.idx.msk [tilespmem:v4+s23+$0x0], $0xffff  }
0x3ba: {  	v21 =	vld [tilespmem:$0x1FD00];
	v4 =	vor.u32 v51, v1  }
0x3bb: {  	v52 =	vld [tilespmem:$0x1FEF0];
	_ =	sdelay $0x2  }
0x3bc: {  	[tilespmem:v3+s29+$0x0] =	vst.idx.msk $0xffff, v2  }
0x3bd: {  	v3 =	vor.u32 v21, v0;
	v2 =	vld.idx.msk [tilespmem:v4+s23+$0x0], $0xffff  }
0x3be: {  	v22 =	vld [tilespmem:$0x1FD10];
	v4 =	vor.u32 v52, v1  }
0x3bf: {  	v53 =	vld [tilespmem:$0x1FF00];
	_ =	sdelay $0x2  }
0x3c0: {  	[tilespmem:v3+s29+$0x0] =	vst.idx.msk $0xffff, v2  }
0x3c1: {  	v3 =	vor.u32 v22, v0;
	v2 =	vld.idx.msk [tilespmem:v4+s23+$0x0], $0xffff  }
0x3c2: {  	v23 =	vld [tilespmem:$0x1FD20];
	v4 =	vor.u32 v53, v1  }
0x3c3: {  	v54 =	vld [tilespmem:$0x1FF10];
	_ =	sdelay $0x2  }
0x3c4: {  	[tilespmem:v3+s29+$0x0] =	vst.idx.msk $0xffff, v2  }
0x3c5: {  	v3 =	vor.u32 v23, v0;
	v2 =	vld.idx.msk [tilespmem:v4+s23+$0x0], $0xffff  }
0x3c6: {  	v24 =	vld [tilespmem:$0x1FD30];
	v4 =	vor.u32 v54, v1  }
0x3c7: {  	v60 =	vld [tilespmem:$0x1FF40];
	_ =	sdelay $0x2  }
0x3c8: {  	[tilespmem:v3+s29+$0x0] =	vst.idx.msk $0xffff, v2  }
0x3c9: {  	v3 =	vor.u32 v24, v0;
	v2 =	vld.idx.msk [tilespmem:v4+s23+$0x0], $0xffff  }
0x3ca: {  	v25 =	vld [tilespmem:$0x1FD40];
	v4 =	vor.u32 v60, v1  }
0x3cb: {  	v41 =	vld [tilespmem:$0x1FF60];
	_ =	sdelay $0x2  }
0x3cc: {  	[tilespmem:v3+s29+$0x0] =	vst.idx.msk $0xffff, v2  }
0x3cd: {  	v3 =	vor.u32 v25, v0;
	v2 =	vld.idx.msk [tilespmem:v4+s23+$0x0], $0xffff  }
0x3ce: {  	v27 =	vld [tilespmem:$0x1FD50];
	v4 =	vor.u32 v41, v1  }
0x3cf: {  	v43 =	vld [tilespmem:$0x1FF90];
	_ =	sdelay $0x2  }
0x3d0: {  	[tilespmem:v3+s29+$0x0] =	vst.idx.msk $0xffff, v2  }
0x3d1: {  	v3 =	vor.u32 v27, v0;
	v2 =	vld.idx.msk [tilespmem:v4+s23+$0x0], $0xffff  }
0x3d2: {  	v28 =	vld [tilespmem:$0x1FD60];
	v4 =	vor.u32 v43, v1  }
0x3d3: {  	v44 =	vld [tilespmem:$0x1FFC0];
	_ =	sdelay $0x2  }
0x3d4: {  	[tilespmem:v3+s29+$0x0] =	vst.idx.msk $0xffff, v2  }
0x3d5: {  	v3 =	vor.u32 v28, v0;
	v2 =	vld.idx.msk [tilespmem:v4+s23+$0x0], $0xffff  }
0x3d6: {  	v29 =	vld [tilespmem:$0x1FD70];
	v4 =	vor.u32 v44, v1  }
0x3d7: {  	v9 =	vld [tilespmem:$0x1FFF0];
	_ =	sdelay $0x2  }
0x3d8: {  	[tilespmem:v3+s29+$0x0] =	vst.idx.msk $0xffff, v2  }
0x3d9: {  	v3 =	vor.u32 v29, v0;
	v2 =	vld.idx.msk [tilespmem:v4+s23+$0x0], $0xffff  }
0x3da: {  	v30 =	vld [tilespmem:$0x1FD80];
	v4 =	vor.u32 v9, v1  }
0x3db: {  	v62 =	vld [tilespmem:$0x1FF70];
	_ =	sdelay $0x2  }
0x3dc: {  	[tilespmem:v3+s29+$0x0] =	vst.idx.msk $0xffff, v2  }
0x3dd: {  	v3 =	vor.u32 v30, v0;
	v2 =	vld.idx.msk [tilespmem:v4+s23+$0x0], $0xffff  }
0x3de: {  	v31 =	vld [tilespmem:$0x1FD90];
	v4 =	vor.u32 v62, v1  }
0x3df: {  	v6 =	vld [tilespmem:$0x1FFA0];
	_ =	sdelay $0x2  }
0x3e0: {  	[tilespmem:v3+s29+$0x0] =	vst.idx.msk $0xffff, v2  }
0x3e1: {  	v3 =	vor.u32 v31, v0;
	v2 =	vld.idx.msk [tilespmem:v4+s23+$0x0], $0xffff  }
0x3e2: {  	v32 =	vld [tilespmem:$0x1FDA0];
	v4 =	vor.u32 v6, v1  }
0x3e3: {  	v8 =	vld [tilespmem:$0x1FFD0];
	_ =	sdelay $0x2  }
0x3e4: {  	[tilespmem:v3+s29+$0x0] =	vst.idx.msk $0xffff, v2  }
0x3e5: {  	v3 =	vor.u32 v32, v0;
	v2 =	vld.idx.msk [tilespmem:v4+s23+$0x0], $0xffff  }
0x3e6: {  	v33 =	vld [tilespmem:$0x1FDB0];
	v4 =	vor.u32 v8, v1  }
0x3e7: {  	v7 =	vld [tilespmem:$0x1FBA0];
	_ =	sdelay $0x2  }
0x3e8: {  	[tilespmem:v3+s29+$0x0] =	vst.idx.msk $0xffff, v2  }
0x3e9: {  	v3 =	vor.u32 v33, v0;
	v2 =	vld.idx.msk [tilespmem:v4+s23+$0x0], $0xffff  }
0x3ea: {  	v34 =	vld [tilespmem:$0x1FDC0];
	v4 =	vor.u32 v7, v1  }
0x3eb: {  	v57 =	vld [tilespmem:$0x1FBD0];
	_ =	sdelay $0x2  }
0x3ec: {  	[tilespmem:v3+s29+$0x0] =	vst.idx.msk $0xffff, v2  }
0x3ed: {  	v3 =	vor.u32 v34, v0;
	v2 =	vld.idx.msk [tilespmem:v4+s23+$0x0], $0xffff  }
0x3ee: {  	v35 =	vld [tilespmem:$0x1FDD0];
	v4 =	vor.u32 v57, v1  }
0x3ef: {  	v58 =	vld [tilespmem:$0x1FF20];
	_ =	sdelay $0x2  }
0x3f0: {  	[tilespmem:v3+s29+$0x0] =	vst.idx.msk $0xffff, v2  }
0x3f1: {  	v3 =	vor.u32 v35, v0;
	v2 =	vld.idx.msk [tilespmem:v4+s23+$0x0], $0xffff  }
0x3f2: {  	v36 =	vld [tilespmem:$0x1FDE0];
	v4 =	vor.u32 v58, v1  }
0x3f3: {  	v59 =	vld [tilespmem:$0x1FF30];
	_ =	sdelay $0x2  }
0x3f4: {  	[tilespmem:v3+s29+$0x0] =	vst.idx.msk $0xffff, v2  }
0x3f5: {  	v3 =	vor.u32 v36, v0;
	v2 =	vld.idx.msk [tilespmem:v4+s23+$0x0], $0xffff  }
0x3f6: {  	v37 =	vld [tilespmem:$0x1FDF0];
	v4 =	vor.u32 v59, v1  }
0x3f7: {  	v61 =	vld [tilespmem:$0x1FF50];
	_ =	sdelay $0x2  }
0x3f8: {  	[tilespmem:v3+s29+$0x0] =	vst.idx.msk $0xffff, v2  }
0x3f9: {  	v3 =	vor.u32 v37, v0;
	v2 =	vld.idx.msk [tilespmem:v4+s23+$0x0], $0xffff  }
0x3fa: {  	v38 =	vld [tilespmem:$0x1FE00];
	v4 =	vor.u32 v61, v1  }
0x3fb: {  	v63 =	vld [tilespmem:$0x1FF80];
	_ =	sdelay $0x2  }
0x3fc: {  	[tilespmem:v3+s29+$0x0] =	vst.idx.msk $0xffff, v2  }
0x3fd: {  	v3 =	vor.u32 v38, v0;
	v2 =	vld.idx.msk [tilespmem:v4+s23+$0x0], $0xffff  }
0x3fe: {  	v39 =	vld [tilespmem:$0x1FE10];
	v4 =	vor.u32 v63, v1;
	_ =	sdelay $0x3  }
0x3ff: {  	v42 =	vld [tilespmem:$0x1FFB0];
	[tilespmem:v3+s29+$0x0] =	vst.idx.msk $0xffff, v2  }
0x400: {  	v3 =	vor.u32 v39, v0;
	v2 =	vld.idx.msk [tilespmem:v4+s23+$0x0], $0xffff;
	_ =	sdelay $0x4  }
0x401: {  	v4 =	vor.u32 v42, v1;
	[tilespmem:v3+s29+$0x0] =	vst.idx.msk $0xffff, v2;
	v3 =	vld [tilespmem:$0x1FE20];
	_ =	sdelay $0x3  }
0x402: {  	v10 =	vld [tilespmem:$0x1FFE0]  }
0x403: {  	v2 =	vld.idx.msk [tilespmem:v4+s23+$0x0], $0xffff;
	v3 =	vor.u32 v3, v0;
	_ =	sdelay $0x4  }
0x404: {  	v4 =	vor.u32 v10, v1;
	[tilespmem:v3+s29+$0x0] =	vst.idx.msk $0xffff, v2;
	v3 =	vld [tilespmem:$0x1FE30];
	_ =	sdelay $0x3  }
0x405: {  	v55 =	vld [tilespmem:$0x1FB50]  }
0x406: {  	v2 =	vld.idx.msk [tilespmem:v4+s23+$0x0], $0xffff;
	v3 =	vor.u32 v3, v0;
	_ =	sdelay $0x4  }
0x407: {  	v4 =	vor.u32 v55, v1;
	[tilespmem:v3+s29+$0x0] =	vst.idx.msk $0xffff, v2;
	v3 =	vld [tilespmem:$0x1FE40];
	_ =	sdelay $0x3  }
0x408: {  	v11 =	vld [tilespmem:$0x1FB60]  }
0x409: {  	v2 =	vld.idx.msk [tilespmem:v4+s23+$0x0], $0xffff;
	v3 =	vor.u32 v3, v0;
	_ =	sdelay $0x4  }
0x40a: {  	v4 =	vor.u32 v11, v1;
	[tilespmem:v3+s29+$0x0] =	vst.idx.msk $0xffff, v2;
	v3 =	vld [tilespmem:$0x1FE50];
	_ =	sdelay $0x3  }
0x40b: {  	v12 =	vld [tilespmem:$0x1FB70]  }
0x40c: {  	v2 =	vld.idx.msk [tilespmem:v4+s23+$0x0], $0xffff;
	v3 =	vor.u32 v3, v0;
	_ =	sdelay $0x4  }
0x40d: {  	v4 =	vor.u32 v12, v1;
	[tilespmem:v3+s29+$0x0] =	vst.idx.msk $0xffff, v2;
	v3 =	vld [tilespmem:$0x1FE60]  }
0x40e: {  	v26 =	vld [tilespmem:$0x1FC70];
	_ =	sdelay $0x3  }
0x40f: {  	v2 =	vld.idx.msk [tilespmem:v4+s23+$0x0], $0xffff;
	v3 =	vor.u32 v3, v0  }
0x410: {  	v1 =	vor.u32 v26, v1;
	_ =	sdelay $0x3  }
0x411: {  	[tilespmem:v3+s29+$0x0] =	vst.idx.msk $0xffff, v2;
	v3 =	vor.u32 s6, v40  }
0x412: {  	v0 =	vor.u32 v5, v0;
	v2 =	vld.idx.msk [tilespmem:v1+s23+$0x0], $0xffff;
	v1 =	vshll.u32 v3, $0x5  }
0x413: {  	v4 =	vor.u32 v40, v1;
	_ =	sdelay $0x3  }
0x414: {  	[tilespmem:v0+s29+$0x0] =	vst.idx.msk $0xffff, v2;
	v0 =	vand.u32 $0x1F8, v3  }
0x415: {  	v2 =	vld.idx.msk [tilespmem:v4+s23+$0x0], $0xffff;
	v3 =	vor.u32 v13, v0  }
0x416: {  	v4 =	vor.u32 v56, v1;
	_ =	sdelay $0x3  }
0x417: {  	[tilespmem:v3+s29+$0x0] =	vst.idx.msk $0xffff, v2  }
0x418: {  	v3 =	vor.u32 v14, v0;
	v2 =	vld.idx.msk [tilespmem:v4+s23+$0x0], $0xffff  }
0x419: {  	v4 =	vor.u32 v46, v1;
	_ =	sdelay $0x3  }
0x41a: {  	[tilespmem:v3+s29+$0x0] =	vst.idx.msk $0xffff, v2  }
0x41b: {  	v3 =	vor.u32 v15, v0;
	v2 =	vld.idx.msk [tilespmem:v4+s23+$0x0], $0xffff  }
0x41c: {  	v4 =	vor.u32 v45, v1;
	_ =	sdelay $0x3  }
0x41d: {  	[tilespmem:v3+s29+$0x0] =	vst.idx.msk $0xffff, v2  }
0x41e: {  	v3 =	vor.u32 v16, v0;
	v2 =	vld.idx.msk [tilespmem:v4+s23+$0x0], $0xffff  }
0x41f: {  	v4 =	vor.u32 v47, v1;
	_ =	sdelay $0x3  }
0x420: {  	[tilespmem:v3+s29+$0x0] =	vst.idx.msk $0xffff, v2  }
0x421: {  	v3 =	vor.u32 v17, v0;
	v2 =	vld.idx.msk [tilespmem:v4+s23+$0x0], $0xffff  }
0x422: {  	v4 =	vor.u32 v48, v1;
	_ =	sdelay $0x3  }
0x423: {  	[tilespmem:v3+s29+$0x0] =	vst.idx.msk $0xffff, v2  }
0x424: {  	v3 =	vor.u32 v18, v0;
	v2 =	vld.idx.msk [tilespmem:v4+s23+$0x0], $0xffff  }
0x425: {  	v4 =	vor.u32 v49, v1;
	_ =	sdelay $0x3  }
0x426: {  	[tilespmem:v3+s29+$0x0] =	vst.idx.msk $0xffff, v2  }
0x427: {  	v3 =	vor.u32 v19, v0;
	v2 =	vld.idx.msk [tilespmem:v4+s23+$0x0], $0xffff  }
0x428: {  	v4 =	vor.u32 v50, v1;
	_ =	sdelay $0x3  }
0x429: {  	[tilespmem:v3+s29+$0x0] =	vst.idx.msk $0xffff, v2  }
0x42a: {  	v3 =	vor.u32 v20, v0;
	v2 =	vld.idx.msk [tilespmem:v4+s23+$0x0], $0xffff  }
0x42b: {  	v4 =	vor.u32 v51, v1;
	_ =	sdelay $0x3  }
0x42c: {  	[tilespmem:v3+s29+$0x0] =	vst.idx.msk $0xffff, v2  }
0x42d: {  	v3 =	vor.u32 v21, v0;
	v2 =	vld.idx.msk [tilespmem:v4+s23+$0x0], $0xffff  }
0x42e: {  	v4 =	vor.u32 v52, v1;
	_ =	sdelay $0x3  }
0x42f: {  	[tilespmem:v3+s29+$0x0] =	vst.idx.msk $0xffff, v2  }
0x430: {  	v3 =	vor.u32 v22, v0;
	v2 =	vld.idx.msk [tilespmem:v4+s23+$0x0], $0xffff  }
0x431: {  	v4 =	vor.u32 v53, v1;
	_ =	sdelay $0x3  }
0x432: {  	[tilespmem:v3+s29+$0x0] =	vst.idx.msk $0xffff, v2  }
0x433: {  	v3 =	vor.u32 v23, v0;
	v2 =	vld.idx.msk [tilespmem:v4+s23+$0x0], $0xffff  }
0x434: {  	v4 =	vor.u32 v54, v1;
	_ =	sdelay $0x3  }
0x435: {  	[tilespmem:v3+s29+$0x0] =	vst.idx.msk $0xffff, v2  }
0x436: {  	v3 =	vor.u32 v24, v0;
	v2 =	vld.idx.msk [tilespmem:v4+s23+$0x0], $0xffff  }
0x437: {  	v4 =	vor.u32 v60, v1;
	_ =	sdelay $0x3  }
0x438: {  	[tilespmem:v3+s29+$0x0] =	vst.idx.msk $0xffff, v2  }
0x439: {  	v3 =	vor.u32 v25, v0;
	v2 =	vld.idx.msk [tilespmem:v4+s23+$0x0], $0xffff  }
0x43a: {  	v4 =	vor.u32 v41, v1;
	_ =	sdelay $0x3  }
0x43b: {  	[tilespmem:v3+s29+$0x0] =	vst.idx.msk $0xffff, v2  }
0x43c: {  	v3 =	vor.u32 v27, v0;
	v2 =	vld.idx.msk [tilespmem:v4+s23+$0x0], $0xffff  }
0x43d: {  	v4 =	vor.u32 v43, v1;
	_ =	sdelay $0x3  }
0x43e: {  	[tilespmem:v3+s29+$0x0] =	vst.idx.msk $0xffff, v2  }
0x43f: {  	v3 =	vor.u32 v28, v0;
	v2 =	vld.idx.msk [tilespmem:v4+s23+$0x0], $0xffff  }
0x440: {  	v4 =	vor.u32 v44, v1;
	_ =	sdelay $0x3  }
0x441: {  	[tilespmem:v3+s29+$0x0] =	vst.idx.msk $0xffff, v2  }
0x442: {  	v3 =	vor.u32 v29, v0;
	v2 =	vld.idx.msk [tilespmem:v4+s23+$0x0], $0xffff  }
0x443: {  	v4 =	vor.u32 v9, v1;
	_ =	sdelay $0x3  }
0x444: {  	[tilespmem:v3+s29+$0x0] =	vst.idx.msk $0xffff, v2  }
0x445: {  	v3 =	vor.u32 v30, v0;
	v2 =	vld.idx.msk [tilespmem:v4+s23+$0x0], $0xffff  }
0x446: {  	v4 =	vor.u32 v62, v1;
	_ =	sdelay $0x3  }
0x447: {  	[tilespmem:v3+s29+$0x0] =	vst.idx.msk $0xffff, v2  }
0x448: {  	v3 =	vor.u32 v31, v0;
	v2 =	vld.idx.msk [tilespmem:v4+s23+$0x0], $0xffff  }
0x449: {  	v4 =	vor.u32 v6, v1;
	_ =	sdelay $0x3  }
0x44a: {  	[tilespmem:v3+s29+$0x0] =	vst.idx.msk $0xffff, v2  }
0x44b: {  	v3 =	vor.u32 v32, v0;
	v2 =	vld.idx.msk [tilespmem:v4+s23+$0x0], $0xffff  }
0x44c: {  	v4 =	vor.u32 v8, v1;
	_ =	sdelay $0x3  }
0x44d: {  	[tilespmem:v3+s29+$0x0] =	vst.idx.msk $0xffff, v2  }
0x44e: {  	v3 =	vor.u32 v33, v0;
	v2 =	vld.idx.msk [tilespmem:v4+s23+$0x0], $0xffff  }
0x44f: {  	v4 =	vor.u32 v7, v1;
	_ =	sdelay $0x3  }
0x450: {  	[tilespmem:v3+s29+$0x0] =	vst.idx.msk $0xffff, v2  }
0x451: {  	v3 =	vor.u32 v34, v0;
	v2 =	vld.idx.msk [tilespmem:v4+s23+$0x0], $0xffff  }
0x452: {  	v4 =	vor.u32 v57, v1;
	_ =	sdelay $0x3  }
0x453: {  	[tilespmem:v3+s29+$0x0] =	vst.idx.msk $0xffff, v2  }
0x454: {  	v3 =	vor.u32 v35, v0;
	v2 =	vld.idx.msk [tilespmem:v4+s23+$0x0], $0xffff  }
0x455: {  	v4 =	vor.u32 v58, v1;
	_ =	sdelay $0x3  }
0x456: {  	[tilespmem:v3+s29+$0x0] =	vst.idx.msk $0xffff, v2  }
0x457: {  	v3 =	vor.u32 v36, v0;
	v2 =	vld.idx.msk [tilespmem:v4+s23+$0x0], $0xffff  }
0x458: {  	v4 =	vor.u32 v59, v1;
	_ =	sdelay $0x3  }
0x459: {  	[tilespmem:v3+s29+$0x0] =	vst.idx.msk $0xffff, v2  }
0x45a: {  	v3 =	vor.u32 v37, v0;
	v2 =	vld.idx.msk [tilespmem:v4+s23+$0x0], $0xffff  }
0x45b: {  	v4 =	vor.u32 v61, v1;
	_ =	sdelay $0x3  }
0x45c: {  	[tilespmem:v3+s29+$0x0] =	vst.idx.msk $0xffff, v2  }
0x45d: {  	v3 =	vor.u32 v38, v0;
	v2 =	vld.idx.msk [tilespmem:v4+s23+$0x0], $0xffff  }
0x45e: {  	v4 =	vor.u32 v63, v1;
	_ =	sdelay $0x3  }
0x45f: {  	[tilespmem:v3+s29+$0x0] =	vst.idx.msk $0xffff, v2  }
0x460: {  	v3 =	vor.u32 v39, v0;
	v2 =	vld.idx.msk [tilespmem:v4+s23+$0x0], $0xffff;
	_ =	sdelay $0x4  }
0x461: {  	v4 =	vor.u32 v42, v1;
	[tilespmem:v3+s29+$0x0] =	vst.idx.msk $0xffff, v2;
	v3 =	vld [tilespmem:$0x1FE20];
	_ =	sdelay $0x4  }
0x462: {  	v2 =	vld.idx.msk [tilespmem:v4+s23+$0x0], $0xffff;
	v3 =	vor.u32 v3, v0;
	_ =	sdelay $0x4  }
0x463: {  	v4 =	vor.u32 v10, v1;
	[tilespmem:v3+s29+$0x0] =	vst.idx.msk $0xffff, v2;
	v3 =	vld [tilespmem:$0x1FE30];
	_ =	sdelay $0x4  }
0x464: {  	v2 =	vld.idx.msk [tilespmem:v4+s23+$0x0], $0xffff;
	v3 =	vor.u32 v3, v0;
	_ =	sdelay $0x4  }
0x465: {  	v4 =	vor.u32 v55, v1;
	[tilespmem:v3+s29+$0x0] =	vst.idx.msk $0xffff, v2;
	v3 =	vld [tilespmem:$0x1FE40];
	_ =	sdelay $0x4  }
0x466: {  	v2 =	vld.idx.msk [tilespmem:v4+s23+$0x0], $0xffff;
	v3 =	vor.u32 v3, v0;
	_ =	sdelay $0x4  }
0x467: {  	v4 =	vor.u32 v11, v1;
	[tilespmem:v3+s29+$0x0] =	vst.idx.msk $0xffff, v2;
	v3 =	vld [tilespmem:$0x1FE50];
	_ =	sdelay $0x4  }
0x468: {  	v2 =	vld.idx.msk [tilespmem:v4+s23+$0x0], $0xffff;
	v3 =	vor.u32 v3, v0;
	_ =	sdelay $0x3  }
0x469: {  	s1 =	sadd.s32 $0x2, s1  }
0x46a: {  	p0 =	slt.u32 s1, $0x1E;
	v4 =	vor.u32 v12, v1;
	[tilespmem:v3+s29+$0x0] =	vst.idx.msk $0xffff, v2;
	v3 =	vld [tilespmem:$0x1FE60]  }
.Ltmp1:
0x46b: {  	_ = 	snop;
	(pc) =	sbr.rel @p0 .LBB2_4-.Ltmp1, $2  }
0x46c: {  	_ =	sdelay $0x2  }
0x46d: {  	s6 =	sadd.s32 $0x20, s6;
	v1 =	vor.u32 v26, v1;
	v2 =	vld.idx.msk [tilespmem:v4+s23+$0x0], $0xffff;
	v3 =	vor.u32 v3, v0  }
0x46e: {  	v63 =	vld [tilespmem:$0x1FB80];
	_ =	sdelay $0x3  }
0x46f: {  	[tilespmem:v3+s29+$0x0] =	vst.idx.msk $0xffff, v2  }
0x470: {  	v1 =	vld.idx.msk [tilespmem:v1+s23+$0x0], $0xffff;
	v0 =	vor.u32 v63, v0;
	_ =	sdelay $0x4  }
0x471: {  	s1 =	rddreg [dreg:$0x4];
	[tilespmem:v0+s29+$0x0] =	vst.idx.msk $0xffff, v1  }
0x472: {  	[hbm4b:s1+s13] =	stream.strided.scatter [tilespmem:s29], [sflag:$0x5], $0x4000, s14, s13, $0x38;
	[tilespmem:$0x16400] =	vst v63  }
0x473: {  	s9 =	simm.s32 $0x600  }
0x474: {  	[tilespmem:s23], [sflag:$0x3] =	stream.indirect.gather [hbm4b:s3+s16], $0x20, s9, s16, $0xb8;
	[tilespmem:$0x16400] =	vst v63  }
0x475: {  	s10 =	simm.s32 $0x680  }
0x476: {  	[tilespmem:s25], [sflag:$0x3] =	stream.indirect.gather [hbm4b:s3+s16], $0x20, s10, s16, $0xb8;
	[tilespmem:$0x16400] =	vst v63  }
0x477: {  	s11 =	simm.s32 $0x700  }
0x478: {  	[tilespmem:s28], [sflag:$0x3] =	stream.indirect.gather [hbm4b:s3+s16], $0x20, s11, s16, $0xb8;
	[tilespmem:$0x16400] =	vst v63  }
0x479: {  	s24 =	simm.s32 $0x780  }
0x47a: {  	[tilespmem:s30], [sflag:$0x3] =	stream.indirect.gather [hbm4b:s3+s16], $0x20, s24, s16, $0xb8;
	[tilespmem:$0x16400] =	vst v63  }
0x47b: {  	s24 =	simm.s32 $0x1  }
.LBB2_6:
0x47c: {  	_ =	swait.ge [sflag:s31], $0x4000  }
0x47d: {  	s1 =	simm.s32 $0x0;
	[sflag:s31] =	ssyncset.done $0x0  }
0x47e: {  	v1 =	vor.u32 s1, v40;
	[sflag:s31] =	ssyncadd.s32 $0xFFFFC000  }
0x47f: {  	v0 =	vshll.u32 v1, $0x5;
	_ =	swait.ge [sflag:s2], $0x4000  }
0x480: {  	v2 =	vor.u32 v40, v0;
	v12 =	vld [tilespmem:$0x1FC80]  }
0x481: {  	v41 =	vld [tilespmem:$0x1FE70];
	_ =	sdelay $0x1  }
0x482: {  	[sflag:s2] =	ssyncset.done $0x0  }
0x483: {  	v1 =	vand.u32 $0x1E8, v1;
	[sflag:s2] =	ssyncadd.s32 $0xFFFFC000  }
0x484: {  	v2 =	vld.idx.msk [tilespmem:v2+s17+$0x0], $0xffff;
	v3 =	vor.u32 v12, v1  }
0x485: {  	v13 =	vld [tilespmem:$0x1FC90];
	v4 =	vor.u32 v41, v0  }
0x486: {  	v44 =	vld [tilespmem:$0x1FE80];
	_ =	sdelay $0x2  }
0x487: {  	[tilespmem:v3+s0+$0x0] =	vst.idx.msk $0xffff, v2  }
0x488: {  	v3 =	vor.u32 v13, v1;
	v2 =	vld.idx.msk [tilespmem:v4+s17+$0x0], $0xffff  }
0x489: {  	v14 =	vld [tilespmem:$0x1FCA0];
	v4 =	vor.u32 v44, v0  }
0x48a: {  	v45 =	vld [tilespmem:$0x1FE90];
	_ =	sdelay $0x2  }
0x48b: {  	[tilespmem:v3+s0+$0x0] =	vst.idx.msk $0xffff, v2  }
0x48c: {  	v3 =	vor.u32 v14, v1;
	v2 =	vld.idx.msk [tilespmem:v4+s17+$0x0], $0xffff  }
0x48d: {  	v15 =	vld [tilespmem:$0x1FCB0];
	v4 =	vor.u32 v45, v0  }
0x48e: {  	v46 =	vld [tilespmem:$0x1FEA0];
	_ =	sdelay $0x2  }
0x48f: {  	[tilespmem:v3+s0+$0x0] =	vst.idx.msk $0xffff, v2  }
0x490: {  	v3 =	vor.u32 v15, v1;
	v2 =	vld.idx.msk [tilespmem:v4+s17+$0x0], $0xffff  }
0x491: {  	v16 =	vld [tilespmem:$0x1FCC0];
	v4 =	vor.u32 v46, v0  }
0x492: {  	v47 =	vld [tilespmem:$0x1FEB0];
	_ =	sdelay $0x2  }
0x493: {  	[tilespmem:v3+s0+$0x0] =	vst.idx.msk $0xffff, v2  }
0x494: {  	v3 =	vor.u32 v16, v1;
	v2 =	vld.idx.msk [tilespmem:v4+s17+$0x0], $0xffff  }
0x495: {  	v17 =	vld [tilespmem:$0x1FCD0];
	v4 =	vor.u32 v47, v0  }
0x496: {  	v48 =	vld [tilespmem:$0x1FEC0];
	_ =	sdelay $0x2  }
0x497: {  	[tilespmem:v3+s0+$0x0] =	vst.idx.msk $0xffff, v2  }
0x498: {  	v3 =	vor.u32 v17, v1;
	v2 =	vld.idx.msk [tilespmem:v4+s17+$0x0], $0xffff  }
0x499: {  	v49 =	vld [tilespmem:$0x1FCE0];
	v4 =	vor.u32 v48, v0  }
0x49a: {  	v18 =	vld [tilespmem:$0x1FED0];
	_ =	sdelay $0x2  }
0x49b: {  	[tilespmem:v3+s0+$0x0] =	vst.idx.msk $0xffff, v2  }
0x49c: {  	v3 =	vor.u32 v49, v1;
	v2 =	vld.idx.msk [tilespmem:v4+s17+$0x0], $0xffff  }
0x49d: {  	v19 =	vld [tilespmem:$0x1FCF0];
	v4 =	vor.u32 v18, v0  }
0x49e: {  	v50 =	vld [tilespmem:$0x1FEE0];
	_ =	sdelay $0x2  }
0x49f: {  	[tilespmem:v3+s0+$0x0] =	vst.idx.msk $0xffff, v2  }
0x4a0: {  	v3 =	vor.u32 v19, v1;
	v2 =	vld.idx.msk [tilespmem:v4+s17+$0x0], $0xffff  }
0x4a1: {  	v51 =	vld [tilespmem:$0x1FD00];
	v4 =	vor.u32 v50, v0  }
0x4a2: {  	v20 =	vld [tilespmem:$0x1FEF0];
	_ =	sdelay $0x2  }
0x4a3: {  	[tilespmem:v3+s0+$0x0] =	vst.idx.msk $0xffff, v2  }
0x4a4: {  	v3 =	vor.u32 v51, v1;
	v2 =	vld.idx.msk [tilespmem:v4+s17+$0x0], $0xffff  }
0x4a5: {  	v21 =	vld [tilespmem:$0x1FD10];
	v4 =	vor.u32 v20, v0  }
0x4a6: {  	v52 =	vld [tilespmem:$0x1FF00];
	_ =	sdelay $0x2  }
0x4a7: {  	[tilespmem:v3+s0+$0x0] =	vst.idx.msk $0xffff, v2  }
0x4a8: {  	v3 =	vor.u32 v21, v1;
	v2 =	vld.idx.msk [tilespmem:v4+s17+$0x0], $0xffff  }
0x4a9: {  	v22 =	vld [tilespmem:$0x1FD20];
	v4 =	vor.u32 v52, v0  }
0x4aa: {  	v57 =	vld [tilespmem:$0x1FF10];
	_ =	sdelay $0x2  }
0x4ab: {  	[tilespmem:v3+s0+$0x0] =	vst.idx.msk $0xffff, v2  }
0x4ac: {  	v3 =	vor.u32 v22, v1;
	v2 =	vld.idx.msk [tilespmem:v4+s17+$0x0], $0xffff  }
0x4ad: {  	v23 =	vld [tilespmem:$0x1FD30];
	v4 =	vor.u32 v57, v0  }
0x4ae: {  	v59 =	vld [tilespmem:$0x1FF40];
	_ =	sdelay $0x2  }
0x4af: {  	[tilespmem:v3+s0+$0x0] =	vst.idx.msk $0xffff, v2  }
0x4b0: {  	v3 =	vor.u32 v23, v1;
	v2 =	vld.idx.msk [tilespmem:v4+s17+$0x0], $0xffff  }
0x4b1: {  	v24 =	vld [tilespmem:$0x1FD40];
	v4 =	vor.u32 v59, v0  }
0x4b2: {  	v10 =	vld [tilespmem:$0x1FF60];
	_ =	sdelay $0x2  }
0x4b3: {  	[tilespmem:v3+s0+$0x0] =	vst.idx.msk $0xffff, v2  }
0x4b4: {  	v3 =	vor.u32 v24, v1;
	v2 =	vld.idx.msk [tilespmem:v4+s17+$0x0], $0xffff  }
0x4b5: {  	v25 =	vld [tilespmem:$0x1FD50];
	v4 =	vor.u32 v10, v0  }
0x4b6: {  	v60 =	vld [tilespmem:$0x1FF90];
	_ =	sdelay $0x2  }
0x4b7: {  	[tilespmem:v3+s0+$0x0] =	vst.idx.msk $0xffff, v2  }
0x4b8: {  	v3 =	vor.u32 v25, v1;
	v2 =	vld.idx.msk [tilespmem:v4+s17+$0x0], $0xffff  }
0x4b9: {  	v43 =	vld [tilespmem:$0x1FD60];
	v4 =	vor.u32 v60, v0  }
0x4ba: {  	v26 =	vld [tilespmem:$0x1FFC0];
	_ =	sdelay $0x2  }
0x4bb: {  	[tilespmem:v3+s0+$0x0] =	vst.idx.msk $0xffff, v2  }
0x4bc: {  	v3 =	vor.u32 v43, v1;
	v2 =	vld.idx.msk [tilespmem:v4+s17+$0x0], $0xffff  }
0x4bd: {  	v62 =	vld [tilespmem:$0x1FD70];
	v4 =	vor.u32 v26, v0  }
0x4be: {  	v27 =	vld [tilespmem:$0x1FFF0];
	_ =	sdelay $0x2  }
0x4bf: {  	[tilespmem:v3+s0+$0x0] =	vst.idx.msk $0xffff, v2  }
0x4c0: {  	v3 =	vor.u32 v62, v1;
	v2 =	vld.idx.msk [tilespmem:v4+s17+$0x0], $0xffff  }
0x4c1: {  	v42 =	vld [tilespmem:$0x1FD80];
	v4 =	vor.u32 v27, v0  }
0x4c2: {  	v28 =	vld [tilespmem:$0x1FF70];
	_ =	sdelay $0x2  }
0x4c3: {  	[tilespmem:v3+s0+$0x0] =	vst.idx.msk $0xffff, v2  }
0x4c4: {  	v3 =	vor.u32 v42, v1;
	v2 =	vld.idx.msk [tilespmem:v4+s17+$0x0], $0xffff  }
0x4c5: {  	v53 =	vld [tilespmem:$0x1FD90];
	v4 =	vor.u32 v28, v0  }
0x4c6: {  	v29 =	vld [tilespmem:$0x1FFA0];
	_ =	sdelay $0x2  }
0x4c7: {  	[tilespmem:v3+s0+$0x0] =	vst.idx.msk $0xffff, v2  }
0x4c8: {  	v3 =	vor.u32 v53, v1;
	v2 =	vld.idx.msk [tilespmem:v4+s17+$0x0], $0xffff  }
0x4c9: {  	v54 =	vld [tilespmem:$0x1FDA0];
	v4 =	vor.u32 v29, v0  }
0x4ca: {  	v30 =	vld [tilespmem:$0x1FFD0];
	_ =	sdelay $0x2  }
0x4cb: {  	[tilespmem:v3+s0+$0x0] =	vst.idx.msk $0xffff, v2  }
0x4cc: {  	v3 =	vor.u32 v54, v1;
	v2 =	vld.idx.msk [tilespmem:v4+s17+$0x0], $0xffff  }
0x4cd: {  	v55 =	vld [tilespmem:$0x1FDB0];
	v4 =	vor.u32 v30, v0  }
0x4ce: {  	v31 =	vld [tilespmem:$0x1FBA0];
	_ =	sdelay $0x2  }
0x4cf: {  	[tilespmem:v3+s0+$0x0] =	vst.idx.msk $0xffff, v2  }
0x4d0: {  	v3 =	vor.u32 v55, v1;
	v2 =	vld.idx.msk [tilespmem:v4+s17+$0x0], $0xffff  }
0x4d1: {  	v56 =	vld [tilespmem:$0x1FDC0];
	v4 =	vor.u32 v31, v0  }
0x4d2: {  	v32 =	vld [tilespmem:$0x1FBD0];
	_ =	sdelay $0x2  }
0x4d3: {  	[tilespmem:v3+s0+$0x0] =	vst.idx.msk $0xffff, v2  }
0x4d4: {  	v3 =	vor.u32 v56, v1;
	v2 =	vld.idx.msk [tilespmem:v4+s17+$0x0], $0xffff  }
0x4d5: {  	v58 =	vld [tilespmem:$0x1FDD0];
	v4 =	vor.u32 v32, v0  }
0x4d6: {  	v33 =	vld [tilespmem:$0x1FF20];
	_ =	sdelay $0x2  }
0x4d7: {  	[tilespmem:v3+s0+$0x0] =	vst.idx.msk $0xffff, v2  }
0x4d8: {  	v3 =	vor.u32 v58, v1;
	v2 =	vld.idx.msk [tilespmem:v4+s17+$0x0], $0xffff  }
0x4d9: {  	v61 =	vld [tilespmem:$0x1FDE0];
	v4 =	vor.u32 v33, v0  }
0x4da: {  	v34 =	vld [tilespmem:$0x1FF30];
	_ =	sdelay $0x2  }
0x4db: {  	[tilespmem:v3+s0+$0x0] =	vst.idx.msk $0xffff, v2  }
0x4dc: {  	v3 =	vor.u32 v61, v1;
	v2 =	vld.idx.msk [tilespmem:v4+s17+$0x0], $0xffff  }
0x4dd: {  	v9 =	vld [tilespmem:$0x1FDF0];
	v4 =	vor.u32 v34, v0  }
0x4de: {  	v35 =	vld [tilespmem:$0x1FF50];
	_ =	sdelay $0x2  }
0x4df: {  	[tilespmem:v3+s0+$0x0] =	vst.idx.msk $0xffff, v2  }
0x4e0: {  	v3 =	vor.u32 v9, v1;
	v2 =	vld.idx.msk [tilespmem:v4+s17+$0x0], $0xffff  }
0x4e1: {  	v11 =	vld [tilespmem:$0x1FE00];
	v4 =	vor.u32 v35, v0;
	_ =	sdelay $0x3  }
0x4e2: {  	v36 =	vld [tilespmem:$0x1FF80];
	[tilespmem:v3+s0+$0x0] =	vst.idx.msk $0xffff, v2  }
0x4e3: {  	v3 =	vor.u32 v11, v1;
	v2 =	vld.idx.msk [tilespmem:v4+s17+$0x0], $0xffff;
	_ =	sdelay $0x4  }
0x4e4: {  	v4 =	vor.u32 v36, v0;
	[tilespmem:v3+s0+$0x0] =	vst.idx.msk $0xffff, v2;
	v3 =	vld [tilespmem:$0x1FE10]  }
0x4e5: {  	v37 =	vld [tilespmem:$0x1FFB0];
	_ =	sdelay $0x3  }
0x4e6: {  	v2 =	vld.idx.msk [tilespmem:v4+s17+$0x0], $0xffff;
	v3 =	vor.u32 v3, v1  }
0x4e7: {  	v6 =	vld [tilespmem:$0x1FE20];
	v4 =	vor.u32 v37, v0  }
0x4e8: {  	v38 =	vld [tilespmem:$0x1FFE0];
	_ =	sdelay $0x2  }
0x4e9: {  	[tilespmem:v3+s0+$0x0] =	vst.idx.msk $0xffff, v2  }
0x4ea: {  	v3 =	vor.u32 v6, v1;
	v2 =	vld.idx.msk [tilespmem:v4+s17+$0x0], $0xffff  }
0x4eb: {  	v7 =	vld [tilespmem:$0x1FE30];
	v4 =	vor.u32 v38, v0  }
0x4ec: {  	v39 =	vld [tilespmem:$0x1FB50];
	_ =	sdelay $0x2  }
0x4ed: {  	[tilespmem:v3+s0+$0x0] =	vst.idx.msk $0xffff, v2  }
0x4ee: {  	v3 =	vor.u32 v7, v1;
	v2 =	vld.idx.msk [tilespmem:v4+s17+$0x0], $0xffff  }
0x4ef: {  	v8 =	vld [tilespmem:$0x1FE40];
	v4 =	vor.u32 v39, v0;
	_ =	sdelay $0x3  }
0x4f0: {  	[tilespmem:v3+s0+$0x0] =	vst.idx.msk $0xffff, v2  }
0x4f1: {  	v3 =	vor.u32 v8, v1;
	v2 =	vld.idx.msk [tilespmem:v4+s17+$0x0], $0xffff  }
0x4f2: {  	v63 =	vld [tilespmem:$0x1FB60];
	_ =	sdelay $0x3  }
0x4f3: {  	[tilespmem:v3+s0+$0x0] =	vst.idx.msk $0xffff, v2;
	v2 =	vld [tilespmem:$0x1FE50]  }
0x4f4: {  	v4 =	vor.u32 v63, v0;
	_ =	sdelay $0x3  }
0x4f5: {  	v3 =	vor.u32 v2, v1;
	v2 =	vld [tilespmem:$0x1FB70]  }
0x4f6: {  	v5 =	vld.idx.msk [tilespmem:v4+s17+$0x0], $0xffff;
	_ =	sdelay $0x3  }
0x4f7: {  	v4 =	vor.u32 v2, v0  }
0x4f8: {  	[tilespmem:v3+s0+$0x0] =	vst.idx.msk $0xffff, v5;
	v3 =	vld [tilespmem:$0x1FE60];
	_ =	sdelay $0x3  }
0x4f9: {  	v2 =	vld.idx.msk [tilespmem:v4+s17+$0x0], $0xffff  }
0x4fa: {  	v3 =	vor.u32 v3, v1;
	v4 =	vld [tilespmem:$0x1FC70];
	_ =	sdelay $0x4  }
0x4fb: {  	v0 =	vor.u32 v4, v0;
	[tilespmem:v3+s0+$0x0] =	vst.idx.msk $0xffff, v2;
	v3 =	vld [tilespmem:$0x1FB80];
	_ =	sdelay $0x2  }
0x4fc: {  	s11 =	simm.s32 $0x10  }
0x4fd: {  	v2 =	vor.u32 s11, v40  }
0x4fe: {  	v4 =	vshll.u32 v2, $0x5;
	v0 =	vld.idx.msk [tilespmem:v0+s17+$0x0], $0xffff;
	v1 =	vor.u32 v3, v1  }
0x4ff: {  	v3 =	vor.u32 v40, v4;
	_ =	sdelay $0x3  }
0x500: {  	[tilespmem:v1+s0+$0x0] =	vst.idx.msk $0xffff, v0;
	v0 =	vand.u32 $0x1F8, v2  }
0x501: {  	v1 =	vld.idx.msk [tilespmem:v3+s17+$0x0], $0xffff;
	v2 =	vor.u32 v12, v0  }
0x502: {  	v3 =	vor.u32 v41, v4;
	_ =	sdelay $0x3  }
0x503: {  	[tilespmem:v2+s0+$0x0] =	vst.idx.msk $0xffff, v1  }
0x504: {  	v2 =	vor.u32 v13, v0;
	v1 =	vld.idx.msk [tilespmem:v3+s17+$0x0], $0xffff  }
0x505: {  	v3 =	vor.u32 v44, v4;
	_ =	sdelay $0x3  }
0x506: {  	[tilespmem:v2+s0+$0x0] =	vst.idx.msk $0xffff, v1  }
0x507: {  	v2 =	vor.u32 v14, v0;
	v1 =	vld.idx.msk [tilespmem:v3+s17+$0x0], $0xffff  }
0x508: {  	v3 =	vor.u32 v45, v4;
	_ =	sdelay $0x3  }
0x509: {  	[tilespmem:v2+s0+$0x0] =	vst.idx.msk $0xffff, v1  }
0x50a: {  	v2 =	vor.u32 v15, v0;
	v1 =	vld.idx.msk [tilespmem:v3+s17+$0x0], $0xffff  }
0x50b: {  	v3 =	vor.u32 v46, v4;
	_ =	sdelay $0x3  }
0x50c: {  	[tilespmem:v2+s0+$0x0] =	vst.idx.msk $0xffff, v1  }
0x50d: {  	v2 =	vor.u32 v16, v0;
	v1 =	vld.idx.msk [tilespmem:v3+s17+$0x0], $0xffff  }
0x50e: {  	v3 =	vor.u32 v47, v4;
	_ =	sdelay $0x3  }
0x50f: {  	[tilespmem:v2+s0+$0x0] =	vst.idx.msk $0xffff, v1  }
0x510: {  	v2 =	vor.u32 v17, v0;
	v1 =	vld.idx.msk [tilespmem:v3+s17+$0x0], $0xffff  }
0x511: {  	v3 =	vor.u32 v48, v4;
	_ =	sdelay $0x3  }
0x512: {  	[tilespmem:v2+s0+$0x0] =	vst.idx.msk $0xffff, v1  }
0x513: {  	v2 =	vor.u32 v49, v0;
	v1 =	vld.idx.msk [tilespmem:v3+s17+$0x0], $0xffff  }
0x514: {  	v3 =	vor.u32 v18, v4;
	_ =	sdelay $0x3  }
0x515: {  	[tilespmem:v2+s0+$0x0] =	vst.idx.msk $0xffff, v1  }
0x516: {  	v2 =	vor.u32 v19, v0;
	v1 =	vld.idx.msk [tilespmem:v3+s17+$0x0], $0xffff  }
0x517: {  	v3 =	vor.u32 v50, v4;
	_ =	sdelay $0x3  }
0x518: {  	[tilespmem:v2+s0+$0x0] =	vst.idx.msk $0xffff, v1  }
0x519: {  	v2 =	vor.u32 v51, v0;
	v1 =	vld.idx.msk [tilespmem:v3+s17+$0x0], $0xffff  }
0x51a: {  	v3 =	vor.u32 v20, v4;
	_ =	sdelay $0x3  }
0x51b: {  	[tilespmem:v2+s0+$0x0] =	vst.idx.msk $0xffff, v1  }
0x51c: {  	v2 =	vor.u32 v21, v0;
	v1 =	vld.idx.msk [tilespmem:v3+s17+$0x0], $0xffff  }
0x51d: {  	v3 =	vor.u32 v52, v4;
	_ =	sdelay $0x3  }
0x51e: {  	[tilespmem:v2+s0+$0x0] =	vst.idx.msk $0xffff, v1  }
0x51f: {  	v2 =	vor.u32 v22, v0;
	v1 =	vld.idx.msk [tilespmem:v3+s17+$0x0], $0xffff  }
0x520: {  	v3 =	vor.u32 v57, v4;
	_ =	sdelay $0x3  }
0x521: {  	[tilespmem:v2+s0+$0x0] =	vst.idx.msk $0xffff, v1  }
0x522: {  	v2 =	vor.u32 v23, v0;
	v1 =	vld.idx.msk [tilespmem:v3+s17+$0x0], $0xffff  }
0x523: {  	v3 =	vor.u32 v59, v4;
	_ =	sdelay $0x3  }
0x524: {  	[tilespmem:v2+s0+$0x0] =	vst.idx.msk $0xffff, v1  }
0x525: {  	v2 =	vor.u32 v24, v0;
	v1 =	vld.idx.msk [tilespmem:v3+s17+$0x0], $0xffff  }
0x526: {  	v3 =	vor.u32 v10, v4;
	_ =	sdelay $0x3  }
0x527: {  	[tilespmem:v2+s0+$0x0] =	vst.idx.msk $0xffff, v1  }
0x528: {  	v2 =	vor.u32 v25, v0;
	v1 =	vld.idx.msk [tilespmem:v3+s17+$0x0], $0xffff  }
0x529: {  	v3 =	vor.u32 v60, v4;
	_ =	sdelay $0x3  }
0x52a: {  	[tilespmem:v2+s0+$0x0] =	vst.idx.msk $0xffff, v1  }
0x52b: {  	v2 =	vor.u32 v43, v0;
	v1 =	vld.idx.msk [tilespmem:v3+s17+$0x0], $0xffff  }
0x52c: {  	v3 =	vor.u32 v26, v4;
	_ =	sdelay $0x3  }
0x52d: {  	[tilespmem:v2+s0+$0x0] =	vst.idx.msk $0xffff, v1  }
0x52e: {  	v2 =	vor.u32 v62, v0;
	v1 =	vld.idx.msk [tilespmem:v3+s17+$0x0], $0xffff  }
0x52f: {  	v3 =	vor.u32 v27, v4;
	_ =	sdelay $0x3  }
0x530: {  	[tilespmem:v2+s0+$0x0] =	vst.idx.msk $0xffff, v1  }
0x531: {  	v2 =	vor.u32 v42, v0;
	v1 =	vld.idx.msk [tilespmem:v3+s17+$0x0], $0xffff  }
0x532: {  	v3 =	vor.u32 v28, v4;
	_ =	sdelay $0x3  }
0x533: {  	[tilespmem:v2+s0+$0x0] =	vst.idx.msk $0xffff, v1  }
0x534: {  	v2 =	vor.u32 v53, v0;
	v1 =	vld.idx.msk [tilespmem:v3+s17+$0x0], $0xffff  }
0x535: {  	v3 =	vor.u32 v29, v4;
	_ =	sdelay $0x3  }
0x536: {  	[tilespmem:v2+s0+$0x0] =	vst.idx.msk $0xffff, v1  }
0x537: {  	v2 =	vor.u32 v54, v0;
	v1 =	vld.idx.msk [tilespmem:v3+s17+$0x0], $0xffff  }
0x538: {  	v3 =	vor.u32 v30, v4;
	_ =	sdelay $0x3  }
0x539: {  	[tilespmem:v2+s0+$0x0] =	vst.idx.msk $0xffff, v1  }
0x53a: {  	v2 =	vor.u32 v55, v0;
	v1 =	vld.idx.msk [tilespmem:v3+s17+$0x0], $0xffff  }
0x53b: {  	v3 =	vor.u32 v31, v4;
	_ =	sdelay $0x3  }
0x53c: {  	[tilespmem:v2+s0+$0x0] =	vst.idx.msk $0xffff, v1  }
0x53d: {  	v2 =	vor.u32 v56, v0;
	v1 =	vld.idx.msk [tilespmem:v3+s17+$0x0], $0xffff  }
0x53e: {  	v3 =	vor.u32 v32, v4;
	_ =	sdelay $0x3  }
0x53f: {  	[tilespmem:v2+s0+$0x0] =	vst.idx.msk $0xffff, v1  }
0x540: {  	v2 =	vor.u32 v58, v0;
	v1 =	vld.idx.msk [tilespmem:v3+s17+$0x0], $0xffff  }
0x541: {  	v3 =	vor.u32 v33, v4;
	_ =	sdelay $0x3  }
0x542: {  	[tilespmem:v2+s0+$0x0] =	vst.idx.msk $0xffff, v1  }
0x543: {  	v2 =	vor.u32 v61, v0;
	v1 =	vld.idx.msk [tilespmem:v3+s17+$0x0], $0xffff  }
0x544: {  	v3 =	vor.u32 v34, v4;
	_ =	sdelay $0x3  }
0x545: {  	[tilespmem:v2+s0+$0x0] =	vst.idx.msk $0xffff, v1  }
0x546: {  	v2 =	vor.u32 v9, v0;
	v1 =	vld.idx.msk [tilespmem:v3+s17+$0x0], $0xffff  }
0x547: {  	v3 =	vor.u32 v35, v4;
	_ =	sdelay $0x3  }
0x548: {  	[tilespmem:v2+s0+$0x0] =	vst.idx.msk $0xffff, v1  }
0x549: {  	v2 =	vor.u32 v11, v0;
	v1 =	vld.idx.msk [tilespmem:v3+s17+$0x0], $0xffff;
	_ =	sdelay $0x4  }
0x54a: {  	v3 =	vor.u32 v36, v4;
	[tilespmem:v2+s0+$0x0] =	vst.idx.msk $0xffff, v1;
	v2 =	vld [tilespmem:$0x1FE10];
	_ =	sdelay $0x4  }
0x54b: {  	v1 =	vld.idx.msk [tilespmem:v3+s17+$0x0], $0xffff;
	v2 =	vor.u32 v2, v0  }
0x54c: {  	v3 =	vor.u32 v37, v4;
	_ =	sdelay $0x3  }
0x54d: {  	[tilespmem:v2+s0+$0x0] =	vst.idx.msk $0xffff, v1  }
0x54e: {  	v2 =	vor.u32 v6, v0;
	v1 =	vld.idx.msk [tilespmem:v3+s17+$0x0], $0xffff  }
0x54f: {  	v3 =	vor.u32 v38, v4;
	_ =	sdelay $0x3  }
0x550: {  	[tilespmem:v2+s0+$0x0] =	vst.idx.msk $0xffff, v1  }
0x551: {  	v2 =	vor.u32 v7, v0;
	v1 =	vld.idx.msk [tilespmem:v3+s17+$0x0], $0xffff  }
0x552: {  	v3 =	vor.u32 v39, v4;
	_ =	sdelay $0x3  }
0x553: {  	[tilespmem:v2+s0+$0x0] =	vst.idx.msk $0xffff, v1  }
0x554: {  	v2 =	vor.u32 v8, v0;
	v1 =	vld.idx.msk [tilespmem:v3+s17+$0x0], $0xffff;
	_ =	sdelay $0x2  }
0x555: {  	v3 =	vor.u32 v63, v4;
	_ =	sdelay $0x1  }
0x556: {  	[tilespmem:v2+s0+$0x0] =	vst.idx.msk $0xffff, v1;
	v2 =	vld [tilespmem:$0x1FE50];
	_ =	sdelay $0x2  }
0x557: {  	v1 =	vld.idx.msk [tilespmem:v3+s17+$0x0], $0xffff  }
0x558: {  	v3 =	vld [tilespmem:$0x1FB70]  }
0x559: {  	v2 =	vor.u32 v2, v0;
	_ =	sdelay $0x3  }
0x55a: {  	v3 =	vor.u32 v3, v4  }
0x55b: {  	[tilespmem:v2+s0+$0x0] =	vst.idx.msk $0xffff, v1;
	v1 =	vld [tilespmem:$0x1FE60];
	_ =	sdelay $0x3  }
0x55c: {  	v2 =	vld.idx.msk [tilespmem:v3+s17+$0x0], $0xffff  }
0x55d: {  	v3 =	vor.u32 v1, v0;
	v1 =	vld [tilespmem:$0x1FC70];
	_ =	sdelay $0x4  }
0x55e: {  	s6 =	simm.s32 $0x30;
	s1 =	simm.s32 $0x0;
	v1 =	vor.u32 v1, v4  }
.LBB2_7:
0x55f: {  	_ =	sdelay $0x2  }
0x560: {  	s9 =	sadd.s32 $0xFFFFFFF0, s6  }
0x561: {  	[tilespmem:v3+s0+$0x0] =	vst.idx.msk $0xffff, v2;
	v2 =	vor.u32 s9, v40;
	v40 =	vld [tilespmem:$0x1FB80];
	_ =	sdelay $0x4  }
0x562: {  	v4 =	vlaneseq.u32;
	v3 =	vld.idx.msk [tilespmem:v1+s17+$0x0], $0xffff;
	v1 =	vshll.u32 v2, $0x5;
	v0 =	vor.u32 v40, v0  }
0x563: {  	v12 =	vld [tilespmem:$0x1FC80];
	v4 =	vor.u32 v4, v1  }
0x564: {  	v44 =	vld [tilespmem:$0x1FE70];
	_ =	sdelay $0x2  }
0x565: {  	v5 =	vand.u32 $0x1E8, v2;
	[tilespmem:v0+s0+$0x0] =	vst.idx.msk $0xffff, v3  }
0x566: {  	v2 =	vor.u32 v12, v5;
	v3 =	vld.idx.msk [tilespmem:v4+s17+$0x0], $0xffff  }
0x567: {  	v13 =	vld [tilespmem:$0x1FC90];
	v4 =	vor.u32 v44, v1  }
0x568: {  	v45 =	vld [tilespmem:$0x1FE80];
	_ =	sdelay $0x2  }
0x569: {  	[tilespmem:v2+s0+$0x0] =	vst.idx.msk $0xffff, v3  }
0x56a: {  	v3 =	vor.u32 v13, v5;
	v2 =	vld.idx.msk [tilespmem:v4+s17+$0x0], $0xffff  }
0x56b: {  	v14 =	vld [tilespmem:$0x1FCA0];
	v4 =	vor.u32 v45, v1  }
0x56c: {  	v46 =	vld [tilespmem:$0x1FE90];
	_ =	sdelay $0x2  }
0x56d: {  	[tilespmem:v3+s0+$0x0] =	vst.idx.msk $0xffff, v2  }
0x56e: {  	v3 =	vor.u32 v14, v5;
	v2 =	vld.idx.msk [tilespmem:v4+s17+$0x0], $0xffff  }
0x56f: {  	v15 =	vld [tilespmem:$0x1FCB0];
	v4 =	vor.u32 v46, v1  }
0x570: {  	v47 =	vld [tilespmem:$0x1FEA0];
	_ =	sdelay $0x2  }
0x571: {  	[tilespmem:v3+s0+$0x0] =	vst.idx.msk $0xffff, v2  }
0x572: {  	v3 =	vor.u32 v15, v5;
	v2 =	vld.idx.msk [tilespmem:v4+s17+$0x0], $0xffff  }
0x573: {  	v16 =	vld [tilespmem:$0x1FCC0];
	v4 =	vor.u32 v47, v1  }
0x574: {  	v48 =	vld [tilespmem:$0x1FEB0];
	_ =	sdelay $0x2  }
0x575: {  	[tilespmem:v3+s0+$0x0] =	vst.idx.msk $0xffff, v2  }
0x576: {  	v3 =	vor.u32 v16, v5;
	v2 =	vld.idx.msk [tilespmem:v4+s17+$0x0], $0xffff  }
0x577: {  	v17 =	vld [tilespmem:$0x1FCD0];
	v4 =	vor.u32 v48, v1  }
0x578: {  	v49 =	vld [tilespmem:$0x1FEC0];
	_ =	sdelay $0x2  }
0x579: {  	[tilespmem:v3+s0+$0x0] =	vst.idx.msk $0xffff, v2  }
0x57a: {  	v3 =	vor.u32 v17, v5;
	v2 =	vld.idx.msk [tilespmem:v4+s17+$0x0], $0xffff  }
0x57b: {  	v50 =	vld [tilespmem:$0x1FCE0];
	v4 =	vor.u32 v49, v1  }
0x57c: {  	v18 =	vld [tilespmem:$0x1FED0];
	_ =	sdelay $0x2  }
0x57d: {  	[tilespmem:v3+s0+$0x0] =	vst.idx.msk $0xffff, v2  }
0x57e: {  	v3 =	vor.u32 v50, v5;
	v2 =	vld.idx.msk [tilespmem:v4+s17+$0x0], $0xffff  }
0x57f: {  	v19 =	vld [tilespmem:$0x1FCF0];
	v4 =	vor.u32 v18, v1  }
0x580: {  	v51 =	vld [tilespmem:$0x1FEE0];
	_ =	sdelay $0x2  }
0x581: {  	[tilespmem:v3+s0+$0x0] =	vst.idx.msk $0xffff, v2  }
0x582: {  	v3 =	vor.u32 v19, v5;
	v2 =	vld.idx.msk [tilespmem:v4+s17+$0x0], $0xffff  }
0x583: {  	v52 =	vld [tilespmem:$0x1FD00];
	v4 =	vor.u32 v51, v1  }
0x584: {  	v20 =	vld [tilespmem:$0x1FEF0];
	_ =	sdelay $0x2  }
0x585: {  	[tilespmem:v3+s0+$0x0] =	vst.idx.msk $0xffff, v2  }
0x586: {  	v3 =	vor.u32 v52, v5;
	v2 =	vld.idx.msk [tilespmem:v4+s17+$0x0], $0xffff  }
0x587: {  	v21 =	vld [tilespmem:$0x1FD10];
	v4 =	vor.u32 v20, v1  }
0x588: {  	v57 =	vld [tilespmem:$0x1FF00];
	_ =	sdelay $0x2  }
0x589: {  	[tilespmem:v3+s0+$0x0] =	vst.idx.msk $0xffff, v2  }
0x58a: {  	v3 =	vor.u32 v21, v5;
	v2 =	vld.idx.msk [tilespmem:v4+s17+$0x0], $0xffff  }
0x58b: {  	v22 =	vld [tilespmem:$0x1FD20];
	v4 =	vor.u32 v57, v1  }
0x58c: {  	v59 =	vld [tilespmem:$0x1FF10];
	_ =	sdelay $0x2  }
0x58d: {  	[tilespmem:v3+s0+$0x0] =	vst.idx.msk $0xffff, v2  }
0x58e: {  	v3 =	vor.u32 v22, v5;
	v2 =	vld.idx.msk [tilespmem:v4+s17+$0x0], $0xffff  }
0x58f: {  	v23 =	vld [tilespmem:$0x1FD30];
	v4 =	vor.u32 v59, v1  }
0x590: {  	v62 =	vld [tilespmem:$0x1FF40];
	_ =	sdelay $0x2  }
0x591: {  	[tilespmem:v3+s0+$0x0] =	vst.idx.msk $0xffff, v2  }
0x592: {  	v3 =	vor.u32 v23, v5;
	v2 =	vld.idx.msk [tilespmem:v4+s17+$0x0], $0xffff  }
0x593: {  	v24 =	vld [tilespmem:$0x1FD40];
	v4 =	vor.u32 v62, v1  }
0x594: {  	v10 =	vld [tilespmem:$0x1FF60];
	_ =	sdelay $0x2  }
0x595: {  	[tilespmem:v3+s0+$0x0] =	vst.idx.msk $0xffff, v2  }
0x596: {  	v3 =	vor.u32 v24, v5;
	v2 =	vld.idx.msk [tilespmem:v4+s17+$0x0], $0xffff  }
0x597: {  	v25 =	vld [tilespmem:$0x1FD50];
	v4 =	vor.u32 v10, v1  }
0x598: {  	v60 =	vld [tilespmem:$0x1FF90];
	_ =	sdelay $0x2  }
0x599: {  	[tilespmem:v3+s0+$0x0] =	vst.idx.msk $0xffff, v2  }
0x59a: {  	v3 =	vor.u32 v25, v5;
	v2 =	vld.idx.msk [tilespmem:v4+s17+$0x0], $0xffff  }
0x59b: {  	v43 =	vld [tilespmem:$0x1FD60];
	v4 =	vor.u32 v60, v1  }
0x59c: {  	v26 =	vld [tilespmem:$0x1FFC0];
	_ =	sdelay $0x2  }
0x59d: {  	[tilespmem:v3+s0+$0x0] =	vst.idx.msk $0xffff, v2  }
0x59e: {  	v3 =	vor.u32 v43, v5;
	v2 =	vld.idx.msk [tilespmem:v4+s17+$0x0], $0xffff  }
0x59f: {  	v63 =	vld [tilespmem:$0x1FD70];
	v4 =	vor.u32 v26, v1  }
0x5a0: {  	v27 =	vld [tilespmem:$0x1FFF0];
	_ =	sdelay $0x2  }
0x5a1: {  	[tilespmem:v3+s0+$0x0] =	vst.idx.msk $0xffff, v2  }
0x5a2: {  	v3 =	vor.u32 v63, v5;
	v2 =	vld.idx.msk [tilespmem:v4+s17+$0x0], $0xffff  }
0x5a3: {  	v42 =	vld [tilespmem:$0x1FD80];
	v4 =	vor.u32 v27, v1  }
0x5a4: {  	v28 =	vld [tilespmem:$0x1FF70];
	_ =	sdelay $0x2  }
0x5a5: {  	[tilespmem:v3+s0+$0x0] =	vst.idx.msk $0xffff, v2  }
0x5a6: {  	v3 =	vor.u32 v42, v5;
	v2 =	vld.idx.msk [tilespmem:v4+s17+$0x0], $0xffff  }
0x5a7: {  	v53 =	vld [tilespmem:$0x1FD90];
	v4 =	vor.u32 v28, v1  }
0x5a8: {  	v29 =	vld [tilespmem:$0x1FFA0];
	_ =	sdelay $0x2  }
0x5a9: {  	[tilespmem:v3+s0+$0x0] =	vst.idx.msk $0xffff, v2  }
0x5aa: {  	v3 =	vor.u32 v53, v5;
	v2 =	vld.idx.msk [tilespmem:v4+s17+$0x0], $0xffff  }
0x5ab: {  	v54 =	vld [tilespmem:$0x1FDA0];
	v4 =	vor.u32 v29, v1  }
0x5ac: {  	v30 =	vld [tilespmem:$0x1FFD0];
	_ =	sdelay $0x2  }
0x5ad: {  	[tilespmem:v3+s0+$0x0] =	vst.idx.msk $0xffff, v2  }
0x5ae: {  	v3 =	vor.u32 v54, v5;
	v2 =	vld.idx.msk [tilespmem:v4+s17+$0x0], $0xffff  }
0x5af: {  	v55 =	vld [tilespmem:$0x1FDB0];
	v4 =	vor.u32 v30, v1  }
0x5b0: {  	v31 =	vld [tilespmem:$0x1FBA0];
	_ =	sdelay $0x2  }
0x5b1: {  	[tilespmem:v3+s0+$0x0] =	vst.idx.msk $0xffff, v2  }
0x5b2: {  	v3 =	vor.u32 v55, v5;
	v2 =	vld.idx.msk [tilespmem:v4+s17+$0x0], $0xffff  }
0x5b3: {  	v56 =	vld [tilespmem:$0x1FDC0];
	v4 =	vor.u32 v31, v1  }
0x5b4: {  	v32 =	vld [tilespmem:$0x1FBD0];
	_ =	sdelay $0x2  }
0x5b5: {  	[tilespmem:v3+s0+$0x0] =	vst.idx.msk $0xffff, v2  }
0x5b6: {  	v3 =	vor.u32 v56, v5;
	v2 =	vld.idx.msk [tilespmem:v4+s17+$0x0], $0xffff  }
0x5b7: {  	v58 =	vld [tilespmem:$0x1FDD0];
	v4 =	vor.u32 v32, v1  }
0x5b8: {  	v33 =	vld [tilespmem:$0x1FF20];
	_ =	sdelay $0x2  }
0x5b9: {  	[tilespmem:v3+s0+$0x0] =	vst.idx.msk $0xffff, v2  }
0x5ba: {  	v3 =	vor.u32 v58, v5;
	v2 =	vld.idx.msk [tilespmem:v4+s17+$0x0], $0xffff  }
0x5bb: {  	v61 =	vld [tilespmem:$0x1FDE0];
	v4 =	vor.u32 v33, v1  }
0x5bc: {  	v34 =	vld [tilespmem:$0x1FF30];
	_ =	sdelay $0x2  }
0x5bd: {  	[tilespmem:v3+s0+$0x0] =	vst.idx.msk $0xffff, v2  }
0x5be: {  	v3 =	vor.u32 v61, v5;
	v2 =	vld.idx.msk [tilespmem:v4+s17+$0x0], $0xffff  }
0x5bf: {  	v9 =	vld [tilespmem:$0x1FDF0];
	v4 =	vor.u32 v34, v1  }
0x5c0: {  	v35 =	vld [tilespmem:$0x1FF50];
	_ =	sdelay $0x2  }
0x5c1: {  	[tilespmem:v3+s0+$0x0] =	vst.idx.msk $0xffff, v2  }
0x5c2: {  	v3 =	vor.u32 v9, v5;
	v2 =	vld.idx.msk [tilespmem:v4+s17+$0x0], $0xffff  }
0x5c3: {  	v11 =	vld [tilespmem:$0x1FE00];
	v4 =	vor.u32 v35, v1  }
0x5c4: {  	v36 =	vld [tilespmem:$0x1FF80];
	_ =	sdelay $0x2  }
0x5c5: {  	[tilespmem:v3+s0+$0x0] =	vst.idx.msk $0xffff, v2  }
0x5c6: {  	v3 =	vor.u32 v11, v5;
	v2 =	vld.idx.msk [tilespmem:v4+s17+$0x0], $0xffff  }
0x5c7: {  	v0 =	vld [tilespmem:$0x1FE10];
	v4 =	vor.u32 v36, v1  }
0x5c8: {  	v37 =	vld [tilespmem:$0x1FFB0];
	_ =	sdelay $0x2  }
0x5c9: {  	[tilespmem:v3+s0+$0x0] =	vst.idx.msk $0xffff, v2  }
0x5ca: {  	v3 =	vor.u32 v0, v5;
	v2 =	vld.idx.msk [tilespmem:v4+s17+$0x0], $0xffff  }
0x5cb: {  	v6 =	vld [tilespmem:$0x1FE20];
	v4 =	vor.u32 v37, v1  }
0x5cc: {  	v38 =	vld [tilespmem:$0x1FFE0];
	_ =	sdelay $0x2  }
0x5cd: {  	[tilespmem:v3+s0+$0x0] =	vst.idx.msk $0xffff, v2  }
0x5ce: {  	v3 =	vor.u32 v6, v5;
	v2 =	vld.idx.msk [tilespmem:v4+s17+$0x0], $0xffff  }
0x5cf: {  	v7 =	vld [tilespmem:$0x1FE30];
	v4 =	vor.u32 v38, v1  }
0x5d0: {  	v39 =	vld [tilespmem:$0x1FB50];
	_ =	sdelay $0x2  }
0x5d1: {  	[tilespmem:v3+s0+$0x0] =	vst.idx.msk $0xffff, v2  }
0x5d2: {  	v3 =	vor.u32 v7, v5;
	v2 =	vld.idx.msk [tilespmem:v4+s17+$0x0], $0xffff  }
0x5d3: {  	v8 =	vld [tilespmem:$0x1FE40];
	v4 =	vor.u32 v39, v1;
	_ =	sdelay $0x2  }
0x5d4: {  	v41 =	vld [tilespmem:$0x1FB60]  }
0x5d5: {  	v0 =	vld [tilespmem:$0x1FE50];
	[tilespmem:v3+s0+$0x0] =	vst.idx.msk $0xffff, v2  }
0x5d6: {  	v3 =	vor.u32 v8, v5;
	v2 =	vld.idx.msk [tilespmem:v4+s17+$0x0], $0xffff;
	_ =	sdelay $0x3  }
0x5d7: {  	v4 =	vor.u32 v41, v1  }
0x5d8: {  	[tilespmem:v3+s0+$0x0] =	vst.idx.msk $0xffff, v2;
	v3 =	vor.u32 v0, v5;
	v0 =	vld [tilespmem:$0x1FB70];
	_ =	sdelay $0x3  }
0x5d9: {  	v2 =	vld.idx.msk [tilespmem:v4+s17+$0x0], $0xffff  }
0x5da: {  	v4 =	vor.u32 v0, v1;
	v0 =	vld [tilespmem:$0x1FE60];
	_ =	sdelay $0x4  }
0x5db: {  	[tilespmem:v3+s0+$0x0] =	vst.idx.msk $0xffff, v2;
	v3 =	vor.u32 v0, v5;
	v0 =	vld [tilespmem:$0x1FC70];
	_ =	sdelay $0x3  }
0x5dc: {  	v2 =	vld.idx.msk [tilespmem:v4+s17+$0x0], $0xffff  }
0x5dd: {  	v1 =	vor.u32 v0, v1;
	_ =	sdelay $0x3  }
0x5de: {  	[tilespmem:v3+s0+$0x0] =	vst.idx.msk $0xffff, v2  }
0x5df: {  	v2 =	vld.idx.msk [tilespmem:v1+s17+$0x0], $0xffff;
	v1 =	vlaneseq.u32  }
0x5e0: {  	v3 =	vor.u32 s6, v1  }
0x5e1: {  	v0 =	vor.u32 v40, v5;
	v40 =	vlaneseq.u32;
	v1 =	vshll.u32 v3, $0x5  }
0x5e2: {  	v4 =	vor.u32 v40, v1;
	_ =	sdelay $0x3  }
0x5e3: {  	[tilespmem:v0+s0+$0x0] =	vst.idx.msk $0xffff, v2;
	v0 =	vand.u32 $0x1F8, v3  }
0x5e4: {  	v3 =	vor.u32 v12, v0;
	v2 =	vld.idx.msk [tilespmem:v4+s17+$0x0], $0xffff  }
0x5e5: {  	v4 =	vor.u32 v44, v1;
	_ =	sdelay $0x3  }
0x5e6: {  	[tilespmem:v3+s0+$0x0] =	vst.idx.msk $0xffff, v2  }
0x5e7: {  	v3 =	vor.u32 v13, v0;
	v2 =	vld.idx.msk [tilespmem:v4+s17+$0x0], $0xffff  }
0x5e8: {  	v4 =	vor.u32 v45, v1;
	_ =	sdelay $0x3  }
0x5e9: {  	[tilespmem:v3+s0+$0x0] =	vst.idx.msk $0xffff, v2  }
0x5ea: {  	v3 =	vor.u32 v14, v0;
	v2 =	vld.idx.msk [tilespmem:v4+s17+$0x0], $0xffff  }
0x5eb: {  	v4 =	vor.u32 v46, v1;
	_ =	sdelay $0x3  }
0x5ec: {  	[tilespmem:v3+s0+$0x0] =	vst.idx.msk $0xffff, v2  }
0x5ed: {  	v3 =	vor.u32 v15, v0;
	v2 =	vld.idx.msk [tilespmem:v4+s17+$0x0], $0xffff  }
0x5ee: {  	v4 =	vor.u32 v47, v1;
	_ =	sdelay $0x3  }
0x5ef: {  	[tilespmem:v3+s0+$0x0] =	vst.idx.msk $0xffff, v2  }
0x5f0: {  	v3 =	vor.u32 v16, v0;
	v2 =	vld.idx.msk [tilespmem:v4+s17+$0x0], $0xffff  }
0x5f1: {  	v4 =	vor.u32 v48, v1;
	_ =	sdelay $0x3  }
0x5f2: {  	[tilespmem:v3+s0+$0x0] =	vst.idx.msk $0xffff, v2  }
0x5f3: {  	v3 =	vor.u32 v17, v0;
	v2 =	vld.idx.msk [tilespmem:v4+s17+$0x0], $0xffff  }
0x5f4: {  	v4 =	vor.u32 v49, v1;
	_ =	sdelay $0x3  }
0x5f5: {  	[tilespmem:v3+s0+$0x0] =	vst.idx.msk $0xffff, v2  }
0x5f6: {  	v3 =	vor.u32 v50, v0;
	v2 =	vld.idx.msk [tilespmem:v4+s17+$0x0], $0xffff  }
0x5f7: {  	v4 =	vor.u32 v18, v1;
	_ =	sdelay $0x3  }
0x5f8: {  	[tilespmem:v3+s0+$0x0] =	vst.idx.msk $0xffff, v2  }
0x5f9: {  	v3 =	vor.u32 v19, v0;
	v2 =	vld.idx.msk [tilespmem:v4+s17+$0x0], $0xffff  }
0x5fa: {  	v4 =	vor.u32 v51, v1;
	_ =	sdelay $0x3  }
0x5fb: {  	[tilespmem:v3+s0+$0x0] =	vst.idx.msk $0xffff, v2  }
0x5fc: {  	v3 =	vor.u32 v52, v0;
	v2 =	vld.idx.msk [tilespmem:v4+s17+$0x0], $0xffff  }
0x5fd: {  	v4 =	vor.u32 v20, v1;
	_ =	sdelay $0x3  }
0x5fe: {  	[tilespmem:v3+s0+$0x0] =	vst.idx.msk $0xffff, v2  }
0x5ff: {  	v3 =	vor.u32 v21, v0;
	v2 =	vld.idx.msk [tilespmem:v4+s17+$0x0], $0xffff  }
0x600: {  	v4 =	vor.u32 v57, v1;
	_ =	sdelay $0x3  }
0x601: {  	[tilespmem:v3+s0+$0x0] =	vst.idx.msk $0xffff, v2  }
0x602: {  	v3 =	vor.u32 v22, v0;
	v2 =	vld.idx.msk [tilespmem:v4+s17+$0x0], $0xffff  }
0x603: {  	v4 =	vor.u32 v59, v1;
	_ =	sdelay $0x3  }
0x604: {  	[tilespmem:v3+s0+$0x0] =	vst.idx.msk $0xffff, v2  }
0x605: {  	v3 =	vor.u32 v23, v0;
	v2 =	vld.idx.msk [tilespmem:v4+s17+$0x0], $0xffff  }
0x606: {  	v4 =	vor.u32 v62, v1;
	_ =	sdelay $0x3  }
0x607: {  	[tilespmem:v3+s0+$0x0] =	vst.idx.msk $0xffff, v2  }
0x608: {  	v3 =	vor.u32 v24, v0;
	v2 =	vld.idx.msk [tilespmem:v4+s17+$0x0], $0xffff  }
0x609: {  	v4 =	vor.u32 v10, v1;
	_ =	sdelay $0x3  }
0x60a: {  	[tilespmem:v3+s0+$0x0] =	vst.idx.msk $0xffff, v2  }
0x60b: {  	v3 =	vor.u32 v25, v0;
	v2 =	vld.idx.msk [tilespmem:v4+s17+$0x0], $0xffff  }
0x60c: {  	v4 =	vor.u32 v60, v1;
	_ =	sdelay $0x3  }
0x60d: {  	[tilespmem:v3+s0+$0x0] =	vst.idx.msk $0xffff, v2  }
0x60e: {  	v3 =	vor.u32 v43, v0;
	v2 =	vld.idx.msk [tilespmem:v4+s17+$0x0], $0xffff  }
0x60f: {  	v4 =	vor.u32 v26, v1;
	_ =	sdelay $0x3  }
0x610: {  	[tilespmem:v3+s0+$0x0] =	vst.idx.msk $0xffff, v2  }
0x611: {  	v3 =	vor.u32 v63, v0;
	v2 =	vld.idx.msk [tilespmem:v4+s17+$0x0], $0xffff  }
0x612: {  	v4 =	vor.u32 v27, v1;
	_ =	sdelay $0x3  }
0x613: {  	[tilespmem:v3+s0+$0x0] =	vst.idx.msk $0xffff, v2  }
0x614: {  	v3 =	vor.u32 v42, v0;
	v2 =	vld.idx.msk [tilespmem:v4+s17+$0x0], $0xffff  }
0x615: {  	v4 =	vor.u32 v28, v1;
	_ =	sdelay $0x3  }
0x616: {  	[tilespmem:v3+s0+$0x0] =	vst.idx.msk $0xffff, v2  }
0x617: {  	v3 =	vor.u32 v53, v0;
	v2 =	vld.idx.msk [tilespmem:v4+s17+$0x0], $0xffff  }
0x618: {  	v4 =	vor.u32 v29, v1;
	_ =	sdelay $0x3  }
0x619: {  	[tilespmem:v3+s0+$0x0] =	vst.idx.msk $0xffff, v2  }
0x61a: {  	v3 =	vor.u32 v54, v0;
	v2 =	vld.idx.msk [tilespmem:v4+s17+$0x0], $0xffff  }
0x61b: {  	v4 =	vor.u32 v30, v1;
	_ =	sdelay $0x3  }
0x61c: {  	[tilespmem:v3+s0+$0x0] =	vst.idx.msk $0xffff, v2  }
0x61d: {  	v3 =	vor.u32 v55, v0;
	v2 =	vld.idx.msk [tilespmem:v4+s17+$0x0], $0xffff  }
0x61e: {  	v4 =	vor.u32 v31, v1;
	_ =	sdelay $0x3  }
0x61f: {  	[tilespmem:v3+s0+$0x0] =	vst.idx.msk $0xffff, v2  }
0x620: {  	v3 =	vor.u32 v56, v0;
	v2 =	vld.idx.msk [tilespmem:v4+s17+$0x0], $0xffff  }
0x621: {  	v4 =	vor.u32 v32, v1;
	_ =	sdelay $0x3  }
0x622: {  	[tilespmem:v3+s0+$0x0] =	vst.idx.msk $0xffff, v2  }
0x623: {  	v3 =	vor.u32 v58, v0;
	v2 =	vld.idx.msk [tilespmem:v4+s17+$0x0], $0xffff  }
0x624: {  	v4 =	vor.u32 v33, v1;
	_ =	sdelay $0x3  }
0x625: {  	[tilespmem:v3+s0+$0x0] =	vst.idx.msk $0xffff, v2  }
0x626: {  	v3 =	vor.u32 v61, v0;
	v2 =	vld.idx.msk [tilespmem:v4+s17+$0x0], $0xffff  }
0x627: {  	v4 =	vor.u32 v34, v1;
	_ =	sdelay $0x3  }
0x628: {  	[tilespmem:v3+s0+$0x0] =	vst.idx.msk $0xffff, v2  }
0x629: {  	v3 =	vor.u32 v9, v0;
	v2 =	vld.idx.msk [tilespmem:v4+s17+$0x0], $0xffff  }
0x62a: {  	v4 =	vor.u32 v35, v1;
	_ =	sdelay $0x3  }
0x62b: {  	[tilespmem:v3+s0+$0x0] =	vst.idx.msk $0xffff, v2  }
0x62c: {  	v3 =	vor.u32 v11, v0;
	v2 =	vld.idx.msk [tilespmem:v4+s17+$0x0], $0xffff;
	_ =	sdelay $0x4  }
0x62d: {  	v4 =	vor.u32 v36, v1;
	[tilespmem:v3+s0+$0x0] =	vst.idx.msk $0xffff, v2;
	v3 =	vld [tilespmem:$0x1FE10];
	_ =	sdelay $0x4  }
0x62e: {  	v2 =	vld.idx.msk [tilespmem:v4+s17+$0x0], $0xffff;
	v3 =	vor.u32 v3, v0  }
0x62f: {  	v4 =	vor.u32 v37, v1;
	_ =	sdelay $0x3  }
0x630: {  	[tilespmem:v3+s0+$0x0] =	vst.idx.msk $0xffff, v2  }
0x631: {  	v3 =	vor.u32 v6, v0;
	v2 =	vld.idx.msk [tilespmem:v4+s17+$0x0], $0xffff  }
0x632: {  	v4 =	vor.u32 v38, v1;
	_ =	sdelay $0x3  }
0x633: {  	[tilespmem:v3+s0+$0x0] =	vst.idx.msk $0xffff, v2  }
0x634: {  	v3 =	vor.u32 v7, v0;
	v2 =	vld.idx.msk [tilespmem:v4+s17+$0x0], $0xffff  }
0x635: {  	v4 =	vor.u32 v39, v1;
	_ =	sdelay $0x3  }
0x636: {  	[tilespmem:v3+s0+$0x0] =	vst.idx.msk $0xffff, v2  }
0x637: {  	v3 =	vor.u32 v8, v0;
	v2 =	vld.idx.msk [tilespmem:v4+s17+$0x0], $0xffff  }
0x638: {  	v4 =	vor.u32 v41, v1;
	_ =	sdelay $0x3  }
0x639: {  	[tilespmem:v3+s0+$0x0] =	vst.idx.msk $0xffff, v2;
	v3 =	vld [tilespmem:$0x1FE50]  }
0x63a: {  	v2 =	vld.idx.msk [tilespmem:v4+s17+$0x0], $0xffff  }
0x63b: {  	v4 =	vld [tilespmem:$0x1FB70];
	_ =	sdelay $0x3  }
0x63c: {  	v3 =	vor.u32 v3, v0  }
0x63d: {  	v4 =	vor.u32 v4, v1;
	_ =	sdelay $0x3  }
0x63e: {  	[tilespmem:v3+s0+$0x0] =	vst.idx.msk $0xffff, v2;
	v3 =	vld [tilespmem:$0x1FE60]  }
0x63f: {  	s1 =	sadd.s32 $0x2, s1;
	v2 =	vld.idx.msk [tilespmem:v4+s17+$0x0], $0xffff  }
0x640: {  	p0 =	slt.u32 s1, $0x1E;
	v4 =	vld [tilespmem:$0x1FC70]  }
.Ltmp2:
0x641: {  	_ = 	snop;
	(pc) =	sbr.rel @p0 .LBB2_7-.Ltmp2, $2  }
0x642: {  	_ =	sdelay $0x2  }
0x643: {  	s6 =	sadd.s32 $0x20, s6;
	v3 =	vor.u32 v3, v0;
	v1 =	vor.u32 v4, v1  }
0x644: {  	v40 =	vld [tilespmem:$0x1FB80];
	_ =	sdelay $0x3  }
0x645: {  	[tilespmem:v3+s0+$0x0] =	vst.idx.msk $0xffff, v2  }
0x646: {  	v1 =	vld.idx.msk [tilespmem:v1+s17+$0x0], $0xffff;
	v0 =	vor.u32 v40, v0;
	_ =	sdelay $0x1  }
0x647: {  	s1 =	sshll.u32 s24, $0x14  }
0x648: {  	s1 =	sor.u32 s4, s1  }
0x649: {  	s6 =	sshrl.u32 s1, $0x3  }
0x64a: {  	s10 =	sshll.u32 s24, $0xA;
	s1 =	sadd.s32 s5, s6;
	[tilespmem:v0+s0+$0x0] =	vst.idx.msk $0xffff, v1  }
0x64b: {  	[hbm4b:s1+s13] =	stream.strided.scatter [tilespmem:s0], [sflag:$0x4], $0x4000, s14, s13, $0x38;
	[tilespmem:$0x16400] =	vst v63  }
0x64c: {  	s1 =	sand.u32 $0x3FFFFC00, s10  }
0x64d: {  	s9 =	sadd.s32 $0x400, s1  }
0x64e: {  	[tilespmem:s17], [sflag:$0x2] =	stream.indirect.gather [hbm4b:s3+s16], $0x20, s9, s16, $0xb8;
	[tilespmem:$0x16400] =	vst v63  }
0x64f: {  	s11 =	sadd.s32 $0x480, s1  }
0x650: {  	[tilespmem:s18], [sflag:$0x2] =	stream.indirect.gather [hbm4b:s3+s16], $0x20, s11, s16, $0xb8;
	[tilespmem:$0x16400] =	vst v63  }
0x651: {  	s10 =	sadd.s32 $0x500, s1  }
0x652: {  	[tilespmem:s20], [sflag:$0x2] =	stream.indirect.gather [hbm4b:s3+s16], $0x20, s10, s16, $0xb8;
	[tilespmem:$0x16400] =	vst v63  }
0x653: {  	s11 =	sadd.s32 $0x580, s1  }
0x654: {  	[tilespmem:s22], [sflag:$0x2] =	stream.indirect.gather [hbm4b:s3+s16], $0x20, s11, s16, $0xb8;
	[tilespmem:$0x16400] =	vst v63  }
0x655: {  	_ =	swait.ge [sflag:s26], $0x4000  }
0x656: {  	v0 =	vlaneseq.u32;
	s10 =	simm.s32 $0x0;
	[sflag:s26] =	ssyncset.done $0x0  }
0x657: {  	v1 =	vor.u32 s10, v0;
	[sflag:s26] =	ssyncadd.s32 $0xFFFFC000  }
0x658: {  	v2 =	vlaneseq.u32;
	v0 =	vshll.u32 v1, $0x5;
	_ =	swait.ge [sflag:s19], $0x4000  }
0x659: {  	v2 =	vor.u32 v2, v0;
	v12 =	vld [tilespmem:$0x1FC80]  }
0x65a: {  	v44 =	vld [tilespmem:$0x1FE70];
	_ =	sdelay $0x1  }
0x65b: {  	[sflag:s19] =	ssyncset.done $0x0  }
0x65c: {  	v1 =	vand.u32 $0x1E8, v1;
	[sflag:s19] =	ssyncadd.s32 $0xFFFFC000  }
0x65d: {  	v2 =	vld.idx.msk [tilespmem:v2+s23+$0x0], $0xffff;
	v3 =	vor.u32 v12, v1  }
0x65e: {  	v13 =	vld [tilespmem:$0x1FC90];
	v4 =	vor.u32 v44, v0  }
0x65f: {  	v45 =	vld [tilespmem:$0x1FE80];
	_ =	sdelay $0x2  }
0x660: {  	[tilespmem:v3+s29+$0x0] =	vst.idx.msk $0xffff, v2  }
0x661: {  	v3 =	vor.u32 v13, v1;
	v2 =	vld.idx.msk [tilespmem:v4+s23+$0x0], $0xffff  }
0x662: {  	v14 =	vld [tilespmem:$0x1FCA0];
	v4 =	vor.u32 v45, v0  }
0x663: {  	v46 =	vld [tilespmem:$0x1FE90];
	_ =	sdelay $0x2  }
0x664: {  	[tilespmem:v3+s29+$0x0] =	vst.idx.msk $0xffff, v2  }
0x665: {  	v3 =	vor.u32 v14, v1;
	v2 =	vld.idx.msk [tilespmem:v4+s23+$0x0], $0xffff  }
0x666: {  	v15 =	vld [tilespmem:$0x1FCB0];
	v4 =	vor.u32 v46, v0  }
0x667: {  	v47 =	vld [tilespmem:$0x1FEA0];
	_ =	sdelay $0x2  }
0x668: {  	[tilespmem:v3+s29+$0x0] =	vst.idx.msk $0xffff, v2  }
0x669: {  	v3 =	vor.u32 v15, v1;
	v2 =	vld.idx.msk [tilespmem:v4+s23+$0x0], $0xffff  }
0x66a: {  	v16 =	vld [tilespmem:$0x1FCC0];
	v4 =	vor.u32 v47, v0  }
0x66b: {  	v48 =	vld [tilespmem:$0x1FEB0];
	_ =	sdelay $0x2  }
0x66c: {  	[tilespmem:v3+s29+$0x0] =	vst.idx.msk $0xffff, v2  }
0x66d: {  	v3 =	vor.u32 v16, v1;
	v2 =	vld.idx.msk [tilespmem:v4+s23+$0x0], $0xffff  }
0x66e: {  	v17 =	vld [tilespmem:$0x1FCD0];
	v4 =	vor.u32 v48, v0  }
0x66f: {  	v49 =	vld [tilespmem:$0x1FEC0];
	_ =	sdelay $0x2  }
0x670: {  	[tilespmem:v3+s29+$0x0] =	vst.idx.msk $0xffff, v2  }
0x671: {  	v3 =	vor.u32 v17, v1;
	v2 =	vld.idx.msk [tilespmem:v4+s23+$0x0], $0xffff  }
0x672: {  	v50 =	vld [tilespmem:$0x1FCE0];
	v4 =	vor.u32 v49, v0  }
0x673: {  	v18 =	vld [tilespmem:$0x1FED0];
	_ =	sdelay $0x2  }
0x674: {  	[tilespmem:v3+s29+$0x0] =	vst.idx.msk $0xffff, v2  }
0x675: {  	v3 =	vor.u32 v50, v1;
	v2 =	vld.idx.msk [tilespmem:v4+s23+$0x0], $0xffff  }
0x676: {  	v19 =	vld [tilespmem:$0x1FCF0];
	v4 =	vor.u32 v18, v0  }
0x677: {  	v51 =	vld [tilespmem:$0x1FEE0];
	_ =	sdelay $0x2  }
0x678: {  	[tilespmem:v3+s29+$0x0] =	vst.idx.msk $0xffff, v2  }
0x679: {  	v3 =	vor.u32 v19, v1;
	v2 =	vld.idx.msk [tilespmem:v4+s23+$0x0], $0xffff  }
0x67a: {  	v52 =	vld [tilespmem:$0x1FD00];
	v4 =	vor.u32 v51, v0  }
0x67b: {  	v20 =	vld [tilespmem:$0x1FEF0];
	_ =	sdelay $0x2  }
0x67c: {  	[tilespmem:v3+s29+$0x0] =	vst.idx.msk $0xffff, v2  }
0x67d: {  	v3 =	vor.u32 v52, v1;
	v2 =	vld.idx.msk [tilespmem:v4+s23+$0x0], $0xffff  }
0x67e: {  	v21 =	vld [tilespmem:$0x1FD10];
	v4 =	vor.u32 v20, v0  }
0x67f: {  	v57 =	vld [tilespmem:$0x1FF00];
	_ =	sdelay $0x2  }
0x680: {  	[tilespmem:v3+s29+$0x0] =	vst.idx.msk $0xffff, v2  }
0x681: {  	v3 =	vor.u32 v21, v1;
	v2 =	vld.idx.msk [tilespmem:v4+s23+$0x0], $0xffff  }
0x682: {  	v22 =	vld [tilespmem:$0x1FD20];
	v4 =	vor.u32 v57, v0  }
0x683: {  	v59 =	vld [tilespmem:$0x1FF10];
	_ =	sdelay $0x2  }
0x684: {  	[tilespmem:v3+s29+$0x0] =	vst.idx.msk $0xffff, v2  }
0x685: {  	v3 =	vor.u32 v22, v1;
	v2 =	vld.idx.msk [tilespmem:v4+s23+$0x0], $0xffff  }
0x686: {  	v23 =	vld [tilespmem:$0x1FD30];
	v4 =	vor.u32 v59, v0  }
0x687: {  	v62 =	vld [tilespmem:$0x1FF40];
	_ =	sdelay $0x2  }
0x688: {  	[tilespmem:v3+s29+$0x0] =	vst.idx.msk $0xffff, v2  }
0x689: {  	v3 =	vor.u32 v23, v1;
	v2 =	vld.idx.msk [tilespmem:v4+s23+$0x0], $0xffff  }
0x68a: {  	v24 =	vld [tilespmem:$0x1FD40];
	v4 =	vor.u32 v62, v0  }
0x68b: {  	v10 =	vld [tilespmem:$0x1FF60];
	_ =	sdelay $0x2  }
0x68c: {  	[tilespmem:v3+s29+$0x0] =	vst.idx.msk $0xffff, v2  }
0x68d: {  	v3 =	vor.u32 v24, v1;
	v2 =	vld.idx.msk [tilespmem:v4+s23+$0x0], $0xffff  }
0x68e: {  	v25 =	vld [tilespmem:$0x1FD50];
	v4 =	vor.u32 v10, v0  }
0x68f: {  	v60 =	vld [tilespmem:$0x1FF90];
	_ =	sdelay $0x2  }
0x690: {  	[tilespmem:v3+s29+$0x0] =	vst.idx.msk $0xffff, v2  }
0x691: {  	v3 =	vor.u32 v25, v1;
	v2 =	vld.idx.msk [tilespmem:v4+s23+$0x0], $0xffff  }
0x692: {  	v43 =	vld [tilespmem:$0x1FD60];
	v4 =	vor.u32 v60, v0  }
0x693: {  	v26 =	vld [tilespmem:$0x1FFC0];
	_ =	sdelay $0x2  }
0x694: {  	[tilespmem:v3+s29+$0x0] =	vst.idx.msk $0xffff, v2  }
0x695: {  	v3 =	vor.u32 v43, v1;
	v2 =	vld.idx.msk [tilespmem:v4+s23+$0x0], $0xffff  }
0x696: {  	v63 =	vld [tilespmem:$0x1FD70];
	v4 =	vor.u32 v26, v0  }
0x697: {  	v27 =	vld [tilespmem:$0x1FFF0];
	_ =	sdelay $0x2  }
0x698: {  	[tilespmem:v3+s29+$0x0] =	vst.idx.msk $0xffff, v2  }
0x699: {  	v3 =	vor.u32 v63, v1;
	v2 =	vld.idx.msk [tilespmem:v4+s23+$0x0], $0xffff  }
0x69a: {  	v42 =	vld [tilespmem:$0x1FD80];
	v4 =	vor.u32 v27, v0  }
0x69b: {  	v28 =	vld [tilespmem:$0x1FF70];
	_ =	sdelay $0x2  }
0x69c: {  	[tilespmem:v3+s29+$0x0] =	vst.idx.msk $0xffff, v2  }
0x69d: {  	v3 =	vor.u32 v42, v1;
	v2 =	vld.idx.msk [tilespmem:v4+s23+$0x0], $0xffff  }
0x69e: {  	v53 =	vld [tilespmem:$0x1FD90];
	v4 =	vor.u32 v28, v0  }
0x69f: {  	v29 =	vld [tilespmem:$0x1FFA0];
	_ =	sdelay $0x2  }
0x6a0: {  	[tilespmem:v3+s29+$0x0] =	vst.idx.msk $0xffff, v2  }
0x6a1: {  	v3 =	vor.u32 v53, v1;
	v2 =	vld.idx.msk [tilespmem:v4+s23+$0x0], $0xffff  }
0x6a2: {  	v54 =	vld [tilespmem:$0x1FDA0];
	v4 =	vor.u32 v29, v0  }
0x6a3: {  	v30 =	vld [tilespmem:$0x1FFD0];
	_ =	sdelay $0x2  }
0x6a4: {  	[tilespmem:v3+s29+$0x0] =	vst.idx.msk $0xffff, v2  }
0x6a5: {  	v3 =	vor.u32 v54, v1;
	v2 =	vld.idx.msk [tilespmem:v4+s23+$0x0], $0xffff  }
0x6a6: {  	v55 =	vld [tilespmem:$0x1FDB0];
	v4 =	vor.u32 v30, v0  }
0x6a7: {  	v31 =	vld [tilespmem:$0x1FBA0];
	_ =	sdelay $0x2  }
0x6a8: {  	[tilespmem:v3+s29+$0x0] =	vst.idx.msk $0xffff, v2  }
0x6a9: {  	v3 =	vor.u32 v55, v1;
	v2 =	vld.idx.msk [tilespmem:v4+s23+$0x0], $0xffff  }
0x6aa: {  	v56 =	vld [tilespmem:$0x1FDC0];
	v4 =	vor.u32 v31, v0  }
0x6ab: {  	v32 =	vld [tilespmem:$0x1FBD0];
	_ =	sdelay $0x2  }
0x6ac: {  	[tilespmem:v3+s29+$0x0] =	vst.idx.msk $0xffff, v2  }
0x6ad: {  	v3 =	vor.u32 v56, v1;
	v2 =	vld.idx.msk [tilespmem:v4+s23+$0x0], $0xffff  }
0x6ae: {  	v58 =	vld [tilespmem:$0x1FDD0];
	v4 =	vor.u32 v32, v0  }
0x6af: {  	v33 =	vld [tilespmem:$0x1FF20];
	_ =	sdelay $0x2  }
0x6b0: {  	[tilespmem:v3+s29+$0x0] =	vst.idx.msk $0xffff, v2  }
0x6b1: {  	v3 =	vor.u32 v58, v1;
	v2 =	vld.idx.msk [tilespmem:v4+s23+$0x0], $0xffff  }
0x6b2: {  	v61 =	vld [tilespmem:$0x1FDE0];
	v4 =	vor.u32 v33, v0  }
0x6b3: {  	v34 =	vld [tilespmem:$0x1FF30];
	_ =	sdelay $0x2  }
0x6b4: {  	[tilespmem:v3+s29+$0x0] =	vst.idx.msk $0xffff, v2  }
0x6b5: {  	v3 =	vor.u32 v61, v1;
	v2 =	vld.idx.msk [tilespmem:v4+s23+$0x0], $0xffff  }
0x6b6: {  	v9 =	vld [tilespmem:$0x1FDF0];
	v4 =	vor.u32 v34, v0  }
0x6b7: {  	v35 =	vld [tilespmem:$0x1FF50];
	_ =	sdelay $0x2  }
0x6b8: {  	[tilespmem:v3+s29+$0x0] =	vst.idx.msk $0xffff, v2  }
0x6b9: {  	v3 =	vor.u32 v9, v1;
	v2 =	vld.idx.msk [tilespmem:v4+s23+$0x0], $0xffff  }
0x6ba: {  	v11 =	vld [tilespmem:$0x1FE00];
	v4 =	vor.u32 v35, v0;
	_ =	sdelay $0x3  }
0x6bb: {  	v36 =	vld [tilespmem:$0x1FF80];
	[tilespmem:v3+s29+$0x0] =	vst.idx.msk $0xffff, v2  }
0x6bc: {  	v3 =	vor.u32 v11, v1;
	v2 =	vld.idx.msk [tilespmem:v4+s23+$0x0], $0xffff;
	_ =	sdelay $0x4  }
0x6bd: {  	v4 =	vor.u32 v36, v0;
	[tilespmem:v3+s29+$0x0] =	vst.idx.msk $0xffff, v2;
	v3 =	vld [tilespmem:$0x1FE10]  }
0x6be: {  	v37 =	vld [tilespmem:$0x1FFB0];
	_ =	sdelay $0x3  }
0x6bf: {  	v2 =	vld.idx.msk [tilespmem:v4+s23+$0x0], $0xffff;
	v3 =	vor.u32 v3, v1  }
0x6c0: {  	v6 =	vld [tilespmem:$0x1FE20];
	v4 =	vor.u32 v37, v0  }
0x6c1: {  	v38 =	vld [tilespmem:$0x1FFE0];
	_ =	sdelay $0x2  }
0x6c2: {  	[tilespmem:v3+s29+$0x0] =	vst.idx.msk $0xffff, v2  }
0x6c3: {  	v3 =	vor.u32 v6, v1;
	v2 =	vld.idx.msk [tilespmem:v4+s23+$0x0], $0xffff  }
0x6c4: {  	v7 =	vld [tilespmem:$0x1FE30];
	v4 =	vor.u32 v38, v0  }
0x6c5: {  	v39 =	vld [tilespmem:$0x1FB50];
	_ =	sdelay $0x2  }
0x6c6: {  	[tilespmem:v3+s29+$0x0] =	vst.idx.msk $0xffff, v2  }
0x6c7: {  	v3 =	vor.u32 v7, v1;
	v2 =	vld.idx.msk [tilespmem:v4+s23+$0x0], $0xffff  }
0x6c8: {  	v8 =	vld [tilespmem:$0x1FE40];
	v4 =	vor.u32 v39, v0;
	_ =	sdelay $0x3  }
0x6c9: {  	v41 =	vld [tilespmem:$0x1FB60];
	[tilespmem:v3+s29+$0x0] =	vst.idx.msk $0xffff, v2  }
0x6ca: {  	v3 =	vor.u32 v8, v1;
	v2 =	vld.idx.msk [tilespmem:v4+s23+$0x0], $0xffff;
	_ =	sdelay $0x3  }
0x6cb: {  	v4 =	vor.u32 v41, v0  }
0x6cc: {  	[tilespmem:v3+s29+$0x0] =	vst.idx.msk $0xffff, v2;
	v2 =	vld [tilespmem:$0x1FE50];
	_ =	sdelay $0x3  }
0x6cd: {  	v5 =	vld.idx.msk [tilespmem:v4+s23+$0x0], $0xffff  }
0x6ce: {  	v3 =	vor.u32 v2, v1;
	v2 =	vld [tilespmem:$0x1FB70];
	_ =	sdelay $0x4  }
0x6cf: {  	v4 =	vor.u32 v2, v0;
	[tilespmem:v3+s29+$0x0] =	vst.idx.msk $0xffff, v5;
	v3 =	vld [tilespmem:$0x1FE60];
	_ =	sdelay $0x1  }
0x6d0: {  	v5 =	vld [tilespmem:$0x1FC70];
	_ =	sdelay $0x2  }
0x6d1: {  	v2 =	vld.idx.msk [tilespmem:v4+s23+$0x0], $0xffff;
	v3 =	vor.u32 v3, v1;
	_ =	sdelay $0x1  }
0x6d2: {  	v0 =	vor.u32 v5, v0;
	_ =	sdelay $0x2  }
0x6d3: {  	s11 =	simm.s32 $0x10;
	[tilespmem:v3+s29+$0x0] =	vst.idx.msk $0xffff, v2;
	v2 =	vlaneseq.u32  }
0x6d4: {  	v2 =	vor.u32 s11, v2  }
0x6d5: {  	v1 =	vor.u32 v40, v1;
	v40 =	vlaneseq.u32;
	v0 =	vld.idx.msk [tilespmem:v0+s23+$0x0], $0xffff;
	v4 =	vshll.u32 v2, $0x5  }
0x6d6: {  	v3 =	vor.u32 v40, v4;
	_ =	sdelay $0x3  }
0x6d7: {  	[tilespmem:v1+s29+$0x0] =	vst.idx.msk $0xffff, v0;
	v0 =	vand.u32 $0x1F8, v2  }
0x6d8: {  	v2 =	vor.u32 v12, v0;
	v1 =	vld.idx.msk [tilespmem:v3+s23+$0x0], $0xffff  }
0x6d9: {  	v3 =	vor.u32 v44, v4;
	_ =	sdelay $0x3  }
0x6da: {  	[tilespmem:v2+s29+$0x0] =	vst.idx.msk $0xffff, v1  }
0x6db: {  	v2 =	vor.u32 v13, v0;
	v1 =	vld.idx.msk [tilespmem:v3+s23+$0x0], $0xffff  }
0x6dc: {  	v3 =	vor.u32 v45, v4;
	_ =	sdelay $0x3  }
0x6dd: {  	[tilespmem:v2+s29+$0x0] =	vst.idx.msk $0xffff, v1  }
0x6de: {  	v2 =	vor.u32 v14, v0;
	v1 =	vld.idx.msk [tilespmem:v3+s23+$0x0], $0xffff  }
0x6df: {  	v3 =	vor.u32 v46, v4;
	_ =	sdelay $0x3  }
0x6e0: {  	[tilespmem:v2+s29+$0x0] =	vst.idx.msk $0xffff, v1  }
0x6e1: {  	v2 =	vor.u32 v15, v0;
	v1 =	vld.idx.msk [tilespmem:v3+s23+$0x0], $0xffff  }
0x6e2: {  	v3 =	vor.u32 v47, v4;
	_ =	sdelay $0x3  }
0x6e3: {  	[tilespmem:v2+s29+$0x0] =	vst.idx.msk $0xffff, v1  }
0x6e4: {  	v2 =	vor.u32 v16, v0;
	v1 =	vld.idx.msk [tilespmem:v3+s23+$0x0], $0xffff  }
0x6e5: {  	v3 =	vor.u32 v48, v4;
	_ =	sdelay $0x3  }
0x6e6: {  	[tilespmem:v2+s29+$0x0] =	vst.idx.msk $0xffff, v1  }
0x6e7: {  	v2 =	vor.u32 v17, v0;
	v1 =	vld.idx.msk [tilespmem:v3+s23+$0x0], $0xffff  }
0x6e8: {  	v3 =	vor.u32 v49, v4;
	_ =	sdelay $0x3  }
0x6e9: {  	[tilespmem:v2+s29+$0x0] =	vst.idx.msk $0xffff, v1  }
0x6ea: {  	v2 =	vor.u32 v50, v0;
	v1 =	vld.idx.msk [tilespmem:v3+s23+$0x0], $0xffff  }
0x6eb: {  	v3 =	vor.u32 v18, v4;
	_ =	sdelay $0x3  }
0x6ec: {  	[tilespmem:v2+s29+$0x0] =	vst.idx.msk $0xffff, v1  }
0x6ed: {  	v2 =	vor.u32 v19, v0;
	v1 =	vld.idx.msk [tilespmem:v3+s23+$0x0], $0xffff  }
0x6ee: {  	v3 =	vor.u32 v51, v4;
	_ =	sdelay $0x3  }
0x6ef: {  	[tilespmem:v2+s29+$0x0] =	vst.idx.msk $0xffff, v1  }
0x6f0: {  	v2 =	vor.u32 v52, v0;
	v1 =	vld.idx.msk [tilespmem:v3+s23+$0x0], $0xffff  }
0x6f1: {  	v3 =	vor.u32 v20, v4;
	_ =	sdelay $0x3  }
0x6f2: {  	[tilespmem:v2+s29+$0x0] =	vst.idx.msk $0xffff, v1  }
0x6f3: {  	v2 =	vor.u32 v21, v0;
	v1 =	vld.idx.msk [tilespmem:v3+s23+$0x0], $0xffff  }
0x6f4: {  	v3 =	vor.u32 v57, v4;
	_ =	sdelay $0x3  }
0x6f5: {  	[tilespmem:v2+s29+$0x0] =	vst.idx.msk $0xffff, v1  }
0x6f6: {  	v2 =	vor.u32 v22, v0;
	v1 =	vld.idx.msk [tilespmem:v3+s23+$0x0], $0xffff  }
0x6f7: {  	v3 =	vor.u32 v59, v4;
	_ =	sdelay $0x3  }
0x6f8: {  	[tilespmem:v2+s29+$0x0] =	vst.idx.msk $0xffff, v1  }
0x6f9: {  	v2 =	vor.u32 v23, v0;
	v1 =	vld.idx.msk [tilespmem:v3+s23+$0x0], $0xffff  }
0x6fa: {  	v3 =	vor.u32 v62, v4;
	_ =	sdelay $0x3  }
0x6fb: {  	[tilespmem:v2+s29+$0x0] =	vst.idx.msk $0xffff, v1  }
0x6fc: {  	v2 =	vor.u32 v24, v0;
	v1 =	vld.idx.msk [tilespmem:v3+s23+$0x0], $0xffff  }
0x6fd: {  	v3 =	vor.u32 v10, v4;
	_ =	sdelay $0x3  }
0x6fe: {  	[tilespmem:v2+s29+$0x0] =	vst.idx.msk $0xffff, v1  }
0x6ff: {  	v2 =	vor.u32 v25, v0;
	v1 =	vld.idx.msk [tilespmem:v3+s23+$0x0], $0xffff  }
0x700: {  	v3 =	vor.u32 v60, v4;
	_ =	sdelay $0x3  }
0x701: {  	[tilespmem:v2+s29+$0x0] =	vst.idx.msk $0xffff, v1  }
0x702: {  	v2 =	vor.u32 v43, v0;
	v1 =	vld.idx.msk [tilespmem:v3+s23+$0x0], $0xffff  }
0x703: {  	v3 =	vor.u32 v26, v4;
	_ =	sdelay $0x3  }
0x704: {  	[tilespmem:v2+s29+$0x0] =	vst.idx.msk $0xffff, v1  }
0x705: {  	v2 =	vor.u32 v63, v0;
	v1 =	vld.idx.msk [tilespmem:v3+s23+$0x0], $0xffff  }
0x706: {  	v3 =	vor.u32 v27, v4;
	_ =	sdelay $0x3  }
0x707: {  	[tilespmem:v2+s29+$0x0] =	vst.idx.msk $0xffff, v1  }
0x708: {  	v2 =	vor.u32 v42, v0;
	v1 =	vld.idx.msk [tilespmem:v3+s23+$0x0], $0xffff  }
0x709: {  	v3 =	vor.u32 v28, v4;
	_ =	sdelay $0x3  }
0x70a: {  	[tilespmem:v2+s29+$0x0] =	vst.idx.msk $0xffff, v1  }
0x70b: {  	v2 =	vor.u32 v53, v0;
	v1 =	vld.idx.msk [tilespmem:v3+s23+$0x0], $0xffff  }
0x70c: {  	v3 =	vor.u32 v29, v4;
	_ =	sdelay $0x3  }
0x70d: {  	[tilespmem:v2+s29+$0x0] =	vst.idx.msk $0xffff, v1  }
0x70e: {  	v2 =	vor.u32 v54, v0;
	v1 =	vld.idx.msk [tilespmem:v3+s23+$0x0], $0xffff  }
0x70f: {  	v3 =	vor.u32 v30, v4;
	_ =	sdelay $0x3  }
0x710: {  	[tilespmem:v2+s29+$0x0] =	vst.idx.msk $0xffff, v1  }
0x711: {  	v2 =	vor.u32 v55, v0;
	v1 =	vld.idx.msk [tilespmem:v3+s23+$0x0], $0xffff  }
0x712: {  	v3 =	vor.u32 v31, v4;
	_ =	sdelay $0x3  }
0x713: {  	[tilespmem:v2+s29+$0x0] =	vst.idx.msk $0xffff, v1  }
0x714: {  	v2 =	vor.u32 v56, v0;
	v1 =	vld.idx.msk [tilespmem:v3+s23+$0x0], $0xffff  }
0x715: {  	v3 =	vor.u32 v32, v4;
	_ =	sdelay $0x3  }
0x716: {  	[tilespmem:v2+s29+$0x0] =	vst.idx.msk $0xffff, v1  }
0x717: {  	v2 =	vor.u32 v58, v0;
	v1 =	vld.idx.msk [tilespmem:v3+s23+$0x0], $0xffff  }
0x718: {  	v3 =	vor.u32 v33, v4;
	_ =	sdelay $0x3  }
0x719: {  	[tilespmem:v2+s29+$0x0] =	vst.idx.msk $0xffff, v1  }
0x71a: {  	v2 =	vor.u32 v61, v0;
	v1 =	vld.idx.msk [tilespmem:v3+s23+$0x0], $0xffff  }
0x71b: {  	v3 =	vor.u32 v34, v4;
	_ =	sdelay $0x3  }
0x71c: {  	[tilespmem:v2+s29+$0x0] =	vst.idx.msk $0xffff, v1  }
0x71d: {  	v2 =	vor.u32 v9, v0;
	v1 =	vld.idx.msk [tilespmem:v3+s23+$0x0], $0xffff  }
0x71e: {  	v3 =	vor.u32 v35, v4;
	_ =	sdelay $0x3  }
0x71f: {  	[tilespmem:v2+s29+$0x0] =	vst.idx.msk $0xffff, v1  }
0x720: {  	v2 =	vor.u32 v11, v0;
	v1 =	vld.idx.msk [tilespmem:v3+s23+$0x0], $0xffff;
	_ =	sdelay $0x4  }
0x721: {  	v3 =	vor.u32 v36, v4;
	[tilespmem:v2+s29+$0x0] =	vst.idx.msk $0xffff, v1;
	v2 =	vld [tilespmem:$0x1FE10];
	_ =	sdelay $0x4  }
0x722: {  	v1 =	vld.idx.msk [tilespmem:v3+s23+$0x0], $0xffff;
	v2 =	vor.u32 v2, v0  }
0x723: {  	v3 =	vor.u32 v37, v4;
	_ =	sdelay $0x3  }
0x724: {  	[tilespmem:v2+s29+$0x0] =	vst.idx.msk $0xffff, v1  }
0x725: {  	v2 =	vor.u32 v6, v0;
	v1 =	vld.idx.msk [tilespmem:v3+s23+$0x0], $0xffff  }
0x726: {  	v3 =	vor.u32 v38, v4;
	_ =	sdelay $0x3  }
0x727: {  	[tilespmem:v2+s29+$0x0] =	vst.idx.msk $0xffff, v1  }
0x728: {  	v2 =	vor.u32 v7, v0;
	v1 =	vld.idx.msk [tilespmem:v3+s23+$0x0], $0xffff  }
0x729: {  	v3 =	vor.u32 v39, v4;
	_ =	sdelay $0x3  }
0x72a: {  	[tilespmem:v2+s29+$0x0] =	vst.idx.msk $0xffff, v1  }
0x72b: {  	v2 =	vor.u32 v8, v0;
	v1 =	vld.idx.msk [tilespmem:v3+s23+$0x0], $0xffff;
	_ =	sdelay $0x3  }
0x72c: {  	v3 =	vor.u32 v41, v4  }
0x72d: {  	[tilespmem:v2+s29+$0x0] =	vst.idx.msk $0xffff, v1;
	v2 =	vld [tilespmem:$0x1FE50];
	_ =	sdelay $0x3  }
0x72e: {  	v1 =	vld.idx.msk [tilespmem:v3+s23+$0x0], $0xffff  }
0x72f: {  	v3 =	vld [tilespmem:$0x1FB70];
	v2 =	vor.u32 v2, v0;
	_ =	sdelay $0x4  }
0x730: {  	v3 =	vor.u32 v3, v4;
	[tilespmem:v2+s29+$0x0] =	vst.idx.msk $0xffff, v1;
	v1 =	vld [tilespmem:$0x1FE60];
	_ =	sdelay $0x4  }
0x731: {  	s9 =	simm.s32 $0x0;
	s10 =	simm.s32 $0x30;
	v2 =	vld.idx.msk [tilespmem:v3+s23+$0x0], $0xffff;
	v3 =	vor.u32 v1, v0;
	v1 =	vor.u32 v5, v4  }
.LBB2_9:
0x732: {  	_ =	sdelay $0x2  }
0x733: {  	s11 =	sadd.s32 $0xFFFFFFF0, s10  }
0x734: {  	[tilespmem:v3+s29+$0x0] =	vst.idx.msk $0xffff, v2;
	v2 =	vor.u32 s11, v40;
	v40 =	vld [tilespmem:$0x1FB80];
	_ =	sdelay $0x4  }
0x735: {  	v4 =	vlaneseq.u32;
	v3 =	vld.idx.msk [tilespmem:v1+s23+$0x0], $0xffff;
	v1 =	vshll.u32 v2, $0x5;
	v0 =	vor.u32 v40, v0  }
0x736: {  	v12 =	vld [tilespmem:$0x1FC80];
	v4 =	vor.u32 v4, v1  }
0x737: {  	v44 =	vld [tilespmem:$0x1FE70];
	_ =	sdelay $0x2  }
0x738: {  	v5 =	vand.u32 $0x1E8, v2;
	[tilespmem:v0+s29+$0x0] =	vst.idx.msk $0xffff, v3  }
0x739: {  	v2 =	vor.u32 v12, v5;
	v3 =	vld.idx.msk [tilespmem:v4+s23+$0x0], $0xffff  }
0x73a: {  	v13 =	vld [tilespmem:$0x1FC90];
	v4 =	vor.u32 v44, v1  }
0x73b: {  	v45 =	vld [tilespmem:$0x1FE80];
	_ =	sdelay $0x2  }
0x73c: {  	[tilespmem:v2+s29+$0x0] =	vst.idx.msk $0xffff, v3  }
0x73d: {  	v3 =	vor.u32 v13, v5;
	v2 =	vld.idx.msk [tilespmem:v4+s23+$0x0], $0xffff  }
0x73e: {  	v14 =	vld [tilespmem:$0x1FCA0];
	v4 =	vor.u32 v45, v1  }
0x73f: {  	v46 =	vld [tilespmem:$0x1FE90];
	_ =	sdelay $0x2  }
0x740: {  	[tilespmem:v3+s29+$0x0] =	vst.idx.msk $0xffff, v2  }
0x741: {  	v3 =	vor.u32 v14, v5;
	v2 =	vld.idx.msk [tilespmem:v4+s23+$0x0], $0xffff  }
0x742: {  	v15 =	vld [tilespmem:$0x1FCB0];
	v4 =	vor.u32 v46, v1  }
0x743: {  	v47 =	vld [tilespmem:$0x1FEA0];
	_ =	sdelay $0x2  }
0x744: {  	[tilespmem:v3+s29+$0x0] =	vst.idx.msk $0xffff, v2  }
0x745: {  	v3 =	vor.u32 v15, v5;
	v2 =	vld.idx.msk [tilespmem:v4+s23+$0x0], $0xffff  }
0x746: {  	v16 =	vld [tilespmem:$0x1FCC0];
	v4 =	vor.u32 v47, v1  }
0x747: {  	v48 =	vld [tilespmem:$0x1FEB0];
	_ =	sdelay $0x2  }
0x748: {  	[tilespmem:v3+s29+$0x0] =	vst.idx.msk $0xffff, v2  }
0x749: {  	v3 =	vor.u32 v16, v5;
	v2 =	vld.idx.msk [tilespmem:v4+s23+$0x0], $0xffff  }
0x74a: {  	v17 =	vld [tilespmem:$0x1FCD0];
	v4 =	vor.u32 v48, v1  }
0x74b: {  	v49 =	vld [tilespmem:$0x1FEC0];
	_ =	sdelay $0x2  }
0x74c: {  	[tilespmem:v3+s29+$0x0] =	vst.idx.msk $0xffff, v2  }
0x74d: {  	v3 =	vor.u32 v17, v5;
	v2 =	vld.idx.msk [tilespmem:v4+s23+$0x0], $0xffff  }
0x74e: {  	v50 =	vld [tilespmem:$0x1FCE0];
	v4 =	vor.u32 v49, v1  }
0x74f: {  	v18 =	vld [tilespmem:$0x1FED0];
	_ =	sdelay $0x2  }
0x750: {  	[tilespmem:v3+s29+$0x0] =	vst.idx.msk $0xffff, v2  }
0x751: {  	v3 =	vor.u32 v50, v5;
	v2 =	vld.idx.msk [tilespmem:v4+s23+$0x0], $0xffff  }
0x752: {  	v19 =	vld [tilespmem:$0x1FCF0];
	v4 =	vor.u32 v18, v1  }
0x753: {  	v51 =	vld [tilespmem:$0x1FEE0];
	_ =	sdelay $0x2  }
0x754: {  	[tilespmem:v3+s29+$0x0] =	vst.idx.msk $0xffff, v2  }
0x755: {  	v3 =	vor.u32 v19, v5;
	v2 =	vld.idx.msk [tilespmem:v4+s23+$0x0], $0xffff  }
0x756: {  	v52 =	vld [tilespmem:$0x1FD00];
	v4 =	vor.u32 v51, v1  }
0x757: {  	v20 =	vld [tilespmem:$0x1FEF0];
	_ =	sdelay $0x2  }
0x758: {  	[tilespmem:v3+s29+$0x0] =	vst.idx.msk $0xffff, v2  }
0x759: {  	v3 =	vor.u32 v52, v5;
	v2 =	vld.idx.msk [tilespmem:v4+s23+$0x0], $0xffff  }
0x75a: {  	v21 =	vld [tilespmem:$0x1FD10];
	v4 =	vor.u32 v20, v1  }
0x75b: {  	v57 =	vld [tilespmem:$0x1FF00];
	_ =	sdelay $0x2  }
0x75c: {  	[tilespmem:v3+s29+$0x0] =	vst.idx.msk $0xffff, v2  }
0x75d: {  	v3 =	vor.u32 v21, v5;
	v2 =	vld.idx.msk [tilespmem:v4+s23+$0x0], $0xffff  }
0x75e: {  	v22 =	vld [tilespmem:$0x1FD20];
	v4 =	vor.u32 v57, v1  }
0x75f: {  	v59 =	vld [tilespmem:$0x1FF10];
	_ =	sdelay $0x2  }
0x760: {  	[tilespmem:v3+s29+$0x0] =	vst.idx.msk $0xffff, v2  }
0x761: {  	v3 =	vor.u32 v22, v5;
	v2 =	vld.idx.msk [tilespmem:v4+s23+$0x0], $0xffff  }
0x762: {  	v23 =	vld [tilespmem:$0x1FD30];
	v4 =	vor.u32 v59, v1  }
0x763: {  	v62 =	vld [tilespmem:$0x1FF40];
	_ =	sdelay $0x2  }
0x764: {  	[tilespmem:v3+s29+$0x0] =	vst.idx.msk $0xffff, v2  }
0x765: {  	v3 =	vor.u32 v23, v5;
	v2 =	vld.idx.msk [tilespmem:v4+s23+$0x0], $0xffff  }
0x766: {  	v24 =	vld [tilespmem:$0x1FD40];
	v4 =	vor.u32 v62, v1  }
0x767: {  	v10 =	vld [tilespmem:$0x1FF60];
	_ =	sdelay $0x2  }
0x768: {  	[tilespmem:v3+s29+$0x0] =	vst.idx.msk $0xffff, v2  }
0x769: {  	v3 =	vor.u32 v24, v5;
	v2 =	vld.idx.msk [tilespmem:v4+s23+$0x0], $0xffff  }
0x76a: {  	v25 =	vld [tilespmem:$0x1FD50];
	v4 =	vor.u32 v10, v1  }
0x76b: {  	v60 =	vld [tilespmem:$0x1FF90];
	_ =	sdelay $0x2  }
0x76c: {  	[tilespmem:v3+s29+$0x0] =	vst.idx.msk $0xffff, v2  }
0x76d: {  	v3 =	vor.u32 v25, v5;
	v2 =	vld.idx.msk [tilespmem:v4+s23+$0x0], $0xffff  }
0x76e: {  	v43 =	vld [tilespmem:$0x1FD60];
	v4 =	vor.u32 v60, v1  }
0x76f: {  	v26 =	vld [tilespmem:$0x1FFC0];
	_ =	sdelay $0x2  }
0x770: {  	[tilespmem:v3+s29+$0x0] =	vst.idx.msk $0xffff, v2  }
0x771: {  	v3 =	vor.u32 v43, v5;
	v2 =	vld.idx.msk [tilespmem:v4+s23+$0x0], $0xffff  }
0x772: {  	v63 =	vld [tilespmem:$0x1FD70];
	v4 =	vor.u32 v26, v1  }
0x773: {  	v27 =	vld [tilespmem:$0x1FFF0];
	_ =	sdelay $0x2  }
0x774: {  	[tilespmem:v3+s29+$0x0] =	vst.idx.msk $0xffff, v2  }
0x775: {  	v3 =	vor.u32 v63, v5;
	v2 =	vld.idx.msk [tilespmem:v4+s23+$0x0], $0xffff  }
0x776: {  	v42 =	vld [tilespmem:$0x1FD80];
	v4 =	vor.u32 v27, v1  }
0x777: {  	v28 =	vld [tilespmem:$0x1FF70];
	_ =	sdelay $0x2  }
0x778: {  	[tilespmem:v3+s29+$0x0] =	vst.idx.msk $0xffff, v2  }
0x779: {  	v3 =	vor.u32 v42, v5;
	v2 =	vld.idx.msk [tilespmem:v4+s23+$0x0], $0xffff  }
0x77a: {  	v53 =	vld [tilespmem:$0x1FD90];
	v4 =	vor.u32 v28, v1  }
0x77b: {  	v29 =	vld [tilespmem:$0x1FFA0];
	_ =	sdelay $0x2  }
0x77c: {  	[tilespmem:v3+s29+$0x0] =	vst.idx.msk $0xffff, v2  }
0x77d: {  	v3 =	vor.u32 v53, v5;
	v2 =	vld.idx.msk [tilespmem:v4+s23+$0x0], $0xffff  }
0x77e: {  	v54 =	vld [tilespmem:$0x1FDA0];
	v4 =	vor.u32 v29, v1  }
0x77f: {  	v30 =	vld [tilespmem:$0x1FFD0];
	_ =	sdelay $0x2  }
0x780: {  	[tilespmem:v3+s29+$0x0] =	vst.idx.msk $0xffff, v2  }
0x781: {  	v3 =	vor.u32 v54, v5;
	v2 =	vld.idx.msk [tilespmem:v4+s23+$0x0], $0xffff  }
0x782: {  	v55 =	vld [tilespmem:$0x1FDB0];
	v4 =	vor.u32 v30, v1  }
0x783: {  	v31 =	vld [tilespmem:$0x1FBA0];
	_ =	sdelay $0x2  }
0x784: {  	[tilespmem:v3+s29+$0x0] =	vst.idx.msk $0xffff, v2  }
0x785: {  	v3 =	vor.u32 v55, v5;
	v2 =	vld.idx.msk [tilespmem:v4+s23+$0x0], $0xffff  }
0x786: {  	v56 =	vld [tilespmem:$0x1FDC0];
	v4 =	vor.u32 v31, v1  }
0x787: {  	v32 =	vld [tilespmem:$0x1FBD0];
	_ =	sdelay $0x2  }
0x788: {  	[tilespmem:v3+s29+$0x0] =	vst.idx.msk $0xffff, v2  }
0x789: {  	v3 =	vor.u32 v56, v5;
	v2 =	vld.idx.msk [tilespmem:v4+s23+$0x0], $0xffff  }
0x78a: {  	v58 =	vld [tilespmem:$0x1FDD0];
	v4 =	vor.u32 v32, v1  }
0x78b: {  	v33 =	vld [tilespmem:$0x1FF20];
	_ =	sdelay $0x2  }
0x78c: {  	[tilespmem:v3+s29+$0x0] =	vst.idx.msk $0xffff, v2  }
0x78d: {  	v3 =	vor.u32 v58, v5;
	v2 =	vld.idx.msk [tilespmem:v4+s23+$0x0], $0xffff  }
0x78e: {  	v61 =	vld [tilespmem:$0x1FDE0];
	v4 =	vor.u32 v33, v1  }
0x78f: {  	v34 =	vld [tilespmem:$0x1FF30];
	_ =	sdelay $0x2  }
0x790: {  	[tilespmem:v3+s29+$0x0] =	vst.idx.msk $0xffff, v2  }
0x791: {  	v3 =	vor.u32 v61, v5;
	v2 =	vld.idx.msk [tilespmem:v4+s23+$0x0], $0xffff  }
0x792: {  	v9 =	vld [tilespmem:$0x1FDF0];
	v4 =	vor.u32 v34, v1  }
0x793: {  	v35 =	vld [tilespmem:$0x1FF50];
	_ =	sdelay $0x2  }
0x794: {  	[tilespmem:v3+s29+$0x0] =	vst.idx.msk $0xffff, v2  }
0x795: {  	v3 =	vor.u32 v9, v5;
	v2 =	vld.idx.msk [tilespmem:v4+s23+$0x0], $0xffff  }
0x796: {  	v11 =	vld [tilespmem:$0x1FE00];
	v4 =	vor.u32 v35, v1  }
0x797: {  	v36 =	vld [tilespmem:$0x1FF80];
	_ =	sdelay $0x2  }
0x798: {  	[tilespmem:v3+s29+$0x0] =	vst.idx.msk $0xffff, v2  }
0x799: {  	v3 =	vor.u32 v11, v5;
	v2 =	vld.idx.msk [tilespmem:v4+s23+$0x0], $0xffff  }
0x79a: {  	v0 =	vld [tilespmem:$0x1FE10];
	v4 =	vor.u32 v36, v1  }
0x79b: {  	v37 =	vld [tilespmem:$0x1FFB0];
	_ =	sdelay $0x2  }
0x79c: {  	[tilespmem:v3+s29+$0x0] =	vst.idx.msk $0xffff, v2  }
0x79d: {  	v3 =	vor.u32 v0, v5;
	v2 =	vld.idx.msk [tilespmem:v4+s23+$0x0], $0xffff  }
0x79e: {  	v6 =	vld [tilespmem:$0x1FE20];
	v4 =	vor.u32 v37, v1  }
0x79f: {  	v38 =	vld [tilespmem:$0x1FFE0];
	_ =	sdelay $0x2  }
0x7a0: {  	[tilespmem:v3+s29+$0x0] =	vst.idx.msk $0xffff, v2  }
0x7a1: {  	v3 =	vor.u32 v6, v5;
	v2 =	vld.idx.msk [tilespmem:v4+s23+$0x0], $0xffff  }
0x7a2: {  	v7 =	vld [tilespmem:$0x1FE30];
	v4 =	vor.u32 v38, v1  }
0x7a3: {  	v39 =	vld [tilespmem:$0x1FB50];
	_ =	sdelay $0x2  }
0x7a4: {  	[tilespmem:v3+s29+$0x0] =	vst.idx.msk $0xffff, v2  }
0x7a5: {  	v3 =	vor.u32 v7, v5;
	v2 =	vld.idx.msk [tilespmem:v4+s23+$0x0], $0xffff  }
0x7a6: {  	v8 =	vld [tilespmem:$0x1FE40];
	v4 =	vor.u32 v39, v1;
	_ =	sdelay $0x2  }
0x7a7: {  	v41 =	vld [tilespmem:$0x1FB60]  }
0x7a8: {  	v0 =	vld [tilespmem:$0x1FE50];
	[tilespmem:v3+s29+$0x0] =	vst.idx.msk $0xffff, v2  }
0x7a9: {  	v3 =	vor.u32 v8, v5;
	v2 =	vld.idx.msk [tilespmem:v4+s23+$0x0], $0xffff;
	_ =	sdelay $0x3  }
0x7aa: {  	v4 =	vor.u32 v41, v1  }
0x7ab: {  	[tilespmem:v3+s29+$0x0] =	vst.idx.msk $0xffff, v2;
	v3 =	vor.u32 v0, v5;
	v0 =	vld [tilespmem:$0x1FB70];
	_ =	sdelay $0x3  }
0x7ac: {  	v2 =	vld.idx.msk [tilespmem:v4+s23+$0x0], $0xffff  }
0x7ad: {  	v4 =	vor.u32 v0, v1;
	v0 =	vld [tilespmem:$0x1FE60];
	_ =	sdelay $0x4  }
0x7ae: {  	[tilespmem:v3+s29+$0x0] =	vst.idx.msk $0xffff, v2;
	v3 =	vor.u32 v0, v5;
	v0 =	vld [tilespmem:$0x1FC70];
	_ =	sdelay $0x3  }
0x7af: {  	v2 =	vld.idx.msk [tilespmem:v4+s23+$0x0], $0xffff  }
0x7b0: {  	v1 =	vor.u32 v0, v1;
	_ =	sdelay $0x3  }
0x7b1: {  	[tilespmem:v3+s29+$0x0] =	vst.idx.msk $0xffff, v2  }
0x7b2: {  	v2 =	vld.idx.msk [tilespmem:v1+s23+$0x0], $0xffff;
	v1 =	vlaneseq.u32  }
0x7b3: {  	v3 =	vor.u32 s10, v1  }
0x7b4: {  	v0 =	vor.u32 v40, v5;
	v40 =	vlaneseq.u32;
	v1 =	vshll.u32 v3, $0x5  }
0x7b5: {  	v4 =	vor.u32 v40, v1;
	_ =	sdelay $0x3  }
0x7b6: {  	[tilespmem:v0+s29+$0x0] =	vst.idx.msk $0xffff, v2;
	v0 =	vand.u32 $0x1F8, v3  }
0x7b7: {  	v3 =	vor.u32 v12, v0;
	v2 =	vld.idx.msk [tilespmem:v4+s23+$0x0], $0xffff  }
0x7b8: {  	v4 =	vor.u32 v44, v1;
	_ =	sdelay $0x3  }
0x7b9: {  	[tilespmem:v3+s29+$0x0] =	vst.idx.msk $0xffff, v2  }
0x7ba: {  	v3 =	vor.u32 v13, v0;
	v2 =	vld.idx.msk [tilespmem:v4+s23+$0x0], $0xffff  }
0x7bb: {  	v4 =	vor.u32 v45, v1;
	_ =	sdelay $0x3  }
0x7bc: {  	[tilespmem:v3+s29+$0x0] =	vst.idx.msk $0xffff, v2  }
0x7bd: {  	v3 =	vor.u32 v14, v0;
	v2 =	vld.idx.msk [tilespmem:v4+s23+$0x0], $0xffff  }
0x7be: {  	v4 =	vor.u32 v46, v1;
	_ =	sdelay $0x3  }
0x7bf: {  	[tilespmem:v3+s29+$0x0] =	vst.idx.msk $0xffff, v2  }
0x7c0: {  	v3 =	vor.u32 v15, v0;
	v2 =	vld.idx.msk [tilespmem:v4+s23+$0x0], $0xffff  }
0x7c1: {  	v4 =	vor.u32 v47, v1;
	_ =	sdelay $0x3  }
0x7c2: {  	[tilespmem:v3+s29+$0x0] =	vst.idx.msk $0xffff, v2  }
0x7c3: {  	v3 =	vor.u32 v16, v0;
	v2 =	vld.idx.msk [tilespmem:v4+s23+$0x0], $0xffff  }
0x7c4: {  	v4 =	vor.u32 v48, v1;
	_ =	sdelay $0x3  }
0x7c5: {  	[tilespmem:v3+s29+$0x0] =	vst.idx.msk $0xffff, v2  }
0x7c6: {  	v3 =	vor.u32 v17, v0;
	v2 =	vld.idx.msk [tilespmem:v4+s23+$0x0], $0xffff  }
0x7c7: {  	v4 =	vor.u32 v49, v1;
	_ =	sdelay $0x3  }
0x7c8: {  	[tilespmem:v3+s29+$0x0] =	vst.idx.msk $0xffff, v2  }
0x7c9: {  	v3 =	vor.u32 v50, v0;
	v2 =	vld.idx.msk [tilespmem:v4+s23+$0x0], $0xffff  }
0x7ca: {  	v4 =	vor.u32 v18, v1;
	_ =	sdelay $0x3  }
0x7cb: {  	[tilespmem:v3+s29+$0x0] =	vst.idx.msk $0xffff, v2  }
0x7cc: {  	v3 =	vor.u32 v19, v0;
	v2 =	vld.idx.msk [tilespmem:v4+s23+$0x0], $0xffff  }
0x7cd: {  	v4 =	vor.u32 v51, v1;
	_ =	sdelay $0x3  }
0x7ce: {  	[tilespmem:v3+s29+$0x0] =	vst.idx.msk $0xffff, v2  }
0x7cf: {  	v3 =	vor.u32 v52, v0;
	v2 =	vld.idx.msk [tilespmem:v4+s23+$0x0], $0xffff  }
0x7d0: {  	v4 =	vor.u32 v20, v1;
	_ =	sdelay $0x3  }
0x7d1: {  	[tilespmem:v3+s29+$0x0] =	vst.idx.msk $0xffff, v2  }
0x7d2: {  	v3 =	vor.u32 v21, v0;
	v2 =	vld.idx.msk [tilespmem:v4+s23+$0x0], $0xffff  }
0x7d3: {  	v4 =	vor.u32 v57, v1;
	_ =	sdelay $0x3  }
0x7d4: {  	[tilespmem:v3+s29+$0x0] =	vst.idx.msk $0xffff, v2  }
0x7d5: {  	v3 =	vor.u32 v22, v0;
	v2 =	vld.idx.msk [tilespmem:v4+s23+$0x0], $0xffff  }
0x7d6: {  	v4 =	vor.u32 v59, v1;
	_ =	sdelay $0x3  }
0x7d7: {  	[tilespmem:v3+s29+$0x0] =	vst.idx.msk $0xffff, v2  }
0x7d8: {  	v3 =	vor.u32 v23, v0;
	v2 =	vld.idx.msk [tilespmem:v4+s23+$0x0], $0xffff  }
0x7d9: {  	v4 =	vor.u32 v62, v1;
	_ =	sdelay $0x3  }
0x7da: {  	[tilespmem:v3+s29+$0x0] =	vst.idx.msk $0xffff, v2  }
0x7db: {  	v3 =	vor.u32 v24, v0;
	v2 =	vld.idx.msk [tilespmem:v4+s23+$0x0], $0xffff  }
0x7dc: {  	v4 =	vor.u32 v10, v1;
	_ =	sdelay $0x3  }
0x7dd: {  	[tilespmem:v3+s29+$0x0] =	vst.idx.msk $0xffff, v2  }
0x7de: {  	v3 =	vor.u32 v25, v0;
	v2 =	vld.idx.msk [tilespmem:v4+s23+$0x0], $0xffff  }
0x7df: {  	v4 =	vor.u32 v60, v1;
	_ =	sdelay $0x3  }
0x7e0: {  	[tilespmem:v3+s29+$0x0] =	vst.idx.msk $0xffff, v2  }
0x7e1: {  	v3 =	vor.u32 v43, v0;
	v2 =	vld.idx.msk [tilespmem:v4+s23+$0x0], $0xffff  }
0x7e2: {  	v4 =	vor.u32 v26, v1;
	_ =	sdelay $0x3  }
0x7e3: {  	[tilespmem:v3+s29+$0x0] =	vst.idx.msk $0xffff, v2  }
0x7e4: {  	v3 =	vor.u32 v63, v0;
	v2 =	vld.idx.msk [tilespmem:v4+s23+$0x0], $0xffff  }
0x7e5: {  	v4 =	vor.u32 v27, v1;
	_ =	sdelay $0x3  }
0x7e6: {  	[tilespmem:v3+s29+$0x0] =	vst.idx.msk $0xffff, v2  }
0x7e7: {  	v3 =	vor.u32 v42, v0;
	v2 =	vld.idx.msk [tilespmem:v4+s23+$0x0], $0xffff  }
0x7e8: {  	v4 =	vor.u32 v28, v1;
	_ =	sdelay $0x3  }
0x7e9: {  	[tilespmem:v3+s29+$0x0] =	vst.idx.msk $0xffff, v2  }
0x7ea: {  	v3 =	vor.u32 v53, v0;
	v2 =	vld.idx.msk [tilespmem:v4+s23+$0x0], $0xffff  }
0x7eb: {  	v4 =	vor.u32 v29, v1;
	_ =	sdelay $0x3  }
0x7ec: {  	[tilespmem:v3+s29+$0x0] =	vst.idx.msk $0xffff, v2  }
0x7ed: {  	v3 =	vor.u32 v54, v0;
	v2 =	vld.idx.msk [tilespmem:v4+s23+$0x0], $0xffff  }
0x7ee: {  	v4 =	vor.u32 v30, v1;
	_ =	sdelay $0x3  }
0x7ef: {  	[tilespmem:v3+s29+$0x0] =	vst.idx.msk $0xffff, v2  }
0x7f0: {  	v3 =	vor.u32 v55, v0;
	v2 =	vld.idx.msk [tilespmem:v4+s23+$0x0], $0xffff  }
0x7f1: {  	v4 =	vor.u32 v31, v1;
	_ =	sdelay $0x3  }
0x7f2: {  	[tilespmem:v3+s29+$0x0] =	vst.idx.msk $0xffff, v2  }
0x7f3: {  	v3 =	vor.u32 v56, v0;
	v2 =	vld.idx.msk [tilespmem:v4+s23+$0x0], $0xffff  }
0x7f4: {  	v4 =	vor.u32 v32, v1;
	_ =	sdelay $0x3  }
0x7f5: {  	[tilespmem:v3+s29+$0x0] =	vst.idx.msk $0xffff, v2  }
0x7f6: {  	v3 =	vor.u32 v58, v0;
	v2 =	vld.idx.msk [tilespmem:v4+s23+$0x0], $0xffff  }
0x7f7: {  	v4 =	vor.u32 v33, v1;
	_ =	sdelay $0x3  }
0x7f8: {  	[tilespmem:v3+s29+$0x0] =	vst.idx.msk $0xffff, v2  }
0x7f9: {  	v3 =	vor.u32 v61, v0;
	v2 =	vld.idx.msk [tilespmem:v4+s23+$0x0], $0xffff  }
0x7fa: {  	v4 =	vor.u32 v34, v1;
	_ =	sdelay $0x3  }
0x7fb: {  	[tilespmem:v3+s29+$0x0] =	vst.idx.msk $0xffff, v2  }
0x7fc: {  	v3 =	vor.u32 v9, v0;
	v2 =	vld.idx.msk [tilespmem:v4+s23+$0x0], $0xffff  }
0x7fd: {  	v4 =	vor.u32 v35, v1;
	_ =	sdelay $0x3  }
0x7fe: {  	[tilespmem:v3+s29+$0x0] =	vst.idx.msk $0xffff, v2  }
0x7ff: {  	v3 =	vor.u32 v11, v0;
	v2 =	vld.idx.msk [tilespmem:v4+s23+$0x0], $0xffff;
	_ =	sdelay $0x4  }
0x800: {  	v4 =	vor.u32 v36, v1;
	[tilespmem:v3+s29+$0x0] =	vst.idx.msk $0xffff, v2;
	v3 =	vld [tilespmem:$0x1FE10];
	_ =	sdelay $0x4  }
0x801: {  	v2 =	vld.idx.msk [tilespmem:v4+s23+$0x0], $0xffff;
	v3 =	vor.u32 v3, v0  }
0x802: {  	v4 =	vor.u32 v37, v1;
	_ =	sdelay $0x3  }
0x803: {  	[tilespmem:v3+s29+$0x0] =	vst.idx.msk $0xffff, v2  }
0x804: {  	v3 =	vor.u32 v6, v0;
	v2 =	vld.idx.msk [tilespmem:v4+s23+$0x0], $0xffff  }
0x805: {  	v4 =	vor.u32 v38, v1;
	_ =	sdelay $0x3  }
0x806: {  	[tilespmem:v3+s29+$0x0] =	vst.idx.msk $0xffff, v2  }
0x807: {  	v3 =	vor.u32 v7, v0;
	v2 =	vld.idx.msk [tilespmem:v4+s23+$0x0], $0xffff  }
0x808: {  	v4 =	vor.u32 v39, v1;
	_ =	sdelay $0x3  }
0x809: {  	[tilespmem:v3+s29+$0x0] =	vst.idx.msk $0xffff, v2  }
0x80a: {  	v3 =	vor.u32 v8, v0;
	v2 =	vld.idx.msk [tilespmem:v4+s23+$0x0], $0xffff  }
0x80b: {  	v4 =	vor.u32 v41, v1;
	_ =	sdelay $0x3  }
0x80c: {  	[tilespmem:v3+s29+$0x0] =	vst.idx.msk $0xffff, v2;
	v3 =	vld [tilespmem:$0x1FE50]  }
0x80d: {  	v2 =	vld.idx.msk [tilespmem:v4+s23+$0x0], $0xffff  }
0x80e: {  	v4 =	vld [tilespmem:$0x1FB70];
	_ =	sdelay $0x3  }
0x80f: {  	v3 =	vor.u32 v3, v0  }
0x810: {  	v4 =	vor.u32 v4, v1;
	_ =	sdelay $0x3  }
0x811: {  	[tilespmem:v3+s29+$0x0] =	vst.idx.msk $0xffff, v2;
	v3 =	vld [tilespmem:$0x1FE60]  }
0x812: {  	s9 =	sadd.s32 $0x2, s9;
	v2 =	vld.idx.msk [tilespmem:v4+s23+$0x0], $0xffff  }
0x813: {  	p0 =	slt.u32 s9, $0x1E;
	v4 =	vld [tilespmem:$0x1FC70]  }
.Ltmp3:
0x814: {  	_ = 	snop;
	(pc) =	sbr.rel @p0 .LBB2_9-.Ltmp3, $2  }
0x815: {  	_ =	sdelay $0x2  }
0x816: {  	s10 =	sadd.s32 $0x20, s10;
	v3 =	vor.u32 v3, v0;
	v1 =	vor.u32 v4, v1  }
0x817: {  	v63 =	vld [tilespmem:$0x1FB80];
	_ =	sdelay $0x3  }
0x818: {  	[tilespmem:v3+s29+$0x0] =	vst.idx.msk $0xffff, v2  }
0x819: {  	v1 =	vld.idx.msk [tilespmem:v1+s23+$0x0], $0xffff;
	v0 =	vor.u32 v63, v0;
	_ =	sdelay $0x4  }
0x81a: {  	s6 =	sadd.s32 s6, s8;
	[tilespmem:v0+s29+$0x0] =	vst.idx.msk $0xffff, v1  }
0x81b: {  	[hbm4b:s6+s13] =	stream.strided.scatter [tilespmem:s29], [sflag:$0x5], $0x4000, s14, s13, $0x38;
	[tilespmem:$0x16400] =	vst v63  }
0x81c: {  	s11 =	sadd.s32 $0x600, s1;
	s24 =	sadd.s32 $0x1, s24  }
0x81d: {  	[tilespmem:s23], [sflag:$0x3] =	stream.indirect.gather [hbm4b:s3+s16], $0x20, s11, s16, $0xb8;
	[tilespmem:$0x16400] =	vst v63  }
0x81e: {  	s9 =	sadd.s32 $0x680, s1;
	p0 =	sne.s32 s24, $0x18  }
0x81f: {  	[tilespmem:s25], [sflag:$0x3] =	stream.indirect.gather [hbm4b:s3+s16], $0x20, s9, s16, $0xb8;
	[tilespmem:$0x16400] =	vst v63  }
.Ltmp4:
0x820: {  	_ = 	snop;
	(pc) =	sbr.rel @p0 .LBB2_6-.Ltmp4, $4  }
0x821: {  	s10 =	sadd.s32 $0x700, s1  }
0x822: {  	[tilespmem:s28], [sflag:$0x3] =	stream.indirect.gather [hbm4b:s3+s16], $0x20, s10, s16, $0xb8;
	[tilespmem:$0x16400] =	vst v63  }
0x823: {  	s11 =	sadd.s32 $0x780, s1  }
0x824: {  	[tilespmem:s30], [sflag:$0x3] =	stream.indirect.gather [hbm4b:s3+s16], $0x20, s11, s16, $0xb8;
	[tilespmem:$0x16400] =	vst v63  }
0x825: {  	_ =	swait.ge [sflag:s31], $0x4000  }
0x826: {  	s1 =	simm.s32 $0x0;
	[sflag:s31] =	ssyncset.done $0x0  }
0x827: {  	v1 =	vor.u32 s1, v40;
	[sflag:s31] =	ssyncadd.s32 $0xFFFFC000  }
0x828: {  	v0 =	vshll.u32 v1, $0x5;
	_ =	swait.ge [sflag:s2], $0x4000  }
0x829: {  	v2 =	vor.u32 v40, v0;
	v46 =	vld [tilespmem:$0x1FC80]  }
0x82a: {  	v12 =	vld [tilespmem:$0x1FE70];
	_ =	sdelay $0x1  }
0x82b: {  	[sflag:s2] =	ssyncset.done $0x0  }
0x82c: {  	v1 =	vand.u32 $0x1E8, v1;
	[sflag:s2] =	ssyncadd.s32 $0xFFFFC000  }
0x82d: {  	v2 =	vld.idx.msk [tilespmem:v2+s17+$0x0], $0xffff;
	v3 =	vor.u32 v46, v1  }
0x82e: {  	v47 =	vld [tilespmem:$0x1FC90];
	v4 =	vor.u32 v12, v0  }
0x82f: {  	v41 =	vld [tilespmem:$0x1FE80];
	_ =	sdelay $0x2  }
0x830: {  	[tilespmem:v3+s0+$0x0] =	vst.idx.msk $0xffff, v2  }
0x831: {  	v3 =	vor.u32 v47, v1;
	v2 =	vld.idx.msk [tilespmem:v4+s17+$0x0], $0xffff  }
0x832: {  	v48 =	vld [tilespmem:$0x1FCA0];
	v4 =	vor.u32 v41, v0  }
0x833: {  	v44 =	vld [tilespmem:$0x1FE90];
	_ =	sdelay $0x2  }
0x834: {  	[tilespmem:v3+s0+$0x0] =	vst.idx.msk $0xffff, v2  }
0x835: {  	v3 =	vor.u32 v48, v1;
	v2 =	vld.idx.msk [tilespmem:v4+s17+$0x0], $0xffff  }
0x836: {  	v49 =	vld [tilespmem:$0x1FCB0];
	v4 =	vor.u32 v44, v0  }
0x837: {  	v11 =	vld [tilespmem:$0x1FEA0];
	_ =	sdelay $0x2  }
0x838: {  	[tilespmem:v3+s0+$0x0] =	vst.idx.msk $0xffff, v2  }
0x839: {  	v3 =	vor.u32 v49, v1;
	v2 =	vld.idx.msk [tilespmem:v4+s17+$0x0], $0xffff  }
0x83a: {  	v50 =	vld [tilespmem:$0x1FCC0];
	v4 =	vor.u32 v11, v0  }
0x83b: {  	v45 =	vld [tilespmem:$0x1FEB0];
	_ =	sdelay $0x2  }
0x83c: {  	[tilespmem:v3+s0+$0x0] =	vst.idx.msk $0xffff, v2  }
0x83d: {  	v3 =	vor.u32 v50, v1;
	v2 =	vld.idx.msk [tilespmem:v4+s17+$0x0], $0xffff  }
0x83e: {  	v51 =	vld [tilespmem:$0x1FCD0];
	v4 =	vor.u32 v45, v0  }
0x83f: {  	v13 =	vld [tilespmem:$0x1FEC0];
	_ =	sdelay $0x2  }
0x840: {  	[tilespmem:v3+s0+$0x0] =	vst.idx.msk $0xffff, v2  }
0x841: {  	v3 =	vor.u32 v51, v1;
	v2 =	vld.idx.msk [tilespmem:v4+s17+$0x0], $0xffff  }
0x842: {  	v17 =	vld [tilespmem:$0x1FCE0];
	v4 =	vor.u32 v13, v0  }
0x843: {  	v14 =	vld [tilespmem:$0x1FED0];
	_ =	sdelay $0x2  }
0x844: {  	[tilespmem:v3+s0+$0x0] =	vst.idx.msk $0xffff, v2  }
0x845: {  	v3 =	vor.u32 v17, v1;
	v2 =	vld.idx.msk [tilespmem:v4+s17+$0x0], $0xffff  }
0x846: {  	v57 =	vld [tilespmem:$0x1FCF0];
	v4 =	vor.u32 v14, v0  }
0x847: {  	v15 =	vld [tilespmem:$0x1FEE0];
	_ =	sdelay $0x2  }
0x848: {  	[tilespmem:v3+s0+$0x0] =	vst.idx.msk $0xffff, v2  }
0x849: {  	v3 =	vor.u32 v57, v1;
	v2 =	vld.idx.msk [tilespmem:v4+s17+$0x0], $0xffff  }
0x84a: {  	v20 =	vld [tilespmem:$0x1FD00];
	v4 =	vor.u32 v15, v0  }
0x84b: {  	v16 =	vld [tilespmem:$0x1FEF0];
	_ =	sdelay $0x2  }
0x84c: {  	[tilespmem:v3+s0+$0x0] =	vst.idx.msk $0xffff, v2  }
0x84d: {  	v3 =	vor.u32 v20, v1;
	v2 =	vld.idx.msk [tilespmem:v4+s17+$0x0], $0xffff  }
0x84e: {  	v59 =	vld [tilespmem:$0x1FD10];
	v4 =	vor.u32 v16, v0  }
0x84f: {  	v52 =	vld [tilespmem:$0x1FF00];
	_ =	sdelay $0x2  }
0x850: {  	[tilespmem:v3+s0+$0x0] =	vst.idx.msk $0xffff, v2  }
0x851: {  	v3 =	vor.u32 v59, v1;
	v2 =	vld.idx.msk [tilespmem:v4+s17+$0x0], $0xffff  }
0x852: {  	v60 =	vld [tilespmem:$0x1FD20];
	v4 =	vor.u32 v52, v0  }
0x853: {  	v42 =	vld [tilespmem:$0x1FF10];
	_ =	sdelay $0x2  }
0x854: {  	[tilespmem:v3+s0+$0x0] =	vst.idx.msk $0xffff, v2  }
0x855: {  	v3 =	vor.u32 v60, v1;
	v2 =	vld.idx.msk [tilespmem:v4+s17+$0x0], $0xffff  }
0x856: {  	v23 =	vld [tilespmem:$0x1FD30];
	v4 =	vor.u32 v42, v0  }
0x857: {  	v18 =	vld [tilespmem:$0x1FF40];
	_ =	sdelay $0x2  }
0x858: {  	[tilespmem:v3+s0+$0x0] =	vst.idx.msk $0xffff, v2  }
0x859: {  	v3 =	vor.u32 v23, v1;
	v2 =	vld.idx.msk [tilespmem:v4+s17+$0x0], $0xffff  }
0x85a: {  	v24 =	vld [tilespmem:$0x1FD40];
	v4 =	vor.u32 v18, v0  }
0x85b: {  	v19 =	vld [tilespmem:$0x1FF60];
	_ =	sdelay $0x2  }
0x85c: {  	[tilespmem:v3+s0+$0x0] =	vst.idx.msk $0xffff, v2  }
0x85d: {  	v3 =	vor.u32 v24, v1;
	v2 =	vld.idx.msk [tilespmem:v4+s17+$0x0], $0xffff  }
0x85e: {  	v26 =	vld [tilespmem:$0x1FD50];
	v4 =	vor.u32 v19, v0  }
0x85f: {  	v21 =	vld [tilespmem:$0x1FF90];
	_ =	sdelay $0x2  }
0x860: {  	[tilespmem:v3+s0+$0x0] =	vst.idx.msk $0xffff, v2  }
0x861: {  	v3 =	vor.u32 v26, v1;
	v2 =	vld.idx.msk [tilespmem:v4+s17+$0x0], $0xffff  }
0x862: {  	v27 =	vld [tilespmem:$0x1FD60];
	v4 =	vor.u32 v21, v0  }
0x863: {  	v22 =	vld [tilespmem:$0x1FFC0];
	_ =	sdelay $0x2  }
0x864: {  	[tilespmem:v3+s0+$0x0] =	vst.idx.msk $0xffff, v2  }
0x865: {  	v3 =	vor.u32 v27, v1;
	v2 =	vld.idx.msk [tilespmem:v4+s17+$0x0], $0xffff  }
0x866: {  	v54 =	vld [tilespmem:$0x1FD70];
	v4 =	vor.u32 v22, v0  }
0x867: {  	v10 =	vld [tilespmem:$0x1FFF0];
	_ =	sdelay $0x2  }
0x868: {  	[tilespmem:v3+s0+$0x0] =	vst.idx.msk $0xffff, v2  }
0x869: {  	v3 =	vor.u32 v54, v1;
	v2 =	vld.idx.msk [tilespmem:v4+s17+$0x0], $0xffff  }
0x86a: {  	v28 =	vld [tilespmem:$0x1FD80];
	v4 =	vor.u32 v10, v0  }
0x86b: {  	v25 =	vld [tilespmem:$0x1FF70];
	_ =	sdelay $0x2  }
0x86c: {  	[tilespmem:v3+s0+$0x0] =	vst.idx.msk $0xffff, v2  }
0x86d: {  	v3 =	vor.u32 v28, v1;
	v2 =	vld.idx.msk [tilespmem:v4+s17+$0x0], $0xffff  }
0x86e: {  	v55 =	vld [tilespmem:$0x1FD90];
	v4 =	vor.u32 v25, v0  }
0x86f: {  	v53 =	vld [tilespmem:$0x1FFA0];
	_ =	sdelay $0x2  }
0x870: {  	[tilespmem:v3+s0+$0x0] =	vst.idx.msk $0xffff, v2  }
0x871: {  	v3 =	vor.u32 v55, v1;
	v2 =	vld.idx.msk [tilespmem:v4+s17+$0x0], $0xffff  }
0x872: {  	v56 =	vld [tilespmem:$0x1FDA0];
	v4 =	vor.u32 v53, v0  }
0x873: {  	v43 =	vld [tilespmem:$0x1FFD0];
	_ =	sdelay $0x2  }
0x874: {  	[tilespmem:v3+s0+$0x0] =	vst.idx.msk $0xffff, v2  }
0x875: {  	v3 =	vor.u32 v56, v1;
	v2 =	vld.idx.msk [tilespmem:v4+s17+$0x0], $0xffff  }
0x876: {  	v30 =	vld [tilespmem:$0x1FDB0];
	v4 =	vor.u32 v43, v0  }
0x877: {  	v29 =	vld [tilespmem:$0x1FBA0];
	_ =	sdelay $0x2  }
0x878: {  	[tilespmem:v3+s0+$0x0] =	vst.idx.msk $0xffff, v2  }
0x879: {  	v3 =	vor.u32 v30, v1;
	v2 =	vld.idx.msk [tilespmem:v4+s17+$0x0], $0xffff  }
0x87a: {  	v31 =	vld [tilespmem:$0x1FDC0];
	v4 =	vor.u32 v29, v0  }
0x87b: {  	v58 =	vld [tilespmem:$0x1FBD0];
	_ =	sdelay $0x2  }
0x87c: {  	[tilespmem:v3+s0+$0x0] =	vst.idx.msk $0xffff, v2  }
0x87d: {  	v3 =	vor.u32 v31, v1;
	v2 =	vld.idx.msk [tilespmem:v4+s17+$0x0], $0xffff  }
0x87e: {  	v33 =	vld [tilespmem:$0x1FDD0];
	v4 =	vor.u32 v58, v0  }
0x87f: {  	v61 =	vld [tilespmem:$0x1FF20];
	_ =	sdelay $0x2  }
0x880: {  	[tilespmem:v3+s0+$0x0] =	vst.idx.msk $0xffff, v2  }
0x881: {  	v3 =	vor.u32 v33, v1;
	v2 =	vld.idx.msk [tilespmem:v4+s17+$0x0], $0xffff  }
0x882: {  	v35 =	vld [tilespmem:$0x1FDE0];
	v4 =	vor.u32 v61, v0  }
0x883: {  	v62 =	vld [tilespmem:$0x1FF30];
	_ =	sdelay $0x2  }
0x884: {  	[tilespmem:v3+s0+$0x0] =	vst.idx.msk $0xffff, v2  }
0x885: {  	v3 =	vor.u32 v35, v1;
	v2 =	vld.idx.msk [tilespmem:v4+s17+$0x0], $0xffff  }
0x886: {  	v37 =	vld [tilespmem:$0x1FDF0];
	v4 =	vor.u32 v62, v0  }
0x887: {  	v32 =	vld [tilespmem:$0x1FF50];
	_ =	sdelay $0x2  }
0x888: {  	[tilespmem:v3+s0+$0x0] =	vst.idx.msk $0xffff, v2  }
0x889: {  	v3 =	vor.u32 v37, v1;
	v2 =	vld.idx.msk [tilespmem:v4+s17+$0x0], $0xffff  }
0x88a: {  	v38 =	vld [tilespmem:$0x1FE00];
	v4 =	vor.u32 v32, v0  }
0x88b: {  	v34 =	vld [tilespmem:$0x1FF80];
	_ =	sdelay $0x2  }
0x88c: {  	[tilespmem:v3+s0+$0x0] =	vst.idx.msk $0xffff, v2  }
0x88d: {  	v3 =	vor.u32 v38, v1;
	v2 =	vld.idx.msk [tilespmem:v4+s17+$0x0], $0xffff  }
0x88e: {  	v39 =	vld [tilespmem:$0x1FE10];
	v4 =	vor.u32 v34, v0  }
0x88f: {  	v36 =	vld [tilespmem:$0x1FFB0];
	_ =	sdelay $0x2  }
0x890: {  	[tilespmem:v3+s0+$0x0] =	vst.idx.msk $0xffff, v2  }
0x891: {  	v3 =	vor.u32 v39, v1;
	v2 =	vld.idx.msk [tilespmem:v4+s17+$0x0], $0xffff  }
0x892: {  	v8 =	vld [tilespmem:$0x1FE20];
	v4 =	vor.u32 v36, v0  }
0x893: {  	v5 =	vld [tilespmem:$0x1FFE0];
	_ =	sdelay $0x2  }
0x894: {  	[tilespmem:v3+s0+$0x0] =	vst.idx.msk $0xffff, v2  }
0x895: {  	v3 =	vor.u32 v8, v1;
	v2 =	vld.idx.msk [tilespmem:v4+s17+$0x0], $0xffff  }
0x896: {  	v9 =	vld [tilespmem:$0x1FE30];
	v4 =	vor.u32 v5, v0;
	_ =	sdelay $0x3  }
0x897: {  	v6 =	vld [tilespmem:$0x1FB50];
	[tilespmem:v3+s0+$0x0] =	vst.idx.msk $0xffff, v2  }
0x898: {  	v3 =	vor.u32 v9, v1;
	v2 =	vld.idx.msk [tilespmem:v4+s17+$0x0], $0xffff;
	_ =	sdelay $0x4  }
0x899: {  	v4 =	vor.u32 v6, v0;
	[tilespmem:v3+s0+$0x0] =	vst.idx.msk $0xffff, v2;
	v3 =	vld [tilespmem:$0x1FE40];
	_ =	sdelay $0x3  }
0x89a: {  	v7 =	vld [tilespmem:$0x1FB60]  }
0x89b: {  	v2 =	vld.idx.msk [tilespmem:v4+s17+$0x0], $0xffff;
	v3 =	vor.u32 v3, v1;
	_ =	sdelay $0x4  }
0x89c: {  	v4 =	vor.u32 v7, v0;
	[tilespmem:v3+s0+$0x0] =	vst.idx.msk $0xffff, v2;
	v3 =	vld [tilespmem:$0x1FE50];
	_ =	sdelay $0x3  }
0x89d: {  	v63 =	vld [tilespmem:$0x1FB70]  }
0x89e: {  	v2 =	vld.idx.msk [tilespmem:v4+s17+$0x0], $0xffff;
	v3 =	vor.u32 v3, v1;
	_ =	sdelay $0x3  }
0x89f: {  	v4 =	vor.u32 v63, v0  }
0x8a0: {  	[tilespmem:v3+s0+$0x0] =	vst.idx.msk $0xffff, v2;
	v3 =	vld [tilespmem:$0x1FE60];
	_ =	sdelay $0x3  }
0x8a1: {  	v2 =	vld.idx.msk [tilespmem:v4+s17+$0x0], $0xffff  }
0x8a2: {  	v4 =	vld [tilespmem:$0x1FC70];
	v3 =	vor.u32 v3, v1;
	_ =	sdelay $0x4  }
0x8a3: {  	v0 =	vor.u32 v4, v0;
	[tilespmem:v3+s0+$0x0] =	vst.idx.msk $0xffff, v2;
	v3 =	vld [tilespmem:$0x1FB80];
	_ =	sdelay $0x2  }
0x8a4: {  	s24 =	simm.s32 $0x10  }
0x8a5: {  	v2 =	vor.u32 s24, v40  }
0x8a6: {  	v0 =	vld.idx.msk [tilespmem:v0+s17+$0x0], $0xffff;
	v4 =	vshll.u32 v2, $0x5;
	v1 =	vor.u32 v3, v1  }
0x8a7: {  	v3 =	vor.u32 v40, v4;
	_ =	sdelay $0x3  }
0x8a8: {  	[tilespmem:v1+s0+$0x0] =	vst.idx.msk $0xffff, v0;
	v0 =	vand.u32 $0x1F8, v2  }
0x8a9: {  	v1 =	vld.idx.msk [tilespmem:v3+s17+$0x0], $0xffff;
	v2 =	vor.u32 v46, v0  }
0x8aa: {  	v3 =	vor.u32 v12, v4;
	_ =	sdelay $0x3  }
0x8ab: {  	[tilespmem:v2+s0+$0x0] =	vst.idx.msk $0xffff, v1  }
0x8ac: {  	v2 =	vor.u32 v47, v0;
	v1 =	vld.idx.msk [tilespmem:v3+s17+$0x0], $0xffff  }
0x8ad: {  	v3 =	vor.u32 v41, v4;
	_ =	sdelay $0x3  }
0x8ae: {  	[tilespmem:v2+s0+$0x0] =	vst.idx.msk $0xffff, v1  }
0x8af: {  	v2 =	vor.u32 v48, v0;
	v1 =	vld.idx.msk [tilespmem:v3+s17+$0x0], $0xffff  }
0x8b0: {  	v3 =	vor.u32 v44, v4;
	_ =	sdelay $0x3  }
0x8b1: {  	[tilespmem:v2+s0+$0x0] =	vst.idx.msk $0xffff, v1  }
0x8b2: {  	v2 =	vor.u32 v49, v0;
	v1 =	vld.idx.msk [tilespmem:v3+s17+$0x0], $0xffff  }
0x8b3: {  	v3 =	vor.u32 v11, v4;
	_ =	sdelay $0x3  }
0x8b4: {  	[tilespmem:v2+s0+$0x0] =	vst.idx.msk $0xffff, v1  }
0x8b5: {  	v2 =	vor.u32 v50, v0;
	v1 =	vld.idx.msk [tilespmem:v3+s17+$0x0], $0xffff  }
0x8b6: {  	v3 =	vor.u32 v45, v4;
	_ =	sdelay $0x3  }
0x8b7: {  	[tilespmem:v2+s0+$0x0] =	vst.idx.msk $0xffff, v1  }
0x8b8: {  	v2 =	vor.u32 v51, v0;
	v1 =	vld.idx.msk [tilespmem:v3+s17+$0x0], $0xffff  }
0x8b9: {  	v3 =	vor.u32 v13, v4;
	_ =	sdelay $0x3  }
0x8ba: {  	[tilespmem:v2+s0+$0x0] =	vst.idx.msk $0xffff, v1  }
0x8bb: {  	v2 =	vor.u32 v17, v0;
	v1 =	vld.idx.msk [tilespmem:v3+s17+$0x0], $0xffff  }
0x8bc: {  	v3 =	vor.u32 v14, v4;
	_ =	sdelay $0x3  }
0x8bd: {  	[tilespmem:v2+s0+$0x0] =	vst.idx.msk $0xffff, v1  }
0x8be: {  	v2 =	vor.u32 v57, v0;
	v1 =	vld.idx.msk [tilespmem:v3+s17+$0x0], $0xffff  }
0x8bf: {  	v3 =	vor.u32 v15, v4;
	_ =	sdelay $0x3  }
0x8c0: {  	[tilespmem:v2+s0+$0x0] =	vst.idx.msk $0xffff, v1  }
0x8c1: {  	v2 =	vor.u32 v20, v0;
	v1 =	vld.idx.msk [tilespmem:v3+s17+$0x0], $0xffff  }
0x8c2: {  	v3 =	vor.u32 v16, v4;
	_ =	sdelay $0x3  }
0x8c3: {  	[tilespmem:v2+s0+$0x0] =	vst.idx.msk $0xffff, v1  }
0x8c4: {  	v2 =	vor.u32 v59, v0;
	v1 =	vld.idx.msk [tilespmem:v3+s17+$0x0], $0xffff  }
0x8c5: {  	v3 =	vor.u32 v52, v4;
	_ =	sdelay $0x3  }
0x8c6: {  	[tilespmem:v2+s0+$0x0] =	vst.idx.msk $0xffff, v1  }
0x8c7: {  	v2 =	vor.u32 v60, v0;
	v1 =	vld.idx.msk [tilespmem:v3+s17+$0x0], $0xffff  }
0x8c8: {  	v3 =	vor.u32 v42, v4;
	_ =	sdelay $0x3  }
0x8c9: {  	[tilespmem:v2+s0+$0x0] =	vst.idx.msk $0xffff, v1  }
0x8ca: {  	v2 =	vor.u32 v23, v0;
	v1 =	vld.idx.msk [tilespmem:v3+s17+$0x0], $0xffff  }
0x8cb: {  	v3 =	vor.u32 v18, v4;
	_ =	sdelay $0x3  }
0x8cc: {  	[tilespmem:v2+s0+$0x0] =	vst.idx.msk $0xffff, v1  }
0x8cd: {  	v2 =	vor.u32 v24, v0;
	v1 =	vld.idx.msk [tilespmem:v3+s17+$0x0], $0xffff  }
0x8ce: {  	v3 =	vor.u32 v19, v4;
	_ =	sdelay $0x3  }
0x8cf: {  	[tilespmem:v2+s0+$0x0] =	vst.idx.msk $0xffff, v1  }
0x8d0: {  	v2 =	vor.u32 v26, v0;
	v1 =	vld.idx.msk [tilespmem:v3+s17+$0x0], $0xffff  }
0x8d1: {  	v3 =	vor.u32 v21, v4;
	_ =	sdelay $0x3  }
0x8d2: {  	[tilespmem:v2+s0+$0x0] =	vst.idx.msk $0xffff, v1  }
0x8d3: {  	v2 =	vor.u32 v27, v0;
	v1 =	vld.idx.msk [tilespmem:v3+s17+$0x0], $0xffff  }
0x8d4: {  	v3 =	vor.u32 v22, v4;
	_ =	sdelay $0x3  }
0x8d5: {  	[tilespmem:v2+s0+$0x0] =	vst.idx.msk $0xffff, v1  }
0x8d6: {  	v2 =	vor.u32 v54, v0;
	v1 =	vld.idx.msk [tilespmem:v3+s17+$0x0], $0xffff  }
0x8d7: {  	v3 =	vor.u32 v10, v4;
	_ =	sdelay $0x3  }
0x8d8: {  	[tilespmem:v2+s0+$0x0] =	vst.idx.msk $0xffff, v1  }
0x8d9: {  	v2 =	vor.u32 v28, v0;
	v1 =	vld.idx.msk [tilespmem:v3+s17+$0x0], $0xffff  }
0x8da: {  	v3 =	vor.u32 v25, v4;
	_ =	sdelay $0x3  }
0x8db: {  	[tilespmem:v2+s0+$0x0] =	vst.idx.msk $0xffff, v1  }
0x8dc: {  	v2 =	vor.u32 v55, v0;
	v1 =	vld.idx.msk [tilespmem:v3+s17+$0x0], $0xffff  }
0x8dd: {  	v3 =	vor.u32 v53, v4;
	_ =	sdelay $0x3  }
0x8de: {  	[tilespmem:v2+s0+$0x0] =	vst.idx.msk $0xffff, v1  }
0x8df: {  	v2 =	vor.u32 v56, v0;
	v1 =	vld.idx.msk [tilespmem:v3+s17+$0x0], $0xffff  }
0x8e0: {  	v3 =	vor.u32 v43, v4;
	_ =	sdelay $0x3  }
0x8e1: {  	[tilespmem:v2+s0+$0x0] =	vst.idx.msk $0xffff, v1  }
0x8e2: {  	v2 =	vor.u32 v30, v0;
	v1 =	vld.idx.msk [tilespmem:v3+s17+$0x0], $0xffff  }
0x8e3: {  	v3 =	vor.u32 v29, v4;
	_ =	sdelay $0x3  }
0x8e4: {  	[tilespmem:v2+s0+$0x0] =	vst.idx.msk $0xffff, v1  }
0x8e5: {  	v2 =	vor.u32 v31, v0;
	v1 =	vld.idx.msk [tilespmem:v3+s17+$0x0], $0xffff  }
0x8e6: {  	v3 =	vor.u32 v58, v4;
	_ =	sdelay $0x3  }
0x8e7: {  	[tilespmem:v2+s0+$0x0] =	vst.idx.msk $0xffff, v1  }
0x8e8: {  	v2 =	vor.u32 v33, v0;
	v1 =	vld.idx.msk [tilespmem:v3+s17+$0x0], $0xffff  }
0x8e9: {  	v3 =	vor.u32 v61, v4;
	_ =	sdelay $0x3  }
0x8ea: {  	[tilespmem:v2+s0+$0x0] =	vst.idx.msk $0xffff, v1  }
0x8eb: {  	v2 =	vor.u32 v35, v0;
	v1 =	vld.idx.msk [tilespmem:v3+s17+$0x0], $0xffff  }
0x8ec: {  	v3 =	vor.u32 v62, v4;
	_ =	sdelay $0x3  }
0x8ed: {  	[tilespmem:v2+s0+$0x0] =	vst.idx.msk $0xffff, v1  }
0x8ee: {  	v2 =	vor.u32 v37, v0;
	v1 =	vld.idx.msk [tilespmem:v3+s17+$0x0], $0xffff  }
0x8ef: {  	v3 =	vor.u32 v32, v4;
	_ =	sdelay $0x3  }
0x8f0: {  	[tilespmem:v2+s0+$0x0] =	vst.idx.msk $0xffff, v1  }
0x8f1: {  	v2 =	vor.u32 v38, v0;
	v1 =	vld.idx.msk [tilespmem:v3+s17+$0x0], $0xffff  }
0x8f2: {  	v3 =	vor.u32 v34, v4;
	_ =	sdelay $0x3  }
0x8f3: {  	[tilespmem:v2+s0+$0x0] =	vst.idx.msk $0xffff, v1  }
0x8f4: {  	v2 =	vor.u32 v39, v0;
	v1 =	vld.idx.msk [tilespmem:v3+s17+$0x0], $0xffff  }
0x8f5: {  	v3 =	vor.u32 v36, v4;
	_ =	sdelay $0x3  }
0x8f6: {  	[tilespmem:v2+s0+$0x0] =	vst.idx.msk $0xffff, v1  }
0x8f7: {  	v2 =	vor.u32 v8, v0;
	v1 =	vld.idx.msk [tilespmem:v3+s17+$0x0], $0xffff  }
0x8f8: {  	v3 =	vor.u32 v5, v4;
	_ =	sdelay $0x3  }
0x8f9: {  	[tilespmem:v2+s0+$0x0] =	vst.idx.msk $0xffff, v1  }
0x8fa: {  	v2 =	vor.u32 v9, v0;
	v1 =	vld.idx.msk [tilespmem:v3+s17+$0x0], $0xffff;
	_ =	sdelay $0x4  }
0x8fb: {  	v3 =	vor.u32 v6, v4;
	[tilespmem:v2+s0+$0x0] =	vst.idx.msk $0xffff, v1;
	v2 =	vld [tilespmem:$0x1FE40];
	_ =	sdelay $0x4  }
0x8fc: {  	v1 =	vld.idx.msk [tilespmem:v3+s17+$0x0], $0xffff;
	v2 =	vor.u32 v2, v0;
	_ =	sdelay $0x4  }
0x8fd: {  	v3 =	vor.u32 v7, v4;
	[tilespmem:v2+s0+$0x0] =	vst.idx.msk $0xffff, v1;
	v2 =	vld [tilespmem:$0x1FE50];
	_ =	sdelay $0x4  }
0x8fe: {  	v1 =	vld.idx.msk [tilespmem:v3+s17+$0x0], $0xffff;
	v2 =	vor.u32 v2, v0;
	_ =	sdelay $0x3  }
0x8ff: {  	v3 =	vor.u32 v63, v4  }
0x900: {  	[tilespmem:v2+s0+$0x0] =	vst.idx.msk $0xffff, v1;
	v1 =	vld [tilespmem:$0x1FE60];
	_ =	sdelay $0x3  }
0x901: {  	v2 =	vld.idx.msk [tilespmem:v3+s17+$0x0], $0xffff  }
0x902: {  	v3 =	vor.u32 v1, v0;
	v1 =	vld [tilespmem:$0x1FC70];
	_ =	sdelay $0x4  }
0x903: {  	s6 =	simm.s32 $0x30;
	s1 =	simm.s32 $0x0;
	v1 =	vor.u32 v1, v4  }
.LBB2_12:
0x904: {  	_ =	sdelay $0x2  }
0x905: {  	s9 =	sadd.s32 $0xFFFFFFF0, s6  }
0x906: {  	[tilespmem:v3+s0+$0x0] =	vst.idx.msk $0xffff, v2;
	v2 =	vor.u32 s9, v40;
	v40 =	vld [tilespmem:$0x1FB80];
	_ =	sdelay $0x4  }
0x907: {  	v4 =	vlaneseq.u32;
	v3 =	vld.idx.msk [tilespmem:v1+s17+$0x0], $0xffff;
	v1 =	vshll.u32 v2, $0x5;
	v0 =	vor.u32 v40, v0  }
0x908: {  	v47 =	vld [tilespmem:$0x1FC80];
	v4 =	vor.u32 v4, v1  }
0x909: {  	v12 =	vld [tilespmem:$0x1FE70];
	_ =	sdelay $0x2  }
0x90a: {  	[tilespmem:v0+s0+$0x0] =	vst.idx.msk $0xffff, v3;
	v0 =	vand.u32 $0x1E8, v2  }
0x90b: {  	v3 =	vld.idx.msk [tilespmem:v4+s17+$0x0], $0xffff;
	v2 =	vor.u32 v47, v0  }
0x90c: {  	v48 =	vld [tilespmem:$0x1FC90];
	v4 =	vor.u32 v12, v1  }
0x90d: {  	v44 =	vld [tilespmem:$0x1FE80];
	_ =	sdelay $0x2  }
0x90e: {  	[tilespmem:v2+s0+$0x0] =	vst.idx.msk $0xffff, v3  }
0x90f: {  	v3 =	vor.u32 v48, v0;
	v2 =	vld.idx.msk [tilespmem:v4+s17+$0x0], $0xffff  }
0x910: {  	v49 =	vld [tilespmem:$0x1FCA0];
	v4 =	vor.u32 v44, v1  }
0x911: {  	v46 =	vld [tilespmem:$0x1FE90];
	_ =	sdelay $0x2  }
0x912: {  	[tilespmem:v3+s0+$0x0] =	vst.idx.msk $0xffff, v2  }
0x913: {  	v3 =	vor.u32 v49, v0;
	v2 =	vld.idx.msk [tilespmem:v4+s17+$0x0], $0xffff  }
0x914: {  	v50 =	vld [tilespmem:$0x1FCB0];
	v4 =	vor.u32 v46, v1  }
0x915: {  	v11 =	vld [tilespmem:$0x1FEA0];
	_ =	sdelay $0x2  }
0x916: {  	[tilespmem:v3+s0+$0x0] =	vst.idx.msk $0xffff, v2  }
0x917: {  	v3 =	vor.u32 v50, v0;
	v2 =	vld.idx.msk [tilespmem:v4+s17+$0x0], $0xffff  }
0x918: {  	v51 =	vld [tilespmem:$0x1FCC0];
	v4 =	vor.u32 v11, v1  }
0x919: {  	v45 =	vld [tilespmem:$0x1FEB0];
	_ =	sdelay $0x2  }
0x91a: {  	[tilespmem:v3+s0+$0x0] =	vst.idx.msk $0xffff, v2  }
0x91b: {  	v3 =	vor.u32 v51, v0;
	v2 =	vld.idx.msk [tilespmem:v4+s17+$0x0], $0xffff  }
0x91c: {  	v52 =	vld [tilespmem:$0x1FCD0];
	v4 =	vor.u32 v45, v1  }
0x91d: {  	v13 =	vld [tilespmem:$0x1FEC0];
	_ =	sdelay $0x2  }
0x91e: {  	[tilespmem:v3+s0+$0x0] =	vst.idx.msk $0xffff, v2  }
0x91f: {  	v3 =	vor.u32 v52, v0;
	v2 =	vld.idx.msk [tilespmem:v4+s17+$0x0], $0xffff  }
0x920: {  	v17 =	vld [tilespmem:$0x1FCE0];
	v4 =	vor.u32 v13, v1  }
0x921: {  	v14 =	vld [tilespmem:$0x1FED0];
	_ =	sdelay $0x2  }
0x922: {  	[tilespmem:v3+s0+$0x0] =	vst.idx.msk $0xffff, v2  }
0x923: {  	v3 =	vor.u32 v17, v0;
	v2 =	vld.idx.msk [tilespmem:v4+s17+$0x0], $0xffff  }
0x924: {  	v59 =	vld [tilespmem:$0x1FCF0];
	v4 =	vor.u32 v14, v1  }
0x925: {  	v15 =	vld [tilespmem:$0x1FEE0];
	_ =	sdelay $0x2  }
0x926: {  	[tilespmem:v3+s0+$0x0] =	vst.idx.msk $0xffff, v2  }
0x927: {  	v3 =	vor.u32 v59, v0;
	v2 =	vld.idx.msk [tilespmem:v4+s17+$0x0], $0xffff  }
0x928: {  	v20 =	vld [tilespmem:$0x1FD00];
	v4 =	vor.u32 v15, v1  }
0x929: {  	v16 =	vld [tilespmem:$0x1FEF0];
	_ =	sdelay $0x2  }
0x92a: {  	[tilespmem:v3+s0+$0x0] =	vst.idx.msk $0xffff, v2  }
0x92b: {  	v3 =	vor.u32 v20, v0;
	v2 =	vld.idx.msk [tilespmem:v4+s17+$0x0], $0xffff  }
0x92c: {  	v60 =	vld [tilespmem:$0x1FD10];
	v4 =	vor.u32 v16, v1  }
0x92d: {  	v57 =	vld [tilespmem:$0x1FF00];
	_ =	sdelay $0x2  }
0x92e: {  	[tilespmem:v3+s0+$0x0] =	vst.idx.msk $0xffff, v2  }
0x92f: {  	v3 =	vor.u32 v60, v0;
	v2 =	vld.idx.msk [tilespmem:v4+s17+$0x0], $0xffff  }
0x930: {  	v63 =	vld [tilespmem:$0x1FD20];
	v4 =	vor.u32 v57, v1  }
0x931: {  	v42 =	vld [tilespmem:$0x1FF10];
	_ =	sdelay $0x2  }
0x932: {  	[tilespmem:v3+s0+$0x0] =	vst.idx.msk $0xffff, v2  }
0x933: {  	v3 =	vor.u32 v63, v0;
	v2 =	vld.idx.msk [tilespmem:v4+s17+$0x0], $0xffff  }
0x934: {  	v23 =	vld [tilespmem:$0x1FD30];
	v4 =	vor.u32 v42, v1  }
0x935: {  	v18 =	vld [tilespmem:$0x1FF40];
	_ =	sdelay $0x2  }
0x936: {  	[tilespmem:v3+s0+$0x0] =	vst.idx.msk $0xffff, v2  }
0x937: {  	v3 =	vor.u32 v23, v0;
	v2 =	vld.idx.msk [tilespmem:v4+s17+$0x0], $0xffff  }
0x938: {  	v24 =	vld [tilespmem:$0x1FD40];
	v4 =	vor.u32 v18, v1  }
0x939: {  	v19 =	vld [tilespmem:$0x1FF60];
	_ =	sdelay $0x2  }
0x93a: {  	[tilespmem:v3+s0+$0x0] =	vst.idx.msk $0xffff, v2  }
0x93b: {  	v3 =	vor.u32 v24, v0;
	v2 =	vld.idx.msk [tilespmem:v4+s17+$0x0], $0xffff  }
0x93c: {  	v26 =	vld [tilespmem:$0x1FD50];
	v4 =	vor.u32 v19, v1  }
0x93d: {  	v21 =	vld [tilespmem:$0x1FF90];
	_ =	sdelay $0x2  }
0x93e: {  	[tilespmem:v3+s0+$0x0] =	vst.idx.msk $0xffff, v2  }
0x93f: {  	v3 =	vor.u32 v26, v0;
	v2 =	vld.idx.msk [tilespmem:v4+s17+$0x0], $0xffff  }
0x940: {  	v27 =	vld [tilespmem:$0x1FD60];
	v4 =	vor.u32 v21, v1  }
0x941: {  	v22 =	vld [tilespmem:$0x1FFC0];
	_ =	sdelay $0x2  }
0x942: {  	[tilespmem:v3+s0+$0x0] =	vst.idx.msk $0xffff, v2  }
0x943: {  	v3 =	vor.u32 v27, v0;
	v2 =	vld.idx.msk [tilespmem:v4+s17+$0x0], $0xffff  }
0x944: {  	v54 =	vld [tilespmem:$0x1FD70];
	v4 =	vor.u32 v22, v1  }
0x945: {  	v10 =	vld [tilespmem:$0x1FFF0];
	_ =	sdelay $0x2  }
0x946: {  	[tilespmem:v3+s0+$0x0] =	vst.idx.msk $0xffff, v2  }
0x947: {  	v3 =	vor.u32 v54, v0;
	v2 =	vld.idx.msk [tilespmem:v4+s17+$0x0], $0xffff  }
0x948: {  	v28 =	vld [tilespmem:$0x1FD80];
	v4 =	vor.u32 v10, v1  }
0x949: {  	v25 =	vld [tilespmem:$0x1FF70];
	_ =	sdelay $0x2  }
0x94a: {  	[tilespmem:v3+s0+$0x0] =	vst.idx.msk $0xffff, v2  }
0x94b: {  	v3 =	vor.u32 v28, v0;
	v2 =	vld.idx.msk [tilespmem:v4+s17+$0x0], $0xffff  }
0x94c: {  	v55 =	vld [tilespmem:$0x1FD90];
	v4 =	vor.u32 v25, v1  }
0x94d: {  	v53 =	vld [tilespmem:$0x1FFA0];
	_ =	sdelay $0x2  }
0x94e: {  	[tilespmem:v3+s0+$0x0] =	vst.idx.msk $0xffff, v2  }
0x94f: {  	v3 =	vor.u32 v55, v0;
	v2 =	vld.idx.msk [tilespmem:v4+s17+$0x0], $0xffff  }
0x950: {  	v56 =	vld [tilespmem:$0x1FDA0];
	v4 =	vor.u32 v53, v1  }
0x951: {  	v43 =	vld [tilespmem:$0x1FFD0];
	_ =	sdelay $0x2  }
0x952: {  	[tilespmem:v3+s0+$0x0] =	vst.idx.msk $0xffff, v2  }
0x953: {  	v3 =	vor.u32 v56, v0;
	v2 =	vld.idx.msk [tilespmem:v4+s17+$0x0], $0xffff  }
0x954: {  	v30 =	vld [tilespmem:$0x1FDB0];
	v4 =	vor.u32 v43, v1  }
0x955: {  	v29 =	vld [tilespmem:$0x1FBA0];
	_ =	sdelay $0x2  }
0x956: {  	[tilespmem:v3+s0+$0x0] =	vst.idx.msk $0xffff, v2  }
0x957: {  	v3 =	vor.u32 v30, v0;
	v2 =	vld.idx.msk [tilespmem:v4+s17+$0x0], $0xffff  }
0x958: {  	v31 =	vld [tilespmem:$0x1FDC0];
	v4 =	vor.u32 v29, v1  }
0x959: {  	v58 =	vld [tilespmem:$0x1FBD0];
	_ =	sdelay $0x2  }
0x95a: {  	[tilespmem:v3+s0+$0x0] =	vst.idx.msk $0xffff, v2  }
0x95b: {  	v3 =	vor.u32 v31, v0;
	v2 =	vld.idx.msk [tilespmem:v4+s17+$0x0], $0xffff  }
0x95c: {  	v33 =	vld [tilespmem:$0x1FDD0];
	v4 =	vor.u32 v58, v1  }
0x95d: {  	v61 =	vld [tilespmem:$0x1FF20];
	_ =	sdelay $0x2  }
0x95e: {  	[tilespmem:v3+s0+$0x0] =	vst.idx.msk $0xffff, v2  }
0x95f: {  	v3 =	vor.u32 v33, v0;
	v2 =	vld.idx.msk [tilespmem:v4+s17+$0x0], $0xffff  }
0x960: {  	v35 =	vld [tilespmem:$0x1FDE0];
	v4 =	vor.u32 v61, v1  }
0x961: {  	v62 =	vld [tilespmem:$0x1FF30];
	_ =	sdelay $0x2  }
0x962: {  	[tilespmem:v3+s0+$0x0] =	vst.idx.msk $0xffff, v2  }
0x963: {  	v3 =	vor.u32 v35, v0;
	v2 =	vld.idx.msk [tilespmem:v4+s17+$0x0], $0xffff  }
0x964: {  	v37 =	vld [tilespmem:$0x1FDF0];
	v4 =	vor.u32 v62, v1  }
0x965: {  	v32 =	vld [tilespmem:$0x1FF50];
	_ =	sdelay $0x2  }
0x966: {  	[tilespmem:v3+s0+$0x0] =	vst.idx.msk $0xffff, v2  }
0x967: {  	v3 =	vor.u32 v37, v0;
	v2 =	vld.idx.msk [tilespmem:v4+s17+$0x0], $0xffff  }
0x968: {  	v38 =	vld [tilespmem:$0x1FE00];
	v4 =	vor.u32 v32, v1  }
0x969: {  	v34 =	vld [tilespmem:$0x1FF80];
	_ =	sdelay $0x2  }
0x96a: {  	[tilespmem:v3+s0+$0x0] =	vst.idx.msk $0xffff, v2  }
0x96b: {  	v3 =	vor.u32 v38, v0;
	v2 =	vld.idx.msk [tilespmem:v4+s17+$0x0], $0xffff  }
0x96c: {  	v39 =	vld [tilespmem:$0x1FE10];
	v4 =	vor.u32 v34, v1  }
0x96d: {  	v36 =	vld [tilespmem:$0x1FFB0];
	_ =	sdelay $0x2  }
0x96e: {  	[tilespmem:v3+s0+$0x0] =	vst.idx.msk $0xffff, v2  }
0x96f: {  	v3 =	vor.u32 v39, v0;
	v2 =	vld.idx.msk [tilespmem:v4+s17+$0x0], $0xffff  }
0x970: {  	v8 =	vld [tilespmem:$0x1FE20];
	v4 =	vor.u32 v36, v1  }
0x971: {  	v5 =	vld [tilespmem:$0x1FFE0];
	_ =	sdelay $0x2  }
0x972: {  	[tilespmem:v3+s0+$0x0] =	vst.idx.msk $0xffff, v2  }
0x973: {  	v3 =	vor.u32 v8, v0;
	v2 =	vld.idx.msk [tilespmem:v4+s17+$0x0], $0xffff  }
0x974: {  	v9 =	vld [tilespmem:$0x1FE30];
	v4 =	vor.u32 v5, v1;
	_ =	sdelay $0x3  }
0x975: {  	v6 =	vld [tilespmem:$0x1FB50];
	[tilespmem:v3+s0+$0x0] =	vst.idx.msk $0xffff, v2  }
0x976: {  	v3 =	vor.u32 v9, v0;
	v2 =	vld.idx.msk [tilespmem:v4+s17+$0x0], $0xffff;
	_ =	sdelay $0x4  }
0x977: {  	v4 =	vor.u32 v6, v1;
	[tilespmem:v3+s0+$0x0] =	vst.idx.msk $0xffff, v2;
	v3 =	vld [tilespmem:$0x1FE40];
	_ =	sdelay $0x3  }
0x978: {  	v7 =	vld [tilespmem:$0x1FB60]  }
0x979: {  	v2 =	vld.idx.msk [tilespmem:v4+s17+$0x0], $0xffff;
	v3 =	vor.u32 v3, v0;
	_ =	sdelay $0x4  }
0x97a: {  	v4 =	vor.u32 v7, v1;
	[tilespmem:v3+s0+$0x0] =	vst.idx.msk $0xffff, v2;
	v3 =	vld [tilespmem:$0x1FE50]  }
0x97b: {  	v41 =	vld [tilespmem:$0x1FB70];
	_ =	sdelay $0x3  }
0x97c: {  	v2 =	vld.idx.msk [tilespmem:v4+s17+$0x0], $0xffff;
	v3 =	vor.u32 v3, v0  }
0x97d: {  	v4 =	vor.u32 v41, v1;
	_ =	sdelay $0x3  }
0x97e: {  	[tilespmem:v3+s0+$0x0] =	vst.idx.msk $0xffff, v2;
	v3 =	vld [tilespmem:$0x1FE60]  }
0x97f: {  	v2 =	vld.idx.msk [tilespmem:v4+s17+$0x0], $0xffff  }
0x980: {  	v4 =	vld [tilespmem:$0x1FC70];
	_ =	sdelay $0x3  }
0x981: {  	v3 =	vor.u32 v3, v0  }
0x982: {  	v1 =	vor.u32 v4, v1;
	_ =	sdelay $0x3  }
0x983: {  	[tilespmem:v3+s0+$0x0] =	vst.idx.msk $0xffff, v2  }
0x984: {  	v2 =	vld.idx.msk [tilespmem:v1+s17+$0x0], $0xffff;
	v1 =	vlaneseq.u32  }
0x985: {  	v3 =	vor.u32 s6, v1  }
0x986: {  	v0 =	vor.u32 v40, v0;
	v40 =	vlaneseq.u32;
	v1 =	vshll.u32 v3, $0x5  }
0x987: {  	v4 =	vor.u32 v40, v1;
	_ =	sdelay $0x3  }
0x988: {  	[tilespmem:v0+s0+$0x0] =	vst.idx.msk $0xffff, v2;
	v0 =	vand.u32 $0x1F8, v3  }
0x989: {  	v3 =	vor.u32 v47, v0;
	v2 =	vld.idx.msk [tilespmem:v4+s17+$0x0], $0xffff  }
0x98a: {  	v4 =	vor.u32 v12, v1;
	_ =	sdelay $0x3  }
0x98b: {  	[tilespmem:v3+s0+$0x0] =	vst.idx.msk $0xffff, v2  }
0x98c: {  	v3 =	vor.u32 v48, v0;
	v2 =	vld.idx.msk [tilespmem:v4+s17+$0x0], $0xffff  }
0x98d: {  	v4 =	vor.u32 v44, v1;
	_ =	sdelay $0x3  }
0x98e: {  	[tilespmem:v3+s0+$0x0] =	vst.idx.msk $0xffff, v2  }
0x98f: {  	v3 =	vor.u32 v49, v0;
	v2 =	vld.idx.msk [tilespmem:v4+s17+$0x0], $0xffff  }
0x990: {  	v4 =	vor.u32 v46, v1;
	_ =	sdelay $0x3  }
0x991: {  	[tilespmem:v3+s0+$0x0] =	vst.idx.msk $0xffff, v2  }
0x992: {  	v3 =	vor.u32 v50, v0;
	v2 =	vld.idx.msk [tilespmem:v4+s17+$0x0], $0xffff  }
0x993: {  	v4 =	vor.u32 v11, v1;
	_ =	sdelay $0x3  }
0x994: {  	[tilespmem:v3+s0+$0x0] =	vst.idx.msk $0xffff, v2  }
0x995: {  	v3 =	vor.u32 v51, v0;
	v2 =	vld.idx.msk [tilespmem:v4+s17+$0x0], $0xffff  }
0x996: {  	v4 =	vor.u32 v45, v1;
	_ =	sdelay $0x3  }
0x997: {  	[tilespmem:v3+s0+$0x0] =	vst.idx.msk $0xffff, v2  }
0x998: {  	v3 =	vor.u32 v52, v0;
	v2 =	vld.idx.msk [tilespmem:v4+s17+$0x0], $0xffff  }
0x999: {  	v4 =	vor.u32 v13, v1;
	_ =	sdelay $0x3  }
0x99a: {  	[tilespmem:v3+s0+$0x0] =	vst.idx.msk $0xffff, v2  }
0x99b: {  	v3 =	vor.u32 v17, v0;
	v2 =	vld.idx.msk [tilespmem:v4+s17+$0x0], $0xffff  }
0x99c: {  	v4 =	vor.u32 v14, v1;
	_ =	sdelay $0x3  }
0x99d: {  	[tilespmem:v3+s0+$0x0] =	vst.idx.msk $0xffff, v2  }
0x99e: {  	v3 =	vor.u32 v59, v0;
	v2 =	vld.idx.msk [tilespmem:v4+s17+$0x0], $0xffff  }
0x99f: {  	v4 =	vor.u32 v15, v1;
	_ =	sdelay $0x3  }
0x9a0: {  	[tilespmem:v3+s0+$0x0] =	vst.idx.msk $0xffff, v2  }
0x9a1: {  	v3 =	vor.u32 v20, v0;
	v2 =	vld.idx.msk [tilespmem:v4+s17+$0x0], $0xffff  }
0x9a2: {  	v4 =	vor.u32 v16, v1;
	_ =	sdelay $0x3  }
0x9a3: {  	[tilespmem:v3+s0+$0x0] =	vst.idx.msk $0xffff, v2  }
0x9a4: {  	v3 =	vor.u32 v60, v0;
	v2 =	vld.idx.msk [tilespmem:v4+s17+$0x0], $0xffff  }
0x9a5: {  	v4 =	vor.u32 v57, v1;
	_ =	sdelay $0x3  }
0x9a6: {  	[tilespmem:v3+s0+$0x0] =	vst.idx.msk $0xffff, v2  }
0x9a7: {  	v3 =	vor.u32 v63, v0;
	v2 =	vld.idx.msk [tilespmem:v4+s17+$0x0], $0xffff  }
0x9a8: {  	v4 =	vor.u32 v42, v1;
	_ =	sdelay $0x3  }
0x9a9: {  	[tilespmem:v3+s0+$0x0] =	vst.idx.msk $0xffff, v2  }
0x9aa: {  	v3 =	vor.u32 v23, v0;
	v2 =	vld.idx.msk [tilespmem:v4+s17+$0x0], $0xffff  }
0x9ab: {  	v4 =	vor.u32 v18, v1;
	_ =	sdelay $0x3  }
0x9ac: {  	[tilespmem:v3+s0+$0x0] =	vst.idx.msk $0xffff, v2  }
0x9ad: {  	v3 =	vor.u32 v24, v0;
	v2 =	vld.idx.msk [tilespmem:v4+s17+$0x0], $0xffff  }
0x9ae: {  	v4 =	vor.u32 v19, v1;
	_ =	sdelay $0x3  }
0x9af: {  	[tilespmem:v3+s0+$0x0] =	vst.idx.msk $0xffff, v2  }
0x9b0: {  	v3 =	vor.u32 v26, v0;
	v2 =	vld.idx.msk [tilespmem:v4+s17+$0x0], $0xffff  }
0x9b1: {  	v4 =	vor.u32 v21, v1;
	_ =	sdelay $0x3  }
0x9b2: {  	[tilespmem:v3+s0+$0x0] =	vst.idx.msk $0xffff, v2  }
0x9b3: {  	v3 =	vor.u32 v27, v0;
	v2 =	vld.idx.msk [tilespmem:v4+s17+$0x0], $0xffff  }
0x9b4: {  	v4 =	vor.u32 v22, v1;
	_ =	sdelay $0x3  }
0x9b5: {  	[tilespmem:v3+s0+$0x0] =	vst.idx.msk $0xffff, v2  }
0x9b6: {  	v3 =	vor.u32 v54, v0;
	v2 =	vld.idx.msk [tilespmem:v4+s17+$0x0], $0xffff  }
0x9b7: {  	v4 =	vor.u32 v10, v1;
	_ =	sdelay $0x3  }
0x9b8: {  	[tilespmem:v3+s0+$0x0] =	vst.idx.msk $0xffff, v2  }
0x9b9: {  	v3 =	vor.u32 v28, v0;
	v2 =	vld.idx.msk [tilespmem:v4+s17+$0x0], $0xffff  }
0x9ba: {  	v4 =	vor.u32 v25, v1;
	_ =	sdelay $0x3  }
0x9bb: {  	[tilespmem:v3+s0+$0x0] =	vst.idx.msk $0xffff, v2  }
0x9bc: {  	v3 =	vor.u32 v55, v0;
	v2 =	vld.idx.msk [tilespmem:v4+s17+$0x0], $0xffff  }
0x9bd: {  	v4 =	vor.u32 v53, v1;
	_ =	sdelay $0x3  }
0x9be: {  	[tilespmem:v3+s0+$0x0] =	vst.idx.msk $0xffff, v2  }
0x9bf: {  	v3 =	vor.u32 v56, v0;
	v2 =	vld.idx.msk [tilespmem:v4+s17+$0x0], $0xffff  }
0x9c0: {  	v4 =	vor.u32 v43, v1;
	_ =	sdelay $0x3  }
0x9c1: {  	[tilespmem:v3+s0+$0x0] =	vst.idx.msk $0xffff, v2  }
0x9c2: {  	v3 =	vor.u32 v30, v0;
	v2 =	vld.idx.msk [tilespmem:v4+s17+$0x0], $0xffff  }
0x9c3: {  	v4 =	vor.u32 v29, v1;
	_ =	sdelay $0x3  }
0x9c4: {  	[tilespmem:v3+s0+$0x0] =	vst.idx.msk $0xffff, v2  }
0x9c5: {  	v3 =	vor.u32 v31, v0;
	v2 =	vld.idx.msk [tilespmem:v4+s17+$0x0], $0xffff  }
0x9c6: {  	v4 =	vor.u32 v58, v1;
	_ =	sdelay $0x3  }
0x9c7: {  	[tilespmem:v3+s0+$0x0] =	vst.idx.msk $0xffff, v2  }
0x9c8: {  	v3 =	vor.u32 v33, v0;
	v2 =	vld.idx.msk [tilespmem:v4+s17+$0x0], $0xffff  }
0x9c9: {  	v4 =	vor.u32 v61, v1;
	_ =	sdelay $0x3  }
0x9ca: {  	[tilespmem:v3+s0+$0x0] =	vst.idx.msk $0xffff, v2  }
0x9cb: {  	v3 =	vor.u32 v35, v0;
	v2 =	vld.idx.msk [tilespmem:v4+s17+$0x0], $0xffff  }
0x9cc: {  	v4 =	vor.u32 v62, v1;
	_ =	sdelay $0x3  }
0x9cd: {  	[tilespmem:v3+s0+$0x0] =	vst.idx.msk $0xffff, v2  }
0x9ce: {  	v3 =	vor.u32 v37, v0;
	v2 =	vld.idx.msk [tilespmem:v4+s17+$0x0], $0xffff  }
0x9cf: {  	v4 =	vor.u32 v32, v1;
	_ =	sdelay $0x3  }
0x9d0: {  	[tilespmem:v3+s0+$0x0] =	vst.idx.msk $0xffff, v2  }
0x9d1: {  	v3 =	vor.u32 v38, v0;
	v2 =	vld.idx.msk [tilespmem:v4+s17+$0x0], $0xffff  }
0x9d2: {  	v4 =	vor.u32 v34, v1;
	_ =	sdelay $0x3  }
0x9d3: {  	[tilespmem:v3+s0+$0x0] =	vst.idx.msk $0xffff, v2  }
0x9d4: {  	v3 =	vor.u32 v39, v0;
	v2 =	vld.idx.msk [tilespmem:v4+s17+$0x0], $0xffff  }
0x9d5: {  	v4 =	vor.u32 v36, v1;
	_ =	sdelay $0x3  }
0x9d6: {  	[tilespmem:v3+s0+$0x0] =	vst.idx.msk $0xffff, v2  }
0x9d7: {  	v3 =	vor.u32 v8, v0;
	v2 =	vld.idx.msk [tilespmem:v4+s17+$0x0], $0xffff  }
0x9d8: {  	v4 =	vor.u32 v5, v1;
	_ =	sdelay $0x3  }
0x9d9: {  	[tilespmem:v3+s0+$0x0] =	vst.idx.msk $0xffff, v2  }
0x9da: {  	v3 =	vor.u32 v9, v0;
	v2 =	vld.idx.msk [tilespmem:v4+s17+$0x0], $0xffff;
	_ =	sdelay $0x4  }
0x9db: {  	v4 =	vor.u32 v6, v1;
	[tilespmem:v3+s0+$0x0] =	vst.idx.msk $0xffff, v2;
	v3 =	vld [tilespmem:$0x1FE40];
	_ =	sdelay $0x4  }
0x9dc: {  	v2 =	vld.idx.msk [tilespmem:v4+s17+$0x0], $0xffff;
	v3 =	vor.u32 v3, v0;
	_ =	sdelay $0x4  }
0x9dd: {  	v4 =	vor.u32 v7, v1;
	[tilespmem:v3+s0+$0x0] =	vst.idx.msk $0xffff, v2;
	v3 =	vld [tilespmem:$0x1FE50];
	_ =	sdelay $0x4  }
0x9de: {  	v2 =	vld.idx.msk [tilespmem:v4+s17+$0x0], $0xffff;
	v3 =	vor.u32 v3, v0  }
0x9df: {  	v4 =	vor.u32 v41, v1;
	_ =	sdelay $0x3  }
0x9e0: {  	[tilespmem:v3+s0+$0x0] =	vst.idx.msk $0xffff, v2;
	v3 =	vld [tilespmem:$0x1FE60]  }
0x9e1: {  	s1 =	sadd.s32 $0x2, s1;
	v2 =	vld.idx.msk [tilespmem:v4+s17+$0x0], $0xffff  }
0x9e2: {  	p0 =	slt.u32 s1, $0x1E;
	v4 =	vld [tilespmem:$0x1FC70]  }
.Ltmp5:
0x9e3: {  	_ = 	snop;
	(pc) =	sbr.rel @p0 .LBB2_12-.Ltmp5, $2  }
0x9e4: {  	_ =	sdelay $0x2  }
0x9e5: {  	s6 =	sadd.s32 $0x20, s6;
	v3 =	vor.u32 v3, v0;
	v1 =	vor.u32 v4, v1  }
0x9e6: {  	v40 =	vld [tilespmem:$0x1FB80];
	_ =	sdelay $0x3  }
0x9e7: {  	[tilespmem:v3+s0+$0x0] =	vst.idx.msk $0xffff, v2  }
0x9e8: {  	v1 =	vld.idx.msk [tilespmem:v1+s17+$0x0], $0xffff;
	v0 =	vor.u32 v40, v0;
	_ =	sdelay $0x4  }
0x9e9: {  	s6 =	rddreg [dreg:$0x5];
	[tilespmem:v0+s0+$0x0] =	vst.idx.msk $0xffff, v1  }
0x9ea: {  	[hbm4b:s6+s13] =	stream.strided.scatter [tilespmem:s0], [sflag:$0x4], $0x4000, s14, s13, $0x38;
	[tilespmem:$0x16400] =	vst v63  }
0x9eb: {  	_ =	swait.ge [sflag:s26], $0x4000  }
0x9ec: {  	s1 =	simm.s32 $0x0;
	v0 =	vlaneseq.u32;
	[sflag:s26] =	ssyncset.done $0x0  }
0x9ed: {  	v1 =	vor.u32 s1, v0;
	[sflag:s26] =	ssyncadd.s32 $0xFFFFC000  }
0x9ee: {  	v2 =	vlaneseq.u32;
	v0 =	vshll.u32 v1, $0x5;
	_ =	swait.ge [sflag:s19], $0x4000  }
0x9ef: {  	v2 =	vor.u32 v2, v0;
	v53 =	vld [tilespmem:$0x1FC80]  }
0x9f0: {  	v9 =	vld [tilespmem:$0x1FE70];
	_ =	sdelay $0x1  }
0x9f1: {  	[sflag:s19] =	ssyncset.done $0x0  }
0x9f2: {  	v1 =	vand.u32 $0x1E8, v1;
	[sflag:s19] =	ssyncadd.s32 $0xFFFFC000  }
0x9f3: {  	v2 =	vld.idx.msk [tilespmem:v2+s23+$0x0], $0xffff;
	v3 =	vor.u32 v53, v1  }
0x9f4: {  	v44 =	vld [tilespmem:$0x1FC90];
	v4 =	vor.u32 v9, v0  }
0x9f5: {  	v29 =	vld [tilespmem:$0x1FE80];
	_ =	sdelay $0x2  }
0x9f6: {  	[tilespmem:v3+s29+$0x0] =	vst.idx.msk $0xffff, v2  }
0x9f7: {  	v3 =	vor.u32 v44, v1;
	v2 =	vld.idx.msk [tilespmem:v4+s23+$0x0], $0xffff  }
0x9f8: {  	v58 =	vld [tilespmem:$0x1FCA0];
	v4 =	vor.u32 v29, v0  }
0x9f9: {  	v52 =	vld [tilespmem:$0x1FE90];
	_ =	sdelay $0x2  }
0x9fa: {  	[tilespmem:v3+s29+$0x0] =	vst.idx.msk $0xffff, v2  }
0x9fb: {  	v3 =	vor.u32 v58, v1;
	v2 =	vld.idx.msk [tilespmem:v4+s23+$0x0], $0xffff  }
0x9fc: {  	v21 =	vld [tilespmem:$0x1FCB0];
	v4 =	vor.u32 v52, v0  }
0x9fd: {  	v54 =	vld [tilespmem:$0x1FEA0];
	_ =	sdelay $0x2  }
0x9fe: {  	[tilespmem:v3+s29+$0x0] =	vst.idx.msk $0xffff, v2  }
0x9ff: {  	v3 =	vor.u32 v21, v1;
	v2 =	vld.idx.msk [tilespmem:v4+s23+$0x0], $0xffff  }
0xa00: {  	v13 =	vld [tilespmem:$0x1FCC0];
	v4 =	vor.u32 v54, v0  }
0xa01: {  	v55 =	vld [tilespmem:$0x1FEB0];
	_ =	sdelay $0x2  }
0xa02: {  	[tilespmem:v3+s29+$0x0] =	vst.idx.msk $0xffff, v2  }
0xa03: {  	v3 =	vor.u32 v13, v1;
	v2 =	vld.idx.msk [tilespmem:v4+s23+$0x0], $0xffff  }
0xa04: {  	v14 =	vld [tilespmem:$0x1FCD0];
	v4 =	vor.u32 v55, v0  }
0xa05: {  	v56 =	vld [tilespmem:$0x1FEC0];
	_ =	sdelay $0x2  }
0xa06: {  	[tilespmem:v3+s29+$0x0] =	vst.idx.msk $0xffff, v2  }
0xa07: {  	v3 =	vor.u32 v14, v1;
	v2 =	vld.idx.msk [tilespmem:v4+s23+$0x0], $0xffff  }
0xa08: {  	v15 =	vld [tilespmem:$0x1FCE0];
	v4 =	vor.u32 v56, v0  }
0xa09: {  	v57 =	vld [tilespmem:$0x1FED0];
	_ =	sdelay $0x2  }
0xa0a: {  	[tilespmem:v3+s29+$0x0] =	vst.idx.msk $0xffff, v2  }
0xa0b: {  	v3 =	vor.u32 v15, v1;
	v2 =	vld.idx.msk [tilespmem:v4+s23+$0x0], $0xffff  }
0xa0c: {  	v16 =	vld [tilespmem:$0x1FCF0];
	v4 =	vor.u32 v57, v0  }
0xa0d: {  	v61 =	vld [tilespmem:$0x1FEE0];
	_ =	sdelay $0x2  }
0xa0e: {  	[tilespmem:v3+s29+$0x0] =	vst.idx.msk $0xffff, v2  }
0xa0f: {  	v3 =	vor.u32 v16, v1;
	v2 =	vld.idx.msk [tilespmem:v4+s23+$0x0], $0xffff  }
0xa10: {  	v17 =	vld [tilespmem:$0x1FD00];
	v4 =	vor.u32 v61, v0  }
0xa11: {  	v62 =	vld [tilespmem:$0x1FEF0];
	_ =	sdelay $0x2  }
0xa12: {  	[tilespmem:v3+s29+$0x0] =	vst.idx.msk $0xffff, v2  }
0xa13: {  	v3 =	vor.u32 v17, v1;
	v2 =	vld.idx.msk [tilespmem:v4+s23+$0x0], $0xffff  }
0xa14: {  	v18 =	vld [tilespmem:$0x1FD10];
	v4 =	vor.u32 v62, v0  }
0xa15: {  	v63 =	vld [tilespmem:$0x1FF00];
	_ =	sdelay $0x2  }
0xa16: {  	[tilespmem:v3+s29+$0x0] =	vst.idx.msk $0xffff, v2  }
0xa17: {  	v3 =	vor.u32 v18, v1;
	v2 =	vld.idx.msk [tilespmem:v4+s23+$0x0], $0xffff  }
0xa18: {  	v4 =	vor.u32 v63, v0;
	_ =	sdelay $0x3  }
0xa19: {  	v19 =	vld [tilespmem:$0x1FD20];
	[tilespmem:v3+s29+$0x0] =	vst.idx.msk $0xffff, v2  }
0xa1a: {  	v2 =	vld.idx.msk [tilespmem:v4+s23+$0x0], $0xffff  }
0xa1b: {  	v4 =	vld [tilespmem:$0x1FF10];
	_ =	sdelay $0x3  }
0xa1c: {  	v3 =	vor.u32 v19, v1  }
0xa1d: {  	v4 =	vor.u32 v4, v0;
	_ =	sdelay $0x3  }
0xa1e: {  	v20 =	vld [tilespmem:$0x1FD30];
	[tilespmem:v3+s29+$0x0] =	vst.idx.msk $0xffff, v2  }
0xa1f: {  	v2 =	vld.idx.msk [tilespmem:v4+s23+$0x0], $0xffff  }
0xa20: {  	v4 =	vld [tilespmem:$0x1FF40];
	_ =	sdelay $0x3  }
0xa21: {  	v3 =	vor.u32 v20, v1  }
0xa22: {  	v4 =	vor.u32 v4, v0;
	_ =	sdelay $0x3  }
0xa23: {  	v23 =	vld [tilespmem:$0x1FD40];
	[tilespmem:v3+s29+$0x0] =	vst.idx.msk $0xffff, v2  }
0xa24: {  	v2 =	vld.idx.msk [tilespmem:v4+s23+$0x0], $0xffff  }
0xa25: {  	v4 =	vld [tilespmem:$0x1FF60];
	_ =	sdelay $0x3  }
0xa26: {  	v3 =	vor.u32 v23, v1  }
0xa27: {  	v22 =	vld [tilespmem:$0x1FD50];
	v4 =	vor.u32 v4, v0  }
0xa28: {  	v59 =	vld [tilespmem:$0x1FF90];
	_ =	sdelay $0x2  }
0xa29: {  	[tilespmem:v3+s29+$0x0] =	vst.idx.msk $0xffff, v2  }
0xa2a: {  	v3 =	vor.u32 v22, v1;
	v2 =	vld.idx.msk [tilespmem:v4+s23+$0x0], $0xffff  }
0xa2b: {  	v4 =	vor.u32 v59, v0;
	_ =	sdelay $0x3  }
0xa2c: {  	v30 =	vld [tilespmem:$0x1FD60];
	[tilespmem:v3+s29+$0x0] =	vst.idx.msk $0xffff, v2  }
0xa2d: {  	v2 =	vld.idx.msk [tilespmem:v4+s23+$0x0], $0xffff  }
0xa2e: {  	v4 =	vld [tilespmem:$0x1FFC0];
	_ =	sdelay $0x3  }
0xa2f: {  	v3 =	vor.u32 v30, v1  }
0xa30: {  	v24 =	vld [tilespmem:$0x1FD70];
	v4 =	vor.u32 v4, v0  }
0xa31: {  	v10 =	vld [tilespmem:$0x1FFF0];
	_ =	sdelay $0x2  }
0xa32: {  	[tilespmem:v3+s29+$0x0] =	vst.idx.msk $0xffff, v2  }
0xa33: {  	v3 =	vor.u32 v24, v1;
	v2 =	vld.idx.msk [tilespmem:v4+s23+$0x0], $0xffff  }
0xa34: {  	v25 =	vld [tilespmem:$0x1FD80];
	v4 =	vor.u32 v10, v0  }
0xa35: {  	v60 =	vld [tilespmem:$0x1FF70];
	_ =	sdelay $0x2  }
0xa36: {  	[tilespmem:v3+s29+$0x0] =	vst.idx.msk $0xffff, v2  }
0xa37: {  	v3 =	vor.u32 v25, v1;
	v2 =	vld.idx.msk [tilespmem:v4+s23+$0x0], $0xffff  }
0xa38: {  	v28 =	vld [tilespmem:$0x1FD90];
	v4 =	vor.u32 v60, v0  }
0xa39: {  	v50 =	vld [tilespmem:$0x1FFA0];
	_ =	sdelay $0x2  }
0xa3a: {  	[tilespmem:v3+s29+$0x0] =	vst.idx.msk $0xffff, v2  }
0xa3b: {  	v3 =	vor.u32 v28, v1;
	v2 =	vld.idx.msk [tilespmem:v4+s23+$0x0], $0xffff  }
0xa3c: {  	v27 =	vld [tilespmem:$0x1FDA0];
	v4 =	vor.u32 v50, v0  }
0xa3d: {  	v12 =	vld [tilespmem:$0x1FFD0];
	_ =	sdelay $0x2  }
0xa3e: {  	[tilespmem:v3+s29+$0x0] =	vst.idx.msk $0xffff, v2  }
0xa3f: {  	v3 =	vor.u32 v27, v1;
	v2 =	vld.idx.msk [tilespmem:v4+s23+$0x0], $0xffff  }
0xa40: {  	v35 =	vld [tilespmem:$0x1FDB0];
	v4 =	vor.u32 v12, v0  }
0xa41: {  	v47 =	vld [tilespmem:$0x1FBA0];
	_ =	sdelay $0x2  }
0xa42: {  	[tilespmem:v3+s29+$0x0] =	vst.idx.msk $0xffff, v2  }
0xa43: {  	v3 =	vor.u32 v35, v1;
	v2 =	vld.idx.msk [tilespmem:v4+s23+$0x0], $0xffff  }
0xa44: {  	v39 =	vld [tilespmem:$0x1FDC0];
	v4 =	vor.u32 v47, v0  }
0xa45: {  	v48 =	vld [tilespmem:$0x1FBD0];
	_ =	sdelay $0x2  }
0xa46: {  	[tilespmem:v3+s29+$0x0] =	vst.idx.msk $0xffff, v2  }
0xa47: {  	v3 =	vor.u32 v39, v1;
	v2 =	vld.idx.msk [tilespmem:v4+s23+$0x0], $0xffff  }
0xa48: {  	v32 =	vld [tilespmem:$0x1FDD0];
	v4 =	vor.u32 v48, v0  }
0xa49: {  	v42 =	vld [tilespmem:$0x1FF20];
	_ =	sdelay $0x2  }
0xa4a: {  	[tilespmem:v3+s29+$0x0] =	vst.idx.msk $0xffff, v2  }
0xa4b: {  	v3 =	vor.u32 v32, v1;
	v2 =	vld.idx.msk [tilespmem:v4+s23+$0x0], $0xffff  }
0xa4c: {  	v31 =	vld [tilespmem:$0x1FDE0];
	v4 =	vor.u32 v42, v0  }
0xa4d: {  	v45 =	vld [tilespmem:$0x1FF30];
	_ =	sdelay $0x2  }
0xa4e: {  	[tilespmem:v3+s29+$0x0] =	vst.idx.msk $0xffff, v2  }
0xa4f: {  	v3 =	vor.u32 v31, v1;
	v2 =	vld.idx.msk [tilespmem:v4+s23+$0x0], $0xffff  }
0xa50: {  	v36 =	vld [tilespmem:$0x1FDF0];
	v4 =	vor.u32 v45, v0  }
0xa51: {  	v5 =	vld [tilespmem:$0x1FF50];
	_ =	sdelay $0x2  }
0xa52: {  	[tilespmem:v3+s29+$0x0] =	vst.idx.msk $0xffff, v2  }
0xa53: {  	v3 =	vor.u32 v36, v1;
	v2 =	vld.idx.msk [tilespmem:v4+s23+$0x0], $0xffff  }
0xa54: {  	v33 =	vld [tilespmem:$0x1FE00];
	v4 =	vor.u32 v5, v0  }
0xa55: {  	v49 =	vld [tilespmem:$0x1FF80];
	_ =	sdelay $0x2  }
0xa56: {  	[tilespmem:v3+s29+$0x0] =	vst.idx.msk $0xffff, v2  }
0xa57: {  	v3 =	vor.u32 v33, v1;
	v2 =	vld.idx.msk [tilespmem:v4+s23+$0x0], $0xffff  }
0xa58: {  	v34 =	vld [tilespmem:$0x1FE10];
	v4 =	vor.u32 v49, v0  }
0xa59: {  	v26 =	vld [tilespmem:$0x1FFB0];
	_ =	sdelay $0x2  }
0xa5a: {  	[tilespmem:v3+s29+$0x0] =	vst.idx.msk $0xffff, v2  }
0xa5b: {  	v3 =	vor.u32 v34, v1;
	v2 =	vld.idx.msk [tilespmem:v4+s23+$0x0], $0xffff  }
0xa5c: {  	v41 =	vld [tilespmem:$0x1FE20];
	v4 =	vor.u32 v26, v0  }
0xa5d: {  	v46 =	vld [tilespmem:$0x1FFE0];
	_ =	sdelay $0x2  }
0xa5e: {  	[tilespmem:v3+s29+$0x0] =	vst.idx.msk $0xffff, v2  }
0xa5f: {  	v3 =	vor.u32 v41, v1;
	v2 =	vld.idx.msk [tilespmem:v4+s23+$0x0], $0xffff  }
0xa60: {  	v8 =	vld [tilespmem:$0x1FE30];
	v4 =	vor.u32 v46, v0  }
0xa61: {  	v6 =	vld [tilespmem:$0x1FB50];
	_ =	sdelay $0x2  }
0xa62: {  	[tilespmem:v3+s29+$0x0] =	vst.idx.msk $0xffff, v2  }
0xa63: {  	v3 =	vor.u32 v8, v1;
	v2 =	vld.idx.msk [tilespmem:v4+s23+$0x0], $0xffff  }
0xa64: {  	v37 =	vld [tilespmem:$0x1FE40];
	v4 =	vor.u32 v6, v0  }
0xa65: {  	v7 =	vld [tilespmem:$0x1FB60];
	_ =	sdelay $0x2  }
0xa66: {  	[tilespmem:v3+s29+$0x0] =	vst.idx.msk $0xffff, v2  }
0xa67: {  	v3 =	vor.u32 v37, v1;
	v2 =	vld.idx.msk [tilespmem:v4+s23+$0x0], $0xffff  }
0xa68: {  	v38 =	vld [tilespmem:$0x1FE50];
	v4 =	vor.u32 v7, v0  }
0xa69: {  	v43 =	vld [tilespmem:$0x1FB70];
	_ =	sdelay $0x2  }
0xa6a: {  	[tilespmem:v3+s29+$0x0] =	vst.idx.msk $0xffff, v2  }
0xa6b: {  	v3 =	vor.u32 v38, v1;
	v2 =	vld.idx.msk [tilespmem:v4+s23+$0x0], $0xffff  }
0xa6c: {  	v51 =	vld [tilespmem:$0x1FE60];
	v4 =	vor.u32 v43, v0;
	_ =	sdelay $0x1  }
0xa6d: {  	v11 =	vld [tilespmem:$0x1FC70];
	_ =	sdelay $0x1  }
0xa6e: {  	[tilespmem:v3+s29+$0x0] =	vst.idx.msk $0xffff, v2  }
0xa6f: {  	v3 =	vor.u32 v51, v1;
	v2 =	vld.idx.msk [tilespmem:v4+s23+$0x0], $0xffff;
	_ =	sdelay $0x1  }
0xa70: {  	v0 =	vor.u32 v11, v0;
	_ =	sdelay $0x2  }
0xa71: {  	s24 =	simm.s32 $0x10;
	[tilespmem:v3+s29+$0x0] =	vst.idx.msk $0xffff, v2;
	v2 =	vlaneseq.u32  }
0xa72: {  	v2 =	vor.u32 s24, v2  }
0xa73: {  	v1 =	vor.u32 v40, v1;
	v40 =	vlaneseq.u32;
	v0 =	vld.idx.msk [tilespmem:v0+s23+$0x0], $0xffff;
	v4 =	vshll.u32 v2, $0x5  }
0xa74: {  	v3 =	vor.u32 v40, v4;
	_ =	sdelay $0x3  }
0xa75: {  	[tilespmem:v1+s29+$0x0] =	vst.idx.msk $0xffff, v0;
	v0 =	vand.u32 $0x1F8, v2  }
0xa76: {  	v2 =	vor.u32 v53, v0;
	v1 =	vld.idx.msk [tilespmem:v3+s23+$0x0], $0xffff  }
0xa77: {  	v3 =	vor.u32 v9, v4;
	_ =	sdelay $0x3  }
0xa78: {  	[tilespmem:v2+s29+$0x0] =	vst.idx.msk $0xffff, v1  }
0xa79: {  	v2 =	vor.u32 v44, v0;
	v1 =	vld.idx.msk [tilespmem:v3+s23+$0x0], $0xffff  }
0xa7a: {  	v3 =	vor.u32 v29, v4;
	_ =	sdelay $0x3  }
0xa7b: {  	[tilespmem:v2+s29+$0x0] =	vst.idx.msk $0xffff, v1  }
0xa7c: {  	v2 =	vor.u32 v58, v0;
	v1 =	vld.idx.msk [tilespmem:v3+s23+$0x0], $0xffff  }
0xa7d: {  	v3 =	vor.u32 v52, v4;
	_ =	sdelay $0x3  }
0xa7e: {  	[tilespmem:v2+s29+$0x0] =	vst.idx.msk $0xffff, v1  }
0xa7f: {  	v2 =	vor.u32 v21, v0;
	v1 =	vld.idx.msk [tilespmem:v3+s23+$0x0], $0xffff  }
0xa80: {  	v3 =	vor.u32 v54, v4;
	_ =	sdelay $0x3  }
0xa81: {  	[tilespmem:v2+s29+$0x0] =	vst.idx.msk $0xffff, v1  }
0xa82: {  	v2 =	vor.u32 v13, v0;
	v1 =	vld.idx.msk [tilespmem:v3+s23+$0x0], $0xffff  }
0xa83: {  	v3 =	vor.u32 v55, v4;
	_ =	sdelay $0x3  }
0xa84: {  	[tilespmem:v2+s29+$0x0] =	vst.idx.msk $0xffff, v1  }
0xa85: {  	v2 =	vor.u32 v14, v0;
	v1 =	vld.idx.msk [tilespmem:v3+s23+$0x0], $0xffff  }
0xa86: {  	v3 =	vor.u32 v56, v4;
	_ =	sdelay $0x3  }
0xa87: {  	[tilespmem:v2+s29+$0x0] =	vst.idx.msk $0xffff, v1  }
0xa88: {  	v2 =	vor.u32 v15, v0;
	v1 =	vld.idx.msk [tilespmem:v3+s23+$0x0], $0xffff  }
0xa89: {  	v3 =	vor.u32 v57, v4;
	_ =	sdelay $0x3  }
0xa8a: {  	[tilespmem:v2+s29+$0x0] =	vst.idx.msk $0xffff, v1  }
0xa8b: {  	v2 =	vor.u32 v16, v0;
	v1 =	vld.idx.msk [tilespmem:v3+s23+$0x0], $0xffff  }
0xa8c: {  	v3 =	vor.u32 v61, v4;
	_ =	sdelay $0x3  }
0xa8d: {  	[tilespmem:v2+s29+$0x0] =	vst.idx.msk $0xffff, v1  }
0xa8e: {  	v2 =	vor.u32 v17, v0;
	v1 =	vld.idx.msk [tilespmem:v3+s23+$0x0], $0xffff  }
0xa8f: {  	v3 =	vor.u32 v62, v4;
	_ =	sdelay $0x3  }
0xa90: {  	[tilespmem:v2+s29+$0x0] =	vst.idx.msk $0xffff, v1  }
0xa91: {  	v2 =	vor.u32 v18, v0;
	v1 =	vld.idx.msk [tilespmem:v3+s23+$0x0], $0xffff  }
0xa92: {  	v3 =	vor.u32 v63, v4;
	_ =	sdelay $0x3  }
0xa93: {  	[tilespmem:v2+s29+$0x0] =	vst.idx.msk $0xffff, v1  }
0xa94: {  	v1 =	vld.idx.msk [tilespmem:v3+s23+$0x0], $0xffff  }
0xa95: {  	v3 =	vld [tilespmem:$0x1FF10];
	_ =	sdelay $0x3  }
0xa96: {  	v2 =	vor.u32 v19, v0  }
0xa97: {  	v3 =	vor.u32 v3, v4  }
0xa98: {  	v21 =	vld [tilespmem:$0x1FF40];
	_ =	sdelay $0x2  }
0xa99: {  	[tilespmem:v2+s29+$0x0] =	vst.idx.msk $0xffff, v1  }
0xa9a: {  	v2 =	vor.u32 v20, v0;
	v1 =	vld.idx.msk [tilespmem:v3+s23+$0x0], $0xffff  }
0xa9b: {  	v3 =	vor.u32 v21, v4  }
0xa9c: {  	v57 =	vld [tilespmem:$0x1FF60];
	_ =	sdelay $0x2  }
0xa9d: {  	[tilespmem:v2+s29+$0x0] =	vst.idx.msk $0xffff, v1  }
0xa9e: {  	v2 =	vor.u32 v23, v0;
	v1 =	vld.idx.msk [tilespmem:v3+s23+$0x0], $0xffff  }
0xa9f: {  	v3 =	vor.u32 v57, v4;
	_ =	sdelay $0x3  }
0xaa0: {  	[tilespmem:v2+s29+$0x0] =	vst.idx.msk $0xffff, v1  }
0xaa1: {  	v2 =	vor.u32 v22, v0;
	v1 =	vld.idx.msk [tilespmem:v3+s23+$0x0], $0xffff  }
0xaa2: {  	v3 =	vor.u32 v59, v4;
	_ =	sdelay $0x3  }
0xaa3: {  	[tilespmem:v2+s29+$0x0] =	vst.idx.msk $0xffff, v1  }
0xaa4: {  	v1 =	vld.idx.msk [tilespmem:v3+s23+$0x0], $0xffff  }
0xaa5: {  	v3 =	vld [tilespmem:$0x1FFC0];
	_ =	sdelay $0x3  }
0xaa6: {  	v2 =	vor.u32 v30, v0  }
0xaa7: {  	v3 =	vor.u32 v3, v4;
	_ =	sdelay $0x3  }
0xaa8: {  	[tilespmem:v2+s29+$0x0] =	vst.idx.msk $0xffff, v1  }
0xaa9: {  	v2 =	vor.u32 v24, v0;
	v1 =	vld.idx.msk [tilespmem:v3+s23+$0x0], $0xffff  }
0xaaa: {  	v3 =	vor.u32 v10, v4;
	_ =	sdelay $0x3  }
0xaab: {  	[tilespmem:v2+s29+$0x0] =	vst.idx.msk $0xffff, v1  }
0xaac: {  	v2 =	vor.u32 v25, v0;
	v1 =	vld.idx.msk [tilespmem:v3+s23+$0x0], $0xffff  }
0xaad: {  	v3 =	vor.u32 v60, v4;
	_ =	sdelay $0x3  }
0xaae: {  	[tilespmem:v2+s29+$0x0] =	vst.idx.msk $0xffff, v1  }
0xaaf: {  	v2 =	vor.u32 v28, v0;
	v1 =	vld.idx.msk [tilespmem:v3+s23+$0x0], $0xffff  }
0xab0: {  	v3 =	vor.u32 v50, v4;
	_ =	sdelay $0x3  }
0xab1: {  	[tilespmem:v2+s29+$0x0] =	vst.idx.msk $0xffff, v1  }
0xab2: {  	v2 =	vor.u32 v27, v0;
	v1 =	vld.idx.msk [tilespmem:v3+s23+$0x0], $0xffff  }
0xab3: {  	v3 =	vor.u32 v12, v4;
	_ =	sdelay $0x3  }
0xab4: {  	[tilespmem:v2+s29+$0x0] =	vst.idx.msk $0xffff, v1  }
0xab5: {  	v2 =	vor.u32 v35, v0;
	v1 =	vld.idx.msk [tilespmem:v3+s23+$0x0], $0xffff  }
0xab6: {  	v3 =	vor.u32 v47, v4;
	_ =	sdelay $0x3  }
0xab7: {  	[tilespmem:v2+s29+$0x0] =	vst.idx.msk $0xffff, v1  }
0xab8: {  	v2 =	vor.u32 v39, v0;
	v1 =	vld.idx.msk [tilespmem:v3+s23+$0x0], $0xffff  }
0xab9: {  	v3 =	vor.u32 v48, v4;
	_ =	sdelay $0x3  }
0xaba: {  	[tilespmem:v2+s29+$0x0] =	vst.idx.msk $0xffff, v1  }
0xabb: {  	v2 =	vor.u32 v32, v0;
	v1 =	vld.idx.msk [tilespmem:v3+s23+$0x0], $0xffff  }
0xabc: {  	v3 =	vor.u32 v42, v4;
	_ =	sdelay $0x3  }
0xabd: {  	[tilespmem:v2+s29+$0x0] =	vst.idx.msk $0xffff, v1  }
0xabe: {  	v2 =	vor.u32 v31, v0;
	v1 =	vld.idx.msk [tilespmem:v3+s23+$0x0], $0xffff  }
0xabf: {  	v3 =	vor.u32 v45, v4;
	_ =	sdelay $0x3  }
0xac0: {  	[tilespmem:v2+s29+$0x0] =	vst.idx.msk $0xffff, v1  }
0xac1: {  	v2 =	vor.u32 v36, v0;
	v1 =	vld.idx.msk [tilespmem:v3+s23+$0x0], $0xffff  }
0xac2: {  	v3 =	vor.u32 v5, v4;
	_ =	sdelay $0x3  }
0xac3: {  	[tilespmem:v2+s29+$0x0] =	vst.idx.msk $0xffff, v1  }
0xac4: {  	v2 =	vor.u32 v33, v0;
	v1 =	vld.idx.msk [tilespmem:v3+s23+$0x0], $0xffff  }
0xac5: {  	v3 =	vor.u32 v49, v4;
	_ =	sdelay $0x3  }
0xac6: {  	[tilespmem:v2+s29+$0x0] =	vst.idx.msk $0xffff, v1  }
0xac7: {  	v2 =	vor.u32 v34, v0;
	v1 =	vld.idx.msk [tilespmem:v3+s23+$0x0], $0xffff  }
0xac8: {  	v3 =	vor.u32 v26, v4;
	_ =	sdelay $0x3  }
0xac9: {  	[tilespmem:v2+s29+$0x0] =	vst.idx.msk $0xffff, v1  }
0xaca: {  	v2 =	vor.u32 v41, v0;
	v1 =	vld.idx.msk [tilespmem:v3+s23+$0x0], $0xffff  }
0xacb: {  	v3 =	vor.u32 v46, v4;
	_ =	sdelay $0x3  }
0xacc: {  	[tilespmem:v2+s29+$0x0] =	vst.idx.msk $0xffff, v1  }
0xacd: {  	v2 =	vor.u32 v8, v0;
	v1 =	vld.idx.msk [tilespmem:v3+s23+$0x0], $0xffff  }
0xace: {  	v3 =	vor.u32 v6, v4;
	_ =	sdelay $0x3  }
0xacf: {  	[tilespmem:v2+s29+$0x0] =	vst.idx.msk $0xffff, v1  }
0xad0: {  	v2 =	vor.u32 v37, v0;
	v1 =	vld.idx.msk [tilespmem:v3+s23+$0x0], $0xffff  }
0xad1: {  	v3 =	vor.u32 v7, v4;
	_ =	sdelay $0x3  }
0xad2: {  	[tilespmem:v2+s29+$0x0] =	vst.idx.msk $0xffff, v1  }
0xad3: {  	v9 =	vmovc v44;
	v44 =	vmovc v14;
	v29 =	vmov v22;
	v13 =	vmov v16;
	v2 =	vor.u32 v38, v0;
	v1 =	vld.idx.msk [tilespmem:v3+s23+$0x0], $0xffff  }
0xad4: {  	v14 =	vmovc v17;
	v16 =	vmovc v23;
	v61 =	vmov v59;
	v17 =	vmov v19;
	v3 =	vor.u32 v43, v4  }
0xad5: {  	v63 =	vmovc v15;
	v15 =	vmovc v18;
	v18 =	vmov v20;
	v20 =	vmov v30;
	v22 =	vmov v24  }
0xad6: {  	v30 =	vmovc v36;
	v24 =	vmovc v28;
	v28 =	vmov v32;
	v12 =	vmov v21;
	v32 =	vmov v34  }
0xad7: {  	v42 =	vmovc v58;
	v45 =	vmovc v60;
	v34 =	vmov v37;
	v26 =	vmov v25;
	v25 =	vmov v27  }
0xad8: {  	v6 =	vmovc v39;
	v39 =	vmovc v38;
	v38 =	vmov v57;
	v43 =	vmov v31;
	v31 =	vmov v33;
	[tilespmem:v2+s29+$0x0] =	vst.idx.msk $0xffff, v1  }
0xad9: {  	s1 =	simm.s32 $0x0;
	s6 =	simm.s32 $0x30;
	v33 =	vmovc v41;
	v1 =	vor.u32 v11, v4;
	v11 =	vmov v53;
	v2 =	vld.idx.msk [tilespmem:v3+s23+$0x0], $0xffff;
	v3 =	vor.u32 v51, v0  }
.LBB2_14:
0xada: {  	v37 =	vld [tilespmem:$0x1FB80];
	_ =	sdelay $0x2  }
0xadb: {  	s9 =	sadd.s32 $0xFFFFFFF0, s6  }
0xadc: {  	[tilespmem:v3+s29+$0x0] =	vst.idx.msk $0xffff, v2;
	v2 =	vor.u32 s9, v40  }
0xadd: {  	v60 =	vmov v38;
	v3 =	vld.idx.msk [tilespmem:v1+s23+$0x0], $0xffff;
	v1 =	vshll.u32 v2, $0x5;
	v0 =	vor.u32 v37, v0  }
0xade: {  	v38 =	vmovc v34;
	v34 =	vmovc v31;
	v31 =	vmov v28;
	v28 =	vmov v25;
	v4 =	vor.u32 v40, v1  }
0xadf: {  	v25 =	vmovc v22;
	v22 =	vmovc v16;
	v16 =	vmov v18;
	v18 =	vmov v14;
	v14 =	vmov v9;
	v9 =	vld [tilespmem:$0x1FE70];
	_ =	sdelay $0x2  }
0xae0: {  	[tilespmem:v0+s29+$0x0] =	vst.idx.msk $0xffff, v3;
	v0 =	vand.u32 $0x1E8, v2  }
0xae1: {  	v3 =	vld.idx.msk [tilespmem:v4+s23+$0x0], $0xffff;
	v2 =	vor.u32 v11, v0  }
0xae2: {  	v4 =	vor.u32 v9, v1  }
0xae3: {  	v50 =	vld [tilespmem:$0x1FE80];
	_ =	sdelay $0x2  }
0xae4: {  	[tilespmem:v2+s29+$0x0] =	vst.idx.msk $0xffff, v3  }
0xae5: {  	v3 =	vor.u32 v14, v0;
	v2 =	vld.idx.msk [tilespmem:v4+s23+$0x0], $0xffff  }
0xae6: {  	v4 =	vor.u32 v50, v1  }
0xae7: {  	v51 =	vld [tilespmem:$0x1FE90];
	_ =	sdelay $0x2  }
0xae8: {  	[tilespmem:v3+s29+$0x0] =	vst.idx.msk $0xffff, v2  }
0xae9: {  	v3 =	vor.u32 v42, v0;
	v2 =	vld.idx.msk [tilespmem:v4+s23+$0x0], $0xffff  }
0xaea: {  	v48 =	vld [tilespmem:$0x1FCB0];
	v4 =	vor.u32 v51, v1  }
0xaeb: {  	v52 =	vld [tilespmem:$0x1FEA0];
	_ =	sdelay $0x2  }
0xaec: {  	[tilespmem:v3+s29+$0x0] =	vst.idx.msk $0xffff, v2  }
0xaed: {  	v3 =	vor.u32 v48, v0;
	v2 =	vld.idx.msk [tilespmem:v4+s23+$0x0], $0xffff  }
0xaee: {  	v49 =	vld [tilespmem:$0x1FCC0];
	v4 =	vor.u32 v52, v1  }
0xaef: {  	v53 =	vld [tilespmem:$0x1FEB0];
	_ =	sdelay $0x2  }
0xaf0: {  	[tilespmem:v3+s29+$0x0] =	vst.idx.msk $0xffff, v2  }
0xaf1: {  	v3 =	vor.u32 v49, v0;
	v2 =	vld.idx.msk [tilespmem:v4+s23+$0x0], $0xffff  }
0xaf2: {  	v4 =	vor.u32 v53, v1  }
0xaf3: {  	v54 =	vld [tilespmem:$0x1FEC0];
	_ =	sdelay $0x2  }
0xaf4: {  	[tilespmem:v3+s29+$0x0] =	vst.idx.msk $0xffff, v2  }
0xaf5: {  	v3 =	vor.u32 v44, v0;
	v2 =	vld.idx.msk [tilespmem:v4+s23+$0x0], $0xffff  }
0xaf6: {  	v4 =	vor.u32 v54, v1  }
0xaf7: {  	v55 =	vld [tilespmem:$0x1FED0];
	_ =	sdelay $0x2  }
0xaf8: {  	[tilespmem:v3+s29+$0x0] =	vst.idx.msk $0xffff, v2  }
0xaf9: {  	v3 =	vor.u32 v63, v0;
	v2 =	vld.idx.msk [tilespmem:v4+s23+$0x0], $0xffff  }
0xafa: {  	v4 =	vor.u32 v55, v1  }
0xafb: {  	v62 =	vld [tilespmem:$0x1FEE0];
	_ =	sdelay $0x2  }
0xafc: {  	[tilespmem:v3+s29+$0x0] =	vst.idx.msk $0xffff, v2  }
0xafd: {  	v3 =	vor.u32 v13, v0;
	v2 =	vld.idx.msk [tilespmem:v4+s23+$0x0], $0xffff  }
0xafe: {  	v4 =	vor.u32 v62, v1  }
0xaff: {  	v21 =	vld [tilespmem:$0x1FEF0];
	_ =	sdelay $0x2  }
0xb00: {  	[tilespmem:v3+s29+$0x0] =	vst.idx.msk $0xffff, v2  }
0xb01: {  	v3 =	vor.u32 v18, v0;
	v2 =	vld.idx.msk [tilespmem:v4+s23+$0x0], $0xffff  }
0xb02: {  	v4 =	vor.u32 v21, v1  }
0xb03: {  	v23 =	vmov v42;
	v42 =	vld [tilespmem:$0x1FF00];
	_ =	sdelay $0x2  }
0xb04: {  	[tilespmem:v3+s29+$0x0] =	vst.idx.msk $0xffff, v2  }
0xb05: {  	v3 =	vor.u32 v15, v0;
	v2 =	vld.idx.msk [tilespmem:v4+s23+$0x0], $0xffff  }
0xb06: {  	v4 =	vor.u32 v42, v1  }
0xb07: {  	v47 =	vld [tilespmem:$0x1FF10];
	_ =	sdelay $0x2  }
0xb08: {  	[tilespmem:v3+s29+$0x0] =	vst.idx.msk $0xffff, v2  }
0xb09: {  	v3 =	vor.u32 v17, v0;
	v2 =	vld.idx.msk [tilespmem:v4+s23+$0x0], $0xffff  }
0xb0a: {  	v4 =	vor.u32 v47, v1;
	_ =	sdelay $0x3  }
0xb0b: {  	[tilespmem:v3+s29+$0x0] =	vst.idx.msk $0xffff, v2  }
0xb0c: {  	v3 =	vor.u32 v16, v0;
	v2 =	vld.idx.msk [tilespmem:v4+s23+$0x0], $0xffff  }
0xb0d: {  	v4 =	vor.u32 v12, v1;
	_ =	sdelay $0x3  }
0xb0e: {  	[tilespmem:v3+s29+$0x0] =	vst.idx.msk $0xffff, v2  }
0xb0f: {  	v3 =	vor.u32 v22, v0;
	v2 =	vld.idx.msk [tilespmem:v4+s23+$0x0], $0xffff  }
0xb10: {  	v4 =	vor.u32 v60, v1;
	_ =	sdelay $0x3  }
0xb11: {  	[tilespmem:v3+s29+$0x0] =	vst.idx.msk $0xffff, v2  }
0xb12: {  	v3 =	vor.u32 v29, v0;
	v2 =	vld.idx.msk [tilespmem:v4+s23+$0x0], $0xffff  }
0xb13: {  	v4 =	vor.u32 v61, v1  }
0xb14: {  	v27 =	vmov v17;
	v17 =	vld [tilespmem:$0x1FFC0];
	_ =	sdelay $0x2  }
0xb15: {  	[tilespmem:v3+s29+$0x0] =	vst.idx.msk $0xffff, v2  }
0xb16: {  	v3 =	vor.u32 v20, v0;
	v2 =	vld.idx.msk [tilespmem:v4+s23+$0x0], $0xffff  }
0xb17: {  	v4 =	vor.u32 v17, v1  }
0xb18: {  	v10 =	vld [tilespmem:$0x1FFF0];
	_ =	sdelay $0x2  }
0xb19: {  	[tilespmem:v3+s29+$0x0] =	vst.idx.msk $0xffff, v2  }
0xb1a: {  	v3 =	vor.u32 v25, v0;
	v2 =	vld.idx.msk [tilespmem:v4+s23+$0x0], $0xffff  }
0xb1b: {  	v4 =	vor.u32 v10, v1;
	_ =	sdelay $0x3  }
0xb1c: {  	[tilespmem:v3+s29+$0x0] =	vst.idx.msk $0xffff, v2  }
0xb1d: {  	v3 =	vor.u32 v26, v0;
	v2 =	vld.idx.msk [tilespmem:v4+s23+$0x0], $0xffff  }
0xb1e: {  	v4 =	vor.u32 v45, v1  }
0xb1f: {  	v41 =	vmov v13;
	v13 =	vld [tilespmem:$0x1FFA0];
	_ =	sdelay $0x2  }
0xb20: {  	[tilespmem:v3+s29+$0x0] =	vst.idx.msk $0xffff, v2  }
0xb21: {  	v3 =	vor.u32 v24, v0;
	v2 =	vld.idx.msk [tilespmem:v4+s23+$0x0], $0xffff  }
0xb22: {  	v4 =	vor.u32 v13, v1  }
0xb23: {  	v59 =	vmov v61;
	v61 =	vmov v12;
	v12 =	vld [tilespmem:$0x1FFD0];
	_ =	sdelay $0x2  }
0xb24: {  	[tilespmem:v3+s29+$0x0] =	vst.idx.msk $0xffff, v2  }
0xb25: {  	v3 =	vor.u32 v28, v0;
	v2 =	vld.idx.msk [tilespmem:v4+s23+$0x0], $0xffff  }
0xb26: {  	v4 =	vor.u32 v12, v1  }
0xb27: {  	v56 =	vld [tilespmem:$0x1FBA0];
	_ =	sdelay $0x2  }
0xb28: {  	[tilespmem:v3+s29+$0x0] =	vst.idx.msk $0xffff, v2  }
0xb29: {  	v3 =	vor.u32 v35, v0;
	v2 =	vld.idx.msk [tilespmem:v4+s23+$0x0], $0xffff  }
0xb2a: {  	v4 =	vor.u32 v56, v1  }
0xb2b: {  	v57 =	vld [tilespmem:$0x1FBD0];
	_ =	sdelay $0x2  }
0xb2c: {  	[tilespmem:v3+s29+$0x0] =	vst.idx.msk $0xffff, v2  }
0xb2d: {  	v3 =	vor.u32 v6, v0;
	v2 =	vld.idx.msk [tilespmem:v4+s23+$0x0], $0xffff  }
0xb2e: {  	v4 =	vor.u32 v57, v1  }
0xb2f: {  	v46 =	vld [tilespmem:$0x1FF20];
	_ =	sdelay $0x2  }
0xb30: {  	[tilespmem:v3+s29+$0x0] =	vst.idx.msk $0xffff, v2  }
0xb31: {  	v3 =	vor.u32 v31, v0;
	v2 =	vld.idx.msk [tilespmem:v4+s23+$0x0], $0xffff  }
0xb32: {  	v4 =	vor.u32 v46, v1  }
0xb33: {  	v58 =	vld [tilespmem:$0x1FF30];
	_ =	sdelay $0x2  }
0xb34: {  	[tilespmem:v3+s29+$0x0] =	vst.idx.msk $0xffff, v2  }
0xb35: {  	v3 =	vor.u32 v43, v0;
	v2 =	vld.idx.msk [tilespmem:v4+s23+$0x0], $0xffff  }
0xb36: {  	v4 =	vor.u32 v58, v1;
	_ =	sdelay $0x3  }
0xb37: {  	[tilespmem:v3+s29+$0x0] =	vst.idx.msk $0xffff, v2  }
0xb38: {  	v3 =	vor.u32 v30, v0;
	v2 =	vld.idx.msk [tilespmem:v4+s23+$0x0], $0xffff  }
0xb39: {  	v4 =	vor.u32 v5, v1  }
0xb3a: {  	v7 =	vmov v11;
	v11 =	vld [tilespmem:$0x1FF80];
	_ =	sdelay $0x2  }
0xb3b: {  	[tilespmem:v3+s29+$0x0] =	vst.idx.msk $0xffff, v2  }
0xb3c: {  	v3 =	vor.u32 v34, v0;
	v2 =	vld.idx.msk [tilespmem:v4+s23+$0x0], $0xffff  }
0xb3d: {  	v4 =	vor.u32 v11, v1  }
0xb3e: {  	v19 =	vmov v15;
	v15 =	vld [tilespmem:$0x1FFB0];
	_ =	sdelay $0x2  }
0xb3f: {  	[tilespmem:v3+s29+$0x0] =	vst.idx.msk $0xffff, v2  }
0xb40: {  	v3 =	vor.u32 v32, v0;
	v2 =	vld.idx.msk [tilespmem:v4+s23+$0x0], $0xffff  }
0xb41: {  	v4 =	vor.u32 v15, v1  }
0xb42: {  	v5 =	vld [tilespmem:$0x1FFE0];
	_ =	sdelay $0x2  }
0xb43: {  	[tilespmem:v3+s29+$0x0] =	vst.idx.msk $0xffff, v2  }
0xb44: {  	v3 =	vor.u32 v33, v0;
	v2 =	vld.idx.msk [tilespmem:v4+s23+$0x0], $0xffff  }
0xb45: {  	v4 =	vor.u32 v5, v1  }
0xb46: {  	v36 =	vmov v6;
	v6 =	vld [tilespmem:$0x1FB50];
	_ =	sdelay $0x2  }
0xb47: {  	[tilespmem:v3+s29+$0x0] =	vst.idx.msk $0xffff, v2  }
0xb48: {  	v3 =	vor.u32 v8, v0;
	v2 =	vld.idx.msk [tilespmem:v4+s23+$0x0], $0xffff  }
0xb49: {  	v4 =	vor.u32 v6, v1  }
0xb4a: {  	v44 =	vmov v30;
	v30 =	vmov v20;
	v20 =	vmov v7;
	v7 =	vld [tilespmem:$0x1FB60];
	_ =	sdelay $0x2  }
0xb4b: {  	[tilespmem:v3+s29+$0x0] =	vst.idx.msk $0xffff, v2  }
0xb4c: {  	v3 =	vor.u32 v38, v0;
	v2 =	vld.idx.msk [tilespmem:v4+s23+$0x0], $0xffff  }
0xb4d: {  	v4 =	vor.u32 v7, v1  }
0xb4e: {  	v45 =	vmovc v33;
	v33 =	vmovc v24;
	v24 =	vmov v41;
	v41 =	vmov v32;
	v32 =	vmov v43;
	v43 =	vld [tilespmem:$0x1FB70];
	_ =	sdelay $0x2  }
0xb4f: {  	[tilespmem:v3+s29+$0x0] =	vst.idx.msk $0xffff, v2  }
0xb50: {  	v3 =	vor.u32 v39, v0;
	v2 =	vld.idx.msk [tilespmem:v4+s23+$0x0], $0xffff  }
0xb51: {  	v4 =	vor.u32 v43, v1;
	_ =	sdelay $0x3  }
0xb52: {  	[tilespmem:v3+s29+$0x0] =	vst.idx.msk $0xffff, v2;
	v3 =	vld [tilespmem:$0x1FE60]  }
0xb53: {  	v2 =	vld.idx.msk [tilespmem:v4+s23+$0x0], $0xffff  }
0xb54: {  	v4 =	vld [tilespmem:$0x1FC70];
	_ =	sdelay $0x3  }
0xb55: {  	v3 =	vor.u32 v3, v0  }
0xb56: {  	v1 =	vor.u32 v4, v1;
	_ =	sdelay $0x3  }
0xb57: {  	[tilespmem:v3+s29+$0x0] =	vst.idx.msk $0xffff, v2;
	v3 =	vor.u32 s6, v40  }
0xb58: {  	v0 =	vor.u32 v37, v0;
	v2 =	vld.idx.msk [tilespmem:v1+s23+$0x0], $0xffff;
	v1 =	vshll.u32 v3, $0x5  }
0xb59: {  	v4 =	vor.u32 v40, v1;
	_ =	sdelay $0x3  }
0xb5a: {  	[tilespmem:v0+s29+$0x0] =	vst.idx.msk $0xffff, v2;
	v0 =	vand.u32 $0x1F8, v3  }
0xb5b: {  	v2 =	vld.idx.msk [tilespmem:v4+s23+$0x0], $0xffff;
	v3 =	vor.u32 v20, v0  }
0xb5c: {  	v4 =	vor.u32 v9, v1;
	_ =	sdelay $0x3  }
0xb5d: {  	v9 =	vmov v14;
	[tilespmem:v3+s29+$0x0] =	vst.idx.msk $0xffff, v2  }
0xb5e: {  	v3 =	vor.u32 v9, v0;
	v2 =	vld.idx.msk [tilespmem:v4+s23+$0x0], $0xffff  }
0xb5f: {  	v4 =	vor.u32 v50, v1;
	_ =	sdelay $0x3  }
0xb60: {  	[tilespmem:v3+s29+$0x0] =	vst.idx.msk $0xffff, v2  }
0xb61: {  	v3 =	vor.u32 v23, v0;
	v2 =	vld.idx.msk [tilespmem:v4+s23+$0x0], $0xffff  }
0xb62: {  	v4 =	vor.u32 v51, v1;
	_ =	sdelay $0x3  }
0xb63: {  	[tilespmem:v3+s29+$0x0] =	vst.idx.msk $0xffff, v2  }
0xb64: {  	v3 =	vor.u32 v48, v0;
	v2 =	vld.idx.msk [tilespmem:v4+s23+$0x0], $0xffff  }
0xb65: {  	v4 =	vor.u32 v52, v1;
	_ =	sdelay $0x3  }
0xb66: {  	[tilespmem:v3+s29+$0x0] =	vst.idx.msk $0xffff, v2  }
0xb67: {  	v3 =	vor.u32 v49, v0;
	v2 =	vld.idx.msk [tilespmem:v4+s23+$0x0], $0xffff;
	_ =	sdelay $0x4  }
0xb68: {  	v4 =	vor.u32 v53, v1;
	[tilespmem:v3+s29+$0x0] =	vst.idx.msk $0xffff, v2;
	v3 =	vld [tilespmem:$0x1FCD0];
	_ =	sdelay $0x4  }
0xb69: {  	v2 =	vld.idx.msk [tilespmem:v4+s23+$0x0], $0xffff;
	v3 =	vor.u32 v3, v0  }
0xb6a: {  	v4 =	vor.u32 v54, v1;
	_ =	sdelay $0x3  }
0xb6b: {  	[tilespmem:v3+s29+$0x0] =	vst.idx.msk $0xffff, v2  }
0xb6c: {  	v3 =	vor.u32 v63, v0;
	v2 =	vld.idx.msk [tilespmem:v4+s23+$0x0], $0xffff  }
0xb6d: {  	v4 =	vor.u32 v55, v1;
	_ =	sdelay $0x3  }
0xb6e: {  	[tilespmem:v3+s29+$0x0] =	vst.idx.msk $0xffff, v2  }
0xb6f: {  	v3 =	vor.u32 v24, v0;
	v2 =	vld.idx.msk [tilespmem:v4+s23+$0x0], $0xffff  }
0xb70: {  	v4 =	vor.u32 v62, v1;
	_ =	sdelay $0x3  }
0xb71: {  	v14 =	vmov v18;
	[tilespmem:v3+s29+$0x0] =	vst.idx.msk $0xffff, v2  }
0xb72: {  	v3 =	vor.u32 v14, v0;
	v2 =	vld.idx.msk [tilespmem:v4+s23+$0x0], $0xffff  }
0xb73: {  	v4 =	vor.u32 v21, v1;
	_ =	sdelay $0x3  }
0xb74: {  	[tilespmem:v3+s29+$0x0] =	vst.idx.msk $0xffff, v2  }
0xb75: {  	v3 =	vor.u32 v19, v0;
	v2 =	vld.idx.msk [tilespmem:v4+s23+$0x0], $0xffff  }
0xb76: {  	v4 =	vor.u32 v42, v1;
	_ =	sdelay $0x3  }
0xb77: {  	[tilespmem:v3+s29+$0x0] =	vst.idx.msk $0xffff, v2  }
0xb78: {  	v3 =	vor.u32 v27, v0;
	v2 =	vld.idx.msk [tilespmem:v4+s23+$0x0], $0xffff  }
0xb79: {  	v4 =	vor.u32 v47, v1;
	_ =	sdelay $0x3  }
0xb7a: {  	v18 =	vmov v16;
	[tilespmem:v3+s29+$0x0] =	vst.idx.msk $0xffff, v2  }
0xb7b: {  	v3 =	vor.u32 v18, v0;
	v2 =	vld.idx.msk [tilespmem:v4+s23+$0x0], $0xffff  }
0xb7c: {  	v4 =	vor.u32 v61, v1;
	_ =	sdelay $0x3  }
0xb7d: {  	v16 =	vmov v22;
	[tilespmem:v3+s29+$0x0] =	vst.idx.msk $0xffff, v2  }
0xb7e: {  	v3 =	vor.u32 v16, v0;
	v2 =	vld.idx.msk [tilespmem:v4+s23+$0x0], $0xffff  }
0xb7f: {  	v4 =	vor.u32 v60, v1;
	_ =	sdelay $0x3  }
0xb80: {  	[tilespmem:v3+s29+$0x0] =	vst.idx.msk $0xffff, v2  }
0xb81: {  	v3 =	vor.u32 v29, v0;
	v2 =	vld.idx.msk [tilespmem:v4+s23+$0x0], $0xffff  }
0xb82: {  	v4 =	vor.u32 v59, v1;
	_ =	sdelay $0x3  }
0xb83: {  	[tilespmem:v3+s29+$0x0] =	vst.idx.msk $0xffff, v2  }
0xb84: {  	v3 =	vor.u32 v30, v0;
	v2 =	vld.idx.msk [tilespmem:v4+s23+$0x0], $0xffff  }
0xb85: {  	v4 =	vor.u32 v17, v1;
	_ =	sdelay $0x3  }
0xb86: {  	v22 =	vmov v25;
	[tilespmem:v3+s29+$0x0] =	vst.idx.msk $0xffff, v2  }
0xb87: {  	v3 =	vor.u32 v22, v0;
	v2 =	vld.idx.msk [tilespmem:v4+s23+$0x0], $0xffff  }
0xb88: {  	v4 =	vor.u32 v10, v1;
	_ =	sdelay $0x3  }
0xb89: {  	[tilespmem:v3+s29+$0x0] =	vst.idx.msk $0xffff, v2  }
0xb8a: {  	v2 =	vld.idx.msk [tilespmem:v4+s23+$0x0], $0xffff  }
0xb8b: {  	v4 =	vld [tilespmem:$0x1FF70];
	_ =	sdelay $0x3  }
0xb8c: {  	v3 =	vor.u32 v26, v0  }
0xb8d: {  	v4 =	vor.u32 v4, v1;
	_ =	sdelay $0x3  }
0xb8e: {  	[tilespmem:v3+s29+$0x0] =	vst.idx.msk $0xffff, v2  }
0xb8f: {  	v3 =	vor.u32 v33, v0;
	v2 =	vld.idx.msk [tilespmem:v4+s23+$0x0], $0xffff  }
0xb90: {  	v4 =	vor.u32 v13, v1;
	_ =	sdelay $0x3  }
0xb91: {  	v25 =	vmov v28;
	[tilespmem:v3+s29+$0x0] =	vst.idx.msk $0xffff, v2  }
0xb92: {  	v3 =	vor.u32 v25, v0;
	v2 =	vld.idx.msk [tilespmem:v4+s23+$0x0], $0xffff  }
0xb93: {  	v4 =	vor.u32 v12, v1;
	_ =	sdelay $0x3  }
0xb94: {  	[tilespmem:v3+s29+$0x0] =	vst.idx.msk $0xffff, v2  }
0xb95: {  	v3 =	vor.u32 v35, v0;
	v2 =	vld.idx.msk [tilespmem:v4+s23+$0x0], $0xffff  }
0xb96: {  	v4 =	vor.u32 v56, v1;
	_ =	sdelay $0x3  }
0xb97: {  	[tilespmem:v3+s29+$0x0] =	vst.idx.msk $0xffff, v2  }
0xb98: {  	v3 =	vor.u32 v36, v0;
	v2 =	vld.idx.msk [tilespmem:v4+s23+$0x0], $0xffff  }
0xb99: {  	v4 =	vor.u32 v57, v1;
	_ =	sdelay $0x3  }
0xb9a: {  	v28 =	vmov v31;
	[tilespmem:v3+s29+$0x0] =	vst.idx.msk $0xffff, v2  }
0xb9b: {  	v3 =	vor.u32 v28, v0;
	v2 =	vld.idx.msk [tilespmem:v4+s23+$0x0], $0xffff  }
0xb9c: {  	v4 =	vor.u32 v46, v1;
	_ =	sdelay $0x3  }
0xb9d: {  	[tilespmem:v3+s29+$0x0] =	vst.idx.msk $0xffff, v2  }
0xb9e: {  	v3 =	vor.u32 v32, v0;
	v2 =	vld.idx.msk [tilespmem:v4+s23+$0x0], $0xffff  }
0xb9f: {  	v4 =	vor.u32 v58, v1;
	_ =	sdelay $0x3  }
0xba0: {  	[tilespmem:v3+s29+$0x0] =	vst.idx.msk $0xffff, v2  }
0xba1: {  	v2 =	vld.idx.msk [tilespmem:v4+s23+$0x0], $0xffff  }
0xba2: {  	v4 =	vld [tilespmem:$0x1FF50];
	_ =	sdelay $0x3  }
0xba3: {  	v3 =	vor.u32 v44, v0  }
0xba4: {  	v4 =	vor.u32 v4, v1;
	_ =	sdelay $0x3  }
0xba5: {  	v31 =	vmov v34;
	[tilespmem:v3+s29+$0x0] =	vst.idx.msk $0xffff, v2  }
0xba6: {  	v3 =	vor.u32 v31, v0;
	v2 =	vld.idx.msk [tilespmem:v4+s23+$0x0], $0xffff  }
0xba7: {  	v4 =	vor.u32 v11, v1;
	_ =	sdelay $0x3  }
0xba8: {  	[tilespmem:v3+s29+$0x0] =	vst.idx.msk $0xffff, v2  }
0xba9: {  	v3 =	vor.u32 v41, v0;
	v2 =	vld.idx.msk [tilespmem:v4+s23+$0x0], $0xffff  }
0xbaa: {  	v4 =	vor.u32 v15, v1;
	_ =	sdelay $0x3  }
0xbab: {  	[tilespmem:v3+s29+$0x0] =	vst.idx.msk $0xffff, v2  }
0xbac: {  	v3 =	vor.u32 v45, v0;
	v2 =	vld.idx.msk [tilespmem:v4+s23+$0x0], $0xffff  }
0xbad: {  	v4 =	vor.u32 v5, v1;
	_ =	sdelay $0x3  }
0xbae: {  	[tilespmem:v3+s29+$0x0] =	vst.idx.msk $0xffff, v2  }
0xbaf: {  	v3 =	vor.u32 v8, v0;
	v2 =	vld.idx.msk [tilespmem:v4+s23+$0x0], $0xffff  }
0xbb0: {  	v4 =	vor.u32 v6, v1;
	_ =	sdelay $0x3  }
0xbb1: {  	v34 =	vmov v38;
	[tilespmem:v3+s29+$0x0] =	vst.idx.msk $0xffff, v2  }
0xbb2: {  	v3 =	vor.u32 v34, v0;
	v2 =	vld.idx.msk [tilespmem:v4+s23+$0x0], $0xffff  }
0xbb3: {  	v4 =	vor.u32 v7, v1;
	_ =	sdelay $0x3  }
0xbb4: {  	[tilespmem:v3+s29+$0x0] =	vst.idx.msk $0xffff, v2  }
0xbb5: {  	v3 =	vor.u32 v39, v0;
	v2 =	vld.idx.msk [tilespmem:v4+s23+$0x0], $0xffff  }
0xbb6: {  	v4 =	vor.u32 v43, v1;
	_ =	sdelay $0x3  }
0xbb7: {  	v6 =	vmov v36;
	v36 =	vld [tilespmem:$0x1FE60];
	[tilespmem:v3+s29+$0x0] =	vst.idx.msk $0xffff, v2  }
0xbb8: {  	s1 =	sadd.s32 $0x2, s1;
	v2 =	vld.idx.msk [tilespmem:v4+s23+$0x0], $0xffff  }
0xbb9: {  	p0 =	slt.u32 s1, $0x1E;
	v4 =	vld [tilespmem:$0x1FC70]  }
.Ltmp6:
0xbba: {  	_ = 	snop;
	(pc) =	sbr.rel @p0 .LBB2_14-.Ltmp6, $4  }
0xbbb: {  	v38 =	vmov v60  }
0xbbc: {  	v42 =	vmovc v23;
	v17 =	vmovc v27;
	v11 =	vmov v20;
	v20 =	vmov v30;
	v30 =	vmov v44;
	v44 =	vld [tilespmem:$0x1FCD0]  }
0xbbd: {  	v13 =	vmovc v24;
	v24 =	vmovc v33;
	v33 =	vmov v45;
	v12 =	vmov v61;
	v61 =	vmov v59;
	v45 =	vld [tilespmem:$0x1FF70]  }
0xbbe: {  	s6 =	sadd.s32 $0x20, s6;
	v15 =	vmovc v19;
	v5 =	vld [tilespmem:$0x1FF50];
	v43 =	vmovc v32;
	v32 =	vmov v41;
	v3 =	vor.u32 v36, v0;
	v1 =	vor.u32 v4, v1  }
0xbbf: {  	_ =	sdelay $0x3  }
0xbc0: {  	[tilespmem:v3+s29+$0x0] =	vst.idx.msk $0xffff, v2;
	v2 =	vld [tilespmem:$0x1FB80];
	_ =	sdelay $0x4  }
0xbc1: {  	v1 =	vld.idx.msk [tilespmem:v1+s23+$0x0], $0xffff;
	v0 =	vor.u32 v2, v0;
	_ =	sdelay $0x4  }
0xbc2: {  	s1 =	rddreg [dreg:$0x6];
	[tilespmem:v0+s29+$0x0] =	vst.idx.msk $0xffff, v1  }
0xbc3: {  	[hbm4b:s1+s13] =	stream.strided.scatter [tilespmem:s29], [sflag:$0x5], $0x4000, s14, s13, $0x38;
	[tilespmem:$0x16400] =	vst v63  }
0xbc4: {  	_ =	swait.ge [sflag:s2], $0x4000  }
0xbc5: {  	[sflag:s2] =	ssyncset.done $0x0  }
0xbc6: {  	[sflag:s2] =	ssyncadd.s32 $0xFFFFC000  }
0xbc7: {  	_ =	swait.ge [sflag:s19], $0x4000  }
0xbc8: {  	v60 =	vld [tilespmem:$0x1FE70]  }
0xbc9: {  	v10 =	vld [tilespmem:$0x1FFD0]  }
0xbca: {  	v56 =	vld [tilespmem:$0x1FFE0]  }
0xbcb: {  	v19 =	vld [tilespmem:$0x1FFF0]  }
0xbcc: {  	v37 =	vld [tilespmem:$0x1FCB0]  }
0xbcd: {  	v2 =	vld [tilespmem:$0x1FCC0]  }
0xbce: {  	v21 =	vld [tilespmem:$0x1FE80]  }
0xbcf: {  	v7 =	vld [tilespmem:$0x1FE90]  }
0xbd0: {  	v49 =	vld [tilespmem:$0x1FEA0]  }
0xbd1: {  	v41 =	vld [tilespmem:$0x1FEB0]  }
0xbd2: {  	v51 =	vld [tilespmem:$0x1FEC0]  }
0xbd3: {  	v48 =	vld [tilespmem:$0x1FED0]  }
0xbd4: {  	v50 =	vld [tilespmem:$0x1FEE0]  }
0xbd5: {  	v53 =	vld [tilespmem:$0x1FEF0]  }
0xbd6: {  	v55 =	vld [tilespmem:$0x1FF00]  }
0xbd7: {  	s21 =	sadd.s32 $0x1, s21;
	v57 =	vld [tilespmem:$0x1FF10]  }
0xbd8: {  	p0 =	sne.s32 s21, s12;
	v62 =	vld [tilespmem:$0x1FF20]  }
.Ltmp7:
0xbd9: {  	v54 =	vld [tilespmem:$0x1FF30];
	(pc) =	sbr.rel @p0 .LBB2_1-.Ltmp7, $4  }
0xbda: {  	v59 =	vld [tilespmem:$0x1FFC0]  }
0xbdb: {  	v58 =	vld [tilespmem:$0x1FF80]  }
0xbdc: {  	[sflag:s19] =	ssyncset.done $0x0;
	v46 =	vld [tilespmem:$0x1FFB0]  }
0xbdd: {  	v47 =	vld [tilespmem:$0x1FFA0];
	[sflag:s19] =	ssyncadd.s32 $0xFFFFC000  }
0xbde: {  	_ =	sfence.sel $0x180000  }
0xbdf: {  	[bflag:$0x0] =	sbarrier.arrive $0xFFFF  }
0xbe0: {  	_ =	strace $0x90000047  }
0xbe1: {  	s0 =	stileid.u32;
	[bflag:$0x2] =	sbarrier.arrive $0xFFFF  }
0xbe2: {  	p0 =	sne.s32 s0, $0x0;
	s0 =	rddreg [dreg:$0x2]  }
0xbe3: {  	s0 =	sadd.s32 @!p0 $0x100000, s0  }
0xbe4: {  	[sflag:s0] =	ssyncadd.tile.s32 @!p0 $0x1;
	_ =	shalt  }
.Lfunc_end2:
_tile_overlayer_lowered:
.L_overlay_start_2:
0xbe5: {  	(tag) =	ssettag $0x2  }
0xbe6: {  	s0 =	rddreg [dreg:$0x0];
	s2 =	stileid.u32  }
0xbe7: {  	s1 =	rddreg [dreg:$0x1];
	p0 =	sne.s32 s2, $0x0  }
0xbe8: {  	s3 =	rddreg [dreg:$0x2];
	[bflag:$0x3] =	sbarrier.arrive $0xFFFF;
	s2 =	simm.s32 @!p0 $0x1C06  }
0xbe9: {  	[timem:s3], [sflag:s2] =	dma.local @!p0 [hbm:s0], s1  }
0xbea: {  	s0 =	simm.s32 @!p0 $0x6  }
0xbeb: {  	_ =	swait.ge @!p0 [sflag:s0], s1  }
0xbec: {  	s1 =	ssub.s32 @!p0 $0x0, s1;
	[sflag:s0] =	ssyncset.done @!p0 $0x0  }
0xbed: {  	[sflag:s0] =	ssyncadd.s32 @!p0 s1  }
0xbee: {  	[bflag:$0x3] =	sbarrier.arrive $0xFFFF  }
0xbef: {  	_ =	shalt  }

</sc_bundles>
